<compile_context>
chip_gen: v7x
topology: tpu7x:2x2x1
jax: 0.10.2.dev20260603
libtpu: 0.0.44.dev20260713+nightly
codegen_flags: <defaults>
</compile_context>

<pallas_src>
import functools

import jax
import jax.numpy as jnp
from jax import lax
from jax.experimental import pallas as pl
from jax.experimental.pallas import tpu as pltpu
from jax.experimental.pallas import tpu_sc as plsc

N = 100000
E = 1600000
FIN = 16
HID = 32
NC = 2
NS = 16
LANES = 16
HALF = N // NC
ZPT = 3128
HALF_P = ZPT * NS
EPT = E // NS
SUP = 4000
CH = 80
N_SUP = EPT // SUP
N_CH = SUP // CH
CPO = 200
NCPO = HALF // CPO
NZC = ZPT // CPO
ZTAIL = ZPT - NZC * CPO
NBUF = 4



def _make_seg_body(hid, full_n):
    own = N if full_n else HALF
    alloc = 100096 if full_n else HALF_P
    zpt = alloc // NS
    ept = E // (NC * NS) if full_n else EPT
    sup = 2000 if full_n else SUP
    n_sup = ept // sup
    n_ch = sup // CH
    cpo = 400 if full_n else CPO
    nzc = zpt // cpo
    ztail = zpt - nzc * cpo
    ncpo = own // cpo
    rounds = ncpo // NS

    def body(h_hbm, src_hbm, dst_hbm, agg_hbm, *scr):
        src_sb, dst_sb = scr[0], scr[1]
        rowbufs = scr[2:2 + NBUF]
        didxs = scr[2 + NBUF:2 + 2 * NBUF]
        obuf = scr[2 + 2 * NBUF]
        agg_sh = scr[3 + 2 * NBUF]
        gsems = scr[4 + 2 * NBUF:4 + 3 * NBUF]
        ssems = scr[4 + 3 * NBUF:4 + 4 * NBUF]
        c = lax.axis_index("c")
        s = lax.axis_index("s")
        base_node = c * HALF
        if full_n:
            ebase = c * (E // NC) + s * ept
        else:
            ebase = s * ept
        dummy = HALF + s

        z16 = jnp.zeros((LANES,), jnp.float32)

        def _zero_row(i, _):
            for q in range(hid // LANES):
                obuf[i, pl.ds(q * LANES, LANES)] = z16
            return 0

        lax.fori_loop(0, cpo, _zero_row, 0)
        zbase = pl.multiple_of(s * zpt, 8)
        for k in range(nzc):
            pltpu.sync_copy(obuf, agg_sh.at[pl.ds(zbase + k * cpo, cpo)])
        if ztail:
            pltpu.sync_copy(obuf.at[pl.ds(0, ztail)],
                            agg_sh.at[pl.ds(zbase + nzc * cpo, ztail)])
        plsc.subcore_barrier()

        def _prep_issue(j, b):
            off = pl.multiple_of(j * CH, 8)
            for q in range(CH // LANES):
                d = dst_sb[pl.ds(off + q * LANES, LANES)]
                if full_n:
                    didxs[b][pl.ds(q * LANES, LANES)] = d
                else:
                    inr = (d >= base_node) & (d < base_node + HALF)
                    didxs[b][pl.ds(q * LANES, LANES)] = jnp.where(
                        inr, d - base_node, dummy)
            pltpu.async_copy(
                h_hbm.at[src_sb.at[pl.ds(off, CH)]], rowbufs[b], gsems[b])

        def _wait_gather(b):
            pltpu.make_async_copy(
                h_hbm.at[src_sb.at[pl.ds(0, CH)]], rowbufs[b],
                gsems[b]).wait()

        def _wait_scatter(b):
            pltpu.make_async_copy(
                rowbufs[b], agg_sh.at[didxs[b]], ssems[b]).wait()

        def _sup_body(u, _):
            eoff = pl.multiple_of(ebase + u * sup, 8)
            pltpu.sync_copy(src_hbm.at[pl.ds(eoff, sup)], src_sb)
            pltpu.sync_copy(dst_hbm.at[pl.ds(eoff, sup)], dst_sb)

            _prep_issue(0, 0)
            _prep_issue(1, 1)

            def _quad_body(p, _):
                for b in range(NBUF):
                    j = 4 * p + b

                    @pl.when(j < n_ch)
                    def _():
                        _wait_gather(b)
                        pltpu.async_copy(
                            rowbufs[b], agg_sh.at[didxs[b]], ssems[b],
                            add=True)
                        jn = j + 2

                        @pl.when(jn < n_ch)
                        def _():
                            bn = (b + 2) % NBUF

                            @pl.when(j >= NBUF - 2)
                            def _():
                                _wait_scatter(bn)

                            _prep_issue(jn, bn)
                return 0

            lax.fori_loop(0, (n_ch + NBUF - 1) // NBUF, _quad_body, 0)
            for jj in range(n_ch - NBUF, n_ch):
                _wait_scatter(jj % NBUF)
            return 0

        lax.fori_loop(0, n_sup, _sup_body, 0)
        plsc.subcore_barrier()

        def _copy_chunk(chunk):
            r = pl.multiple_of(chunk * cpo, 8)
            pltpu.sync_copy(agg_sh.at[pl.ds(r, cpo)], obuf)
            if full_n:
                pltpu.sync_copy(obuf, agg_hbm.at[c, pl.ds(r, cpo)])
            else:
                g = pl.multiple_of(base_node + chunk * cpo, 8)
                pltpu.sync_copy(obuf, agg_hbm.at[pl.ds(g, cpo)])

        for k in range(rounds):
            _copy_chunk(s + k * NS)

        @pl.when(s < ncpo - rounds * NS)
        def _():
            _copy_chunk(s + rounds * NS)

    return body


def _segment_sum_sc(h, src, dst, hid, full_n):
    mesh = plsc.VectorSubcoreMesh(core_axis_name="c", subcore_axis_name="s")
    sup = 2000 if full_n else SUP
    cpo = 400 if full_n else CPO
    alloc = 100096 if full_n else HALF_P
    out_shape = (NC, N, hid) if full_n else (N, hid)
    f = pl.kernel(
        _make_seg_body(hid, full_n),
        out_type=jax.ShapeDtypeStruct(out_shape, jnp.float32),
        mesh=mesh,
        scratch_types=(
            [pltpu.VMEM((sup,), jnp.int32)] * 2
            + [pltpu.VMEM((CH, hid), jnp.float32)] * NBUF
            + [pltpu.VMEM((CH,), jnp.int32)] * NBUF
            + [pltpu.VMEM((cpo, hid), jnp.float32)]
            + [pltpu.VMEM_SHARED((alloc, hid), jnp.float32)]
            + [pltpu.SemaphoreType.DMA] * (2 * NBUF)
        ),
        compiler_params=pltpu.CompilerParams(use_tc_tiling_on_sc=False),
    )
    return f(h, src, dst)



BN = 2000


def _layer1_body(x_ref, sa_ref, sb_ref, w0_ref, w1_ref, b1_ref, o_ref):
    x1 = jnp.maximum(
        jnp.dot(x_ref[...] + sa_ref[...] + sb_ref[...], w0_ref[...],
                preferred_element_type=jnp.float32), 0.0)
    o_ref[...] = jnp.dot(x1, w1_ref[...],
                         preferred_element_type=jnp.float32) + b1_ref[...]


def _layer1_tc(x_ext, s0a, s0b, w0ext, w1, b1):
    return pl.pallas_call(
        _layer1_body,
        grid=(N // BN,),
        in_specs=[
            pl.BlockSpec((BN, FIN), lambda i: (i, 0)),
            pl.BlockSpec((BN, FIN), lambda i: (i, 0)),
            pl.BlockSpec((BN, FIN), lambda i: (i, 0)),
            pl.BlockSpec((FIN, HID), lambda i: (0, 0)),
            pl.BlockSpec((HID, HID), lambda i: (0, 0)),
            pl.BlockSpec((1, HID), lambda i: (0, 0)),
        ],
        out_specs=pl.BlockSpec((BN, HID), lambda i: (i, 0)),
        out_shape=jax.ShapeDtypeStruct((N, HID), jnp.float32),
    )(x_ext, s0a, s0b, w0ext, w1, b1)


def _gconv_out_body(h_ref, a_ref, w_ref, b_ref, o_ref):
    x = jnp.maximum(h_ref[...] + a_ref[...], 0.0)
    o_ref[...] = jnp.dot(x, w_ref[...],
                         preferred_element_type=jnp.float32) + b_ref[...]


def _relu_add_matmul(h, a, w, b):
    k = w.shape[0]
    m = w.shape[1]
    return pl.pallas_call(
        _gconv_out_body,
        grid=(N // BN,),
        in_specs=[
            pl.BlockSpec((BN, k), lambda i: (i, 0)),
            pl.BlockSpec((BN, k), lambda i: (i, 0)),
            pl.BlockSpec((k, m), lambda i: (0, 0)),
            pl.BlockSpec((1, m), lambda i: (0, 0)),
        ],
        out_specs=pl.BlockSpec((BN, m), lambda i: (i, 0)),
        out_shape=jax.ShapeDtypeStruct((N, m), jnp.float32),
    )(h, a, w, b)



def kernel(position, velocity, force, edge_index, W0, b0, W1, b1, Wl, bl):
    ones = jnp.ones((N, 1), jnp.float32)
    zpad = jnp.zeros((N, FIN - 10), jnp.float32)
    x_ext = jnp.concatenate([position, velocity, force, ones, zpad], axis=1)
    w0ext = jnp.concatenate(
        [W0, b0[None, :], jnp.zeros((FIN - 10, HID), jnp.float32)], axis=0)
    src = edge_index[0]
    dst = edge_index[1]
    s0 = _segment_sum_sc(x_ext, src, dst, FIN, True)
    h1 = _layer1_tc(x_ext, s0[0], s0[1], w0ext, W1, b1.reshape(1, HID))
    a1 = _segment_sum_sc(h1, src, dst, HID, False)
    return _relu_add_matmul(h1, a1, Wl, bl.reshape(1, bl.shape[0]))

# --- scband reference (transcript-rebuilt; emitter-appended) ---
"""Pipeline reference for scband-create-30983894073485 (READ-ONLY COPY).

The authoritative reference and input builder live on the scoring server;
editing this copy changes nothing except your own understanding.
"""

import jax, jax.numpy as jnp
import numpy as np

N = 100000
E = 1600000
IN = 9
HID = 32
OUT = 3


def setup_inputs(seed: int = 0) -> dict:
    key = jax.random.key(seed)
    ks = jax.random.split(key, 12)
    position = jax.random.normal(ks[0], (N, 3), dtype=jnp.float32)
    velocity = jax.random.normal(ks[1], (N, 3), dtype=jnp.float32)
    force = jax.random.normal(ks[2], (N, 3), dtype=jnp.float32)
    edge_index = jax.random.randint(ks[3], (2, E), 0, N, dtype=jnp.int32)
    W0 = jax.random.normal(ks[4], (IN, HID), dtype=jnp.float32) / np.sqrt(IN)
    b0 = jnp.zeros((HID,), dtype=jnp.float32)
    W1 = jax.random.normal(ks[5], (HID, HID), dtype=jnp.float32) / np.sqrt(HID)
    b1 = jnp.zeros((HID,), dtype=jnp.float32)
    Wl = jax.random.normal(ks[6], (HID, OUT), dtype=jnp.float32) / np.sqrt(HID)
    bl = jnp.zeros((OUT,), dtype=jnp.float32)
    return {
        "position": position,
        "velocity": velocity,
        "force": force,
        "edge_index": edge_index,
        "W0": W0,
        "b0": b0,
        "W1": W1,
        "b1": b1,
        "Wl": Wl,
        "bl": bl,
    }


def _gconv(x, edge_index, W, b):
    # Graph convolution: linear transform, then sum-aggregate neighbor
    # messages (src -> dst) via scatter-add, plus self contribution.
    h = x @ W + b
    src = edge_index[0]
    dst = edge_index[1]
    msgs = jnp.take(h, src, axis=0)
    agg = jax.ops.segment_sum(msgs, dst, num_segments=x.shape[0])
    return h + agg


def reference(position, velocity, force, edge_index, W0, b0, W1, b1, Wl, bl):
    x = jnp.concatenate([position, velocity, force], axis=1)
    x = jax.nn.relu(_gconv(x, edge_index, W0, b0))
    x = jax.nn.relu(_gconv(x, edge_index, W1, b1))
    return x @ Wl + bl

if __name__ == "__main__":
    import jax
    _d = setup_inputs()
    print(jax.jit(kernel)(*tuple(_d.values())))

</pallas_src>

<mosaic_0001>
#map = affine_map<(d0, d1) -> (0, 0)>
#map1 = affine_map<(d0, d1) -> (0)>
module attributes {stable_mosaic.version = 14 : i64} {
  func.func @body(%arg0: i32, %arg1: i32, %arg2: memref<100000x32xf32, #tpu.memory_space<hbm>>, %arg3: memref<1600000xi32, #tpu.memory_space<hbm>>, %arg4: memref<1600000xi32, #tpu.memory_space<hbm>>, %arg5: memref<100000x32xf32, #tpu.memory_space<hbm>>, %arg6: memref<4000xi32, #tpu.memory_space<vmem>>, %arg7: memref<4000xi32, #tpu.memory_space<vmem>>, %arg8: memref<80x32xf32, #tpu.memory_space<vmem>>, %arg9: memref<80x32xf32, #tpu.memory_space<vmem>>, %arg10: memref<80x32xf32, #tpu.memory_space<vmem>>, %arg11: memref<80x32xf32, #tpu.memory_space<vmem>>, %arg12: memref<80xi32, #tpu.memory_space<vmem>>, %arg13: memref<80xi32, #tpu.memory_space<vmem>>, %arg14: memref<80xi32, #tpu.memory_space<vmem>>, %arg15: memref<80xi32, #tpu.memory_space<vmem>>, %arg16: memref<200x32xf32, #tpu.memory_space<vmem>>, %arg17: memref<50048x32xf32, #tpu.memory_space<vmem_shared>>, %arg18: memref<!tpu.dma_semaphore, #tpu.memory_space<semaphore_mem>>, %arg19: memref<!tpu.dma_semaphore, #tpu.memory_space<semaphore_mem>>, %arg20: memref<!tpu.dma_semaphore, #tpu.memory_space<semaphore_mem>>, %arg21: memref<!tpu.dma_semaphore, #tpu.memory_space<semaphore_mem>>, %arg22: memref<!tpu.dma_semaphore, #tpu.memory_space<semaphore_mem>>, %arg23: memref<!tpu.dma_semaphore, #tpu.memory_space<semaphore_mem>>, %arg24: memref<!tpu.dma_semaphore, #tpu.memory_space<semaphore_mem>>, %arg25: memref<!tpu.dma_semaphore, #tpu.memory_space<semaphore_mem>>) attributes {dimension_semantics = [#tpu.dimension_semantics<core_parallel>, #tpu.dimension_semantics<subcore_parallel>], iteration_bounds = array<i64: 2, 16>, scalar_prefetch = 0 : i64, scratch_operands = 20 : i64, tpu.core_type = #tpu.core_type<sc_vector_subcore>, window_params = [{transform_indices = #map}, {transform_indices = #map1}, {transform_indices = #map1}, {transform_indices = #map}]} {
    %mul3A = arith.constant 50000 : i32
    %mul3A_0 = arith.muli %arg0, %mul3A : i32
    %mul3A_1 = arith.constant 100000 : i32
    %mul3A_2 = arith.muli %arg1, %mul3A_1 : i32
    %add3A = arith.constant 50000 : i32
    %add3A_3 = arith.addi %add3A, %arg1 : i32
    %broadcast_in_dim3A = arith.constant 0.000000e+00 : f32
    %broadcast_in_dim3A_4 = vector.broadcast %broadcast_in_dim3A : f32 to vector<16xf32>
    %scan3A = arith.constant 0 : i32
    %scan3A_5 = arith.constant 0 : i32
    %scan3A_6 = arith.constant 200 : i32
    %scan3A_7 = arith.addi %scan3A_5, %scan3A_6 : i32
    %scan3A_8 = arith.constant 1 : i32
    %scan3A_9 = scf.for %scan3A_190 = %scan3A_5 to %scan3A_7 step %scan3A_8 iter_args(%scan3A_191 = %scan3A) -> (i32)  : i32 {
      %swap3A = arith.index_cast %scan3A_190 : i32 to index
      %swap3A_192 = arith.constant 0 : index
      %swap3A_193 = tpu.vector_load %arg16[%swap3A, %swap3A_192] {strides = array<i32>} : memref<200x32xf32, #tpu.memory_space<vmem>>, vector<1x16xf32>,
      %swap3A_194 = vector.shape_cast %swap3A_193 : vector<1x16xf32> to vector<16xf32>
      %swap3A_195 = vector.shape_cast %broadcast_in_dim3A_4 : vector<16xf32> to vector<1x16xf32>
      tpu.vector_store %arg16[%swap3A, %swap3A_192], %swap3A_195 {strides = array<i32>} : memref<200x32xf32, #tpu.memory_space<vmem>>, vector<1x16xf32>,
      %swap3A_196 = arith.index_cast %scan3A_190 : i32 to index
      %swap3A_197 = arith.constant 16 : index
      %swap3A_198 = tpu.vector_load %arg16[%swap3A_196, %swap3A_197] {strides = array<i32>} : memref<200x32xf32, #tpu.memory_space<vmem>>, vector<1x16xf32>,
      %swap3A_199 = vector.shape_cast %swap3A_198 : vector<1x16xf32> to vector<16xf32>
      %swap3A_200 = vector.shape_cast %broadcast_in_dim3A_4 : vector<16xf32> to vector<1x16xf32>
      tpu.vector_store %arg16[%swap3A_196, %swap3A_197], %swap3A_200 {strides = array<i32>} : memref<200x32xf32, #tpu.memory_space<vmem>>, vector<1x16xf32>,
      %scan3A_201 = arith.constant 0 : i32
      scf.yield %scan3A_201 : i32
    }
    %scan3A_10 = arith.constant 200 : i32
    %mul3A_11 = arith.constant 3128 : i32
    %mul3A_12 = arith.muli %arg1, %mul3A_11 : i32
    %multiple_of3A = tpu.assume_multiple %mul3A_12, 8 : i32
    %add3A_13 = arith.constant 0 : i32
    %add3A_14 = arith.addi %multiple_of3A, %add3A_13 : i32
    "tpu.region"() ({
      %run_scoped3A = tpu.sem_alloc : memref<!tpu.dma_semaphore, #tpu.memory_space<semaphore_mem>>
      %dma_start3A = arith.constant 0 : i32
      %dma_start3A_190 = tpu.memref_slice %arg17[%add3A_14, %dma_start3A] : memref<50048x32xf32, #tpu.memory_space<vmem_shared>> -> memref<200x32xf32, #tpu.memory_space<vmem_shared>>
      %dma_start3A_191 = arith.constant 0 : i32
      %dma_start3A_192 = tpu.memref_slice %arg17[%add3A_14, %dma_start3A_191] : memref<50048x32xf32, #tpu.memory_space<vmem_shared>> -> memref<200x32xf32, #tpu.memory_space<vmem_shared>>
      tpu.enqueue_dma source(%arg16 : memref<200x32xf32, #tpu.memory_space<vmem>>) target(%dma_start3A_192 : memref<200x32xf32, #tpu.memory_space<vmem_shared>>) target_semaphore(%run_scoped3A : memref<!tpu.dma_semaphore, #tpu.memory_space<semaphore_mem>>)
      %dma_wait3A = arith.constant 0 : i32
      %dma_wait3A_193 = tpu.memref_slice %arg17[%add3A_14, %dma_wait3A] : memref<50048x32xf32, #tpu.memory_space<vmem_shared>> -> memref<200x32xf32, #tpu.memory_space<vmem_shared>>
      %dma_wait3A_194 = arith.constant 0 : i32
      %dma_wait3A_195 = tpu.memref_slice %arg17[%add3A_14, %dma_wait3A_194] : memref<50048x32xf32, #tpu.memory_space<vmem_shared>> -> memref<200x32xf32, #tpu.memory_space<vmem_shared>>
      tpu.wait_dma2 semaphore(%run_scoped3A : memref<!tpu.dma_semaphore, #tpu.memory_space<semaphore_mem>>) src(%arg16 : memref<200x32xf32, #tpu.memory_space<vmem>>) dst(%dma_wait3A_195 : memref<200x32xf32, #tpu.memory_space<vmem_shared>>)
      tpu.yield
    }) : () -> ()
    %add3A_15 = arith.constant 200 : i32
    %add3A_16 = arith.addi %multiple_of3A, %add3A_15 : i32
    "tpu.region"() ({
      %run_scoped3A = tpu.sem_alloc : memref<!tpu.dma_semaphore, #tpu.memory_space<semaphore_mem>>
      %dma_start3A = arith.constant 0 : i32
      %dma_start3A_190 = tpu.memref_slice %arg17[%add3A_16, %dma_start3A] : memref<50048x32xf32, #tpu.memory_space<vmem_shared>> -> memref<200x32xf32, #tpu.memory_space<vmem_shared>>
      %dma_start3A_191 = arith.constant 0 : i32
      %dma_start3A_192 = tpu.memref_slice %arg17[%add3A_16, %dma_start3A_191] : memref<50048x32xf32, #tpu.memory_space<vmem_shared>> -> memref<200x32xf32, #tpu.memory_space<vmem_shared>>
      tpu.enqueue_dma source(%arg16 : memref<200x32xf32, #tpu.memory_space<vmem>>) target(%dma_start3A_192 : memref<200x32xf32, #tpu.memory_space<vmem_shared>>) target_semaphore(%run_scoped3A : memref<!tpu.dma_semaphore, #tpu.memory_space<semaphore_mem>>)
      %dma_wait3A = arith.constant 0 : i32
      %dma_wait3A_193 = tpu.memref_slice %arg17[%add3A_16, %dma_wait3A] : memref<50048x32xf32, #tpu.memory_space<vmem_shared>> -> memref<200x32xf32, #tpu.memory_space<vmem_shared>>
      %dma_wait3A_194 = arith.constant 0 : i32
      %dma_wait3A_195 = tpu.memref_slice %arg17[%add3A_16, %dma_wait3A_194] : memref<50048x32xf32, #tpu.memory_space<vmem_shared>> -> memref<200x32xf32, #tpu.memory_space<vmem_shared>>
      tpu.wait_dma2 semaphore(%run_scoped3A : memref<!tpu.dma_semaphore, #tpu.memory_space<semaphore_mem>>) src(%arg16 : memref<200x32xf32, #tpu.memory_space<vmem>>) dst(%dma_wait3A_195 : memref<200x32xf32, #tpu.memory_space<vmem_shared>>)
      tpu.yield
    }) : () -> ()
    %add3A_17 = arith.constant 400 : i32
    %add3A_18 = arith.addi %multiple_of3A, %add3A_17 : i32
    "tpu.region"() ({
      %run_scoped3A = tpu.sem_alloc : memref<!tpu.dma_semaphore, #tpu.memory_space<semaphore_mem>>
      %dma_start3A = arith.constant 0 : i32
      %dma_start3A_190 = tpu.memref_slice %arg17[%add3A_18, %dma_start3A] : memref<50048x32xf32, #tpu.memory_space<vmem_shared>> -> memref<200x32xf32, #tpu.memory_space<vmem_shared>>
      %dma_start3A_191 = arith.constant 0 : i32
      %dma_start3A_192 = tpu.memref_slice %arg17[%add3A_18, %dma_start3A_191] : memref<50048x32xf32, #tpu.memory_space<vmem_shared>> -> memref<200x32xf32, #tpu.memory_space<vmem_shared>>
      tpu.enqueue_dma source(%arg16 : memref<200x32xf32, #tpu.memory_space<vmem>>) target(%dma_start3A_192 : memref<200x32xf32, #tpu.memory_space<vmem_shared>>) target_semaphore(%run_scoped3A : memref<!tpu.dma_semaphore, #tpu.memory_space<semaphore_mem>>)
      %dma_wait3A = arith.constant 0 : i32
      %dma_wait3A_193 = tpu.memref_slice %arg17[%add3A_18, %dma_wait3A] : memref<50048x32xf32, #tpu.memory_space<vmem_shared>> -> memref<200x32xf32, #tpu.memory_space<vmem_shared>>
      %dma_wait3A_194 = arith.constant 0 : i32
      %dma_wait3A_195 = tpu.memref_slice %arg17[%add3A_18, %dma_wait3A_194] : memref<50048x32xf32, #tpu.memory_space<vmem_shared>> -> memref<200x32xf32, #tpu.memory_space<vmem_shared>>
      tpu.wait_dma2 semaphore(%run_scoped3A : memref<!tpu.dma_semaphore, #tpu.memory_space<semaphore_mem>>) src(%arg16 : memref<200x32xf32, #tpu.memory_space<vmem>>) dst(%dma_wait3A_195 : memref<200x32xf32, #tpu.memory_space<vmem_shared>>)
      tpu.yield
    }) : () -> ()
    %add3A_19 = arith.constant 600 : i32
    %add3A_20 = arith.addi %multiple_of3A, %add3A_19 : i32
    "tpu.region"() ({
      %run_scoped3A = tpu.sem_alloc : memref<!tpu.dma_semaphore, #tpu.memory_space<semaphore_mem>>
      %dma_start3A = arith.constant 0 : i32
      %dma_start3A_190 = tpu.memref_slice %arg17[%add3A_20, %dma_start3A] : memref<50048x32xf32, #tpu.memory_space<vmem_shared>> -> memref<200x32xf32, #tpu.memory_space<vmem_shared>>
      %dma_start3A_191 = arith.constant 0 : i32
      %dma_start3A_192 = tpu.memref_slice %arg17[%add3A_20, %dma_start3A_191] : memref<50048x32xf32, #tpu.memory_space<vmem_shared>> -> memref<200x32xf32, #tpu.memory_space<vmem_shared>>
      tpu.enqueue_dma source(%arg16 : memref<200x32xf32, #tpu.memory_space<vmem>>) target(%dma_start3A_192 : memref<200x32xf32, #tpu.memory_space<vmem_shared>>) target_semaphore(%run_scoped3A : memref<!tpu.dma_semaphore, #tpu.memory_space<semaphore_mem>>)
      %dma_wait3A = arith.constant 0 : i32
      %dma_wait3A_193 = tpu.memref_slice %arg17[%add3A_20, %dma_wait3A] : memref<50048x32xf32, #tpu.memory_space<vmem_shared>> -> memref<200x32xf32, #tpu.memory_space<vmem_shared>>
      %dma_wait3A_194 = arith.constant 0 : i32
      %dma_wait3A_195 = tpu.memref_slice %arg17[%add3A_20, %dma_wait3A_194] : memref<50048x32xf32, #tpu.memory_space<vmem_shared>> -> memref<200x32xf32, #tpu.memory_space<vmem_shared>>
      tpu.wait_dma2 semaphore(%run_scoped3A : memref<!tpu.dma_semaphore, #tpu.memory_space<semaphore_mem>>) src(%arg16 : memref<200x32xf32, #tpu.memory_space<vmem>>) dst(%dma_wait3A_195 : memref<200x32xf32, #tpu.memory_space<vmem_shared>>)
      tpu.yield
    }) : () -> ()
    %add3A_21 = arith.constant 800 : i32
    %add3A_22 = arith.addi %multiple_of3A, %add3A_21 : i32
    "tpu.region"() ({
      %run_scoped3A = tpu.sem_alloc : memref<!tpu.dma_semaphore, #tpu.memory_space<semaphore_mem>>
      %dma_start3A = arith.constant 0 : i32
      %dma_start3A_190 = tpu.memref_slice %arg17[%add3A_22, %dma_start3A] : memref<50048x32xf32, #tpu.memory_space<vmem_shared>> -> memref<200x32xf32, #tpu.memory_space<vmem_shared>>
      %dma_start3A_191 = arith.constant 0 : i32
      %dma_start3A_192 = tpu.memref_slice %arg17[%add3A_22, %dma_start3A_191] : memref<50048x32xf32, #tpu.memory_space<vmem_shared>> -> memref<200x32xf32, #tpu.memory_space<vmem_shared>>
      tpu.enqueue_dma source(%arg16 : memref<200x32xf32, #tpu.memory_space<vmem>>) target(%dma_start3A_192 : memref<200x32xf32, #tpu.memory_space<vmem_shared>>) target_semaphore(%run_scoped3A : memref<!tpu.dma_semaphore, #tpu.memory_space<semaphore_mem>>)
      %dma_wait3A = arith.constant 0 : i32
      %dma_wait3A_193 = tpu.memref_slice %arg17[%add3A_22, %dma_wait3A] : memref<50048x32xf32, #tpu.memory_space<vmem_shared>> -> memref<200x32xf32, #tpu.memory_space<vmem_shared>>
      %dma_wait3A_194 = arith.constant 0 : i32
      %dma_wait3A_195 = tpu.memref_slice %arg17[%add3A_22, %dma_wait3A_194] : memref<50048x32xf32, #tpu.memory_space<vmem_shared>> -> memref<200x32xf32, #tpu.memory_space<vmem_shared>>
      tpu.wait_dma2 semaphore(%run_scoped3A : memref<!tpu.dma_semaphore, #tpu.memory_space<semaphore_mem>>) src(%arg16 : memref<200x32xf32, #tpu.memory_space<vmem>>) dst(%dma_wait3A_195 : memref<200x32xf32, #tpu.memory_space<vmem_shared>>)
      tpu.yield
    }) : () -> ()
    %add3A_23 = arith.constant 1000 : i32
    %add3A_24 = arith.addi %multiple_of3A, %add3A_23 : i32
    "tpu.region"() ({
      %run_scoped3A = tpu.sem_alloc : memref<!tpu.dma_semaphore, #tpu.memory_space<semaphore_mem>>
      %dma_start3A = arith.constant 0 : i32
      %dma_start3A_190 = tpu.memref_slice %arg17[%add3A_24, %dma_start3A] : memref<50048x32xf32, #tpu.memory_space<vmem_shared>> -> memref<200x32xf32, #tpu.memory_space<vmem_shared>>
      %dma_start3A_191 = arith.constant 0 : i32
      %dma_start3A_192 = tpu.memref_slice %arg17[%add3A_24, %dma_start3A_191] : memref<50048x32xf32, #tpu.memory_space<vmem_shared>> -> memref<200x32xf32, #tpu.memory_space<vmem_shared>>
      tpu.enqueue_dma source(%arg16 : memref<200x32xf32, #tpu.memory_space<vmem>>) target(%dma_start3A_192 : memref<200x32xf32, #tpu.memory_space<vmem_shared>>) target_semaphore(%run_scoped3A : memref<!tpu.dma_semaphore, #tpu.memory_space<semaphore_mem>>)
      %dma_wait3A = arith.constant 0 : i32
      %dma_wait3A_193 = tpu.memref_slice %arg17[%add3A_24, %dma_wait3A] : memref<50048x32xf32, #tpu.memory_space<vmem_shared>> -> memref<200x32xf32, #tpu.memory_space<vmem_shared>>
      %dma_wait3A_194 = arith.constant 0 : i32
      %dma_wait3A_195 = tpu.memref_slice %arg17[%add3A_24, %dma_wait3A_194] : memref<50048x32xf32, #tpu.memory_space<vmem_shared>> -> memref<200x32xf32, #tpu.memory_space<vmem_shared>>
      tpu.wait_dma2 semaphore(%run_scoped3A : memref<!tpu.dma_semaphore, #tpu.memory_space<semaphore_mem>>) src(%arg16 : memref<200x32xf32, #tpu.memory_space<vmem>>) dst(%dma_wait3A_195 : memref<200x32xf32, #tpu.memory_space<vmem_shared>>)
      tpu.yield
    }) : () -> ()
    %add3A_25 = arith.constant 1200 : i32
    %add3A_26 = arith.addi %multiple_of3A, %add3A_25 : i32
    "tpu.region"() ({
      %run_scoped3A = tpu.sem_alloc : memref<!tpu.dma_semaphore, #tpu.memory_space<semaphore_mem>>
      %dma_start3A = arith.constant 0 : i32
      %dma_start3A_190 = tpu.memref_slice %arg17[%add3A_26, %dma_start3A] : memref<50048x32xf32, #tpu.memory_space<vmem_shared>> -> memref<200x32xf32, #tpu.memory_space<vmem_shared>>
      %dma_start3A_191 = arith.constant 0 : i32
      %dma_start3A_192 = tpu.memref_slice %arg17[%add3A_26, %dma_start3A_191] : memref<50048x32xf32, #tpu.memory_space<vmem_shared>> -> memref<200x32xf32, #tpu.memory_space<vmem_shared>>
      tpu.enqueue_dma source(%arg16 : memref<200x32xf32, #tpu.memory_space<vmem>>) target(%dma_start3A_192 : memref<200x32xf32, #tpu.memory_space<vmem_shared>>) target_semaphore(%run_scoped3A : memref<!tpu.dma_semaphore, #tpu.memory_space<semaphore_mem>>)
      %dma_wait3A = arith.constant 0 : i32
      %dma_wait3A_193 = tpu.memref_slice %arg17[%add3A_26, %dma_wait3A] : memref<50048x32xf32, #tpu.memory_space<vmem_shared>> -> memref<200x32xf32, #tpu.memory_space<vmem_shared>>
      %dma_wait3A_194 = arith.constant 0 : i32
      %dma_wait3A_195 = tpu.memref_slice %arg17[%add3A_26, %dma_wait3A_194] : memref<50048x32xf32, #tpu.memory_space<vmem_shared>> -> memref<200x32xf32, #tpu.memory_space<vmem_shared>>
      tpu.wait_dma2 semaphore(%run_scoped3A : memref<!tpu.dma_semaphore, #tpu.memory_space<semaphore_mem>>) src(%arg16 : memref<200x32xf32, #tpu.memory_space<vmem>>) dst(%dma_wait3A_195 : memref<200x32xf32, #tpu.memory_space<vmem_shared>>)
      tpu.yield
    }) : () -> ()
    %add3A_27 = arith.constant 1400 : i32
    %add3A_28 = arith.addi %multiple_of3A, %add3A_27 : i32
    "tpu.region"() ({
      %run_scoped3A = tpu.sem_alloc : memref<!tpu.dma_semaphore, #tpu.memory_space<semaphore_mem>>
      %dma_start3A = arith.constant 0 : i32
      %dma_start3A_190 = tpu.memref_slice %arg17[%add3A_28, %dma_start3A] : memref<50048x32xf32, #tpu.memory_space<vmem_shared>> -> memref<200x32xf32, #tpu.memory_space<vmem_shared>>
      %dma_start3A_191 = arith.constant 0 : i32
      %dma_start3A_192 = tpu.memref_slice %arg17[%add3A_28, %dma_start3A_191] : memref<50048x32xf32, #tpu.memory_space<vmem_shared>> -> memref<200x32xf32, #tpu.memory_space<vmem_shared>>
      tpu.enqueue_dma source(%arg16 : memref<200x32xf32, #tpu.memory_space<vmem>>) target(%dma_start3A_192 : memref<200x32xf32, #tpu.memory_space<vmem_shared>>) target_semaphore(%run_scoped3A : memref<!tpu.dma_semaphore, #tpu.memory_space<semaphore_mem>>)
      %dma_wait3A = arith.constant 0 : i32
      %dma_wait3A_193 = tpu.memref_slice %arg17[%add3A_28, %dma_wait3A] : memref<50048x32xf32, #tpu.memory_space<vmem_shared>> -> memref<200x32xf32, #tpu.memory_space<vmem_shared>>
      %dma_wait3A_194 = arith.constant 0 : i32
      %dma_wait3A_195 = tpu.memref_slice %arg17[%add3A_28, %dma_wait3A_194] : memref<50048x32xf32, #tpu.memory_space<vmem_shared>> -> memref<200x32xf32, #tpu.memory_space<vmem_shared>>
      tpu.wait_dma2 semaphore(%run_scoped3A : memref<!tpu.dma_semaphore, #tpu.memory_space<semaphore_mem>>) src(%arg16 : memref<200x32xf32, #tpu.memory_space<vmem>>) dst(%dma_wait3A_195 : memref<200x32xf32, #tpu.memory_space<vmem_shared>>)
      tpu.yield
    }) : () -> ()
    %add3A_29 = arith.constant 1600 : i32
    %add3A_30 = arith.addi %multiple_of3A, %add3A_29 : i32
    "tpu.region"() ({
      %run_scoped3A = tpu.sem_alloc : memref<!tpu.dma_semaphore, #tpu.memory_space<semaphore_mem>>
      %dma_start3A = arith.constant 0 : i32
      %dma_start3A_190 = tpu.memref_slice %arg17[%add3A_30, %dma_start3A] : memref<50048x32xf32, #tpu.memory_space<vmem_shared>> -> memref<200x32xf32, #tpu.memory_space<vmem_shared>>
      %dma_start3A_191 = arith.constant 0 : i32
      %dma_start3A_192 = tpu.memref_slice %arg17[%add3A_30, %dma_start3A_191] : memref<50048x32xf32, #tpu.memory_space<vmem_shared>> -> memref<200x32xf32, #tpu.memory_space<vmem_shared>>
      tpu.enqueue_dma source(%arg16 : memref<200x32xf32, #tpu.memory_space<vmem>>) target(%dma_start3A_192 : memref<200x32xf32, #tpu.memory_space<vmem_shared>>) target_semaphore(%run_scoped3A : memref<!tpu.dma_semaphore, #tpu.memory_space<semaphore_mem>>)
      %dma_wait3A = arith.constant 0 : i32
      %dma_wait3A_193 = tpu.memref_slice %arg17[%add3A_30, %dma_wait3A] : memref<50048x32xf32, #tpu.memory_space<vmem_shared>> -> memref<200x32xf32, #tpu.memory_space<vmem_shared>>
      %dma_wait3A_194 = arith.constant 0 : i32
      %dma_wait3A_195 = tpu.memref_slice %arg17[%add3A_30, %dma_wait3A_194] : memref<50048x32xf32, #tpu.memory_space<vmem_shared>> -> memref<200x32xf32, #tpu.memory_space<vmem_shared>>
      tpu.wait_dma2 semaphore(%run_scoped3A : memref<!tpu.dma_semaphore, #tpu.memory_space<semaphore_mem>>) src(%arg16 : memref<200x32xf32, #tpu.memory_space<vmem>>) dst(%dma_wait3A_195 : memref<200x32xf32, #tpu.memory_space<vmem_shared>>)
      tpu.yield
    }) : () -> ()
    %add3A_31 = arith.constant 1800 : i32
    %add3A_32 = arith.addi %multiple_of3A, %add3A_31 : i32
    "tpu.region"() ({
      %run_scoped3A = tpu.sem_alloc : memref<!tpu.dma_semaphore, #tpu.memory_space<semaphore_mem>>
      %dma_start3A = arith.constant 0 : i32
      %dma_start3A_190 = tpu.memref_slice %arg17[%add3A_32, %dma_start3A] : memref<50048x32xf32, #tpu.memory_space<vmem_shared>> -> memref<200x32xf32, #tpu.memory_space<vmem_shared>>
      %dma_start3A_191 = arith.constant 0 : i32
      %dma_start3A_192 = tpu.memref_slice %arg17[%add3A_32, %dma_start3A_191] : memref<50048x32xf32, #tpu.memory_space<vmem_shared>> -> memref<200x32xf32, #tpu.memory_space<vmem_shared>>
      tpu.enqueue_dma source(%arg16 : memref<200x32xf32, #tpu.memory_space<vmem>>) target(%dma_start3A_192 : memref<200x32xf32, #tpu.memory_space<vmem_shared>>) target_semaphore(%run_scoped3A : memref<!tpu.dma_semaphore, #tpu.memory_space<semaphore_mem>>)
      %dma_wait3A = arith.constant 0 : i32
      %dma_wait3A_193 = tpu.memref_slice %arg17[%add3A_32, %dma_wait3A] : memref<50048x32xf32, #tpu.memory_space<vmem_shared>> -> memref<200x32xf32, #tpu.memory_space<vmem_shared>>
      %dma_wait3A_194 = arith.constant 0 : i32
      %dma_wait3A_195 = tpu.memref_slice %arg17[%add3A_32, %dma_wait3A_194] : memref<50048x32xf32, #tpu.memory_space<vmem_shared>> -> memref<200x32xf32, #tpu.memory_space<vmem_shared>>
      tpu.wait_dma2 semaphore(%run_scoped3A : memref<!tpu.dma_semaphore, #tpu.memory_space<semaphore_mem>>) src(%arg16 : memref<200x32xf32, #tpu.memory_space<vmem>>) dst(%dma_wait3A_195 : memref<200x32xf32, #tpu.memory_space<vmem_shared>>)
      tpu.yield
    }) : () -> ()
    %add3A_33 = arith.constant 2000 : i32
    %add3A_34 = arith.addi %multiple_of3A, %add3A_33 : i32
    "tpu.region"() ({
      %run_scoped3A = tpu.sem_alloc : memref<!tpu.dma_semaphore, #tpu.memory_space<semaphore_mem>>
      %dma_start3A = arith.constant 0 : i32
      %dma_start3A_190 = tpu.memref_slice %arg17[%add3A_34, %dma_start3A] : memref<50048x32xf32, #tpu.memory_space<vmem_shared>> -> memref<200x32xf32, #tpu.memory_space<vmem_shared>>
      %dma_start3A_191 = arith.constant 0 : i32
      %dma_start3A_192 = tpu.memref_slice %arg17[%add3A_34, %dma_start3A_191] : memref<50048x32xf32, #tpu.memory_space<vmem_shared>> -> memref<200x32xf32, #tpu.memory_space<vmem_shared>>
      tpu.enqueue_dma source(%arg16 : memref<200x32xf32, #tpu.memory_space<vmem>>) target(%dma_start3A_192 : memref<200x32xf32, #tpu.memory_space<vmem_shared>>) target_semaphore(%run_scoped3A : memref<!tpu.dma_semaphore, #tpu.memory_space<semaphore_mem>>)
      %dma_wait3A = arith.constant 0 : i32
      %dma_wait3A_193 = tpu.memref_slice %arg17[%add3A_34, %dma_wait3A] : memref<50048x32xf32, #tpu.memory_space<vmem_shared>> -> memref<200x32xf32, #tpu.memory_space<vmem_shared>>
      %dma_wait3A_194 = arith.constant 0 : i32
      %dma_wait3A_195 = tpu.memref_slice %arg17[%add3A_34, %dma_wait3A_194] : memref<50048x32xf32, #tpu.memory_space<vmem_shared>> -> memref<200x32xf32, #tpu.memory_space<vmem_shared>>
      tpu.wait_dma2 semaphore(%run_scoped3A : memref<!tpu.dma_semaphore, #tpu.memory_space<semaphore_mem>>) src(%arg16 : memref<200x32xf32, #tpu.memory_space<vmem>>) dst(%dma_wait3A_195 : memref<200x32xf32, #tpu.memory_space<vmem_shared>>)
      tpu.yield
    }) : () -> ()
    %add3A_35 = arith.constant 2200 : i32
    %add3A_36 = arith.addi %multiple_of3A, %add3A_35 : i32
    "tpu.region"() ({
      %run_scoped3A = tpu.sem_alloc : memref<!tpu.dma_semaphore, #tpu.memory_space<semaphore_mem>>
      %dma_start3A = arith.constant 0 : i32
      %dma_start3A_190 = tpu.memref_slice %arg17[%add3A_36, %dma_start3A] : memref<50048x32xf32, #tpu.memory_space<vmem_shared>> -> memref<200x32xf32, #tpu.memory_space<vmem_shared>>
      %dma_start3A_191 = arith.constant 0 : i32
      %dma_start3A_192 = tpu.memref_slice %arg17[%add3A_36, %dma_start3A_191] : memref<50048x32xf32, #tpu.memory_space<vmem_shared>> -> memref<200x32xf32, #tpu.memory_space<vmem_shared>>
      tpu.enqueue_dma source(%arg16 : memref<200x32xf32, #tpu.memory_space<vmem>>) target(%dma_start3A_192 : memref<200x32xf32, #tpu.memory_space<vmem_shared>>) target_semaphore(%run_scoped3A : memref<!tpu.dma_semaphore, #tpu.memory_space<semaphore_mem>>)
      %dma_wait3A = arith.constant 0 : i32
      %dma_wait3A_193 = tpu.memref_slice %arg17[%add3A_36, %dma_wait3A] : memref<50048x32xf32, #tpu.memory_space<vmem_shared>> -> memref<200x32xf32, #tpu.memory_space<vmem_shared>>
      %dma_wait3A_194 = arith.constant 0 : i32
      %dma_wait3A_195 = tpu.memref_slice %arg17[%add3A_36, %dma_wait3A_194] : memref<50048x32xf32, #tpu.memory_space<vmem_shared>> -> memref<200x32xf32, #tpu.memory_space<vmem_shared>>
      tpu.wait_dma2 semaphore(%run_scoped3A : memref<!tpu.dma_semaphore, #tpu.memory_space<semaphore_mem>>) src(%arg16 : memref<200x32xf32, #tpu.memory_space<vmem>>) dst(%dma_wait3A_195 : memref<200x32xf32, #tpu.memory_space<vmem_shared>>)
      tpu.yield
    }) : () -> ()
    %add3A_37 = arith.constant 2400 : i32
    %add3A_38 = arith.addi %multiple_of3A, %add3A_37 : i32
    "tpu.region"() ({
      %run_scoped3A = tpu.sem_alloc : memref<!tpu.dma_semaphore, #tpu.memory_space<semaphore_mem>>
      %dma_start3A = arith.constant 0 : i32
      %dma_start3A_190 = tpu.memref_slice %arg17[%add3A_38, %dma_start3A] : memref<50048x32xf32, #tpu.memory_space<vmem_shared>> -> memref<200x32xf32, #tpu.memory_space<vmem_shared>>
      %dma_start3A_191 = arith.constant 0 : i32
      %dma_start3A_192 = tpu.memref_slice %arg17[%add3A_38, %dma_start3A_191] : memref<50048x32xf32, #tpu.memory_space<vmem_shared>> -> memref<200x32xf32, #tpu.memory_space<vmem_shared>>
      tpu.enqueue_dma source(%arg16 : memref<200x32xf32, #tpu.memory_space<vmem>>) target(%dma_start3A_192 : memref<200x32xf32, #tpu.memory_space<vmem_shared>>) target_semaphore(%run_scoped3A : memref<!tpu.dma_semaphore, #tpu.memory_space<semaphore_mem>>)
      %dma_wait3A = arith.constant 0 : i32
      %dma_wait3A_193 = tpu.memref_slice %arg17[%add3A_38, %dma_wait3A] : memref<50048x32xf32, #tpu.memory_space<vmem_shared>> -> memref<200x32xf32, #tpu.memory_space<vmem_shared>>
      %dma_wait3A_194 = arith.constant 0 : i32
      %dma_wait3A_195 = tpu.memref_slice %arg17[%add3A_38, %dma_wait3A_194] : memref<50048x32xf32, #tpu.memory_space<vmem_shared>> -> memref<200x32xf32, #tpu.memory_space<vmem_shared>>
      tpu.wait_dma2 semaphore(%run_scoped3A : memref<!tpu.dma_semaphore, #tpu.memory_space<semaphore_mem>>) src(%arg16 : memref<200x32xf32, #tpu.memory_space<vmem>>) dst(%dma_wait3A_195 : memref<200x32xf32, #tpu.memory_space<vmem_shared>>)
      tpu.yield
    }) : () -> ()
    %add3A_39 = arith.constant 2600 : i32
    %add3A_40 = arith.addi %multiple_of3A, %add3A_39 : i32
    "tpu.region"() ({
      %run_scoped3A = tpu.sem_alloc : memref<!tpu.dma_semaphore, #tpu.memory_space<semaphore_mem>>
      %dma_start3A = arith.constant 0 : i32
      %dma_start3A_190 = tpu.memref_slice %arg17[%add3A_40, %dma_start3A] : memref<50048x32xf32, #tpu.memory_space<vmem_shared>> -> memref<200x32xf32, #tpu.memory_space<vmem_shared>>
      %dma_start3A_191 = arith.constant 0 : i32
      %dma_start3A_192 = tpu.memref_slice %arg17[%add3A_40, %dma_start3A_191] : memref<50048x32xf32, #tpu.memory_space<vmem_shared>> -> memref<200x32xf32, #tpu.memory_space<vmem_shared>>
      tpu.enqueue_dma source(%arg16 : memref<200x32xf32, #tpu.memory_space<vmem>>) target(%dma_start3A_192 : memref<200x32xf32, #tpu.memory_space<vmem_shared>>) target_semaphore(%run_scoped3A : memref<!tpu.dma_semaphore, #tpu.memory_space<semaphore_mem>>)
      %dma_wait3A = arith.constant 0 : i32
      %dma_wait3A_193 = tpu.memref_slice %arg17[%add3A_40, %dma_wait3A] : memref<50048x32xf32, #tpu.memory_space<vmem_shared>> -> memref<200x32xf32, #tpu.memory_space<vmem_shared>>
      %dma_wait3A_194 = arith.constant 0 : i32
      %dma_wait3A_195 = tpu.memref_slice %arg17[%add3A_40, %dma_wait3A_194] : memref<50048x32xf32, #tpu.memory_space<vmem_shared>> -> memref<200x32xf32, #tpu.memory_space<vmem_shared>>
      tpu.wait_dma2 semaphore(%run_scoped3A : memref<!tpu.dma_semaphore, #tpu.memory_space<semaphore_mem>>) src(%arg16 : memref<200x32xf32, #tpu.memory_space<vmem>>) dst(%dma_wait3A_195 : memref<200x32xf32, #tpu.memory_space<vmem_shared>>)
      tpu.yield
    }) : () -> ()
    %add3A_41 = arith.constant 2800 : i32
    %add3A_42 = arith.addi %multiple_of3A, %add3A_41 : i32
    "tpu.region"() ({
      %run_scoped3A = tpu.sem_alloc : memref<!tpu.dma_semaphore, #tpu.memory_space<semaphore_mem>>
      %dma_start3A = arith.constant 0 : i32
      %dma_start3A_190 = tpu.memref_slice %arg17[%add3A_42, %dma_start3A] : memref<50048x32xf32, #tpu.memory_space<vmem_shared>> -> memref<200x32xf32, #tpu.memory_space<vmem_shared>>
      %dma_start3A_191 = arith.constant 0 : i32
      %dma_start3A_192 = tpu.memref_slice %arg17[%add3A_42, %dma_start3A_191] : memref<50048x32xf32, #tpu.memory_space<vmem_shared>> -> memref<200x32xf32, #tpu.memory_space<vmem_shared>>
      tpu.enqueue_dma source(%arg16 : memref<200x32xf32, #tpu.memory_space<vmem>>) target(%dma_start3A_192 : memref<200x32xf32, #tpu.memory_space<vmem_shared>>) target_semaphore(%run_scoped3A : memref<!tpu.dma_semaphore, #tpu.memory_space<semaphore_mem>>)
      %dma_wait3A = arith.constant 0 : i32
      %dma_wait3A_193 = tpu.memref_slice %arg17[%add3A_42, %dma_wait3A] : memref<50048x32xf32, #tpu.memory_space<vmem_shared>> -> memref<200x32xf32, #tpu.memory_space<vmem_shared>>
      %dma_wait3A_194 = arith.constant 0 : i32
      %dma_wait3A_195 = tpu.memref_slice %arg17[%add3A_42, %dma_wait3A_194] : memref<50048x32xf32, #tpu.memory_space<vmem_shared>> -> memref<200x32xf32, #tpu.memory_space<vmem_shared>>
      tpu.wait_dma2 semaphore(%run_scoped3A : memref<!tpu.dma_semaphore, #tpu.memory_space<semaphore_mem>>) src(%arg16 : memref<200x32xf32, #tpu.memory_space<vmem>>) dst(%dma_wait3A_195 : memref<200x32xf32, #tpu.memory_space<vmem_shared>>)
      tpu.yield
    }) : () -> ()
    %add3A_43 = arith.constant 3000 : i32
    %add3A_44 = arith.addi %multiple_of3A, %add3A_43 : i32
    "tpu.region"() ({
      %run_scoped3A = tpu.sem_alloc : memref<!tpu.dma_semaphore, #tpu.memory_space<semaphore_mem>>
      %dma_start3A = arith.constant 0 : i32
      %dma_start3A_190 = arith.constant 0 : i32
      %dma_start3A_191 = tpu.memref_slice %arg16[%dma_start3A, %dma_start3A_190] : memref<200x32xf32, #tpu.memory_space<vmem>> -> memref<128x32xf32, #tpu.memory_space<vmem>>
      %dma_start3A_192 = arith.constant 0 : i32
      %dma_start3A_193 = tpu.memref_slice %arg17[%add3A_44, %dma_start3A_192] : memref<50048x32xf32, #tpu.memory_space<vmem_shared>> -> memref<128x32xf32, #tpu.memory_space<vmem_shared>>
      %dma_start3A_194 = arith.constant 0 : i32
      %dma_start3A_195 = tpu.memref_slice %arg17[%add3A_44, %dma_start3A_194] : memref<50048x32xf32, #tpu.memory_space<vmem_shared>> -> memref<128x32xf32, #tpu.memory_space<vmem_shared>>
      %dma_start3A_196 = arith.constant 0 : i32
      %dma_start3A_197 = arith.constant 0 : i32
      %dma_start3A_198 = tpu.memref_slice %arg16[%dma_start3A_196, %dma_start3A_197] : memref<200x32xf32, #tpu.memory_space<vmem>> -> memref<128x32xf32, #tpu.memory_space<vmem>>
      tpu.enqueue_dma source(%dma_start3A_198 : memref<128x32xf32, #tpu.memory_space<vmem>>) target(%dma_start3A_195 : memref<128x32xf32, #tpu.memory_space<vmem_shared>>) target_semaphore(%run_scoped3A : memref<!tpu.dma_semaphore, #tpu.memory_space<semaphore_mem>>)
      %dma_wait3A = arith.constant 0 : i32
      %dma_wait3A_199 = arith.constant 0 : i32
      %dma_wait3A_200 = tpu.memref_slice %arg16[%dma_wait3A, %dma_wait3A_199] : memref<200x32xf32, #tpu.memory_space<vmem>> -> memref<128x32xf32, #tpu.memory_space<vmem>>
      %dma_wait3A_201 = arith.constant 0 : i32
      %dma_wait3A_202 = tpu.memref_slice %arg17[%add3A_44, %dma_wait3A_201] : memref<50048x32xf32, #tpu.memory_space<vmem_shared>> -> memref<128x32xf32, #tpu.memory_space<vmem_shared>>
      %dma_wait3A_203 = arith.constant 0 : i32
      %dma_wait3A_204 = tpu.memref_slice %arg17[%add3A_44, %dma_wait3A_203] : memref<50048x32xf32, #tpu.memory_space<vmem_shared>> -> memref<128x32xf32, #tpu.memory_space<vmem_shared>>
      %dma_wait3A_205 = arith.constant 0 : i32
      %dma_wait3A_206 = arith.constant 0 : i32
      %dma_wait3A_207 = tpu.memref_slice %arg16[%dma_wait3A_205, %dma_wait3A_206] : memref<200x32xf32, #tpu.memory_space<vmem>> -> memref<128x32xf32, #tpu.memory_space<vmem>>
      tpu.wait_dma2 semaphore(%run_scoped3A : memref<!tpu.dma_semaphore, #tpu.memory_space<semaphore_mem>>) src(%dma_wait3A_207 : memref<128x32xf32, #tpu.memory_space<vmem>>) dst(%dma_wait3A_204 : memref<128x32xf32, #tpu.memory_space<vmem_shared>>)
      tpu.yield
    }) : () -> ()
    %barrier3A = arith.constant 0 : index
    tpu.barrier barrier_id(%barrier3A)
    %scan3A_45 = arith.constant 0 : i32
    %scan3A_46 = arith.constant 0 : i32
    %scan3A_47 = arith.constant 25 : i32
    %scan3A_48 = arith.addi %scan3A_46, %scan3A_47 : i32
    %scan3A_49 = arith.constant 1 : i32
    %scan3A_50 = scf.for %scan3A_190 = %scan3A_46 to %scan3A_48 step %scan3A_49 iter_args(%scan3A_191 = %scan3A_45) -> (i32)  : i32 {
      %mul3A_192 = arith.constant 4000 : i32
      %mul3A_193 = arith.muli %scan3A_190, %mul3A_192 : i32
      %add3A_194 = arith.addi %mul3A_2, %mul3A_193 : i32
      %multiple_of3A_195 = tpu.assume_multiple %add3A_194, 8 : i32
      "tpu.region"() ({
        %run_scoped3A = tpu.sem_alloc : memref<!tpu.dma_semaphore, #tpu.memory_space<semaphore_mem>>
        %dma_start3A_420 = tpu.memref_slice %arg3[%multiple_of3A_195] : memref<1600000xi32, #tpu.memory_space<hbm>> -> memref<4000xi32, #tpu.memory_space<hbm>>
        %dma_start3A_421 = tpu.memref_slice %arg3[%multiple_of3A_195] : memref<1600000xi32, #tpu.memory_space<hbm>> -> memref<4000xi32, #tpu.memory_space<hbm>>
        tpu.enqueue_dma source(%dma_start3A_421 : memref<4000xi32, #tpu.memory_space<hbm>>) target(%arg6 : memref<4000xi32, #tpu.memory_space<vmem>>) target_semaphore(%run_scoped3A : memref<!tpu.dma_semaphore, #tpu.memory_space<semaphore_mem>>)
        %dma_wait3A_422 = tpu.memref_slice %arg3[%multiple_of3A_195] : memref<1600000xi32, #tpu.memory_space<hbm>> -> memref<4000xi32, #tpu.memory_space<hbm>>
        %dma_wait3A_423 = tpu.memref_slice %arg3[%multiple_of3A_195] : memref<1600000xi32, #tpu.memory_space<hbm>> -> memref<4000xi32, #tpu.memory_space<hbm>>
        tpu.wait_dma2 semaphore(%run_scoped3A : memref<!tpu.dma_semaphore, #tpu.memory_space<semaphore_mem>>) src(%dma_wait3A_423 : memref<4000xi32, #tpu.memory_space<hbm>>) dst(%arg6 : memref<4000xi32, #tpu.memory_space<vmem>>)
        tpu.yield
      }) : () -> ()
      "tpu.region"() ({
        %run_scoped3A = tpu.sem_alloc : memref<!tpu.dma_semaphore, #tpu.memory_space<semaphore_mem>>
        %dma_start3A_420 = tpu.memref_slice %arg4[%multiple_of3A_195] : memref<1600000xi32, #tpu.memory_space<hbm>> -> memref<4000xi32, #tpu.memory_space<hbm>>
        %dma_start3A_421 = tpu.memref_slice %arg4[%multiple_of3A_195] : memref<1600000xi32, #tpu.memory_space<hbm>> -> memref<4000xi32, #tpu.memory_space<hbm>>
        tpu.enqueue_dma source(%dma_start3A_421 : memref<4000xi32, #tpu.memory_space<hbm>>) target(%arg7 : memref<4000xi32, #tpu.memory_space<vmem>>) target_semaphore(%run_scoped3A : memref<!tpu.dma_semaphore, #tpu.memory_space<semaphore_mem>>)
        %dma_wait3A_422 = tpu.memref_slice %arg4[%multiple_of3A_195] : memref<1600000xi32, #tpu.memory_space<hbm>> -> memref<4000xi32, #tpu.memory_space<hbm>>
        %dma_wait3A_423 = tpu.memref_slice %arg4[%multiple_of3A_195] : memref<1600000xi32, #tpu.memory_space<hbm>> -> memref<4000xi32, #tpu.memory_space<hbm>>
        tpu.wait_dma2 semaphore(%run_scoped3A : memref<!tpu.dma_semaphore, #tpu.memory_space<semaphore_mem>>) src(%dma_wait3A_423 : memref<4000xi32, #tpu.memory_space<hbm>>) dst(%arg7 : memref<4000xi32, #tpu.memory_space<vmem>>)
        tpu.yield
      }) : () -> ()
      %multiple_of3A_196 = arith.constant 0 : i32
      %multiple_of3A_197 = tpu.assume_multiple %multiple_of3A_196, 8 : i32
      %add3A_198 = arith.constant 0 : i32
      %add3A_199 = arith.addi %multiple_of3A_197, %add3A_198 : i32
      %get3A = arith.index_cast %add3A_199 : i32 to index
      %get3A_200 = tpu.vector_load %arg7[%get3A] {strides = array<i32>} : memref<4000xi32, #tpu.memory_space<vmem>>, vector<16xi32>,
      %get3A_201 = vector.shape_cast %get3A_200 : vector<16xi32> to vector<16xi32>
      %ge3A = vector.broadcast %mul3A_0 : i32 to vector<16xi32>
      %ge3A_202 = arith.cmpi sge, %get3A_201, %ge3A : vector<16xi32>
      %add3A_203 = arith.constant 50000 : i32
      %add3A_204 = arith.addi %mul3A_0, %add3A_203 : i32
      %lt3A_205 = vector.broadcast %add3A_204 : i32 to vector<16xi32>
      %lt3A_206 = arith.cmpi slt, %get3A_201, %lt3A_205 : vector<16xi32>
      %and3A = arith.andi %ge3A_202, %lt3A_206 : vector<16xi1>
      %sub3A = vector.broadcast %mul3A_0 : i32 to vector<16xi32>
      %sub3A_207 = arith.subi %get3A_201, %sub3A : vector<16xi32>
      %broadcast_in_dim3A_208 = vector.broadcast %add3A_3 : i32 to vector<16xi32>
      %select_n3A = arith.select %and3A, %sub3A_207, %broadcast_in_dim3A_208 : vector<16xi1>, vector<16xi32>
      %swap3A = arith.constant 0 : index
      %swap3A_209 = tpu.vector_load %arg12[%swap3A] {strides = array<i32>} : memref<80xi32, #tpu.memory_space<vmem>>, vector<16xi32>,
      %swap3A_210 = vector.shape_cast %swap3A_209 : vector<16xi32> to vector<16xi32>
      %swap3A_211 = vector.shape_cast %select_n3A : vector<16xi32> to vector<16xi32>
      tpu.vector_store %arg12[%swap3A], %swap3A_211 {strides = array<i32>} : memref<80xi32, #tpu.memory_space<vmem>>, vector<16xi32>,
      %add3A_212 = arith.constant 16 : i32
      %add3A_213 = arith.addi %multiple_of3A_197, %add3A_212 : i32
      %get3A_214 = arith.index_cast %add3A_213 : i32 to index
      %get3A_215 = tpu.vector_load %arg7[%get3A_214] {strides = array<i32>} : memref<4000xi32, #tpu.memory_space<vmem>>, vector<16xi32>,
      %get3A_216 = vector.shape_cast %get3A_215 : vector<16xi32> to vector<16xi32>
      %ge3A_217 = vector.broadcast %mul3A_0 : i32 to vector<16xi32>
      %ge3A_218 = arith.cmpi sge, %get3A_216, %ge3A_217 : vector<16xi32>
      %add3A_219 = arith.constant 50000 : i32
      %add3A_220 = arith.addi %mul3A_0, %add3A_219 : i32
      %lt3A_221 = vector.broadcast %add3A_220 : i32 to vector<16xi32>
      %lt3A_222 = arith.cmpi slt, %get3A_216, %lt3A_221 : vector<16xi32>
      %and3A_223 = arith.andi %ge3A_218, %lt3A_222 : vector<16xi1>
      %sub3A_224 = vector.broadcast %mul3A_0 : i32 to vector<16xi32>
      %sub3A_225 = arith.subi %get3A_216, %sub3A_224 : vector<16xi32>
      %broadcast_in_dim3A_226 = vector.broadcast %add3A_3 : i32 to vector<16xi32>
      %select_n3A_227 = arith.select %and3A_223, %sub3A_225, %broadcast_in_dim3A_226 : vector<16xi1>, vector<16xi32>
      %swap3A_228 = arith.constant 16 : index
      %swap3A_229 = tpu.vector_load %arg12[%swap3A_228] {strides = array<i32>} : memref<80xi32, #tpu.memory_space<vmem>>, vector<16xi32>,
      %swap3A_230 = vector.shape_cast %swap3A_229 : vector<16xi32> to vector<16xi32>
      %swap3A_231 = vector.shape_cast %select_n3A_227 : vector<16xi32> to vector<16xi32>
      tpu.vector_store %arg12[%swap3A_228], %swap3A_231 {strides = array<i32>} : memref<80xi32, #tpu.memory_space<vmem>>, vector<16xi32>,
      %add3A_232 = arith.constant 32 : i32
      %add3A_233 = arith.addi %multiple_of3A_197, %add3A_232 : i32
      %get3A_234 = arith.index_cast %add3A_233 : i32 to index
      %get3A_235 = tpu.vector_load %arg7[%get3A_234] {strides = array<i32>} : memref<4000xi32, #tpu.memory_space<vmem>>, vector<16xi32>,
      %get3A_236 = vector.shape_cast %get3A_235 : vector<16xi32> to vector<16xi32>
      %ge3A_237 = vector.broadcast %mul3A_0 : i32 to vector<16xi32>
      %ge3A_238 = arith.cmpi sge, %get3A_236, %ge3A_237 : vector<16xi32>
      %add3A_239 = arith.constant 50000 : i32
      %add3A_240 = arith.addi %mul3A_0, %add3A_239 : i32
      %lt3A_241 = vector.broadcast %add3A_240 : i32 to vector<16xi32>
      %lt3A_242 = arith.cmpi slt, %get3A_236, %lt3A_241 : vector<16xi32>
      %and3A_243 = arith.andi %ge3A_238, %lt3A_242 : vector<16xi1>
      %sub3A_244 = vector.broadcast %mul3A_0 : i32 to vector<16xi32>
      %sub3A_245 = arith.subi %get3A_236, %sub3A_244 : vector<16xi32>
      %broadcast_in_dim3A_246 = vector.broadcast %add3A_3 : i32 to vector<16xi32>
      %select_n3A_247 = arith.select %and3A_243, %sub3A_245, %broadcast_in_dim3A_246 : vector<16xi1>, vector<16xi32>
      %swap3A_248 = arith.constant 32 : index
      %swap3A_249 = tpu.vector_load %arg12[%swap3A_248] {strides = array<i32>} : memref<80xi32, #tpu.memory_space<vmem>>, vector<16xi32>,
      %swap3A_250 = vector.shape_cast %swap3A_249 : vector<16xi32> to vector<16xi32>
      %swap3A_251 = vector.shape_cast %select_n3A_247 : vector<16xi32> to vector<16xi32>
      tpu.vector_store %arg12[%swap3A_248], %swap3A_251 {strides = array<i32>} : memref<80xi32, #tpu.memory_space<vmem>>, vector<16xi32>,
      %add3A_252 = arith.constant 48 : i32
      %add3A_253 = arith.addi %multiple_of3A_197, %add3A_252 : i32
      %get3A_254 = arith.index_cast %add3A_253 : i32 to index
      %get3A_255 = tpu.vector_load %arg7[%get3A_254] {strides = array<i32>} : memref<4000xi32, #tpu.memory_space<vmem>>, vector<16xi32>,
      %get3A_256 = vector.shape_cast %get3A_255 : vector<16xi32> to vector<16xi32>
      %ge3A_257 = vector.broadcast %mul3A_0 : i32 to vector<16xi32>
      %ge3A_258 = arith.cmpi sge, %get3A_256, %ge3A_257 : vector<16xi32>
      %add3A_259 = arith.constant 50000 : i32
      %add3A_260 = arith.addi %mul3A_0, %add3A_259 : i32
      %lt3A_261 = vector.broadcast %add3A_260 : i32 to vector<16xi32>
      %lt3A_262 = arith.cmpi slt, %get3A_256, %lt3A_261 : vector<16xi32>
      %and3A_263 = arith.andi %ge3A_258, %lt3A_262 : vector<16xi1>
      %sub3A_264 = vector.broadcast %mul3A_0 : i32 to vector<16xi32>
      %sub3A_265 = arith.subi %get3A_256, %sub3A_264 : vector<16xi32>
      %broadcast_in_dim3A_266 = vector.broadcast %add3A_3 : i32 to vector<16xi32>
      %select_n3A_267 = arith.select %and3A_263, %sub3A_265, %broadcast_in_dim3A_266 : vector<16xi1>, vector<16xi32>
      %swap3A_268 = arith.constant 48 : index
      %swap3A_269 = tpu.vector_load %arg12[%swap3A_268] {strides = array<i32>} : memref<80xi32, #tpu.memory_space<vmem>>, vector<16xi32>,
      %swap3A_270 = vector.shape_cast %swap3A_269 : vector<16xi32> to vector<16xi32>
      %swap3A_271 = vector.shape_cast %select_n3A_267 : vector<16xi32> to vector<16xi32>
      tpu.vector_store %arg12[%swap3A_268], %swap3A_271 {strides = array<i32>} : memref<80xi32, #tpu.memory_space<vmem>>, vector<16xi32>,
      %add3A_272 = arith.constant 64 : i32
      %add3A_273 = arith.addi %multiple_of3A_197, %add3A_272 : i32
      %get3A_274 = arith.index_cast %add3A_273 : i32 to index
      %get3A_275 = tpu.vector_load %arg7[%get3A_274] {strides = array<i32>} : memref<4000xi32, #tpu.memory_space<vmem>>, vector<16xi32>,
      %get3A_276 = vector.shape_cast %get3A_275 : vector<16xi32> to vector<16xi32>
      %ge3A_277 = vector.broadcast %mul3A_0 : i32 to vector<16xi32>
      %ge3A_278 = arith.cmpi sge, %get3A_276, %ge3A_277 : vector<16xi32>
      %add3A_279 = arith.constant 50000 : i32
      %add3A_280 = arith.addi %mul3A_0, %add3A_279 : i32
      %lt3A_281 = vector.broadcast %add3A_280 : i32 to vector<16xi32>
      %lt3A_282 = arith.cmpi slt, %get3A_276, %lt3A_281 : vector<16xi32>
      %and3A_283 = arith.andi %ge3A_278, %lt3A_282 : vector<16xi1>
      %sub3A_284 = vector.broadcast %mul3A_0 : i32 to vector<16xi32>
      %sub3A_285 = arith.subi %get3A_276, %sub3A_284 : vector<16xi32>
      %broadcast_in_dim3A_286 = vector.broadcast %add3A_3 : i32 to vector<16xi32>
      %select_n3A_287 = arith.select %and3A_283, %sub3A_285, %broadcast_in_dim3A_286 : vector<16xi1>, vector<16xi32>
      %swap3A_288 = arith.constant 64 : index
      %swap3A_289 = tpu.vector_load %arg12[%swap3A_288] {strides = array<i32>} : memref<80xi32, #tpu.memory_space<vmem>>, vector<16xi32>,
      %swap3A_290 = vector.shape_cast %swap3A_289 : vector<16xi32> to vector<16xi32>
      %swap3A_291 = vector.shape_cast %select_n3A_287 : vector<16xi32> to vector<16xi32>
      tpu.vector_store %arg12[%swap3A_288], %swap3A_291 {strides = array<i32>} : memref<80xi32, #tpu.memory_space<vmem>>, vector<16xi32>,
      %dma_start3A = tpu.memref_slice %arg6[%multiple_of3A_197] : memref<4000xi32, #tpu.memory_space<vmem>> -> memref<80xi32, #tpu.memory_space<vmem>>
      %dma_start3A_292 = arith.constant 0 : i32
      %dma_start3A_293 = arith.constant 0 : i32
      %dma_start3A_294 = tpu.memref_slice %arg2[%dma_start3A_292, %dma_start3A_293] : memref<100000x32xf32, #tpu.memory_space<hbm>> -> memref<100000x32xf32, #tpu.memory_space<hbm>>
      tpu.enqueue_indirect_dma source(%dma_start3A_294 : memref<100000x32xf32, #tpu.memory_space<hbm>>) target(%arg8 : memref<80x32xf32, #tpu.memory_space<vmem>>) offsets(%dma_start3A : memref<80xi32, #tpu.memory_space<vmem>>) semaphore(%arg18 : memref<!tpu.dma_semaphore, #tpu.memory_space<semaphore_mem>>)
      %multiple_of3A_295 = arith.constant 80 : i32
      %multiple_of3A_296 = tpu.assume_multiple %multiple_of3A_295, 8 : i32
      %add3A_297 = arith.constant 0 : i32
      %add3A_298 = arith.addi %multiple_of3A_296, %add3A_297 : i32
      %get3A_299 = arith.index_cast %add3A_298 : i32 to index
      %get3A_300 = tpu.vector_load %arg7[%get3A_299] {strides = array<i32>} : memref<4000xi32, #tpu.memory_space<vmem>>, vector<16xi32>,
      %get3A_301 = vector.shape_cast %get3A_300 : vector<16xi32> to vector<16xi32>
      %ge3A_302 = vector.broadcast %mul3A_0 : i32 to vector<16xi32>
      %ge3A_303 = arith.cmpi sge, %get3A_301, %ge3A_302 : vector<16xi32>
      %add3A_304 = arith.constant 50000 : i32
      %add3A_305 = arith.addi %mul3A_0, %add3A_304 : i32
      %lt3A_306 = vector.broadcast %add3A_305 : i32 to vector<16xi32>
      %lt3A_307 = arith.cmpi slt, %get3A_301, %lt3A_306 : vector<16xi32>
      %and3A_308 = arith.andi %ge3A_303, %lt3A_307 : vector<16xi1>
      %sub3A_309 = vector.broadcast %mul3A_0 : i32 to vector<16xi32>
      %sub3A_310 = arith.subi %get3A_301, %sub3A_309 : vector<16xi32>
      %broadcast_in_dim3A_311 = vector.broadcast %add3A_3 : i32 to vector<16xi32>
      %select_n3A_312 = arith.select %and3A_308, %sub3A_310, %broadcast_in_dim3A_311 : vector<16xi1>, vector<16xi32>
      %swap3A_313 = arith.constant 0 : index
      %swap3A_314 = tpu.vector_load %arg13[%swap3A_313] {strides = array<i32>} : memref<80xi32, #tpu.memory_space<vmem>>, vector<16xi32>,
      %swap3A_315 = vector.shape_cast %swap3A_314 : vector<16xi32> to vector<16xi32>
      %swap3A_316 = vector.shape_cast %select_n3A_312 : vector<16xi32> to vector<16xi32>
      tpu.vector_store %arg13[%swap3A_313], %swap3A_316 {strides = array<i32>} : memref<80xi32, #tpu.memory_space<vmem>>, vector<16xi32>,
      %add3A_317 = arith.constant 16 : i32
      %add3A_318 = arith.addi %multiple_of3A_296, %add3A_317 : i32
      %get3A_319 = arith.index_cast %add3A_318 : i32 to index
      %get3A_320 = tpu.vector_load %arg7[%get3A_319] {strides = array<i32>} : memref<4000xi32, #tpu.memory_space<vmem>>, vector<16xi32>,
      %get3A_321 = vector.shape_cast %get3A_320 : vector<16xi32> to vector<16xi32>
      %ge3A_322 = vector.broadcast %mul3A_0 : i32 to vector<16xi32>
      %ge3A_323 = arith.cmpi sge, %get3A_321, %ge3A_322 : vector<16xi32>
      %add3A_324 = arith.constant 50000 : i32
      %add3A_325 = arith.addi %mul3A_0, %add3A_324 : i32
      %lt3A_326 = vector.broadcast %add3A_325 : i32 to vector<16xi32>
      %lt3A_327 = arith.cmpi slt, %get3A_321, %lt3A_326 : vector<16xi32>
      %and3A_328 = arith.andi %ge3A_323, %lt3A_327 : vector<16xi1>
      %sub3A_329 = vector.broadcast %mul3A_0 : i32 to vector<16xi32>
      %sub3A_330 = arith.subi %get3A_321, %sub3A_329 : vector<16xi32>
      %broadcast_in_dim3A_331 = vector.broadcast %add3A_3 : i32 to vector<16xi32>
      %select_n3A_332 = arith.select %and3A_328, %sub3A_330, %broadcast_in_dim3A_331 : vector<16xi1>, vector<16xi32>
      %swap3A_333 = arith.constant 16 : index
      %swap3A_334 = tpu.vector_load %arg13[%swap3A_333] {strides = array<i32>} : memref<80xi32, #tpu.memory_space<vmem>>, vector<16xi32>,
      %swap3A_335 = vector.shape_cast %swap3A_334 : vector<16xi32> to vector<16xi32>
      %swap3A_336 = vector.shape_cast %select_n3A_332 : vector<16xi32> to vector<16xi32>
      tpu.vector_store %arg13[%swap3A_333], %swap3A_336 {strides = array<i32>} : memref<80xi32, #tpu.memory_space<vmem>>, vector<16xi32>,
      %add3A_337 = arith.constant 32 : i32
      %add3A_338 = arith.addi %multiple_of3A_296, %add3A_337 : i32
      %get3A_339 = arith.index_cast %add3A_338 : i32 to index
      %get3A_340 = tpu.vector_load %arg7[%get3A_339] {strides = array<i32>} : memref<4000xi32, #tpu.memory_space<vmem>>, vector<16xi32>,
      %get3A_341 = vector.shape_cast %get3A_340 : vector<16xi32> to vector<16xi32>
      %ge3A_342 = vector.broadcast %mul3A_0 : i32 to vector<16xi32>
      %ge3A_343 = arith.cmpi sge, %get3A_341, %ge3A_342 : vector<16xi32>
      %add3A_344 = arith.constant 50000 : i32
      %add3A_345 = arith.addi %mul3A_0, %add3A_344 : i32
      %lt3A_346 = vector.broadcast %add3A_345 : i32 to vector<16xi32>
      %lt3A_347 = arith.cmpi slt, %get3A_341, %lt3A_346 : vector<16xi32>
      %and3A_348 = arith.andi %ge3A_343, %lt3A_347 : vector<16xi1>
      %sub3A_349 = vector.broadcast %mul3A_0 : i32 to vector<16xi32>
      %sub3A_350 = arith.subi %get3A_341, %sub3A_349 : vector<16xi32>
      %broadcast_in_dim3A_351 = vector.broadcast %add3A_3 : i32 to vector<16xi32>
      %select_n3A_352 = arith.select %and3A_348, %sub3A_350, %broadcast_in_dim3A_351 : vector<16xi1>, vector<16xi32>
      %swap3A_353 = arith.constant 32 : index
      %swap3A_354 = tpu.vector_load %arg13[%swap3A_353] {strides = array<i32>} : memref<80xi32, #tpu.memory_space<vmem>>, vector<16xi32>,
      %swap3A_355 = vector.shape_cast %swap3A_354 : vector<16xi32> to vector<16xi32>
      %swap3A_356 = vector.shape_cast %select_n3A_352 : vector<16xi32> to vector<16xi32>
      tpu.vector_store %arg13[%swap3A_353], %swap3A_356 {strides = array<i32>} : memref<80xi32, #tpu.memory_space<vmem>>, vector<16xi32>,
      %add3A_357 = arith.constant 48 : i32
      %add3A_358 = arith.addi %multiple_of3A_296, %add3A_357 : i32
      %get3A_359 = arith.index_cast %add3A_358 : i32 to index
      %get3A_360 = tpu.vector_load %arg7[%get3A_359] {strides = array<i32>} : memref<4000xi32, #tpu.memory_space<vmem>>, vector<16xi32>,
      %get3A_361 = vector.shape_cast %get3A_360 : vector<16xi32> to vector<16xi32>
      %ge3A_362 = vector.broadcast %mul3A_0 : i32 to vector<16xi32>
      %ge3A_363 = arith.cmpi sge, %get3A_361, %ge3A_362 : vector<16xi32>
      %add3A_364 = arith.constant 50000 : i32
      %add3A_365 = arith.addi %mul3A_0, %add3A_364 : i32
      %lt3A_366 = vector.broadcast %add3A_365 : i32 to vector<16xi32>
      %lt3A_367 = arith.cmpi slt, %get3A_361, %lt3A_366 : vector<16xi32>
      %and3A_368 = arith.andi %ge3A_363, %lt3A_367 : vector<16xi1>
      %sub3A_369 = vector.broadcast %mul3A_0 : i32 to vector<16xi32>
      %sub3A_370 = arith.subi %get3A_361, %sub3A_369 : vector<16xi32>
      %broadcast_in_dim3A_371 = vector.broadcast %add3A_3 : i32 to vector<16xi32>
      %select_n3A_372 = arith.select %and3A_368, %sub3A_370, %broadcast_in_dim3A_371 : vector<16xi1>, vector<16xi32>
      %swap3A_373 = arith.constant 48 : index
      %swap3A_374 = tpu.vector_load %arg13[%swap3A_373] {strides = array<i32>} : memref<80xi32, #tpu.memory_space<vmem>>, vector<16xi32>,
      %swap3A_375 = vector.shape_cast %swap3A_374 : vector<16xi32> to vector<16xi32>
      %swap3A_376 = vector.shape_cast %select_n3A_372 : vector<16xi32> to vector<16xi32>
      tpu.vector_store %arg13[%swap3A_373], %swap3A_376 {strides = array<i32>} : memref<80xi32, #tpu.memory_space<vmem>>, vector<16xi32>,
      %add3A_377 = arith.constant 64 : i32
      %add3A_378 = arith.addi %multiple_of3A_296, %add3A_377 : i32
      %get3A_379 = arith.index_cast %add3A_378 : i32 to index
      %get3A_380 = tpu.vector_load %arg7[%get3A_379] {strides = array<i32>} : memref<4000xi32, #tpu.memory_space<vmem>>, vector<16xi32>,
      %get3A_381 = vector.shape_cast %get3A_380 : vector<16xi32> to vector<16xi32>
      %ge3A_382 = vector.broadcast %mul3A_0 : i32 to vector<16xi32>
      %ge3A_383 = arith.cmpi sge, %get3A_381, %ge3A_382 : vector<16xi32>
      %add3A_384 = arith.constant 50000 : i32
      %add3A_385 = arith.addi %mul3A_0, %add3A_384 : i32
      %lt3A_386 = vector.broadcast %add3A_385 : i32 to vector<16xi32>
      %lt3A_387 = arith.cmpi slt, %get3A_381, %lt3A_386 : vector<16xi32>
      %and3A_388 = arith.andi %ge3A_383, %lt3A_387 : vector<16xi1>
      %sub3A_389 = vector.broadcast %mul3A_0 : i32 to vector<16xi32>
      %sub3A_390 = arith.subi %get3A_381, %sub3A_389 : vector<16xi32>
      %broadcast_in_dim3A_391 = vector.broadcast %add3A_3 : i32 to vector<16xi32>
      %select_n3A_392 = arith.select %and3A_388, %sub3A_390, %broadcast_in_dim3A_391 : vector<16xi1>, vector<16xi32>
      %swap3A_393 = arith.constant 64 : index
      %swap3A_394 = tpu.vector_load %arg13[%swap3A_393] {strides = array<i32>} : memref<80xi32, #tpu.memory_space<vmem>>, vector<16xi32>,
      %swap3A_395 = vector.shape_cast %swap3A_394 : vector<16xi32> to vector<16xi32>
      %swap3A_396 = vector.shape_cast %select_n3A_392 : vector<16xi32> to vector<16xi32>
      tpu.vector_store %arg13[%swap3A_393], %swap3A_396 {strides = array<i32>} : memref<80xi32, #tpu.memory_space<vmem>>, vector<16xi32>,
      %dma_start3A_397 = tpu.memref_slice %arg6[%multiple_of3A_296] : memref<4000xi32, #tpu.memory_space<vmem>> -> memref<80xi32, #tpu.memory_space<vmem>>
      %dma_start3A_398 = arith.constant 0 : i32
      %dma_start3A_399 = arith.constant 0 : i32
      %dma_start3A_400 = tpu.memref_slice %arg2[%dma_start3A_398, %dma_start3A_399] : memref<100000x32xf32, #tpu.memory_space<hbm>> -> memref<100000x32xf32, #tpu.memory_space<hbm>>
      tpu.enqueue_indirect_dma source(%dma_start3A_400 : memref<100000x32xf32, #tpu.memory_space<hbm>>) target(%arg9 : memref<80x32xf32, #tpu.memory_space<vmem>>) offsets(%dma_start3A_397 : memref<80xi32, #tpu.memory_space<vmem>>) semaphore(%arg19 : memref<!tpu.dma_semaphore, #tpu.memory_space<semaphore_mem>>)
      %scan3A_401 = arith.constant 0 : i32
      %scan3A_402 = arith.constant 0 : i32
      %scan3A_403 = arith.constant 13 : i32
      %scan3A_404 = arith.addi %scan3A_402, %scan3A_403 : i32
      %scan3A_405 = arith.constant 1 : i32
      %scan3A_406 = scf.for %scan3A_420 = %scan3A_402 to %scan3A_404 step %scan3A_405 iter_args(%scan3A_421 = %scan3A_401) -> (i32)  : i32 {
        %mul3A_422 = arith.constant 4 : i32
        %mul3A_423 = arith.muli %mul3A_422, %scan3A_420 : i32
        %add3A_424 = arith.constant 0 : i32
        %add3A_425 = arith.addi %mul3A_423, %add3A_424 : i32
        %lt3A_426 = arith.constant 50 : i32
        %lt3A_427 = arith.cmpi slt, %add3A_425, %lt3A_426 : i32
        %convert_element_type3A_428 = arith.extui %lt3A_427 : i1 to i32
        %cond3A_429 = arith.constant 0 : i32
        %cond3A_430 = arith.cmpi ne, %convert_element_type3A_428, %cond3A_429 : i32
        scf.if %cond3A_430 {
          %dma_wait3A_459 = arith.constant 0 : i32
          %dma_wait3A_460 = tpu.memref_slice %arg6[%dma_wait3A_459] : memref<4000xi32, #tpu.memory_space<vmem>> -> memref<80xi32, #tpu.memory_space<vmem>>
          %dma_wait3A_461 = arith.constant 0 : i32
          %dma_wait3A_462 = arith.constant 0 : i32
          %dma_wait3A_463 = tpu.memref_slice %arg2[%dma_wait3A_461, %dma_wait3A_462] : memref<100000x32xf32, #tpu.memory_space<hbm>> -> memref<100000x32xf32, #tpu.memory_space<hbm>>
          tpu.wait_indirect_dma semaphore(%arg18 : memref<!tpu.dma_semaphore, #tpu.memory_space<semaphore_mem>>) src(%dma_wait3A_463 : memref<100000x32xf32, #tpu.memory_space<hbm>>) dst(%arg8 : memref<80x32xf32, #tpu.memory_space<vmem>>)
          %dma_start3A_464 = arith.constant 0 : i32
          %dma_start3A_465 = arith.constant 0 : i32
          %dma_start3A_466 = tpu.memref_slice %arg17[%dma_start3A_464, %dma_start3A_465] : memref<50048x32xf32, #tpu.memory_space<vmem_shared>> -> memref<50048x32xf32, #tpu.memory_space<vmem_shared>>
          tpu.enqueue_indirect_dma source(%arg8 : memref<80x32xf32, #tpu.memory_space<vmem>>) target(%dma_start3A_466 : memref<50048x32xf32, #tpu.memory_space<vmem_shared>>) offsets(%arg12 : memref<80xi32, #tpu.memory_space<vmem>>) semaphore(%arg22 : memref<!tpu.dma_semaphore, #tpu.memory_space<semaphore_mem>>) {add = true}
          %add3A_467 = arith.constant 2 : i32
          %add3A_468 = arith.addi %add3A_425, %add3A_467 : i32
          %lt3A_469 = arith.constant 50 : i32
          %lt3A_470 = arith.cmpi slt, %add3A_468, %lt3A_469 : i32
          %convert_element_type3A_471 = arith.extui %lt3A_470 : i1 to i32
          %cond3A_472 = arith.constant 0 : i32
          %cond3A_473 = arith.cmpi ne, %convert_element_type3A_471, %cond3A_472 : i32
          scf.if %cond3A_473 {
            %ge3A_474 = arith.constant 2 : i32
            %ge3A_475 = arith.cmpi sge, %add3A_425, %ge3A_474 : i32
            %convert_element_type3A_476 = arith.extui %ge3A_475 : i1 to i32
            %cond3A_477 = arith.constant 0 : i32
            %cond3A_478 = arith.cmpi ne, %convert_element_type3A_476, %cond3A_477 : i32
            scf.if %cond3A_478 {
              %dma_wait3A_586 = arith.constant 0 : i32
              %dma_wait3A_587 = arith.constant 0 : i32
              %dma_wait3A_588 = tpu.memref_slice %arg17[%dma_wait3A_586, %dma_wait3A_587] : memref<50048x32xf32, #tpu.memory_space<vmem_shared>> -> memref<50048x32xf32, #tpu.memory_space<vmem_shared>>
              tpu.wait_indirect_dma semaphore(%arg24 : memref<!tpu.dma_semaphore, #tpu.memory_space<semaphore_mem>>) src(%arg10 : memref<80x32xf32, #tpu.memory_space<vmem>>) dst(%dma_wait3A_588 : memref<50048x32xf32, #tpu.memory_space<vmem_shared>>)
            } else {
            }
            %mul3A_479 = arith.constant 80 : i32
            %mul3A_480 = arith.muli %add3A_468, %mul3A_479 : i32
            %multiple_of3A_481 = tpu.assume_multiple %mul3A_480, 8 : i32
            %add3A_482 = arith.constant 0 : i32
            %add3A_483 = arith.addi %multiple_of3A_481, %add3A_482 : i32
            %get3A_484 = arith.index_cast %add3A_483 : i32 to index
            %get3A_485 = tpu.vector_load %arg7[%get3A_484] {strides = array<i32>} : memref<4000xi32, #tpu.memory_space<vmem>>, vector<16xi32>,
            %get3A_486 = vector.shape_cast %get3A_485 : vector<16xi32> to vector<16xi32>
            %ge3A_487 = vector.broadcast %mul3A_0 : i32 to vector<16xi32>
            %ge3A_488 = arith.cmpi sge, %get3A_486, %ge3A_487 : vector<16xi32>
            %add3A_489 = arith.constant 50000 : i32
            %add3A_490 = arith.addi %mul3A_0, %add3A_489 : i32
            %lt3A_491 = vector.broadcast %add3A_490 : i32 to vector<16xi32>
            %lt3A_492 = arith.cmpi slt, %get3A_486, %lt3A_491 : vector<16xi32>
            %and3A_493 = arith.andi %ge3A_488, %lt3A_492 : vector<16xi1>
            %sub3A_494 = vector.broadcast %mul3A_0 : i32 to vector<16xi32>
            %sub3A_495 = arith.subi %get3A_486, %sub3A_494 : vector<16xi32>
            %broadcast_in_dim3A_496 = vector.broadcast %add3A_3 : i32 to vector<16xi32>
            %select_n3A_497 = arith.select %and3A_493, %sub3A_495, %broadcast_in_dim3A_496 : vector<16xi1>, vector<16xi32>
            %swap3A_498 = arith.constant 0 : index
            %swap3A_499 = tpu.vector_load %arg14[%swap3A_498] {strides = array<i32>} : memref<80xi32, #tpu.memory_space<vmem>>, vector<16xi32>,
            %swap3A_500 = vector.shape_cast %swap3A_499 : vector<16xi32> to vector<16xi32>
            %swap3A_501 = vector.shape_cast %select_n3A_497 : vector<16xi32> to vector<16xi32>
            tpu.vector_store %arg14[%swap3A_498], %swap3A_501 {strides = array<i32>} : memref<80xi32, #tpu.memory_space<vmem>>, vector<16xi32>,
            %add3A_502 = arith.constant 16 : i32
            %add3A_503 = arith.addi %multiple_of3A_481, %add3A_502 : i32
            %get3A_504 = arith.index_cast %add3A_503 : i32 to index
            %get3A_505 = tpu.vector_load %arg7[%get3A_504] {strides = array<i32>} : memref<4000xi32, #tpu.memory_space<vmem>>, vector<16xi32>,
            %get3A_506 = vector.shape_cast %get3A_505 : vector<16xi32> to vector<16xi32>
            %ge3A_507 = vector.broadcast %mul3A_0 : i32 to vector<16xi32>
            %ge3A_508 = arith.cmpi sge, %get3A_506, %ge3A_507 : vector<16xi32>
            %add3A_509 = arith.constant 50000 : i32
            %add3A_510 = arith.addi %mul3A_0, %add3A_509 : i32
            %lt3A_511 = vector.broadcast %add3A_510 : i32 to vector<16xi32>
            %lt3A_512 = arith.cmpi slt, %get3A_506, %lt3A_511 : vector<16xi32>
            %and3A_513 = arith.andi %ge3A_508, %lt3A_512 : vector<16xi1>
            %sub3A_514 = vector.broadcast %mul3A_0 : i32 to vector<16xi32>
            %sub3A_515 = arith.subi %get3A_506, %sub3A_514 : vector<16xi32>
            %broadcast_in_dim3A_516 = vector.broadcast %add3A_3 : i32 to vector<16xi32>
            %select_n3A_517 = arith.select %and3A_513, %sub3A_515, %broadcast_in_dim3A_516 : vector<16xi1>, vector<16xi32>
            %swap3A_518 = arith.constant 16 : index
            %swap3A_519 = tpu.vector_load %arg14[%swap3A_518] {strides = array<i32>} : memref<80xi32, #tpu.memory_space<vmem>>, vector<16xi32>,
            %swap3A_520 = vector.shape_cast %swap3A_519 : vector<16xi32> to vector<16xi32>
            %swap3A_521 = vector.shape_cast %select_n3A_517 : vector<16xi32> to vector<16xi32>
            tpu.vector_store %arg14[%swap3A_518], %swap3A_521 {strides = array<i32>} : memref<80xi32, #tpu.memory_space<vmem>>, vector<16xi32>,
            %add3A_522 = arith.constant 32 : i32
            %add3A_523 = arith.addi %multiple_of3A_481, %add3A_522 : i32
            %get3A_524 = arith.index_cast %add3A_523 : i32 to index
            %get3A_525 = tpu.vector_load %arg7[%get3A_524] {strides = array<i32>} : memref<4000xi32, #tpu.memory_space<vmem>>, vector<16xi32>,
            %get3A_526 = vector.shape_cast %get3A_525 : vector<16xi32> to vector<16xi32>
            %ge3A_527 = vector.broadcast %mul3A_0 : i32 to vector<16xi32>
            %ge3A_528 = arith.cmpi sge, %get3A_526, %ge3A_527 : vector<16xi32>
            %add3A_529 = arith.constant 50000 : i32
            %add3A_530 = arith.addi %mul3A_0, %add3A_529 : i32
            %lt3A_531 = vector.broadcast %add3A_530 : i32 to vector<16xi32>
            %lt3A_532 = arith.cmpi slt, %get3A_526, %lt3A_531 : vector<16xi32>
            %and3A_533 = arith.andi %ge3A_528, %lt3A_532 : vector<16xi1>
            %sub3A_534 = vector.broadcast %mul3A_0 : i32 to vector<16xi32>
            %sub3A_535 = arith.subi %get3A_526, %sub3A_534 : vector<16xi32>
            %broadcast_in_dim3A_536 = vector.broadcast %add3A_3 : i32 to vector<16xi32>
            %select_n3A_537 = arith.select %and3A_533, %sub3A_535, %broadcast_in_dim3A_536 : vector<16xi1>, vector<16xi32>
            %swap3A_538 = arith.constant 32 : index
            %swap3A_539 = tpu.vector_load %arg14[%swap3A_538] {strides = array<i32>} : memref<80xi32, #tpu.memory_space<vmem>>, vector<16xi32>,
            %swap3A_540 = vector.shape_cast %swap3A_539 : vector<16xi32> to vector<16xi32>
            %swap3A_541 = vector.shape_cast %select_n3A_537 : vector<16xi32> to vector<16xi32>
            tpu.vector_store %arg14[%swap3A_538], %swap3A_541 {strides = array<i32>} : memref<80xi32, #tpu.memory_space<vmem>>, vector<16xi32>,
            %add3A_542 = arith.constant 48 : i32
            %add3A_543 = arith.addi %multiple_of3A_481, %add3A_542 : i32
            %get3A_544 = arith.index_cast %add3A_543 : i32 to index
            %get3A_545 = tpu.vector_load %arg7[%get3A_544] {strides = array<i32>} : memref<4000xi32, #tpu.memory_space<vmem>>, vector<16xi32>,
            %get3A_546 = vector.shape_cast %get3A_545 : vector<16xi32> to vector<16xi32>
            %ge3A_547 = vector.broadcast %mul3A_0 : i32 to vector<16xi32>
            %ge3A_548 = arith.cmpi sge, %get3A_546, %ge3A_547 : vector<16xi32>
            %add3A_549 = arith.constant 50000 : i32
            %add3A_550 = arith.addi %mul3A_0, %add3A_549 : i32
            %lt3A_551 = vector.broadcast %add3A_550 : i32 to vector<16xi32>
            %lt3A_552 = arith.cmpi slt, %get3A_546, %lt3A_551 : vector<16xi32>
            %and3A_553 = arith.andi %ge3A_548, %lt3A_552 : vector<16xi1>
            %sub3A_554 = vector.broadcast %mul3A_0 : i32 to vector<16xi32>
            %sub3A_555 = arith.subi %get3A_546, %sub3A_554 : vector<16xi32>
            %broadcast_in_dim3A_556 = vector.broadcast %add3A_3 : i32 to vector<16xi32>
            %select_n3A_557 = arith.select %and3A_553, %sub3A_555, %broadcast_in_dim3A_556 : vector<16xi1>, vector<16xi32>
            %swap3A_558 = arith.constant 48 : index
            %swap3A_559 = tpu.vector_load %arg14[%swap3A_558] {strides = array<i32>} : memref<80xi32, #tpu.memory_space<vmem>>, vector<16xi32>,
            %swap3A_560 = vector.shape_cast %swap3A_559 : vector<16xi32> to vector<16xi32>
            %swap3A_561 = vector.shape_cast %select_n3A_557 : vector<16xi32> to vector<16xi32>
            tpu.vector_store %arg14[%swap3A_558], %swap3A_561 {strides = array<i32>} : memref<80xi32, #tpu.memory_space<vmem>>, vector<16xi32>,
            %add3A_562 = arith.constant 64 : i32
            %add3A_563 = arith.addi %multiple_of3A_481, %add3A_562 : i32
            %get3A_564 = arith.index_cast %add3A_563 : i32 to index
            %get3A_565 = tpu.vector_load %arg7[%get3A_564] {strides = array<i32>} : memref<4000xi32, #tpu.memory_space<vmem>>, vector<16xi32>,
            %get3A_566 = vector.shape_cast %get3A_565 : vector<16xi32> to vector<16xi32>
            %ge3A_567 = vector.broadcast %mul3A_0 : i32 to vector<16xi32>
            %ge3A_568 = arith.cmpi sge, %get3A_566, %ge3A_567 : vector<16xi32>
            %add3A_569 = arith.constant 50000 : i32
            %add3A_570 = arith.addi %mul3A_0, %add3A_569 : i32
            %lt3A_571 = vector.broadcast %add3A_570 : i32 to vector<16xi32>
            %lt3A_572 = arith.cmpi slt, %get3A_566, %lt3A_571 : vector<16xi32>
            %and3A_573 = arith.andi %ge3A_568, %lt3A_572 : vector<16xi1>
            %sub3A_574 = vector.broadcast %mul3A_0 : i32 to vector<16xi32>
            %sub3A_575 = arith.subi %get3A_566, %sub3A_574 : vector<16xi32>
            %broadcast_in_dim3A_576 = vector.broadcast %add3A_3 : i32 to vector<16xi32>
            %select_n3A_577 = arith.select %and3A_573, %sub3A_575, %broadcast_in_dim3A_576 : vector<16xi1>, vector<16xi32>
            %swap3A_578 = arith.constant 64 : index
            %swap3A_579 = tpu.vector_load %arg14[%swap3A_578] {strides = array<i32>} : memref<80xi32, #tpu.memory_space<vmem>>, vector<16xi32>,
            %swap3A_580 = vector.shape_cast %swap3A_579 : vector<16xi32> to vector<16xi32>
            %swap3A_581 = vector.shape_cast %select_n3A_577 : vector<16xi32> to vector<16xi32>
            tpu.vector_store %arg14[%swap3A_578], %swap3A_581 {strides = array<i32>} : memref<80xi32, #tpu.memory_space<vmem>>, vector<16xi32>,
            %dma_start3A_582 = tpu.memref_slice %arg6[%multiple_of3A_481] : memref<4000xi32, #tpu.memory_space<vmem>> -> memref<80xi32, #tpu.memory_space<vmem>>
            %dma_start3A_583 = arith.constant 0 : i32
            %dma_start3A_584 = arith.constant 0 : i32
            %dma_start3A_585 = tpu.memref_slice %arg2[%dma_start3A_583, %dma_start3A_584] : memref<100000x32xf32, #tpu.memory_space<hbm>> -> memref<100000x32xf32, #tpu.memory_space<hbm>>
            tpu.enqueue_indirect_dma source(%dma_start3A_585 : memref<100000x32xf32, #tpu.memory_space<hbm>>) target(%arg10 : memref<80x32xf32, #tpu.memory_space<vmem>>) offsets(%dma_start3A_582 : memref<80xi32, #tpu.memory_space<vmem>>) semaphore(%arg20 : memref<!tpu.dma_semaphore, #tpu.memory_space<semaphore_mem>>)
          } else {
          }
        } else {
        }
        %mul3A_431 = arith.constant 4 : i32
        %mul3A_432 = arith.muli %mul3A_431, %scan3A_420 : i32
        %add3A_433 = arith.constant 1 : i32
        %add3A_434 = arith.addi %mul3A_432, %add3A_433 : i32
        %lt3A_435 = arith.constant 50 : i32
        %lt3A_436 = arith.cmpi slt, %add3A_434, %lt3A_435 : i32
        %convert_element_type3A_437 = arith.extui %lt3A_436 : i1 to i32
        %cond3A_438 = arith.constant 0 : i32
        %cond3A_439 = arith.cmpi ne, %convert_element_type3A_437, %cond3A_438 : i32
        scf.if %cond3A_439 {
          %dma_wait3A_459 = arith.constant 0 : i32
          %dma_wait3A_460 = tpu.memref_slice %arg6[%dma_wait3A_459] : memref<4000xi32, #tpu.memory_space<vmem>> -> memref<80xi32, #tpu.memory_space<vmem>>
          %dma_wait3A_461 = arith.constant 0 : i32
          %dma_wait3A_462 = arith.constant 0 : i32
          %dma_wait3A_463 = tpu.memref_slice %arg2[%dma_wait3A_461, %dma_wait3A_462] : memref<100000x32xf32, #tpu.memory_space<hbm>> -> memref<100000x32xf32, #tpu.memory_space<hbm>>
          tpu.wait_indirect_dma semaphore(%arg19 : memref<!tpu.dma_semaphore, #tpu.memory_space<semaphore_mem>>) src(%dma_wait3A_463 : memref<100000x32xf32, #tpu.memory_space<hbm>>) dst(%arg9 : memref<80x32xf32, #tpu.memory_space<vmem>>)
          %dma_start3A_464 = arith.constant 0 : i32
          %dma_start3A_465 = arith.constant 0 : i32
          %dma_start3A_466 = tpu.memref_slice %arg17[%dma_start3A_464, %dma_start3A_465] : memref<50048x32xf32, #tpu.memory_space<vmem_shared>> -> memref<50048x32xf32, #tpu.memory_space<vmem_shared>>
          tpu.enqueue_indirect_dma source(%arg9 : memref<80x32xf32, #tpu.memory_space<vmem>>) target(%dma_start3A_466 : memref<50048x32xf32, #tpu.memory_space<vmem_shared>>) offsets(%arg13 : memref<80xi32, #tpu.memory_space<vmem>>) semaphore(%arg23 : memref<!tpu.dma_semaphore, #tpu.memory_space<semaphore_mem>>) {add = true}
          %add3A_467 = arith.constant 2 : i32
          %add3A_468 = arith.addi %add3A_434, %add3A_467 : i32
          %lt3A_469 = arith.constant 50 : i32
          %lt3A_470 = arith.cmpi slt, %add3A_468, %lt3A_469 : i32
          %convert_element_type3A_471 = arith.extui %lt3A_470 : i1 to i32
          %cond3A_472 = arith.constant 0 : i32
          %cond3A_473 = arith.cmpi ne, %convert_element_type3A_471, %cond3A_472 : i32
          scf.if %cond3A_473 {
            %ge3A_474 = arith.constant 2 : i32
            %ge3A_475 = arith.cmpi sge, %add3A_434, %ge3A_474 : i32
            %convert_element_type3A_476 = arith.extui %ge3A_475 : i1 to i32
            %cond3A_477 = arith.constant 0 : i32
            %cond3A_478 = arith.cmpi ne, %convert_element_type3A_476, %cond3A_477 : i32
            scf.if %cond3A_478 {
              %dma_wait3A_586 = arith.constant 0 : i32
              %dma_wait3A_587 = arith.constant 0 : i32
              %dma_wait3A_588 = tpu.memref_slice %arg17[%dma_wait3A_586, %dma_wait3A_587] : memref<50048x32xf32, #tpu.memory_space<vmem_shared>> -> memref<50048x32xf32, #tpu.memory_space<vmem_shared>>
              tpu.wait_indirect_dma semaphore(%arg25 : memref<!tpu.dma_semaphore, #tpu.memory_space<semaphore_mem>>) src(%arg11 : memref<80x32xf32, #tpu.memory_space<vmem>>) dst(%dma_wait3A_588 : memref<50048x32xf32, #tpu.memory_space<vmem_shared>>)
            } else {
            }
            %mul3A_479 = arith.constant 80 : i32
            %mul3A_480 = arith.muli %add3A_468, %mul3A_479 : i32
            %multiple_of3A_481 = tpu.assume_multiple %mul3A_480, 8 : i32
            %add3A_482 = arith.constant 0 : i32
            %add3A_483 = arith.addi %multiple_of3A_481, %add3A_482 : i32
            %get3A_484 = arith.index_cast %add3A_483 : i32 to index
            %get3A_485 = tpu.vector_load %arg7[%get3A_484] {strides = array<i32>} : memref<4000xi32, #tpu.memory_space<vmem>>, vector<16xi32>,
            %get3A_486 = vector.shape_cast %get3A_485 : vector<16xi32> to vector<16xi32>
            %ge3A_487 = vector.broadcast %mul3A_0 : i32 to vector<16xi32>
            %ge3A_488 = arith.cmpi sge, %get3A_486, %ge3A_487 : vector<16xi32>
            %add3A_489 = arith.constant 50000 : i32
            %add3A_490 = arith.addi %mul3A_0, %add3A_489 : i32
            %lt3A_491 = vector.broadcast %add3A_490 : i32 to vector<16xi32>
            %lt3A_492 = arith.cmpi slt, %get3A_486, %lt3A_491 : vector<16xi32>
            %and3A_493 = arith.andi %ge3A_488, %lt3A_492 : vector<16xi1>
            %sub3A_494 = vector.broadcast %mul3A_0 : i32 to vector<16xi32>
            %sub3A_495 = arith.subi %get3A_486, %sub3A_494 : vector<16xi32>
            %broadcast_in_dim3A_496 = vector.broadcast %add3A_3 : i32 to vector<16xi32>
            %select_n3A_497 = arith.select %and3A_493, %sub3A_495, %broadcast_in_dim3A_496 : vector<16xi1>, vector<16xi32>
            %swap3A_498 = arith.constant 0 : index
            %swap3A_499 = tpu.vector_load %arg15[%swap3A_498] {strides = array<i32>} : memref<80xi32, #tpu.memory_space<vmem>>, vector<16xi32>,
            %swap3A_500 = vector.shape_cast %swap3A_499 : vector<16xi32> to vector<16xi32>
            %swap3A_501 = vector.shape_cast %select_n3A_497 : vector<16xi32> to vector<16xi32>
            tpu.vector_store %arg15[%swap3A_498], %swap3A_501 {strides = array<i32>} : memref<80xi32, #tpu.memory_space<vmem>>, vector<16xi32>,
            %add3A_502 = arith.constant 16 : i32
            %add3A_503 = arith.addi %multiple_of3A_481, %add3A_502 : i32
            %get3A_504 = arith.index_cast %add3A_503 : i32 to index
            %get3A_505 = tpu.vector_load %arg7[%get3A_504] {strides = array<i32>} : memref<4000xi32, #tpu.memory_space<vmem>>, vector<16xi32>,
            %get3A_506 = vector.shape_cast %get3A_505 : vector<16xi32> to vector<16xi32>
            %ge3A_507 = vector.broadcast %mul3A_0 : i32 to vector<16xi32>
            %ge3A_508 = arith.cmpi sge, %get3A_506, %ge3A_507 : vector<16xi32>
            %add3A_509 = arith.constant 50000 : i32
            %add3A_510 = arith.addi %mul3A_0, %add3A_509 : i32
            %lt3A_511 = vector.broadcast %add3A_510 : i32 to vector<16xi32>
            %lt3A_512 = arith.cmpi slt, %get3A_506, %lt3A_511 : vector<16xi32>
            %and3A_513 = arith.andi %ge3A_508, %lt3A_512 : vector<16xi1>
            %sub3A_514 = vector.broadcast %mul3A_0 : i32 to vector<16xi32>
            %sub3A_515 = arith.subi %get3A_506, %sub3A_514 : vector<16xi32>
            %broadcast_in_dim3A_516 = vector.broadcast %add3A_3 : i32 to vector<16xi32>
            %select_n3A_517 = arith.select %and3A_513, %sub3A_515, %broadcast_in_dim3A_516 : vector<16xi1>, vector<16xi32>
            %swap3A_518 = arith.constant 16 : index
            %swap3A_519 = tpu.vector_load %arg15[%swap3A_518] {strides = array<i32>} : memref<80xi32, #tpu.memory_space<vmem>>, vector<16xi32>,
            %swap3A_520 = vector.shape_cast %swap3A_519 : vector<16xi32> to vector<16xi32>
            %swap3A_521 = vector.shape_cast %select_n3A_517 : vector<16xi32> to vector<16xi32>
            tpu.vector_store %arg15[%swap3A_518], %swap3A_521 {strides = array<i32>} : memref<80xi32, #tpu.memory_space<vmem>>, vector<16xi32>,
            %add3A_522 = arith.constant 32 : i32
            %add3A_523 = arith.addi %multiple_of3A_481, %add3A_522 : i32
            %get3A_524 = arith.index_cast %add3A_523 : i32 to index
            %get3A_525 = tpu.vector_load %arg7[%get3A_524] {strides = array<i32>} : memref<4000xi32, #tpu.memory_space<vmem>>, vector<16xi32>,
            %get3A_526 = vector.shape_cast %get3A_525 : vector<16xi32> to vector<16xi32>
            %ge3A_527 = vector.broadcast %mul3A_0 : i32 to vector<16xi32>
            %ge3A_528 = arith.cmpi sge, %get3A_526, %ge3A_527 : vector<16xi32>
            %add3A_529 = arith.constant 50000 : i32
            %add3A_530 = arith.addi %mul3A_0, %add3A_529 : i32
            %lt3A_531 = vector.broadcast %add3A_530 : i32 to vector<16xi32>
            %lt3A_532 = arith.cmpi slt, %get3A_526, %lt3A_531 : vector<16xi32>
            %and3A_533 = arith.andi %ge3A_528, %lt3A_532 : vector<16xi1>
            %sub3A_534 = vector.broadcast %mul3A_0 : i32 to vector<16xi32>
            %sub3A_535 = arith.subi %get3A_526, %sub3A_534 : vector<16xi32>
            %broadcast_in_dim3A_536 = vector.broadcast %add3A_3 : i32 to vector<16xi32>
            %select_n3A_537 = arith.select %and3A_533, %sub3A_535, %broadcast_in_dim3A_536 : vector<16xi1>, vector<16xi32>
            %swap3A_538 = arith.constant 32 : index
            %swap3A_539 = tpu.vector_load %arg15[%swap3A_538] {strides = array<i32>} : memref<80xi32, #tpu.memory_space<vmem>>, vector<16xi32>,
            %swap3A_540 = vector.shape_cast %swap3A_539 : vector<16xi32> to vector<16xi32>
            %swap3A_541 = vector.shape_cast %select_n3A_537 : vector<16xi32> to vector<16xi32>
            tpu.vector_store %arg15[%swap3A_538], %swap3A_541 {strides = array<i32>} : memref<80xi32, #tpu.memory_space<vmem>>, vector<16xi32>,
            %add3A_542 = arith.constant 48 : i32
            %add3A_543 = arith.addi %multiple_of3A_481, %add3A_542 : i32
            %get3A_544 = arith.index_cast %add3A_543 : i32 to index
            %get3A_545 = tpu.vector_load %arg7[%get3A_544] {strides = array<i32>} : memref<4000xi32, #tpu.memory_space<vmem>>, vector<16xi32>,
            %get3A_546 = vector.shape_cast %get3A_545 : vector<16xi32> to vector<16xi32>
            %ge3A_547 = vector.broadcast %mul3A_0 : i32 to vector<16xi32>
            %ge3A_548 = arith.cmpi sge, %get3A_546, %ge3A_547 : vector<16xi32>
            %add3A_549 = arith.constant 50000 : i32
            %add3A_550 = arith.addi %mul3A_0, %add3A_549 : i32
            %lt3A_551 = vector.broadcast %add3A_550 : i32 to vector<16xi32>
            %lt3A_552 = arith.cmpi slt, %get3A_546, %lt3A_551 : vector<16xi32>
            %and3A_553 = arith.andi %ge3A_548, %lt3A_552 : vector<16xi1>
            %sub3A_554 = vector.broadcast %mul3A_0 : i32 to vector<16xi32>
            %sub3A_555 = arith.subi %get3A_546, %sub3A_554 : vector<16xi32>
            %broadcast_in_dim3A_556 = vector.broadcast %add3A_3 : i32 to vector<16xi32>
            %select_n3A_557 = arith.select %and3A_553, %sub3A_555, %broadcast_in_dim3A_556 : vector<16xi1>, vector<16xi32>
            %swap3A_558 = arith.constant 48 : index
            %swap3A_559 = tpu.vector_load %arg15[%swap3A_558] {strides = array<i32>} : memref<80xi32, #tpu.memory_space<vmem>>, vector<16xi32>,
            %swap3A_560 = vector.shape_cast %swap3A_559 : vector<16xi32> to vector<16xi32>
            %swap3A_561 = vector.shape_cast %select_n3A_557 : vector<16xi32> to vector<16xi32>
            tpu.vector_store %arg15[%swap3A_558], %swap3A_561 {strides = array<i32>} : memref<80xi32, #tpu.memory_space<vmem>>, vector<16xi32>,
            %add3A_562 = arith.constant 64 : i32
            %add3A_563 = arith.addi %multiple_of3A_481, %add3A_562 : i32
            %get3A_564 = arith.index_cast %add3A_563 : i32 to index
            %get3A_565 = tpu.vector_load %arg7[%get3A_564] {strides = array<i32>} : memref<4000xi32, #tpu.memory_space<vmem>>, vector<16xi32>,
            %get3A_566 = vector.shape_cast %get3A_565 : vector<16xi32> to vector<16xi32>
            %ge3A_567 = vector.broadcast %mul3A_0 : i32 to vector<16xi32>
            %ge3A_568 = arith.cmpi sge, %get3A_566, %ge3A_567 : vector<16xi32>
            %add3A_569 = arith.constant 50000 : i32
            %add3A_570 = arith.addi %mul3A_0, %add3A_569 : i32
            %lt3A_571 = vector.broadcast %add3A_570 : i32 to vector<16xi32>
            %lt3A_572 = arith.cmpi slt, %get3A_566, %lt3A_571 : vector<16xi32>
            %and3A_573 = arith.andi %ge3A_568, %lt3A_572 : vector<16xi1>
            %sub3A_574 = vector.broadcast %mul3A_0 : i32 to vector<16xi32>
            %sub3A_575 = arith.subi %get3A_566, %sub3A_574 : vector<16xi32>
            %broadcast_in_dim3A_576 = vector.broadcast %add3A_3 : i32 to vector<16xi32>
            %select_n3A_577 = arith.select %and3A_573, %sub3A_575, %broadcast_in_dim3A_576 : vector<16xi1>, vector<16xi32>
            %swap3A_578 = arith.constant 64 : index
            %swap3A_579 = tpu.vector_load %arg15[%swap3A_578] {strides = array<i32>} : memref<80xi32, #tpu.memory_space<vmem>>, vector<16xi32>,
            %swap3A_580 = vector.shape_cast %swap3A_579 : vector<16xi32> to vector<16xi32>
            %swap3A_581 = vector.shape_cast %select_n3A_577 : vector<16xi32> to vector<16xi32>
            tpu.vector_store %arg15[%swap3A_578], %swap3A_581 {strides = array<i32>} : memref<80xi32, #tpu.memory_space<vmem>>, vector<16xi32>,
            %dma_start3A_582 = tpu.memref_slice %arg6[%multiple_of3A_481] : memref<4000xi32, #tpu.memory_space<vmem>> -> memref<80xi32, #tpu.memory_space<vmem>>
            %dma_start3A_583 = arith.constant 0 : i32
            %dma_start3A_584 = arith.constant 0 : i32
            %dma_start3A_585 = tpu.memref_slice %arg2[%dma_start3A_583, %dma_start3A_584] : memref<100000x32xf32, #tpu.memory_space<hbm>> -> memref<100000x32xf32, #tpu.memory_space<hbm>>
            tpu.enqueue_indirect_dma source(%dma_start3A_585 : memref<100000x32xf32, #tpu.memory_space<hbm>>) target(%arg11 : memref<80x32xf32, #tpu.memory_space<vmem>>) offsets(%dma_start3A_582 : memref<80xi32, #tpu.memory_space<vmem>>) semaphore(%arg21 : memref<!tpu.dma_semaphore, #tpu.memory_space<semaphore_mem>>)
          } else {
          }
        } else {
        }
        %mul3A_440 = arith.constant 4 : i32
        %mul3A_441 = arith.muli %mul3A_440, %scan3A_420 : i32
        %add3A_442 = arith.constant 2 : i32
        %add3A_443 = arith.addi %mul3A_441, %add3A_442 : i32
        %lt3A_444 = arith.constant 50 : i32
        %lt3A_445 = arith.cmpi slt, %add3A_443, %lt3A_444 : i32
        %convert_element_type3A_446 = arith.extui %lt3A_445 : i1 to i32
        %cond3A_447 = arith.constant 0 : i32
        %cond3A_448 = arith.cmpi ne, %convert_element_type3A_446, %cond3A_447 : i32
        scf.if %cond3A_448 {
          %dma_wait3A_459 = arith.constant 0 : i32
          %dma_wait3A_460 = tpu.memref_slice %arg6[%dma_wait3A_459] : memref<4000xi32, #tpu.memory_space<vmem>> -> memref<80xi32, #tpu.memory_space<vmem>>
          %dma_wait3A_461 = arith.constant 0 : i32
          %dma_wait3A_462 = arith.constant 0 : i32
          %dma_wait3A_463 = tpu.memref_slice %arg2[%dma_wait3A_461, %dma_wait3A_462] : memref<100000x32xf32, #tpu.memory_space<hbm>> -> memref<100000x32xf32, #tpu.memory_space<hbm>>
          tpu.wait_indirect_dma semaphore(%arg20 : memref<!tpu.dma_semaphore, #tpu.memory_space<semaphore_mem>>) src(%dma_wait3A_463 : memref<100000x32xf32, #tpu.memory_space<hbm>>) dst(%arg10 : memref<80x32xf32, #tpu.memory_space<vmem>>)
          %dma_start3A_464 = arith.constant 0 : i32
          %dma_start3A_465 = arith.constant 0 : i32
          %dma_start3A_466 = tpu.memref_slice %arg17[%dma_start3A_464, %dma_start3A_465] : memref<50048x32xf32, #tpu.memory_space<vmem_shared>> -> memref<50048x32xf32, #tpu.memory_space<vmem_shared>>
          tpu.enqueue_indirect_dma source(%arg10 : memref<80x32xf32, #tpu.memory_space<vmem>>) target(%dma_start3A_466 : memref<50048x32xf32, #tpu.memory_space<vmem_shared>>) offsets(%arg14 : memref<80xi32, #tpu.memory_space<vmem>>) semaphore(%arg24 : memref<!tpu.dma_semaphore, #tpu.memory_space<semaphore_mem>>) {add = true}
          %add3A_467 = arith.constant 2 : i32
          %add3A_468 = arith.addi %add3A_443, %add3A_467 : i32
          %lt3A_469 = arith.constant 50 : i32
          %lt3A_470 = arith.cmpi slt, %add3A_468, %lt3A_469 : i32
          %convert_element_type3A_471 = arith.extui %lt3A_470 : i1 to i32
          %cond3A_472 = arith.constant 0 : i32
          %cond3A_473 = arith.cmpi ne, %convert_element_type3A_471, %cond3A_472 : i32
          scf.if %cond3A_473 {
            %ge3A_474 = arith.constant 2 : i32
            %ge3A_475 = arith.cmpi sge, %add3A_443, %ge3A_474 : i32
            %convert_element_type3A_476 = arith.extui %ge3A_475 : i1 to i32
            %cond3A_477 = arith.constant 0 : i32
            %cond3A_478 = arith.cmpi ne, %convert_element_type3A_476, %cond3A_477 : i32
            scf.if %cond3A_478 {
              %dma_wait3A_586 = arith.constant 0 : i32
              %dma_wait3A_587 = arith.constant 0 : i32
              %dma_wait3A_588 = tpu.memref_slice %arg17[%dma_wait3A_586, %dma_wait3A_587] : memref<50048x32xf32, #tpu.memory_space<vmem_shared>> -> memref<50048x32xf32, #tpu.memory_space<vmem_shared>>
              tpu.wait_indirect_dma semaphore(%arg22 : memref<!tpu.dma_semaphore, #tpu.memory_space<semaphore_mem>>) src(%arg8 : memref<80x32xf32, #tpu.memory_space<vmem>>) dst(%dma_wait3A_588 : memref<50048x32xf32, #tpu.memory_space<vmem_shared>>)
            } else {
            }
            %mul3A_479 = arith.constant 80 : i32
            %mul3A_480 = arith.muli %add3A_468, %mul3A_479 : i32
            %multiple_of3A_481 = tpu.assume_multiple %mul3A_480, 8 : i32
            %add3A_482 = arith.constant 0 : i32
            %add3A_483 = arith.addi %multiple_of3A_481, %add3A_482 : i32
            %get3A_484 = arith.index_cast %add3A_483 : i32 to index
            %get3A_485 = tpu.vector_load %arg7[%get3A_484] {strides = array<i32>} : memref<4000xi32, #tpu.memory_space<vmem>>, vector<16xi32>,
            %get3A_486 = vector.shape_cast %get3A_485 : vector<16xi32> to vector<16xi32>
            %ge3A_487 = vector.broadcast %mul3A_0 : i32 to vector<16xi32>
            %ge3A_488 = arith.cmpi sge, %get3A_486, %ge3A_487 : vector<16xi32>
            %add3A_489 = arith.constant 50000 : i32
            %add3A_490 = arith.addi %mul3A_0, %add3A_489 : i32
            %lt3A_491 = vector.broadcast %add3A_490 : i32 to vector<16xi32>
            %lt3A_492 = arith.cmpi slt, %get3A_486, %lt3A_491 : vector<16xi32>
            %and3A_493 = arith.andi %ge3A_488, %lt3A_492 : vector<16xi1>
            %sub3A_494 = vector.broadcast %mul3A_0 : i32 to vector<16xi32>
            %sub3A_495 = arith.subi %get3A_486, %sub3A_494 : vector<16xi32>
            %broadcast_in_dim3A_496 = vector.broadcast %add3A_3 : i32 to vector<16xi32>
            %select_n3A_497 = arith.select %and3A_493, %sub3A_495, %broadcast_in_dim3A_496 : vector<16xi1>, vector<16xi32>
            %swap3A_498 = arith.constant 0 : index
            %swap3A_499 = tpu.vector_load %arg12[%swap3A_498] {strides = array<i32>} : memref<80xi32, #tpu.memory_space<vmem>>, vector<16xi32>,
            %swap3A_500 = vector.shape_cast %swap3A_499 : vector<16xi32> to vector<16xi32>
            %swap3A_501 = vector.shape_cast %select_n3A_497 : vector<16xi32> to vector<16xi32>
            tpu.vector_store %arg12[%swap3A_498], %swap3A_501 {strides = array<i32>} : memref<80xi32, #tpu.memory_space<vmem>>, vector<16xi32>,
            %add3A_502 = arith.constant 16 : i32
            %add3A_503 = arith.addi %multiple_of3A_481, %add3A_502 : i32
            %get3A_504 = arith.index_cast %add3A_503 : i32 to index
            %get3A_505 = tpu.vector_load %arg7[%get3A_504] {strides = array<i32>} : memref<4000xi32, #tpu.memory_space<vmem>>, vector<16xi32>,
            %get3A_506 = vector.shape_cast %get3A_505 : vector<16xi32> to vector<16xi32>
            %ge3A_507 = vector.broadcast %mul3A_0 : i32 to vector<16xi32>
            %ge3A_508 = arith.cmpi sge, %get3A_506, %ge3A_507 : vector<16xi32>
            %add3A_509 = arith.constant 50000 : i32
            %add3A_510 = arith.addi %mul3A_0, %add3A_509 : i32
            %lt3A_511 = vector.broadcast %add3A_510 : i32 to vector<16xi32>
            %lt3A_512 = arith.cmpi slt, %get3A_506, %lt3A_511 : vector<16xi32>
            %and3A_513 = arith.andi %ge3A_508, %lt3A_512 : vector<16xi1>
            %sub3A_514 = vector.broadcast %mul3A_0 : i32 to vector<16xi32>
            %sub3A_515 = arith.subi %get3A_506, %sub3A_514 : vector<16xi32>
            %broadcast_in_dim3A_516 = vector.broadcast %add3A_3 : i32 to vector<16xi32>
            %select_n3A_517 = arith.select %and3A_513, %sub3A_515, %broadcast_in_dim3A_516 : vector<16xi1>, vector<16xi32>
            %swap3A_518 = arith.constant 16 : index
            %swap3A_519 = tpu.vector_load %arg12[%swap3A_518] {strides = array<i32>} : memref<80xi32, #tpu.memory_space<vmem>>, vector<16xi32>,
            %swap3A_520 = vector.shape_cast %swap3A_519 : vector<16xi32> to vector<16xi32>
            %swap3A_521 = vector.shape_cast %select_n3A_517 : vector<16xi32> to vector<16xi32>
            tpu.vector_store %arg12[%swap3A_518], %swap3A_521 {strides = array<i32>} : memref<80xi32, #tpu.memory_space<vmem>>, vector<16xi32>,
            %add3A_522 = arith.constant 32 : i32
            %add3A_523 = arith.addi %multiple_of3A_481, %add3A_522 : i32
            %get3A_524 = arith.index_cast %add3A_523 : i32 to index
            %get3A_525 = tpu.vector_load %arg7[%get3A_524] {strides = array<i32>} : memref<4000xi32, #tpu.memory_space<vmem>>, vector<16xi32>,
            %get3A_526 = vector.shape_cast %get3A_525 : vector<16xi32> to vector<16xi32>
            %ge3A_527 = vector.broadcast %mul3A_0 : i32 to vector<16xi32>
            %ge3A_528 = arith.cmpi sge, %get3A_526, %ge3A_527 : vector<16xi32>
            %add3A_529 = arith.constant 50000 : i32
            %add3A_530 = arith.addi %mul3A_0, %add3A_529 : i32
            %lt3A_531 = vector.broadcast %add3A_530 : i32 to vector<16xi32>
            %lt3A_532 = arith.cmpi slt, %get3A_526, %lt3A_531 : vector<16xi32>
            %and3A_533 = arith.andi %ge3A_528, %lt3A_532 : vector<16xi1>
            %sub3A_534 = vector.broadcast %mul3A_0 : i32 to vector<16xi32>
            %sub3A_535 = arith.subi %get3A_526, %sub3A_534 : vector<16xi32>
            %broadcast_in_dim3A_536 = vector.broadcast %add3A_3 : i32 to vector<16xi32>
            %select_n3A_537 = arith.select %and3A_533, %sub3A_535, %broadcast_in_dim3A_536 : vector<16xi1>, vector<16xi32>
            %swap3A_538 = arith.constant 32 : index
            %swap3A_539 = tpu.vector_load %arg12[%swap3A_538] {strides = array<i32>} : memref<80xi32, #tpu.memory_space<vmem>>, vector<16xi32>,
            %swap3A_540 = vector.shape_cast %swap3A_539 : vector<16xi32> to vector<16xi32>
            %swap3A_541 = vector.shape_cast %select_n3A_537 : vector<16xi32> to vector<16xi32>
            tpu.vector_store %arg12[%swap3A_538], %swap3A_541 {strides = array<i32>} : memref<80xi32, #tpu.memory_space<vmem>>, vector<16xi32>,
            %add3A_542 = arith.constant 48 : i32
            %add3A_543 = arith.addi %multiple_of3A_481, %add3A_542 : i32
            %get3A_544 = arith.index_cast %add3A_543 : i32 to index
            %get3A_545 = tpu.vector_load %arg7[%get3A_544] {strides = array<i32>} : memref<4000xi32, #tpu.memory_space<vmem>>, vector<16xi32>,
            %get3A_546 = vector.shape_cast %get3A_545 : vector<16xi32> to vector<16xi32>
            %ge3A_547 = vector.broadcast %mul3A_0 : i32 to vector<16xi32>
            %ge3A_548 = arith.cmpi sge, %get3A_546, %ge3A_547 : vector<16xi32>
            %add3A_549 = arith.constant 50000 : i32
            %add3A_550 = arith.addi %mul3A_0, %add3A_549 : i32
            %lt3A_551 = vector.broadcast %add3A_550 : i32 to vector<16xi32>
            %lt3A_552 = arith.cmpi slt, %get3A_546, %lt3A_551 : vector<16xi32>
            %and3A_553 = arith.andi %ge3A_548, %lt3A_552 : vector<16xi1>
            %sub3A_554 = vector.broadcast %mul3A_0 : i32 to vector<16xi32>
            %sub3A_555 = arith.subi %get3A_546, %sub3A_554 : vector<16xi32>
            %broadcast_in_dim3A_556 = vector.broadcast %add3A_3 : i32 to vector<16xi32>
            %select_n3A_557 = arith.select %and3A_553, %sub3A_555, %broadcast_in_dim3A_556 : vector<16xi1>, vector<16xi32>
            %swap3A_558 = arith.constant 48 : index
            %swap3A_559 = tpu.vector_load %arg12[%swap3A_558] {strides = array<i32>} : memref<80xi32, #tpu.memory_space<vmem>>, vector<16xi32>,
            %swap3A_560 = vector.shape_cast %swap3A_559 : vector<16xi32> to vector<16xi32>
            %swap3A_561 = vector.shape_cast %select_n3A_557 : vector<16xi32> to vector<16xi32>
            tpu.vector_store %arg12[%swap3A_558], %swap3A_561 {strides = array<i32>} : memref<80xi32, #tpu.memory_space<vmem>>, vector<16xi32>,
            %add3A_562 = arith.constant 64 : i32
            %add3A_563 = arith.addi %multiple_of3A_481, %add3A_562 : i32
            %get3A_564 = arith.index_cast %add3A_563 : i32 to index
            %get3A_565 = tpu.vector_load %arg7[%get3A_564] {strides = array<i32>} : memref<4000xi32, #tpu.memory_space<vmem>>, vector<16xi32>,
            %get3A_566 = vector.shape_cast %get3A_565 : vector<16xi32> to vector<16xi32>
            %ge3A_567 = vector.broadcast %mul3A_0 : i32 to vector<16xi32>
            %ge3A_568 = arith.cmpi sge, %get3A_566, %ge3A_567 : vector<16xi32>
            %add3A_569 = arith.constant 50000 : i32
            %add3A_570 = arith.addi %mul3A_0, %add3A_569 : i32
            %lt3A_571 = vector.broadcast %add3A_570 : i32 to vector<16xi32>
            %lt3A_572 = arith.cmpi slt, %get3A_566, %lt3A_571 : vector<16xi32>
            %and3A_573 = arith.andi %ge3A_568, %lt3A_572 : vector<16xi1>
            %sub3A_574 = vector.broadcast %mul3A_0 : i32 to vector<16xi32>
            %sub3A_575 = arith.subi %get3A_566, %sub3A_574 : vector<16xi32>
            %broadcast_in_dim3A_576 = vector.broadcast %add3A_3 : i32 to vector<16xi32>
            %select_n3A_577 = arith.select %and3A_573, %sub3A_575, %broadcast_in_dim3A_576 : vector<16xi1>, vector<16xi32>
            %swap3A_578 = arith.constant 64 : index
            %swap3A_579 = tpu.vector_load %arg12[%swap3A_578] {strides = array<i32>} : memref<80xi32, #tpu.memory_space<vmem>>, vector<16xi32>,
            %swap3A_580 = vector.shape_cast %swap3A_579 : vector<16xi32> to vector<16xi32>
            %swap3A_581 = vector.shape_cast %select_n3A_577 : vector<16xi32> to vector<16xi32>
            tpu.vector_store %arg12[%swap3A_578], %swap3A_581 {strides = array<i32>} : memref<80xi32, #tpu.memory_space<vmem>>, vector<16xi32>,
            %dma_start3A_582 = tpu.memref_slice %arg6[%multiple_of3A_481] : memref<4000xi32, #tpu.memory_space<vmem>> -> memref<80xi32, #tpu.memory_space<vmem>>
            %dma_start3A_583 = arith.constant 0 : i32
            %dma_start3A_584 = arith.constant 0 : i32
            %dma_start3A_585 = tpu.memref_slice %arg2[%dma_start3A_583, %dma_start3A_584] : memref<100000x32xf32, #tpu.memory_space<hbm>> -> memref<100000x32xf32, #tpu.memory_space<hbm>>
            tpu.enqueue_indirect_dma source(%dma_start3A_585 : memref<100000x32xf32, #tpu.memory_space<hbm>>) target(%arg8 : memref<80x32xf32, #tpu.memory_space<vmem>>) offsets(%dma_start3A_582 : memref<80xi32, #tpu.memory_space<vmem>>) semaphore(%arg18 : memref<!tpu.dma_semaphore, #tpu.memory_space<semaphore_mem>>)
          } else {
          }
        } else {
        }
        %mul3A_449 = arith.constant 4 : i32
        %mul3A_450 = arith.muli %mul3A_449, %scan3A_420 : i32
        %add3A_451 = arith.constant 3 : i32
        %add3A_452 = arith.addi %mul3A_450, %add3A_451 : i32
        %lt3A_453 = arith.constant 50 : i32
        %lt3A_454 = arith.cmpi slt, %add3A_452, %lt3A_453 : i32
        %convert_element_type3A_455 = arith.extui %lt3A_454 : i1 to i32
        %cond3A_456 = arith.constant 0 : i32
        %cond3A_457 = arith.cmpi ne, %convert_element_type3A_455, %cond3A_456 : i32
        scf.if %cond3A_457 {
          %dma_wait3A_459 = arith.constant 0 : i32
          %dma_wait3A_460 = tpu.memref_slice %arg6[%dma_wait3A_459] : memref<4000xi32, #tpu.memory_space<vmem>> -> memref<80xi32, #tpu.memory_space<vmem>>
          %dma_wait3A_461 = arith.constant 0 : i32
          %dma_wait3A_462 = arith.constant 0 : i32
          %dma_wait3A_463 = tpu.memref_slice %arg2[%dma_wait3A_461, %dma_wait3A_462] : memref<100000x32xf32, #tpu.memory_space<hbm>> -> memref<100000x32xf32, #tpu.memory_space<hbm>>
          tpu.wait_indirect_dma semaphore(%arg21 : memref<!tpu.dma_semaphore, #tpu.memory_space<semaphore_mem>>) src(%dma_wait3A_463 : memref<100000x32xf32, #tpu.memory_space<hbm>>) dst(%arg11 : memref<80x32xf32, #tpu.memory_space<vmem>>)
          %dma_start3A_464 = arith.constant 0 : i32
          %dma_start3A_465 = arith.constant 0 : i32
          %dma_start3A_466 = tpu.memref_slice %arg17[%dma_start3A_464, %dma_start3A_465] : memref<50048x32xf32, #tpu.memory_space<vmem_shared>> -> memref<50048x32xf32, #tpu.memory_space<vmem_shared>>
          tpu.enqueue_indirect_dma source(%arg11 : memref<80x32xf32, #tpu.memory_space<vmem>>) target(%dma_start3A_466 : memref<50048x32xf32, #tpu.memory_space<vmem_shared>>) offsets(%arg15 : memref<80xi32, #tpu.memory_space<vmem>>) semaphore(%arg25 : memref<!tpu.dma_semaphore, #tpu.memory_space<semaphore_mem>>) {add = true}
          %add3A_467 = arith.constant 2 : i32
          %add3A_468 = arith.addi %add3A_452, %add3A_467 : i32
          %lt3A_469 = arith.constant 50 : i32
          %lt3A_470 = arith.cmpi slt, %add3A_468, %lt3A_469 : i32
          %convert_element_type3A_471 = arith.extui %lt3A_470 : i1 to i32
          %cond3A_472 = arith.constant 0 : i32
          %cond3A_473 = arith.cmpi ne, %convert_element_type3A_471, %cond3A_472 : i32
          scf.if %cond3A_473 {
            %ge3A_474 = arith.constant 2 : i32
            %ge3A_475 = arith.cmpi sge, %add3A_452, %ge3A_474 : i32
            %convert_element_type3A_476 = arith.extui %ge3A_475 : i1 to i32
            %cond3A_477 = arith.constant 0 : i32
            %cond3A_478 = arith.cmpi ne, %convert_element_type3A_476, %cond3A_477 : i32
            scf.if %cond3A_478 {
              %dma_wait3A_586 = arith.constant 0 : i32
              %dma_wait3A_587 = arith.constant 0 : i32
              %dma_wait3A_588 = tpu.memref_slice %arg17[%dma_wait3A_586, %dma_wait3A_587] : memref<50048x32xf32, #tpu.memory_space<vmem_shared>> -> memref<50048x32xf32, #tpu.memory_space<vmem_shared>>
              tpu.wait_indirect_dma semaphore(%arg23 : memref<!tpu.dma_semaphore, #tpu.memory_space<semaphore_mem>>) src(%arg9 : memref<80x32xf32, #tpu.memory_space<vmem>>) dst(%dma_wait3A_588 : memref<50048x32xf32, #tpu.memory_space<vmem_shared>>)
            } else {
            }
            %mul3A_479 = arith.constant 80 : i32
            %mul3A_480 = arith.muli %add3A_468, %mul3A_479 : i32
            %multiple_of3A_481 = tpu.assume_multiple %mul3A_480, 8 : i32
            %add3A_482 = arith.constant 0 : i32
            %add3A_483 = arith.addi %multiple_of3A_481, %add3A_482 : i32
            %get3A_484 = arith.index_cast %add3A_483 : i32 to index
            %get3A_485 = tpu.vector_load %arg7[%get3A_484] {strides = array<i32>} : memref<4000xi32, #tpu.memory_space<vmem>>, vector<16xi32>,
            %get3A_486 = vector.shape_cast %get3A_485 : vector<16xi32> to vector<16xi32>
            %ge3A_487 = vector.broadcast %mul3A_0 : i32 to vector<16xi32>
            %ge3A_488 = arith.cmpi sge, %get3A_486, %ge3A_487 : vector<16xi32>
            %add3A_489 = arith.constant 50000 : i32
            %add3A_490 = arith.addi %mul3A_0, %add3A_489 : i32
            %lt3A_491 = vector.broadcast %add3A_490 : i32 to vector<16xi32>
            %lt3A_492 = arith.cmpi slt, %get3A_486, %lt3A_491 : vector<16xi32>
            %and3A_493 = arith.andi %ge3A_488, %lt3A_492 : vector<16xi1>
            %sub3A_494 = vector.broadcast %mul3A_0 : i32 to vector<16xi32>
            %sub3A_495 = arith.subi %get3A_486, %sub3A_494 : vector<16xi32>
            %broadcast_in_dim3A_496 = vector.broadcast %add3A_3 : i32 to vector<16xi32>
            %select_n3A_497 = arith.select %and3A_493, %sub3A_495, %broadcast_in_dim3A_496 : vector<16xi1>, vector<16xi32>
            %swap3A_498 = arith.constant 0 : index
            %swap3A_499 = tpu.vector_load %arg13[%swap3A_498] {strides = array<i32>} : memref<80xi32, #tpu.memory_space<vmem>>, vector<16xi32>,
            %swap3A_500 = vector.shape_cast %swap3A_499 : vector<16xi32> to vector<16xi32>
            %swap3A_501 = vector.shape_cast %select_n3A_497 : vector<16xi32> to vector<16xi32>
            tpu.vector_store %arg13[%swap3A_498], %swap3A_501 {strides = array<i32>} : memref<80xi32, #tpu.memory_space<vmem>>, vector<16xi32>,
            %add3A_502 = arith.constant 16 : i32
            %add3A_503 = arith.addi %multiple_of3A_481, %add3A_502 : i32
            %get3A_504 = arith.index_cast %add3A_503 : i32 to index
            %get3A_505 = tpu.vector_load %arg7[%get3A_504] {strides = array<i32>} : memref<4000xi32, #tpu.memory_space<vmem>>, vector<16xi32>,
            %get3A_506 = vector.shape_cast %get3A_505 : vector<16xi32> to vector<16xi32>
            %ge3A_507 = vector.broadcast %mul3A_0 : i32 to vector<16xi32>
            %ge3A_508 = arith.cmpi sge, %get3A_506, %ge3A_507 : vector<16xi32>
            %add3A_509 = arith.constant 50000 : i32
            %add3A_510 = arith.addi %mul3A_0, %add3A_509 : i32
            %lt3A_511 = vector.broadcast %add3A_510 : i32 to vector<16xi32>
            %lt3A_512 = arith.cmpi slt, %get3A_506, %lt3A_511 : vector<16xi32>
            %and3A_513 = arith.andi %ge3A_508, %lt3A_512 : vector<16xi1>
            %sub3A_514 = vector.broadcast %mul3A_0 : i32 to vector<16xi32>
            %sub3A_515 = arith.subi %get3A_506, %sub3A_514 : vector<16xi32>
            %broadcast_in_dim3A_516 = vector.broadcast %add3A_3 : i32 to vector<16xi32>
            %select_n3A_517 = arith.select %and3A_513, %sub3A_515, %broadcast_in_dim3A_516 : vector<16xi1>, vector<16xi32>
            %swap3A_518 = arith.constant 16 : index
            %swap3A_519 = tpu.vector_load %arg13[%swap3A_518] {strides = array<i32>} : memref<80xi32, #tpu.memory_space<vmem>>, vector<16xi32>,
            %swap3A_520 = vector.shape_cast %swap3A_519 : vector<16xi32> to vector<16xi32>
            %swap3A_521 = vector.shape_cast %select_n3A_517 : vector<16xi32> to vector<16xi32>
            tpu.vector_store %arg13[%swap3A_518], %swap3A_521 {strides = array<i32>} : memref<80xi32, #tpu.memory_space<vmem>>, vector<16xi32>,
            %add3A_522 = arith.constant 32 : i32
            %add3A_523 = arith.addi %multiple_of3A_481, %add3A_522 : i32
            %get3A_524 = arith.index_cast %add3A_523 : i32 to index
            %get3A_525 = tpu.vector_load %arg7[%get3A_524] {strides = array<i32>} : memref<4000xi32, #tpu.memory_space<vmem>>, vector<16xi32>,
            %get3A_526 = vector.shape_cast %get3A_525 : vector<16xi32> to vector<16xi32>
            %ge3A_527 = vector.broadcast %mul3A_0 : i32 to vector<16xi32>
            %ge3A_528 = arith.cmpi sge, %get3A_526, %ge3A_527 : vector<16xi32>
            %add3A_529 = arith.constant 50000 : i32
            %add3A_530 = arith.addi %mul3A_0, %add3A_529 : i32
            %lt3A_531 = vector.broadcast %add3A_530 : i32 to vector<16xi32>
            %lt3A_532 = arith.cmpi slt, %get3A_526, %lt3A_531 : vector<16xi32>
            %and3A_533 = arith.andi %ge3A_528, %lt3A_532 : vector<16xi1>
            %sub3A_534 = vector.broadcast %mul3A_0 : i32 to vector<16xi32>
            %sub3A_535 = arith.subi %get3A_526, %sub3A_534 : vector<16xi32>
            %broadcast_in_dim3A_536 = vector.broadcast %add3A_3 : i32 to vector<16xi32>
            %select_n3A_537 = arith.select %and3A_533, %sub3A_535, %broadcast_in_dim3A_536 : vector<16xi1>, vector<16xi32>
            %swap3A_538 = arith.constant 32 : index
            %swap3A_539 = tpu.vector_load %arg13[%swap3A_538] {strides = array<i32>} : memref<80xi32, #tpu.memory_space<vmem>>, vector<16xi32>,
            %swap3A_540 = vector.shape_cast %swap3A_539 : vector<16xi32> to vector<16xi32>
            %swap3A_541 = vector.shape_cast %select_n3A_537 : vector<16xi32> to vector<16xi32>
            tpu.vector_store %arg13[%swap3A_538], %swap3A_541 {strides = array<i32>} : memref<80xi32, #tpu.memory_space<vmem>>, vector<16xi32>,
            %add3A_542 = arith.constant 48 : i32
            %add3A_543 = arith.addi %multiple_of3A_481, %add3A_542 : i32
            %get3A_544 = arith.index_cast %add3A_543 : i32 to index
            %get3A_545 = tpu.vector_load %arg7[%get3A_544] {strides = array<i32>} : memref<4000xi32, #tpu.memory_space<vmem>>, vector<16xi32>,
            %get3A_546 = vector.shape_cast %get3A_545 : vector<16xi32> to vector<16xi32>
            %ge3A_547 = vector.broadcast %mul3A_0 : i32 to vector<16xi32>
            %ge3A_548 = arith.cmpi sge, %get3A_546, %ge3A_547 : vector<16xi32>
            %add3A_549 = arith.constant 50000 : i32
            %add3A_550 = arith.addi %mul3A_0, %add3A_549 : i32
            %lt3A_551 = vector.broadcast %add3A_550 : i32 to vector<16xi32>
            %lt3A_552 = arith.cmpi slt, %get3A_546, %lt3A_551 : vector<16xi32>
            %and3A_553 = arith.andi %ge3A_548, %lt3A_552 : vector<16xi1>
            %sub3A_554 = vector.broadcast %mul3A_0 : i32 to vector<16xi32>
            %sub3A_555 = arith.subi %get3A_546, %sub3A_554 : vector<16xi32>
            %broadcast_in_dim3A_556 = vector.broadcast %add3A_3 : i32 to vector<16xi32>
            %select_n3A_557 = arith.select %and3A_553, %sub3A_555, %broadcast_in_dim3A_556 : vector<16xi1>, vector<16xi32>
            %swap3A_558 = arith.constant 48 : index
            %swap3A_559 = tpu.vector_load %arg13[%swap3A_558] {strides = array<i32>} : memref<80xi32, #tpu.memory_space<vmem>>, vector<16xi32>,
            %swap3A_560 = vector.shape_cast %swap3A_559 : vector<16xi32> to vector<16xi32>
            %swap3A_561 = vector.shape_cast %select_n3A_557 : vector<16xi32> to vector<16xi32>
            tpu.vector_store %arg13[%swap3A_558], %swap3A_561 {strides = array<i32>} : memref<80xi32, #tpu.memory_space<vmem>>, vector<16xi32>,
            %add3A_562 = arith.constant 64 : i32
            %add3A_563 = arith.addi %multiple_of3A_481, %add3A_562 : i32
            %get3A_564 = arith.index_cast %add3A_563 : i32 to index
            %get3A_565 = tpu.vector_load %arg7[%get3A_564] {strides = array<i32>} : memref<4000xi32, #tpu.memory_space<vmem>>, vector<16xi32>,
            %get3A_566 = vector.shape_cast %get3A_565 : vector<16xi32> to vector<16xi32>
            %ge3A_567 = vector.broadcast %mul3A_0 : i32 to vector<16xi32>
            %ge3A_568 = arith.cmpi sge, %get3A_566, %ge3A_567 : vector<16xi32>
            %add3A_569 = arith.constant 50000 : i32
            %add3A_570 = arith.addi %mul3A_0, %add3A_569 : i32
            %lt3A_571 = vector.broadcast %add3A_570 : i32 to vector<16xi32>
            %lt3A_572 = arith.cmpi slt, %get3A_566, %lt3A_571 : vector<16xi32>
            %and3A_573 = arith.andi %ge3A_568, %lt3A_572 : vector<16xi1>
            %sub3A_574 = vector.broadcast %mul3A_0 : i32 to vector<16xi32>
            %sub3A_575 = arith.subi %get3A_566, %sub3A_574 : vector<16xi32>
            %broadcast_in_dim3A_576 = vector.broadcast %add3A_3 : i32 to vector<16xi32>
            %select_n3A_577 = arith.select %and3A_573, %sub3A_575, %broadcast_in_dim3A_576 : vector<16xi1>, vector<16xi32>
            %swap3A_578 = arith.constant 64 : index
            %swap3A_579 = tpu.vector_load %arg13[%swap3A_578] {strides = array<i32>} : memref<80xi32, #tpu.memory_space<vmem>>, vector<16xi32>,
            %swap3A_580 = vector.shape_cast %swap3A_579 : vector<16xi32> to vector<16xi32>
            %swap3A_581 = vector.shape_cast %select_n3A_577 : vector<16xi32> to vector<16xi32>
            tpu.vector_store %arg13[%swap3A_578], %swap3A_581 {strides = array<i32>} : memref<80xi32, #tpu.memory_space<vmem>>, vector<16xi32>,
            %dma_start3A_582 = tpu.memref_slice %arg6[%multiple_of3A_481] : memref<4000xi32, #tpu.memory_space<vmem>> -> memref<80xi32, #tpu.memory_space<vmem>>
            %dma_start3A_583 = arith.constant 0 : i32
            %dma_start3A_584 = arith.constant 0 : i32
            %dma_start3A_585 = tpu.memref_slice %arg2[%dma_start3A_583, %dma_start3A_584] : memref<100000x32xf32, #tpu.memory_space<hbm>> -> memref<100000x32xf32, #tpu.memory_space<hbm>>
            tpu.enqueue_indirect_dma source(%dma_start3A_585 : memref<100000x32xf32, #tpu.memory_space<hbm>>) target(%arg9 : memref<80x32xf32, #tpu.memory_space<vmem>>) offsets(%dma_start3A_582 : memref<80xi32, #tpu.memory_space<vmem>>) semaphore(%arg19 : memref<!tpu.dma_semaphore, #tpu.memory_space<semaphore_mem>>)
          } else {
          }
        } else {
        }
        %scan3A_458 = arith.constant 0 : i32
        scf.yield %scan3A_458 : i32
      }
      %scan3A_407 = arith.constant 13 : i32
      %dma_wait3A = arith.constant 0 : i32
      %dma_wait3A_408 = arith.constant 0 : i32
      %dma_wait3A_409 = tpu.memref_slice %arg17[%dma_wait3A, %dma_wait3A_408] : memref<50048x32xf32, #tpu.memory_space<vmem_shared>> -> memref<50048x32xf32, #tpu.memory_space<vmem_shared>>
      tpu.wait_indirect_dma semaphore(%arg24 : memref<!tpu.dma_semaphore, #tpu.memory_space<semaphore_mem>>) src(%arg10 : memref<80x32xf32, #tpu.memory_space<vmem>>) dst(%dma_wait3A_409 : memref<50048x32xf32, #tpu.memory_space<vmem_shared>>)
      %dma_wait3A_410 = arith.constant 0 : i32
      %dma_wait3A_411 = arith.constant 0 : i32
      %dma_wait3A_412 = tpu.memref_slice %arg17[%dma_wait3A_410, %dma_wait3A_411] : memref<50048x32xf32, #tpu.memory_space<vmem_shared>> -> memref<50048x32xf32, #tpu.memory_space<vmem_shared>>
      tpu.wait_indirect_dma semaphore(%arg25 : memref<!tpu.dma_semaphore, #tpu.memory_space<semaphore_mem>>) src(%arg11 : memref<80x32xf32, #tpu.memory_space<vmem>>) dst(%dma_wait3A_412 : memref<50048x32xf32, #tpu.memory_space<vmem_shared>>)
      %dma_wait3A_413 = arith.constant 0 : i32
      %dma_wait3A_414 = arith.constant 0 : i32
      %dma_wait3A_415 = tpu.memref_slice %arg17[%dma_wait3A_413, %dma_wait3A_414] : memref<50048x32xf32, #tpu.memory_space<vmem_shared>> -> memref<50048x32xf32, #tpu.memory_space<vmem_shared>>
      tpu.wait_indirect_dma semaphore(%arg22 : memref<!tpu.dma_semaphore, #tpu.memory_space<semaphore_mem>>) src(%arg8 : memref<80x32xf32, #tpu.memory_space<vmem>>) dst(%dma_wait3A_415 : memref<50048x32xf32, #tpu.memory_space<vmem_shared>>)
      %dma_wait3A_416 = arith.constant 0 : i32
      %dma_wait3A_417 = arith.constant 0 : i32
      %dma_wait3A_418 = tpu.memref_slice %arg17[%dma_wait3A_416, %dma_wait3A_417] : memref<50048x32xf32, #tpu.memory_space<vmem_shared>> -> memref<50048x32xf32, #tpu.memory_space<vmem_shared>>
      tpu.wait_indirect_dma semaphore(%arg23 : memref<!tpu.dma_semaphore, #tpu.memory_space<semaphore_mem>>) src(%arg9 : memref<80x32xf32, #tpu.memory_space<vmem>>) dst(%dma_wait3A_418 : memref<50048x32xf32, #tpu.memory_space<vmem_shared>>)
      %scan3A_419 = arith.constant 0 : i32
      scf.yield %scan3A_419 : i32
    }
    %scan3A_51 = arith.constant 25 : i32
    %barrier3A_52 = arith.constant 0 : index
    tpu.barrier barrier_id(%barrier3A_52)
    %add3A_53 = arith.constant 0 : i32
    %add3A_54 = arith.addi %arg1, %add3A_53 : i32
    %mul3A_55 = arith.constant 200 : i32
    %mul3A_56 = arith.muli %add3A_54, %mul3A_55 : i32
    %multiple_of3A_57 = tpu.assume_multiple %mul3A_56, 8 : i32
    "tpu.region"() ({
      %run_scoped3A = tpu.sem_alloc : memref<!tpu.dma_semaphore, #tpu.memory_space<semaphore_mem>>
      %dma_start3A = arith.constant 0 : i32
      %dma_start3A_190 = tpu.memref_slice %arg17[%multiple_of3A_57, %dma_start3A] : memref<50048x32xf32, #tpu.memory_space<vmem_shared>> -> memref<200x32xf32, #tpu.memory_space<vmem_shared>>
      %dma_start3A_191 = arith.constant 0 : i32
      %dma_start3A_192 = tpu.memref_slice %arg17[%multiple_of3A_57, %dma_start3A_191] : memref<50048x32xf32, #tpu.memory_space<vmem_shared>> -> memref<200x32xf32, #tpu.memory_space<vmem_shared>>
      tpu.enqueue_dma source(%dma_start3A_192 : memref<200x32xf32, #tpu.memory_space<vmem_shared>>) target(%arg16 : memref<200x32xf32, #tpu.memory_space<vmem>>) target_semaphore(%run_scoped3A : memref<!tpu.dma_semaphore, #tpu.memory_space<semaphore_mem>>)
      %dma_wait3A = arith.constant 0 : i32
      %dma_wait3A_193 = tpu.memref_slice %arg17[%multiple_of3A_57, %dma_wait3A] : memref<50048x32xf32, #tpu.memory_space<vmem_shared>> -> memref<200x32xf32, #tpu.memory_space<vmem_shared>>
      %dma_wait3A_194 = arith.constant 0 : i32
      %dma_wait3A_195 = tpu.memref_slice %arg17[%multiple_of3A_57, %dma_wait3A_194] : memref<50048x32xf32, #tpu.memory_space<vmem_shared>> -> memref<200x32xf32, #tpu.memory_space<vmem_shared>>
      tpu.wait_dma2 semaphore(%run_scoped3A : memref<!tpu.dma_semaphore, #tpu.memory_space<semaphore_mem>>) src(%dma_wait3A_195 : memref<200x32xf32, #tpu.memory_space<vmem_shared>>) dst(%arg16 : memref<200x32xf32, #tpu.memory_space<vmem>>)
      tpu.yield
    }) : () -> ()
    %mul3A_58 = arith.constant 200 : i32
    %mul3A_59 = arith.muli %add3A_54, %mul3A_58 : i32
    %add3A_60 = arith.addi %mul3A_0, %mul3A_59 : i32
    %multiple_of3A_61 = tpu.assume_multiple %add3A_60, 8 : i32
    "tpu.region"() ({
      %run_scoped3A = tpu.sem_alloc : memref<!tpu.dma_semaphore, #tpu.memory_space<semaphore_mem>>
      %dma_start3A = arith.constant 0 : i32
      %dma_start3A_190 = tpu.memref_slice %arg5[%multiple_of3A_61, %dma_start3A] : memref<100000x32xf32, #tpu.memory_space<hbm>> -> memref<200x32xf32, #tpu.memory_space<hbm>>
      %dma_start3A_191 = arith.constant 0 : i32
      %dma_start3A_192 = tpu.memref_slice %arg5[%multiple_of3A_61, %dma_start3A_191] : memref<100000x32xf32, #tpu.memory_space<hbm>> -> memref<200x32xf32, #tpu.memory_space<hbm>>
      tpu.enqueue_dma source(%arg16 : memref<200x32xf32, #tpu.memory_space<vmem>>) target(%dma_start3A_192 : memref<200x32xf32, #tpu.memory_space<hbm>>) target_semaphore(%run_scoped3A : memref<!tpu.dma_semaphore, #tpu.memory_space<semaphore_mem>>)
      %dma_wait3A = arith.constant 0 : i32
      %dma_wait3A_193 = tpu.memref_slice %arg5[%multiple_of3A_61, %dma_wait3A] : memref<100000x32xf32, #tpu.memory_space<hbm>> -> memref<200x32xf32, #tpu.memory_space<hbm>>
      %dma_wait3A_194 = arith.constant 0 : i32
      %dma_wait3A_195 = tpu.memref_slice %arg5[%multiple_of3A_61, %dma_wait3A_194] : memref<100000x32xf32, #tpu.memory_space<hbm>> -> memref<200x32xf32, #tpu.memory_space<hbm>>
      tpu.wait_dma2 semaphore(%run_scoped3A : memref<!tpu.dma_semaphore, #tpu.memory_space<semaphore_mem>>) src(%arg16 : memref<200x32xf32, #tpu.memory_space<vmem>>) dst(%dma_wait3A_195 : memref<200x32xf32, #tpu.memory_space<hbm>>)
      tpu.yield
    }) : () -> ()
    %add3A_62 = arith.constant 16 : i32
    %add3A_63 = arith.addi %arg1, %add3A_62 : i32
    %mul3A_64 = arith.constant 200 : i32
    %mul3A_65 = arith.muli %add3A_63, %mul3A_64 : i32
    %multiple_of3A_66 = tpu.assume_multiple %mul3A_65, 8 : i32
    "tpu.region"() ({
      %run_scoped3A = tpu.sem_alloc : memref<!tpu.dma_semaphore, #tpu.memory_space<semaphore_mem>>
      %dma_start3A = arith.constant 0 : i32
      %dma_start3A_190 = tpu.memref_slice %arg17[%multiple_of3A_66, %dma_start3A] : memref<50048x32xf32, #tpu.memory_space<vmem_shared>> -> memref<200x32xf32, #tpu.memory_space<vmem_shared>>
      %dma_start3A_191 = arith.constant 0 : i32
      %dma_start3A_192 = tpu.memref_slice %arg17[%multiple_of3A_66, %dma_start3A_191] : memref<50048x32xf32, #tpu.memory_space<vmem_shared>> -> memref<200x32xf32, #tpu.memory_space<vmem_shared>>
      tpu.enqueue_dma source(%dma_start3A_192 : memref<200x32xf32, #tpu.memory_space<vmem_shared>>) target(%arg16 : memref<200x32xf32, #tpu.memory_space<vmem>>) target_semaphore(%run_scoped3A : memref<!tpu.dma_semaphore, #tpu.memory_space<semaphore_mem>>)
      %dma_wait3A = arith.constant 0 : i32
      %dma_wait3A_193 = tpu.memref_slice %arg17[%multiple_of3A_66, %dma_wait3A] : memref<50048x32xf32, #tpu.memory_space<vmem_shared>> -> memref<200x32xf32, #tpu.memory_space<vmem_shared>>
      %dma_wait3A_194 = arith.constant 0 : i32
      %dma_wait3A_195 = tpu.memref_slice %arg17[%multiple_of3A_66, %dma_wait3A_194] : memref<50048x32xf32, #tpu.memory_space<vmem_shared>> -> memref<200x32xf32, #tpu.memory_space<vmem_shared>>
      tpu.wait_dma2 semaphore(%run_scoped3A : memref<!tpu.dma_semaphore, #tpu.memory_space<semaphore_mem>>) src(%dma_wait3A_195 : memref<200x32xf32, #tpu.memory_space<vmem_shared>>) dst(%arg16 : memref<200x32xf32, #tpu.memory_space<vmem>>)
      tpu.yield
    }) : () -> ()
    %mul3A_67 = arith.constant 200 : i32
    %mul3A_68 = arith.muli %add3A_63, %mul3A_67 : i32
    %add3A_69 = arith.addi %mul3A_0, %mul3A_68 : i32
    %multiple_of3A_70 = tpu.assume_multiple %add3A_69, 8 : i32
    "tpu.region"() ({
      %run_scoped3A = tpu.sem_alloc : memref<!tpu.dma_semaphore, #tpu.memory_space<semaphore_mem>>
      %dma_start3A = arith.constant 0 : i32
      %dma_start3A_190 = tpu.memref_slice %arg5[%multiple_of3A_70, %dma_start3A] : memref<100000x32xf32, #tpu.memory_space<hbm>> -> memref<200x32xf32, #tpu.memory_space<hbm>>
      %dma_start3A_191 = arith.constant 0 : i32
      %dma_start3A_192 = tpu.memref_slice %arg5[%multiple_of3A_70, %dma_start3A_191] : memref<100000x32xf32, #tpu.memory_space<hbm>> -> memref<200x32xf32, #tpu.memory_space<hbm>>
      tpu.enqueue_dma source(%arg16 : memref<200x32xf32, #tpu.memory_space<vmem>>) target(%dma_start3A_192 : memref<200x32xf32, #tpu.memory_space<hbm>>) target_semaphore(%run_scoped3A : memref<!tpu.dma_semaphore, #tpu.memory_space<semaphore_mem>>)
      %dma_wait3A = arith.constant 0 : i32
      %dma_wait3A_193 = tpu.memref_slice %arg5[%multiple_of3A_70, %dma_wait3A] : memref<100000x32xf32, #tpu.memory_space<hbm>> -> memref<200x32xf32, #tpu.memory_space<hbm>>
      %dma_wait3A_194 = arith.constant 0 : i32
      %dma_wait3A_195 = tpu.memref_slice %arg5[%multiple_of3A_70, %dma_wait3A_194] : memref<100000x32xf32, #tpu.memory_space<hbm>> -> memref<200x32xf32, #tpu.memory_space<hbm>>
      tpu.wait_dma2 semaphore(%run_scoped3A : memref<!tpu.dma_semaphore, #tpu.memory_space<semaphore_mem>>) src(%arg16 : memref<200x32xf32, #tpu.memory_space<vmem>>) dst(%dma_wait3A_195 : memref<200x32xf32, #tpu.memory_space<hbm>>)
      tpu.yield
    }) : () -> ()
    %add3A_71 = arith.constant 32 : i32
    %add3A_72 = arith.addi %arg1, %add3A_71 : i32
    %mul3A_73 = arith.constant 200 : i32
    %mul3A_74 = arith.muli %add3A_72, %mul3A_73 : i32
    %multiple_of3A_75 = tpu.assume_multiple %mul3A_74, 8 : i32
    "tpu.region"() ({
      %run_scoped3A = tpu.sem_alloc : memref<!tpu.dma_semaphore, #tpu.memory_space<semaphore_mem>>
      %dma_start3A = arith.constant 0 : i32
      %dma_start3A_190 = tpu.memref_slice %arg17[%multiple_of3A_75, %dma_start3A] : memref<50048x32xf32, #tpu.memory_space<vmem_shared>> -> memref<200x32xf32, #tpu.memory_space<vmem_shared>>
      %dma_start3A_191 = arith.constant 0 : i32
      %dma_start3A_192 = tpu.memref_slice %arg17[%multiple_of3A_75, %dma_start3A_191] : memref<50048x32xf32, #tpu.memory_space<vmem_shared>> -> memref<200x32xf32, #tpu.memory_space<vmem_shared>>
      tpu.enqueue_dma source(%dma_start3A_192 : memref<200x32xf32, #tpu.memory_space<vmem_shared>>) target(%arg16 : memref<200x32xf32, #tpu.memory_space<vmem>>) target_semaphore(%run_scoped3A : memref<!tpu.dma_semaphore, #tpu.memory_space<semaphore_mem>>)
      %dma_wait3A = arith.constant 0 : i32
      %dma_wait3A_193 = tpu.memref_slice %arg17[%multiple_of3A_75, %dma_wait3A] : memref<50048x32xf32, #tpu.memory_space<vmem_shared>> -> memref<200x32xf32, #tpu.memory_space<vmem_shared>>
      %dma_wait3A_194 = arith.constant 0 : i32
      %dma_wait3A_195 = tpu.memref_slice %arg17[%multiple_of3A_75, %dma_wait3A_194] : memref<50048x32xf32, #tpu.memory_space<vmem_shared>> -> memref<200x32xf32, #tpu.memory_space<vmem_shared>>
      tpu.wait_dma2 semaphore(%run_scoped3A : memref<!tpu.dma_semaphore, #tpu.memory_space<semaphore_mem>>) src(%dma_wait3A_195 : memref<200x32xf32, #tpu.memory_space<vmem_shared>>) dst(%arg16 : memref<200x32xf32, #tpu.memory_space<vmem>>)
      tpu.yield
    }) : () -> ()
    %mul3A_76 = arith.constant 200 : i32
    %mul3A_77 = arith.muli %add3A_72, %mul3A_76 : i32
    %add3A_78 = arith.addi %mul3A_0, %mul3A_77 : i32
    %multiple_of3A_79 = tpu.assume_multiple %add3A_78, 8 : i32
    "tpu.region"() ({
      %run_scoped3A = tpu.sem_alloc : memref<!tpu.dma_semaphore, #tpu.memory_space<semaphore_mem>>
      %dma_start3A = arith.constant 0 : i32
      %dma_start3A_190 = tpu.memref_slice %arg5[%multiple_of3A_79, %dma_start3A] : memref<100000x32xf32, #tpu.memory_space<hbm>> -> memref<200x32xf32, #tpu.memory_space<hbm>>
      %dma_start3A_191 = arith.constant 0 : i32
      %dma_start3A_192 = tpu.memref_slice %arg5[%multiple_of3A_79, %dma_start3A_191] : memref<100000x32xf32, #tpu.memory_space<hbm>> -> memref<200x32xf32, #tpu.memory_space<hbm>>
      tpu.enqueue_dma source(%arg16 : memref<200x32xf32, #tpu.memory_space<vmem>>) target(%dma_start3A_192 : memref<200x32xf32, #tpu.memory_space<hbm>>) target_semaphore(%run_scoped3A : memref<!tpu.dma_semaphore, #tpu.memory_space<semaphore_mem>>)
      %dma_wait3A = arith.constant 0 : i32
      %dma_wait3A_193 = tpu.memref_slice %arg5[%multiple_of3A_79, %dma_wait3A] : memref<100000x32xf32, #tpu.memory_space<hbm>> -> memref<200x32xf32, #tpu.memory_space<hbm>>
      %dma_wait3A_194 = arith.constant 0 : i32
      %dma_wait3A_195 = tpu.memref_slice %arg5[%multiple_of3A_79, %dma_wait3A_194] : memref<100000x32xf32, #tpu.memory_space<hbm>> -> memref<200x32xf32, #tpu.memory_space<hbm>>
      tpu.wait_dma2 semaphore(%run_scoped3A : memref<!tpu.dma_semaphore, #tpu.memory_space<semaphore_mem>>) src(%arg16 : memref<200x32xf32, #tpu.memory_space<vmem>>) dst(%dma_wait3A_195 : memref<200x32xf32, #tpu.memory_space<hbm>>)
      tpu.yield
    }) : () -> ()
    %add3A_80 = arith.constant 48 : i32
    %add3A_81 = arith.addi %arg1, %add3A_80 : i32
    %mul3A_82 = arith.constant 200 : i32
    %mul3A_83 = arith.muli %add3A_81, %mul3A_82 : i32
    %multiple_of3A_84 = tpu.assume_multiple %mul3A_83, 8 : i32
    "tpu.region"() ({
      %run_scoped3A = tpu.sem_alloc : memref<!tpu.dma_semaphore, #tpu.memory_space<semaphore_mem>>
      %dma_start3A = arith.constant 0 : i32
      %dma_start3A_190 = tpu.memref_slice %arg17[%multiple_of3A_84, %dma_start3A] : memref<50048x32xf32, #tpu.memory_space<vmem_shared>> -> memref<200x32xf32, #tpu.memory_space<vmem_shared>>
      %dma_start3A_191 = arith.constant 0 : i32
      %dma_start3A_192 = tpu.memref_slice %arg17[%multiple_of3A_84, %dma_start3A_191] : memref<50048x32xf32, #tpu.memory_space<vmem_shared>> -> memref<200x32xf32, #tpu.memory_space<vmem_shared>>
      tpu.enqueue_dma source(%dma_start3A_192 : memref<200x32xf32, #tpu.memory_space<vmem_shared>>) target(%arg16 : memref<200x32xf32, #tpu.memory_space<vmem>>) target_semaphore(%run_scoped3A : memref<!tpu.dma_semaphore, #tpu.memory_space<semaphore_mem>>)
      %dma_wait3A = arith.constant 0 : i32
      %dma_wait3A_193 = tpu.memref_slice %arg17[%multiple_of3A_84, %dma_wait3A] : memref<50048x32xf32, #tpu.memory_space<vmem_shared>> -> memref<200x32xf32, #tpu.memory_space<vmem_shared>>
      %dma_wait3A_194 = arith.constant 0 : i32
      %dma_wait3A_195 = tpu.memref_slice %arg17[%multiple_of3A_84, %dma_wait3A_194] : memref<50048x32xf32, #tpu.memory_space<vmem_shared>> -> memref<200x32xf32, #tpu.memory_space<vmem_shared>>
      tpu.wait_dma2 semaphore(%run_scoped3A : memref<!tpu.dma_semaphore, #tpu.memory_space<semaphore_mem>>) src(%dma_wait3A_195 : memref<200x32xf32, #tpu.memory_space<vmem_shared>>) dst(%arg16 : memref<200x32xf32, #tpu.memory_space<vmem>>)
      tpu.yield
    }) : () -> ()
    %mul3A_85 = arith.constant 200 : i32
    %mul3A_86 = arith.muli %add3A_81, %mul3A_85 : i32
    %add3A_87 = arith.addi %mul3A_0, %mul3A_86 : i32
    %multiple_of3A_88 = tpu.assume_multiple %add3A_87, 8 : i32
    "tpu.region"() ({
      %run_scoped3A = tpu.sem_alloc : memref<!tpu.dma_semaphore, #tpu.memory_space<semaphore_mem>>
      %dma_start3A = arith.constant 0 : i32
      %dma_start3A_190 = tpu.memref_slice %arg5[%multiple_of3A_88, %dma_start3A] : memref<100000x32xf32, #tpu.memory_space<hbm>> -> memref<200x32xf32, #tpu.memory_space<hbm>>
      %dma_start3A_191 = arith.constant 0 : i32
      %dma_start3A_192 = tpu.memref_slice %arg5[%multiple_of3A_88, %dma_start3A_191] : memref<100000x32xf32, #tpu.memory_space<hbm>> -> memref<200x32xf32, #tpu.memory_space<hbm>>
      tpu.enqueue_dma source(%arg16 : memref<200x32xf32, #tpu.memory_space<vmem>>) target(%dma_start3A_192 : memref<200x32xf32, #tpu.memory_space<hbm>>) target_semaphore(%run_scoped3A : memref<!tpu.dma_semaphore, #tpu.memory_space<semaphore_mem>>)
      %dma_wait3A = arith.constant 0 : i32
      %dma_wait3A_193 = tpu.memref_slice %arg5[%multiple_of3A_88, %dma_wait3A] : memref<100000x32xf32, #tpu.memory_space<hbm>> -> memref<200x32xf32, #tpu.memory_space<hbm>>
      %dma_wait3A_194 = arith.constant 0 : i32
      %dma_wait3A_195 = tpu.memref_slice %arg5[%multiple_of3A_88, %dma_wait3A_194] : memref<100000x32xf32, #tpu.memory_space<hbm>> -> memref<200x32xf32, #tpu.memory_space<hbm>>
      tpu.wait_dma2 semaphore(%run_scoped3A : memref<!tpu.dma_semaphore, #tpu.memory_space<semaphore_mem>>) src(%arg16 : memref<200x32xf32, #tpu.memory_space<vmem>>) dst(%dma_wait3A_195 : memref<200x32xf32, #tpu.memory_space<hbm>>)
      tpu.yield
    }) : () -> ()
    %add3A_89 = arith.constant 64 : i32
    %add3A_90 = arith.addi %arg1, %add3A_89 : i32
    %mul3A_91 = arith.constant 200 : i32
    %mul3A_92 = arith.muli %add3A_90, %mul3A_91 : i32
    %multiple_of3A_93 = tpu.assume_multiple %mul3A_92, 8 : i32
    "tpu.region"() ({
      %run_scoped3A = tpu.sem_alloc : memref<!tpu.dma_semaphore, #tpu.memory_space<semaphore_mem>>
      %dma_start3A = arith.constant 0 : i32
      %dma_start3A_190 = tpu.memref_slice %arg17[%multiple_of3A_93, %dma_start3A] : memref<50048x32xf32, #tpu.memory_space<vmem_shared>> -> memref<200x32xf32, #tpu.memory_space<vmem_shared>>
      %dma_start3A_191 = arith.constant 0 : i32
      %dma_start3A_192 = tpu.memref_slice %arg17[%multiple_of3A_93, %dma_start3A_191] : memref<50048x32xf32, #tpu.memory_space<vmem_shared>> -> memref<200x32xf32, #tpu.memory_space<vmem_shared>>
      tpu.enqueue_dma source(%dma_start3A_192 : memref<200x32xf32, #tpu.memory_space<vmem_shared>>) target(%arg16 : memref<200x32xf32, #tpu.memory_space<vmem>>) target_semaphore(%run_scoped3A : memref<!tpu.dma_semaphore, #tpu.memory_space<semaphore_mem>>)
      %dma_wait3A = arith.constant 0 : i32
      %dma_wait3A_193 = tpu.memref_slice %arg17[%multiple_of3A_93, %dma_wait3A] : memref<50048x32xf32, #tpu.memory_space<vmem_shared>> -> memref<200x32xf32, #tpu.memory_space<vmem_shared>>
      %dma_wait3A_194 = arith.constant 0 : i32
      %dma_wait3A_195 = tpu.memref_slice %arg17[%multiple_of3A_93, %dma_wait3A_194] : memref<50048x32xf32, #tpu.memory_space<vmem_shared>> -> memref<200x32xf32, #tpu.memory_space<vmem_shared>>
      tpu.wait_dma2 semaphore(%run_scoped3A : memref<!tpu.dma_semaphore, #tpu.memory_space<semaphore_mem>>) src(%dma_wait3A_195 : memref<200x32xf32, #tpu.memory_space<vmem_shared>>) dst(%arg16 : memref<200x32xf32, #tpu.memory_space<vmem>>)
      tpu.yield
    }) : () -> ()
    %mul3A_94 = arith.constant 200 : i32
    %mul3A_95 = arith.muli %add3A_90, %mul3A_94 : i32
    %add3A_96 = arith.addi %mul3A_0, %mul3A_95 : i32
    %multiple_of3A_97 = tpu.assume_multiple %add3A_96, 8 : i32
    "tpu.region"() ({
      %run_scoped3A = tpu.sem_alloc : memref<!tpu.dma_semaphore, #tpu.memory_space<semaphore_mem>>
      %dma_start3A = arith.constant 0 : i32
      %dma_start3A_190 = tpu.memref_slice %arg5[%multiple_of3A_97, %dma_start3A] : memref<100000x32xf32, #tpu.memory_space<hbm>> -> memref<200x32xf32, #tpu.memory_space<hbm>>
      %dma_start3A_191 = arith.constant 0 : i32
      %dma_start3A_192 = tpu.memref_slice %arg5[%multiple_of3A_97, %dma_start3A_191] : memref<100000x32xf32, #tpu.memory_space<hbm>> -> memref<200x32xf32, #tpu.memory_space<hbm>>
      tpu.enqueue_dma source(%arg16 : memref<200x32xf32, #tpu.memory_space<vmem>>) target(%dma_start3A_192 : memref<200x32xf32, #tpu.memory_space<hbm>>) target_semaphore(%run_scoped3A : memref<!tpu.dma_semaphore, #tpu.memory_space<semaphore_mem>>)
      %dma_wait3A = arith.constant 0 : i32
      %dma_wait3A_193 = tpu.memref_slice %arg5[%multiple_of3A_97, %dma_wait3A] : memref<100000x32xf32, #tpu.memory_space<hbm>> -> memref<200x32xf32, #tpu.memory_space<hbm>>
      %dma_wait3A_194 = arith.constant 0 : i32
      %dma_wait3A_195 = tpu.memref_slice %arg5[%multiple_of3A_97, %dma_wait3A_194] : memref<100000x32xf32, #tpu.memory_space<hbm>> -> memref<200x32xf32, #tpu.memory_space<hbm>>
      tpu.wait_dma2 semaphore(%run_scoped3A : memref<!tpu.dma_semaphore, #tpu.memory_space<semaphore_mem>>) src(%arg16 : memref<200x32xf32, #tpu.memory_space<vmem>>) dst(%dma_wait3A_195 : memref<200x32xf32, #tpu.memory_space<hbm>>)
      tpu.yield
    }) : () -> ()
    %add3A_98 = arith.constant 80 : i32
    %add3A_99 = arith.addi %arg1, %add3A_98 : i32
    %mul3A_100 = arith.constant 200 : i32
    %mul3A_101 = arith.muli %add3A_99, %mul3A_100 : i32
    %multiple_of3A_102 = tpu.assume_multiple %mul3A_101, 8 : i32
    "tpu.region"() ({
      %run_scoped3A = tpu.sem_alloc : memref<!tpu.dma_semaphore, #tpu.memory_space<semaphore_mem>>
      %dma_start3A = arith.constant 0 : i32
      %dma_start3A_190 = tpu.memref_slice %arg17[%multiple_of3A_102, %dma_start3A] : memref<50048x32xf32, #tpu.memory_space<vmem_shared>> -> memref<200x32xf32, #tpu.memory_space<vmem_shared>>
      %dma_start3A_191 = arith.constant 0 : i32
      %dma_start3A_192 = tpu.memref_slice %arg17[%multiple_of3A_102, %dma_start3A_191] : memref<50048x32xf32, #tpu.memory_space<vmem_shared>> -> memref<200x32xf32, #tpu.memory_space<vmem_shared>>
      tpu.enqueue_dma source(%dma_start3A_192 : memref<200x32xf32, #tpu.memory_space<vmem_shared>>) target(%arg16 : memref<200x32xf32, #tpu.memory_space<vmem>>) target_semaphore(%run_scoped3A : memref<!tpu.dma_semaphore, #tpu.memory_space<semaphore_mem>>)
      %dma_wait3A = arith.constant 0 : i32
      %dma_wait3A_193 = tpu.memref_slice %arg17[%multiple_of3A_102, %dma_wait3A] : memref<50048x32xf32, #tpu.memory_space<vmem_shared>> -> memref<200x32xf32, #tpu.memory_space<vmem_shared>>
      %dma_wait3A_194 = arith.constant 0 : i32
      %dma_wait3A_195 = tpu.memref_slice %arg17[%multiple_of3A_102, %dma_wait3A_194] : memref<50048x32xf32, #tpu.memory_space<vmem_shared>> -> memref<200x32xf32, #tpu.memory_space<vmem_shared>>
      tpu.wait_dma2 semaphore(%run_scoped3A : memref<!tpu.dma_semaphore, #tpu.memory_space<semaphore_mem>>) src(%dma_wait3A_195 : memref<200x32xf32, #tpu.memory_space<vmem_shared>>) dst(%arg16 : memref<200x32xf32, #tpu.memory_space<vmem>>)
      tpu.yield
    }) : () -> ()
    %mul3A_103 = arith.constant 200 : i32
    %mul3A_104 = arith.muli %add3A_99, %mul3A_103 : i32
    %add3A_105 = arith.addi %mul3A_0, %mul3A_104 : i32
    %multiple_of3A_106 = tpu.assume_multiple %add3A_105, 8 : i32
    "tpu.region"() ({
      %run_scoped3A = tpu.sem_alloc : memref<!tpu.dma_semaphore, #tpu.memory_space<semaphore_mem>>
      %dma_start3A = arith.constant 0 : i32
      %dma_start3A_190 = tpu.memref_slice %arg5[%multiple_of3A_106, %dma_start3A] : memref<100000x32xf32, #tpu.memory_space<hbm>> -> memref<200x32xf32, #tpu.memory_space<hbm>>
      %dma_start3A_191 = arith.constant 0 : i32
      %dma_start3A_192 = tpu.memref_slice %arg5[%multiple_of3A_106, %dma_start3A_191] : memref<100000x32xf32, #tpu.memory_space<hbm>> -> memref<200x32xf32, #tpu.memory_space<hbm>>
      tpu.enqueue_dma source(%arg16 : memref<200x32xf32, #tpu.memory_space<vmem>>) target(%dma_start3A_192 : memref<200x32xf32, #tpu.memory_space<hbm>>) target_semaphore(%run_scoped3A : memref<!tpu.dma_semaphore, #tpu.memory_space<semaphore_mem>>)
      %dma_wait3A = arith.constant 0 : i32
      %dma_wait3A_193 = tpu.memref_slice %arg5[%multiple_of3A_106, %dma_wait3A] : memref<100000x32xf32, #tpu.memory_space<hbm>> -> memref<200x32xf32, #tpu.memory_space<hbm>>
      %dma_wait3A_194 = arith.constant 0 : i32
      %dma_wait3A_195 = tpu.memref_slice %arg5[%multiple_of3A_106, %dma_wait3A_194] : memref<100000x32xf32, #tpu.memory_space<hbm>> -> memref<200x32xf32, #tpu.memory_space<hbm>>
      tpu.wait_dma2 semaphore(%run_scoped3A : memref<!tpu.dma_semaphore, #tpu.memory_space<semaphore_mem>>) src(%arg16 : memref<200x32xf32, #tpu.memory_space<vmem>>) dst(%dma_wait3A_195 : memref<200x32xf32, #tpu.memory_space<hbm>>)
      tpu.yield
    }) : () -> ()
    %add3A_107 = arith.constant 96 : i32
    %add3A_108 = arith.addi %arg1, %add3A_107 : i32
    %mul3A_109 = arith.constant 200 : i32
    %mul3A_110 = arith.muli %add3A_108, %mul3A_109 : i32
    %multiple_of3A_111 = tpu.assume_multiple %mul3A_110, 8 : i32
    "tpu.region"() ({
      %run_scoped3A = tpu.sem_alloc : memref<!tpu.dma_semaphore, #tpu.memory_space<semaphore_mem>>
      %dma_start3A = arith.constant 0 : i32
      %dma_start3A_190 = tpu.memref_slice %arg17[%multiple_of3A_111, %dma_start3A] : memref<50048x32xf32, #tpu.memory_space<vmem_shared>> -> memref<200x32xf32, #tpu.memory_space<vmem_shared>>
      %dma_start3A_191 = arith.constant 0 : i32
      %dma_start3A_192 = tpu.memref_slice %arg17[%multiple_of3A_111, %dma_start3A_191] : memref<50048x32xf32, #tpu.memory_space<vmem_shared>> -> memref<200x32xf32, #tpu.memory_space<vmem_shared>>
      tpu.enqueue_dma source(%dma_start3A_192 : memref<200x32xf32, #tpu.memory_space<vmem_shared>>) target(%arg16 : memref<200x32xf32, #tpu.memory_space<vmem>>) target_semaphore(%run_scoped3A : memref<!tpu.dma_semaphore, #tpu.memory_space<semaphore_mem>>)
      %dma_wait3A = arith.constant 0 : i32
      %dma_wait3A_193 = tpu.memref_slice %arg17[%multiple_of3A_111, %dma_wait3A] : memref<50048x32xf32, #tpu.memory_space<vmem_shared>> -> memref<200x32xf32, #tpu.memory_space<vmem_shared>>
      %dma_wait3A_194 = arith.constant 0 : i32
      %dma_wait3A_195 = tpu.memref_slice %arg17[%multiple_of3A_111, %dma_wait3A_194] : memref<50048x32xf32, #tpu.memory_space<vmem_shared>> -> memref<200x32xf32, #tpu.memory_space<vmem_shared>>
      tpu.wait_dma2 semaphore(%run_scoped3A : memref<!tpu.dma_semaphore, #tpu.memory_space<semaphore_mem>>) src(%dma_wait3A_195 : memref<200x32xf32, #tpu.memory_space<vmem_shared>>) dst(%arg16 : memref<200x32xf32, #tpu.memory_space<vmem>>)
      tpu.yield
    }) : () -> ()
    %mul3A_112 = arith.constant 200 : i32
    %mul3A_113 = arith.muli %add3A_108, %mul3A_112 : i32
    %add3A_114 = arith.addi %mul3A_0, %mul3A_113 : i32
    %multiple_of3A_115 = tpu.assume_multiple %add3A_114, 8 : i32
    "tpu.region"() ({
      %run_scoped3A = tpu.sem_alloc : memref<!tpu.dma_semaphore, #tpu.memory_space<semaphore_mem>>
      %dma_start3A = arith.constant 0 : i32
      %dma_start3A_190 = tpu.memref_slice %arg5[%multiple_of3A_115, %dma_start3A] : memref<100000x32xf32, #tpu.memory_space<hbm>> -> memref<200x32xf32, #tpu.memory_space<hbm>>
      %dma_start3A_191 = arith.constant 0 : i32
      %dma_start3A_192 = tpu.memref_slice %arg5[%multiple_of3A_115, %dma_start3A_191] : memref<100000x32xf32, #tpu.memory_space<hbm>> -> memref<200x32xf32, #tpu.memory_space<hbm>>
      tpu.enqueue_dma source(%arg16 : memref<200x32xf32, #tpu.memory_space<vmem>>) target(%dma_start3A_192 : memref<200x32xf32, #tpu.memory_space<hbm>>) target_semaphore(%run_scoped3A : memref<!tpu.dma_semaphore, #tpu.memory_space<semaphore_mem>>)
      %dma_wait3A = arith.constant 0 : i32
      %dma_wait3A_193 = tpu.memref_slice %arg5[%multiple_of3A_115, %dma_wait3A] : memref<100000x32xf32, #tpu.memory_space<hbm>> -> memref<200x32xf32, #tpu.memory_space<hbm>>
      %dma_wait3A_194 = arith.constant 0 : i32
      %dma_wait3A_195 = tpu.memref_slice %arg5[%multiple_of3A_115, %dma_wait3A_194] : memref<100000x32xf32, #tpu.memory_space<hbm>> -> memref<200x32xf32, #tpu.memory_space<hbm>>
      tpu.wait_dma2 semaphore(%run_scoped3A : memref<!tpu.dma_semaphore, #tpu.memory_space<semaphore_mem>>) src(%arg16 : memref<200x32xf32, #tpu.memory_space<vmem>>) dst(%dma_wait3A_195 : memref<200x32xf32, #tpu.memory_space<hbm>>)
      tpu.yield
    }) : () -> ()
    %add3A_116 = arith.constant 112 : i32
    %add3A_117 = arith.addi %arg1, %add3A_116 : i32
    %mul3A_118 = arith.constant 200 : i32
    %mul3A_119 = arith.muli %add3A_117, %mul3A_118 : i32
    %multiple_of3A_120 = tpu.assume_multiple %mul3A_119, 8 : i32
    "tpu.region"() ({
      %run_scoped3A = tpu.sem_alloc : memref<!tpu.dma_semaphore, #tpu.memory_space<semaphore_mem>>
      %dma_start3A = arith.constant 0 : i32
      %dma_start3A_190 = tpu.memref_slice %arg17[%multiple_of3A_120, %dma_start3A] : memref<50048x32xf32, #tpu.memory_space<vmem_shared>> -> memref<200x32xf32, #tpu.memory_space<vmem_shared>>
      %dma_start3A_191 = arith.constant 0 : i32
      %dma_start3A_192 = tpu.memref_slice %arg17[%multiple_of3A_120, %dma_start3A_191] : memref<50048x32xf32, #tpu.memory_space<vmem_shared>> -> memref<200x32xf32, #tpu.memory_space<vmem_shared>>
      tpu.enqueue_dma source(%dma_start3A_192 : memref<200x32xf32, #tpu.memory_space<vmem_shared>>) target(%arg16 : memref<200x32xf32, #tpu.memory_space<vmem>>) target_semaphore(%run_scoped3A : memref<!tpu.dma_semaphore, #tpu.memory_space<semaphore_mem>>)
      %dma_wait3A = arith.constant 0 : i32
      %dma_wait3A_193 = tpu.memref_slice %arg17[%multiple_of3A_120, %dma_wait3A] : memref<50048x32xf32, #tpu.memory_space<vmem_shared>> -> memref<200x32xf32, #tpu.memory_space<vmem_shared>>
      %dma_wait3A_194 = arith.constant 0 : i32
      %dma_wait3A_195 = tpu.memref_slice %arg17[%multiple_of3A_120, %dma_wait3A_194] : memref<50048x32xf32, #tpu.memory_space<vmem_shared>> -> memref<200x32xf32, #tpu.memory_space<vmem_shared>>
      tpu.wait_dma2 semaphore(%run_scoped3A : memref<!tpu.dma_semaphore, #tpu.memory_space<semaphore_mem>>) src(%dma_wait3A_195 : memref<200x32xf32, #tpu.memory_space<vmem_shared>>) dst(%arg16 : memref<200x32xf32, #tpu.memory_space<vmem>>)
      tpu.yield
    }) : () -> ()
    %mul3A_121 = arith.constant 200 : i32
    %mul3A_122 = arith.muli %add3A_117, %mul3A_121 : i32
    %add3A_123 = arith.addi %mul3A_0, %mul3A_122 : i32
    %multiple_of3A_124 = tpu.assume_multiple %add3A_123, 8 : i32
    "tpu.region"() ({
      %run_scoped3A = tpu.sem_alloc : memref<!tpu.dma_semaphore, #tpu.memory_space<semaphore_mem>>
      %dma_start3A = arith.constant 0 : i32
      %dma_start3A_190 = tpu.memref_slice %arg5[%multiple_of3A_124, %dma_start3A] : memref<100000x32xf32, #tpu.memory_space<hbm>> -> memref<200x32xf32, #tpu.memory_space<hbm>>
      %dma_start3A_191 = arith.constant 0 : i32
      %dma_start3A_192 = tpu.memref_slice %arg5[%multiple_of3A_124, %dma_start3A_191] : memref<100000x32xf32, #tpu.memory_space<hbm>> -> memref<200x32xf32, #tpu.memory_space<hbm>>
      tpu.enqueue_dma source(%arg16 : memref<200x32xf32, #tpu.memory_space<vmem>>) target(%dma_start3A_192 : memref<200x32xf32, #tpu.memory_space<hbm>>) target_semaphore(%run_scoped3A : memref<!tpu.dma_semaphore, #tpu.memory_space<semaphore_mem>>)
      %dma_wait3A = arith.constant 0 : i32
      %dma_wait3A_193 = tpu.memref_slice %arg5[%multiple_of3A_124, %dma_wait3A] : memref<100000x32xf32, #tpu.memory_space<hbm>> -> memref<200x32xf32, #tpu.memory_space<hbm>>
      %dma_wait3A_194 = arith.constant 0 : i32
      %dma_wait3A_195 = tpu.memref_slice %arg5[%multiple_of3A_124, %dma_wait3A_194] : memref<100000x32xf32, #tpu.memory_space<hbm>> -> memref<200x32xf32, #tpu.memory_space<hbm>>
      tpu.wait_dma2 semaphore(%run_scoped3A : memref<!tpu.dma_semaphore, #tpu.memory_space<semaphore_mem>>) src(%arg16 : memref<200x32xf32, #tpu.memory_space<vmem>>) dst(%dma_wait3A_195 : memref<200x32xf32, #tpu.memory_space<hbm>>)
      tpu.yield
    }) : () -> ()
    %add3A_125 = arith.constant 128 : i32
    %add3A_126 = arith.addi %arg1, %add3A_125 : i32
    %mul3A_127 = arith.constant 200 : i32
    %mul3A_128 = arith.muli %add3A_126, %mul3A_127 : i32
    %multiple_of3A_129 = tpu.assume_multiple %mul3A_128, 8 : i32
    "tpu.region"() ({
      %run_scoped3A = tpu.sem_alloc : memref<!tpu.dma_semaphore, #tpu.memory_space<semaphore_mem>>
      %dma_start3A = arith.constant 0 : i32
      %dma_start3A_190 = tpu.memref_slice %arg17[%multiple_of3A_129, %dma_start3A] : memref<50048x32xf32, #tpu.memory_space<vmem_shared>> -> memref<200x32xf32, #tpu.memory_space<vmem_shared>>
      %dma_start3A_191 = arith.constant 0 : i32
      %dma_start3A_192 = tpu.memref_slice %arg17[%multiple_of3A_129, %dma_start3A_191] : memref<50048x32xf32, #tpu.memory_space<vmem_shared>> -> memref<200x32xf32, #tpu.memory_space<vmem_shared>>
      tpu.enqueue_dma source(%dma_start3A_192 : memref<200x32xf32, #tpu.memory_space<vmem_shared>>) target(%arg16 : memref<200x32xf32, #tpu.memory_space<vmem>>) target_semaphore(%run_scoped3A : memref<!tpu.dma_semaphore, #tpu.memory_space<semaphore_mem>>)
      %dma_wait3A = arith.constant 0 : i32
      %dma_wait3A_193 = tpu.memref_slice %arg17[%multiple_of3A_129, %dma_wait3A] : memref<50048x32xf32, #tpu.memory_space<vmem_shared>> -> memref<200x32xf32, #tpu.memory_space<vmem_shared>>
      %dma_wait3A_194 = arith.constant 0 : i32
      %dma_wait3A_195 = tpu.memref_slice %arg17[%multiple_of3A_129, %dma_wait3A_194] : memref<50048x32xf32, #tpu.memory_space<vmem_shared>> -> memref<200x32xf32, #tpu.memory_space<vmem_shared>>
      tpu.wait_dma2 semaphore(%run_scoped3A : memref<!tpu.dma_semaphore, #tpu.memory_space<semaphore_mem>>) src(%dma_wait3A_195 : memref<200x32xf32, #tpu.memory_space<vmem_shared>>) dst(%arg16 : memref<200x32xf32, #tpu.memory_space<vmem>>)
      tpu.yield
    }) : () -> ()
    %mul3A_130 = arith.constant 200 : i32
    %mul3A_131 = arith.muli %add3A_126, %mul3A_130 : i32
    %add3A_132 = arith.addi %mul3A_0, %mul3A_131 : i32
    %multiple_of3A_133 = tpu.assume_multiple %add3A_132, 8 : i32
    "tpu.region"() ({
      %run_scoped3A = tpu.sem_alloc : memref<!tpu.dma_semaphore, #tpu.memory_space<semaphore_mem>>
      %dma_start3A = arith.constant 0 : i32
      %dma_start3A_190 = tpu.memref_slice %arg5[%multiple_of3A_133, %dma_start3A] : memref<100000x32xf32, #tpu.memory_space<hbm>> -> memref<200x32xf32, #tpu.memory_space<hbm>>
      %dma_start3A_191 = arith.constant 0 : i32
      %dma_start3A_192 = tpu.memref_slice %arg5[%multiple_of3A_133, %dma_start3A_191] : memref<100000x32xf32, #tpu.memory_space<hbm>> -> memref<200x32xf32, #tpu.memory_space<hbm>>
      tpu.enqueue_dma source(%arg16 : memref<200x32xf32, #tpu.memory_space<vmem>>) target(%dma_start3A_192 : memref<200x32xf32, #tpu.memory_space<hbm>>) target_semaphore(%run_scoped3A : memref<!tpu.dma_semaphore, #tpu.memory_space<semaphore_mem>>)
      %dma_wait3A = arith.constant 0 : i32
      %dma_wait3A_193 = tpu.memref_slice %arg5[%multiple_of3A_133, %dma_wait3A] : memref<100000x32xf32, #tpu.memory_space<hbm>> -> memref<200x32xf32, #tpu.memory_space<hbm>>
      %dma_wait3A_194 = arith.constant 0 : i32
      %dma_wait3A_195 = tpu.memref_slice %arg5[%multiple_of3A_133, %dma_wait3A_194] : memref<100000x32xf32, #tpu.memory_space<hbm>> -> memref<200x32xf32, #tpu.memory_space<hbm>>
      tpu.wait_dma2 semaphore(%run_scoped3A : memref<!tpu.dma_semaphore, #tpu.memory_space<semaphore_mem>>) src(%arg16 : memref<200x32xf32, #tpu.memory_space<vmem>>) dst(%dma_wait3A_195 : memref<200x32xf32, #tpu.memory_space<hbm>>)
      tpu.yield
    }) : () -> ()
    %add3A_134 = arith.constant 144 : i32
    %add3A_135 = arith.addi %arg1, %add3A_134 : i32
    %mul3A_136 = arith.constant 200 : i32
    %mul3A_137 = arith.muli %add3A_135, %mul3A_136 : i32
    %multiple_of3A_138 = tpu.assume_multiple %mul3A_137, 8 : i32
    "tpu.region"() ({
      %run_scoped3A = tpu.sem_alloc : memref<!tpu.dma_semaphore, #tpu.memory_space<semaphore_mem>>
      %dma_start3A = arith.constant 0 : i32
      %dma_start3A_190 = tpu.memref_slice %arg17[%multiple_of3A_138, %dma_start3A] : memref<50048x32xf32, #tpu.memory_space<vmem_shared>> -> memref<200x32xf32, #tpu.memory_space<vmem_shared>>
      %dma_start3A_191 = arith.constant 0 : i32
      %dma_start3A_192 = tpu.memref_slice %arg17[%multiple_of3A_138, %dma_start3A_191] : memref<50048x32xf32, #tpu.memory_space<vmem_shared>> -> memref<200x32xf32, #tpu.memory_space<vmem_shared>>
      tpu.enqueue_dma source(%dma_start3A_192 : memref<200x32xf32, #tpu.memory_space<vmem_shared>>) target(%arg16 : memref<200x32xf32, #tpu.memory_space<vmem>>) target_semaphore(%run_scoped3A : memref<!tpu.dma_semaphore, #tpu.memory_space<semaphore_mem>>)
      %dma_wait3A = arith.constant 0 : i32
      %dma_wait3A_193 = tpu.memref_slice %arg17[%multiple_of3A_138, %dma_wait3A] : memref<50048x32xf32, #tpu.memory_space<vmem_shared>> -> memref<200x32xf32, #tpu.memory_space<vmem_shared>>
      %dma_wait3A_194 = arith.constant 0 : i32
      %dma_wait3A_195 = tpu.memref_slice %arg17[%multiple_of3A_138, %dma_wait3A_194] : memref<50048x32xf32, #tpu.memory_space<vmem_shared>> -> memref<200x32xf32, #tpu.memory_space<vmem_shared>>
      tpu.wait_dma2 semaphore(%run_scoped3A : memref<!tpu.dma_semaphore, #tpu.memory_space<semaphore_mem>>) src(%dma_wait3A_195 : memref<200x32xf32, #tpu.memory_space<vmem_shared>>) dst(%arg16 : memref<200x32xf32, #tpu.memory_space<vmem>>)
      tpu.yield
    }) : () -> ()
    %mul3A_139 = arith.constant 200 : i32
    %mul3A_140 = arith.muli %add3A_135, %mul3A_139 : i32
    %add3A_141 = arith.addi %mul3A_0, %mul3A_140 : i32
    %multiple_of3A_142 = tpu.assume_multiple %add3A_141, 8 : i32
    "tpu.region"() ({
      %run_scoped3A = tpu.sem_alloc : memref<!tpu.dma_semaphore, #tpu.memory_space<semaphore_mem>>
      %dma_start3A = arith.constant 0 : i32
      %dma_start3A_190 = tpu.memref_slice %arg5[%multiple_of3A_142, %dma_start3A] : memref<100000x32xf32, #tpu.memory_space<hbm>> -> memref<200x32xf32, #tpu.memory_space<hbm>>
      %dma_start3A_191 = arith.constant 0 : i32
      %dma_start3A_192 = tpu.memref_slice %arg5[%multiple_of3A_142, %dma_start3A_191] : memref<100000x32xf32, #tpu.memory_space<hbm>> -> memref<200x32xf32, #tpu.memory_space<hbm>>
      tpu.enqueue_dma source(%arg16 : memref<200x32xf32, #tpu.memory_space<vmem>>) target(%dma_start3A_192 : memref<200x32xf32, #tpu.memory_space<hbm>>) target_semaphore(%run_scoped3A : memref<!tpu.dma_semaphore, #tpu.memory_space<semaphore_mem>>)
      %dma_wait3A = arith.constant 0 : i32
      %dma_wait3A_193 = tpu.memref_slice %arg5[%multiple_of3A_142, %dma_wait3A] : memref<100000x32xf32, #tpu.memory_space<hbm>> -> memref<200x32xf32, #tpu.memory_space<hbm>>
      %dma_wait3A_194 = arith.constant 0 : i32
      %dma_wait3A_195 = tpu.memref_slice %arg5[%multiple_of3A_142, %dma_wait3A_194] : memref<100000x32xf32, #tpu.memory_space<hbm>> -> memref<200x32xf32, #tpu.memory_space<hbm>>
      tpu.wait_dma2 semaphore(%run_scoped3A : memref<!tpu.dma_semaphore, #tpu.memory_space<semaphore_mem>>) src(%arg16 : memref<200x32xf32, #tpu.memory_space<vmem>>) dst(%dma_wait3A_195 : memref<200x32xf32, #tpu.memory_space<hbm>>)
      tpu.yield
    }) : () -> ()
    %add3A_143 = arith.constant 160 : i32
    %add3A_144 = arith.addi %arg1, %add3A_143 : i32
    %mul3A_145 = arith.constant 200 : i32
    %mul3A_146 = arith.muli %add3A_144, %mul3A_145 : i32
    %multiple_of3A_147 = tpu.assume_multiple %mul3A_146, 8 : i32
    "tpu.region"() ({
      %run_scoped3A = tpu.sem_alloc : memref<!tpu.dma_semaphore, #tpu.memory_space<semaphore_mem>>
      %dma_start3A = arith.constant 0 : i32
      %dma_start3A_190 = tpu.memref_slice %arg17[%multiple_of3A_147, %dma_start3A] : memref<50048x32xf32, #tpu.memory_space<vmem_shared>> -> memref<200x32xf32, #tpu.memory_space<vmem_shared>>
      %dma_start3A_191 = arith.constant 0 : i32
      %dma_start3A_192 = tpu.memref_slice %arg17[%multiple_of3A_147, %dma_start3A_191] : memref<50048x32xf32, #tpu.memory_space<vmem_shared>> -> memref<200x32xf32, #tpu.memory_space<vmem_shared>>
      tpu.enqueue_dma source(%dma_start3A_192 : memref<200x32xf32, #tpu.memory_space<vmem_shared>>) target(%arg16 : memref<200x32xf32, #tpu.memory_space<vmem>>) target_semaphore(%run_scoped3A : memref<!tpu.dma_semaphore, #tpu.memory_space<semaphore_mem>>)
      %dma_wait3A = arith.constant 0 : i32
      %dma_wait3A_193 = tpu.memref_slice %arg17[%multiple_of3A_147, %dma_wait3A] : memref<50048x32xf32, #tpu.memory_space<vmem_shared>> -> memref<200x32xf32, #tpu.memory_space<vmem_shared>>
      %dma_wait3A_194 = arith.constant 0 : i32
      %dma_wait3A_195 = tpu.memref_slice %arg17[%multiple_of3A_147, %dma_wait3A_194] : memref<50048x32xf32, #tpu.memory_space<vmem_shared>> -> memref<200x32xf32, #tpu.memory_space<vmem_shared>>
      tpu.wait_dma2 semaphore(%run_scoped3A : memref<!tpu.dma_semaphore, #tpu.memory_space<semaphore_mem>>) src(%dma_wait3A_195 : memref<200x32xf32, #tpu.memory_space<vmem_shared>>) dst(%arg16 : memref<200x32xf32, #tpu.memory_space<vmem>>)
      tpu.yield
    }) : () -> ()
    %mul3A_148 = arith.constant 200 : i32
    %mul3A_149 = arith.muli %add3A_144, %mul3A_148 : i32
    %add3A_150 = arith.addi %mul3A_0, %mul3A_149 : i32
    %multiple_of3A_151 = tpu.assume_multiple %add3A_150, 8 : i32
    "tpu.region"() ({
      %run_scoped3A = tpu.sem_alloc : memref<!tpu.dma_semaphore, #tpu.memory_space<semaphore_mem>>
      %dma_start3A = arith.constant 0 : i32
      %dma_start3A_190 = tpu.memref_slice %arg5[%multiple_of3A_151, %dma_start3A] : memref<100000x32xf32, #tpu.memory_space<hbm>> -> memref<200x32xf32, #tpu.memory_space<hbm>>
      %dma_start3A_191 = arith.constant 0 : i32
      %dma_start3A_192 = tpu.memref_slice %arg5[%multiple_of3A_151, %dma_start3A_191] : memref<100000x32xf32, #tpu.memory_space<hbm>> -> memref<200x32xf32, #tpu.memory_space<hbm>>
      tpu.enqueue_dma source(%arg16 : memref<200x32xf32, #tpu.memory_space<vmem>>) target(%dma_start3A_192 : memref<200x32xf32, #tpu.memory_space<hbm>>) target_semaphore(%run_scoped3A : memref<!tpu.dma_semaphore, #tpu.memory_space<semaphore_mem>>)
      %dma_wait3A = arith.constant 0 : i32
      %dma_wait3A_193 = tpu.memref_slice %arg5[%multiple_of3A_151, %dma_wait3A] : memref<100000x32xf32, #tpu.memory_space<hbm>> -> memref<200x32xf32, #tpu.memory_space<hbm>>
      %dma_wait3A_194 = arith.constant 0 : i32
      %dma_wait3A_195 = tpu.memref_slice %arg5[%multiple_of3A_151, %dma_wait3A_194] : memref<100000x32xf32, #tpu.memory_space<hbm>> -> memref<200x32xf32, #tpu.memory_space<hbm>>
      tpu.wait_dma2 semaphore(%run_scoped3A : memref<!tpu.dma_semaphore, #tpu.memory_space<semaphore_mem>>) src(%arg16 : memref<200x32xf32, #tpu.memory_space<vmem>>) dst(%dma_wait3A_195 : memref<200x32xf32, #tpu.memory_space<hbm>>)
      tpu.yield
    }) : () -> ()
    %add3A_152 = arith.constant 176 : i32
    %add3A_153 = arith.addi %arg1, %add3A_152 : i32
    %mul3A_154 = arith.constant 200 : i32
    %mul3A_155 = arith.muli %add3A_153, %mul3A_154 : i32
    %multiple_of3A_156 = tpu.assume_multiple %mul3A_155, 8 : i32
    "tpu.region"() ({
      %run_scoped3A = tpu.sem_alloc : memref<!tpu.dma_semaphore, #tpu.memory_space<semaphore_mem>>
      %dma_start3A = arith.constant 0 : i32
      %dma_start3A_190 = tpu.memref_slice %arg17[%multiple_of3A_156, %dma_start3A] : memref<50048x32xf32, #tpu.memory_space<vmem_shared>> -> memref<200x32xf32, #tpu.memory_space<vmem_shared>>
      %dma_start3A_191 = arith.constant 0 : i32
      %dma_start3A_192 = tpu.memref_slice %arg17[%multiple_of3A_156, %dma_start3A_191] : memref<50048x32xf32, #tpu.memory_space<vmem_shared>> -> memref<200x32xf32, #tpu.memory_space<vmem_shared>>
      tpu.enqueue_dma source(%dma_start3A_192 : memref<200x32xf32, #tpu.memory_space<vmem_shared>>) target(%arg16 : memref<200x32xf32, #tpu.memory_space<vmem>>) target_semaphore(%run_scoped3A : memref<!tpu.dma_semaphore, #tpu.memory_space<semaphore_mem>>)
      %dma_wait3A = arith.constant 0 : i32
      %dma_wait3A_193 = tpu.memref_slice %arg17[%multiple_of3A_156, %dma_wait3A] : memref<50048x32xf32, #tpu.memory_space<vmem_shared>> -> memref<200x32xf32, #tpu.memory_space<vmem_shared>>
      %dma_wait3A_194 = arith.constant 0 : i32
      %dma_wait3A_195 = tpu.memref_slice %arg17[%multiple_of3A_156, %dma_wait3A_194] : memref<50048x32xf32, #tpu.memory_space<vmem_shared>> -> memref<200x32xf32, #tpu.memory_space<vmem_shared>>
      tpu.wait_dma2 semaphore(%run_scoped3A : memref<!tpu.dma_semaphore, #tpu.memory_space<semaphore_mem>>) src(%dma_wait3A_195 : memref<200x32xf32, #tpu.memory_space<vmem_shared>>) dst(%arg16 : memref<200x32xf32, #tpu.memory_space<vmem>>)
      tpu.yield
    }) : () -> ()
    %mul3A_157 = arith.constant 200 : i32
    %mul3A_158 = arith.muli %add3A_153, %mul3A_157 : i32
    %add3A_159 = arith.addi %mul3A_0, %mul3A_158 : i32
    %multiple_of3A_160 = tpu.assume_multiple %add3A_159, 8 : i32
    "tpu.region"() ({
      %run_scoped3A = tpu.sem_alloc : memref<!tpu.dma_semaphore, #tpu.memory_space<semaphore_mem>>
      %dma_start3A = arith.constant 0 : i32
      %dma_start3A_190 = tpu.memref_slice %arg5[%multiple_of3A_160, %dma_start3A] : memref<100000x32xf32, #tpu.memory_space<hbm>> -> memref<200x32xf32, #tpu.memory_space<hbm>>
      %dma_start3A_191 = arith.constant 0 : i32
      %dma_start3A_192 = tpu.memref_slice %arg5[%multiple_of3A_160, %dma_start3A_191] : memref<100000x32xf32, #tpu.memory_space<hbm>> -> memref<200x32xf32, #tpu.memory_space<hbm>>
      tpu.enqueue_dma source(%arg16 : memref<200x32xf32, #tpu.memory_space<vmem>>) target(%dma_start3A_192 : memref<200x32xf32, #tpu.memory_space<hbm>>) target_semaphore(%run_scoped3A : memref<!tpu.dma_semaphore, #tpu.memory_space<semaphore_mem>>)
      %dma_wait3A = arith.constant 0 : i32
      %dma_wait3A_193 = tpu.memref_slice %arg5[%multiple_of3A_160, %dma_wait3A] : memref<100000x32xf32, #tpu.memory_space<hbm>> -> memref<200x32xf32, #tpu.memory_space<hbm>>
      %dma_wait3A_194 = arith.constant 0 : i32
      %dma_wait3A_195 = tpu.memref_slice %arg5[%multiple_of3A_160, %dma_wait3A_194] : memref<100000x32xf32, #tpu.memory_space<hbm>> -> memref<200x32xf32, #tpu.memory_space<hbm>>
      tpu.wait_dma2 semaphore(%run_scoped3A : memref<!tpu.dma_semaphore, #tpu.memory_space<semaphore_mem>>) src(%arg16 : memref<200x32xf32, #tpu.memory_space<vmem>>) dst(%dma_wait3A_195 : memref<200x32xf32, #tpu.memory_space<hbm>>)
      tpu.yield
    }) : () -> ()
    %add3A_161 = arith.constant 192 : i32
    %add3A_162 = arith.addi %arg1, %add3A_161 : i32
    %mul3A_163 = arith.constant 200 : i32
    %mul3A_164 = arith.muli %add3A_162, %mul3A_163 : i32
    %multiple_of3A_165 = tpu.assume_multiple %mul3A_164, 8 : i32
    "tpu.region"() ({
      %run_scoped3A = tpu.sem_alloc : memref<!tpu.dma_semaphore, #tpu.memory_space<semaphore_mem>>
      %dma_start3A = arith.constant 0 : i32
      %dma_start3A_190 = tpu.memref_slice %arg17[%multiple_of3A_165, %dma_start3A] : memref<50048x32xf32, #tpu.memory_space<vmem_shared>> -> memref<200x32xf32, #tpu.memory_space<vmem_shared>>
      %dma_start3A_191 = arith.constant 0 : i32
      %dma_start3A_192 = tpu.memref_slice %arg17[%multiple_of3A_165, %dma_start3A_191] : memref<50048x32xf32, #tpu.memory_space<vmem_shared>> -> memref<200x32xf32, #tpu.memory_space<vmem_shared>>
      tpu.enqueue_dma source(%dma_start3A_192 : memref<200x32xf32, #tpu.memory_space<vmem_shared>>) target(%arg16 : memref<200x32xf32, #tpu.memory_space<vmem>>) target_semaphore(%run_scoped3A : memref<!tpu.dma_semaphore, #tpu.memory_space<semaphore_mem>>)
      %dma_wait3A = arith.constant 0 : i32
      %dma_wait3A_193 = tpu.memref_slice %arg17[%multiple_of3A_165, %dma_wait3A] : memref<50048x32xf32, #tpu.memory_space<vmem_shared>> -> memref<200x32xf32, #tpu.memory_space<vmem_shared>>
      %dma_wait3A_194 = arith.constant 0 : i32
      %dma_wait3A_195 = tpu.memref_slice %arg17[%multiple_of3A_165, %dma_wait3A_194] : memref<50048x32xf32, #tpu.memory_space<vmem_shared>> -> memref<200x32xf32, #tpu.memory_space<vmem_shared>>
      tpu.wait_dma2 semaphore(%run_scoped3A : memref<!tpu.dma_semaphore, #tpu.memory_space<semaphore_mem>>) src(%dma_wait3A_195 : memref<200x32xf32, #tpu.memory_space<vmem_shared>>) dst(%arg16 : memref<200x32xf32, #tpu.memory_space<vmem>>)
      tpu.yield
    }) : () -> ()
    %mul3A_166 = arith.constant 200 : i32
    %mul3A_167 = arith.muli %add3A_162, %mul3A_166 : i32
    %add3A_168 = arith.addi %mul3A_0, %mul3A_167 : i32
    %multiple_of3A_169 = tpu.assume_multiple %add3A_168, 8 : i32
    "tpu.region"() ({
      %run_scoped3A = tpu.sem_alloc : memref<!tpu.dma_semaphore, #tpu.memory_space<semaphore_mem>>
      %dma_start3A = arith.constant 0 : i32
      %dma_start3A_190 = tpu.memref_slice %arg5[%multiple_of3A_169, %dma_start3A] : memref<100000x32xf32, #tpu.memory_space<hbm>> -> memref<200x32xf32, #tpu.memory_space<hbm>>
      %dma_start3A_191 = arith.constant 0 : i32
      %dma_start3A_192 = tpu.memref_slice %arg5[%multiple_of3A_169, %dma_start3A_191] : memref<100000x32xf32, #tpu.memory_space<hbm>> -> memref<200x32xf32, #tpu.memory_space<hbm>>
      tpu.enqueue_dma source(%arg16 : memref<200x32xf32, #tpu.memory_space<vmem>>) target(%dma_start3A_192 : memref<200x32xf32, #tpu.memory_space<hbm>>) target_semaphore(%run_scoped3A : memref<!tpu.dma_semaphore, #tpu.memory_space<semaphore_mem>>)
      %dma_wait3A = arith.constant 0 : i32
      %dma_wait3A_193 = tpu.memref_slice %arg5[%multiple_of3A_169, %dma_wait3A] : memref<100000x32xf32, #tpu.memory_space<hbm>> -> memref<200x32xf32, #tpu.memory_space<hbm>>
      %dma_wait3A_194 = arith.constant 0 : i32
      %dma_wait3A_195 = tpu.memref_slice %arg5[%multiple_of3A_169, %dma_wait3A_194] : memref<100000x32xf32, #tpu.memory_space<hbm>> -> memref<200x32xf32, #tpu.memory_space<hbm>>
      tpu.wait_dma2 semaphore(%run_scoped3A : memref<!tpu.dma_semaphore, #tpu.memory_space<semaphore_mem>>) src(%arg16 : memref<200x32xf32, #tpu.memory_space<vmem>>) dst(%dma_wait3A_195 : memref<200x32xf32, #tpu.memory_space<hbm>>)
      tpu.yield
    }) : () -> ()
    %add3A_170 = arith.constant 208 : i32
    %add3A_171 = arith.addi %arg1, %add3A_170 : i32
    %mul3A_172 = arith.constant 200 : i32
    %mul3A_173 = arith.muli %add3A_171, %mul3A_172 : i32
    %multiple_of3A_174 = tpu.assume_multiple %mul3A_173, 8 : i32
    "tpu.region"() ({
      %run_scoped3A = tpu.sem_alloc : memref<!tpu.dma_semaphore, #tpu.memory_space<semaphore_mem>>
      %dma_start3A = arith.constant 0 : i32
      %dma_start3A_190 = tpu.memref_slice %arg17[%multiple_of3A_174, %dma_start3A] : memref<50048x32xf32, #tpu.memory_space<vmem_shared>> -> memref<200x32xf32, #tpu.memory_space<vmem_shared>>
      %dma_start3A_191 = arith.constant 0 : i32
      %dma_start3A_192 = tpu.memref_slice %arg17[%multiple_of3A_174, %dma_start3A_191] : memref<50048x32xf32, #tpu.memory_space<vmem_shared>> -> memref<200x32xf32, #tpu.memory_space<vmem_shared>>
      tpu.enqueue_dma source(%dma_start3A_192 : memref<200x32xf32, #tpu.memory_space<vmem_shared>>) target(%arg16 : memref<200x32xf32, #tpu.memory_space<vmem>>) target_semaphore(%run_scoped3A : memref<!tpu.dma_semaphore, #tpu.memory_space<semaphore_mem>>)
      %dma_wait3A = arith.constant 0 : i32
      %dma_wait3A_193 = tpu.memref_slice %arg17[%multiple_of3A_174, %dma_wait3A] : memref<50048x32xf32, #tpu.memory_space<vmem_shared>> -> memref<200x32xf32, #tpu.memory_space<vmem_shared>>
      %dma_wait3A_194 = arith.constant 0 : i32
      %dma_wait3A_195 = tpu.memref_slice %arg17[%multiple_of3A_174, %dma_wait3A_194] : memref<50048x32xf32, #tpu.memory_space<vmem_shared>> -> memref<200x32xf32, #tpu.memory_space<vmem_shared>>
      tpu.wait_dma2 semaphore(%run_scoped3A : memref<!tpu.dma_semaphore, #tpu.memory_space<semaphore_mem>>) src(%dma_wait3A_195 : memref<200x32xf32, #tpu.memory_space<vmem_shared>>) dst(%arg16 : memref<200x32xf32, #tpu.memory_space<vmem>>)
      tpu.yield
    }) : () -> ()
    %mul3A_175 = arith.constant 200 : i32
    %mul3A_176 = arith.muli %add3A_171, %mul3A_175 : i32
    %add3A_177 = arith.addi %mul3A_0, %mul3A_176 : i32
    %multiple_of3A_178 = tpu.assume_multiple %add3A_177, 8 : i32
    "tpu.region"() ({
      %run_scoped3A = tpu.sem_alloc : memref<!tpu.dma_semaphore, #tpu.memory_space<semaphore_mem>>
      %dma_start3A = arith.constant 0 : i32
      %dma_start3A_190 = tpu.memref_slice %arg5[%multiple_of3A_178, %dma_start3A] : memref<100000x32xf32, #tpu.memory_space<hbm>> -> memref<200x32xf32, #tpu.memory_space<hbm>>
      %dma_start3A_191 = arith.constant 0 : i32
      %dma_start3A_192 = tpu.memref_slice %arg5[%multiple_of3A_178, %dma_start3A_191] : memref<100000x32xf32, #tpu.memory_space<hbm>> -> memref<200x32xf32, #tpu.memory_space<hbm>>
      tpu.enqueue_dma source(%arg16 : memref<200x32xf32, #tpu.memory_space<vmem>>) target(%dma_start3A_192 : memref<200x32xf32, #tpu.memory_space<hbm>>) target_semaphore(%run_scoped3A : memref<!tpu.dma_semaphore, #tpu.memory_space<semaphore_mem>>)
      %dma_wait3A = arith.constant 0 : i32
      %dma_wait3A_193 = tpu.memref_slice %arg5[%multiple_of3A_178, %dma_wait3A] : memref<100000x32xf32, #tpu.memory_space<hbm>> -> memref<200x32xf32, #tpu.memory_space<hbm>>
      %dma_wait3A_194 = arith.constant 0 : i32
      %dma_wait3A_195 = tpu.memref_slice %arg5[%multiple_of3A_178, %dma_wait3A_194] : memref<100000x32xf32, #tpu.memory_space<hbm>> -> memref<200x32xf32, #tpu.memory_space<hbm>>
      tpu.wait_dma2 semaphore(%run_scoped3A : memref<!tpu.dma_semaphore, #tpu.memory_space<semaphore_mem>>) src(%arg16 : memref<200x32xf32, #tpu.memory_space<vmem>>) dst(%dma_wait3A_195 : memref<200x32xf32, #tpu.memory_space<hbm>>)
      tpu.yield
    }) : () -> ()
    %add3A_179 = arith.constant 224 : i32
    %add3A_180 = arith.addi %arg1, %add3A_179 : i32
    %mul3A_181 = arith.constant 200 : i32
    %mul3A_182 = arith.muli %add3A_180, %mul3A_181 : i32
    %multiple_of3A_183 = tpu.assume_multiple %mul3A_182, 8 : i32
    "tpu.region"() ({
      %run_scoped3A = tpu.sem_alloc : memref<!tpu.dma_semaphore, #tpu.memory_space<semaphore_mem>>
      %dma_start3A = arith.constant 0 : i32
      %dma_start3A_190 = tpu.memref_slice %arg17[%multiple_of3A_183, %dma_start3A] : memref<50048x32xf32, #tpu.memory_space<vmem_shared>> -> memref<200x32xf32, #tpu.memory_space<vmem_shared>>
      %dma_start3A_191 = arith.constant 0 : i32
      %dma_start3A_192 = tpu.memref_slice %arg17[%multiple_of3A_183, %dma_start3A_191] : memref<50048x32xf32, #tpu.memory_space<vmem_shared>> -> memref<200x32xf32, #tpu.memory_space<vmem_shared>>
      tpu.enqueue_dma source(%dma_start3A_192 : memref<200x32xf32, #tpu.memory_space<vmem_shared>>) target(%arg16 : memref<200x32xf32, #tpu.memory_space<vmem>>) target_semaphore(%run_scoped3A : memref<!tpu.dma_semaphore, #tpu.memory_space<semaphore_mem>>)
      %dma_wait3A = arith.constant 0 : i32
      %dma_wait3A_193 = tpu.memref_slice %arg17[%multiple_of3A_183, %dma_wait3A] : memref<50048x32xf32, #tpu.memory_space<vmem_shared>> -> memref<200x32xf32, #tpu.memory_space<vmem_shared>>
      %dma_wait3A_194 = arith.constant 0 : i32
      %dma_wait3A_195 = tpu.memref_slice %arg17[%multiple_of3A_183, %dma_wait3A_194] : memref<50048x32xf32, #tpu.memory_space<vmem_shared>> -> memref<200x32xf32, #tpu.memory_space<vmem_shared>>
      tpu.wait_dma2 semaphore(%run_scoped3A : memref<!tpu.dma_semaphore, #tpu.memory_space<semaphore_mem>>) src(%dma_wait3A_195 : memref<200x32xf32, #tpu.memory_space<vmem_shared>>) dst(%arg16 : memref<200x32xf32, #tpu.memory_space<vmem>>)
      tpu.yield
    }) : () -> ()
    %mul3A_184 = arith.constant 200 : i32
    %mul3A_185 = arith.muli %add3A_180, %mul3A_184 : i32
    %add3A_186 = arith.addi %mul3A_0, %mul3A_185 : i32
    %multiple_of3A_187 = tpu.assume_multiple %add3A_186, 8 : i32
    "tpu.region"() ({
      %run_scoped3A = tpu.sem_alloc : memref<!tpu.dma_semaphore, #tpu.memory_space<semaphore_mem>>
      %dma_start3A = arith.constant 0 : i32
      %dma_start3A_190 = tpu.memref_slice %arg5[%multiple_of3A_187, %dma_start3A] : memref<100000x32xf32, #tpu.memory_space<hbm>> -> memref<200x32xf32, #tpu.memory_space<hbm>>
      %dma_start3A_191 = arith.constant 0 : i32
      %dma_start3A_192 = tpu.memref_slice %arg5[%multiple_of3A_187, %dma_start3A_191] : memref<100000x32xf32, #tpu.memory_space<hbm>> -> memref<200x32xf32, #tpu.memory_space<hbm>>
      tpu.enqueue_dma source(%arg16 : memref<200x32xf32, #tpu.memory_space<vmem>>) target(%dma_start3A_192 : memref<200x32xf32, #tpu.memory_space<hbm>>) target_semaphore(%run_scoped3A : memref<!tpu.dma_semaphore, #tpu.memory_space<semaphore_mem>>)
      %dma_wait3A = arith.constant 0 : i32
      %dma_wait3A_193 = tpu.memref_slice %arg5[%multiple_of3A_187, %dma_wait3A] : memref<100000x32xf32, #tpu.memory_space<hbm>> -> memref<200x32xf32, #tpu.memory_space<hbm>>
      %dma_wait3A_194 = arith.constant 0 : i32
      %dma_wait3A_195 = tpu.memref_slice %arg5[%multiple_of3A_187, %dma_wait3A_194] : memref<100000x32xf32, #tpu.memory_space<hbm>> -> memref<200x32xf32, #tpu.memory_space<hbm>>
      tpu.wait_dma2 semaphore(%run_scoped3A : memref<!tpu.dma_semaphore, #tpu.memory_space<semaphore_mem>>) src(%arg16 : memref<200x32xf32, #tpu.memory_space<vmem>>) dst(%dma_wait3A_195 : memref<200x32xf32, #tpu.memory_space<hbm>>)
      tpu.yield
    }) : () -> ()
    %lt3A = arith.constant 10 : i32
    %lt3A_188 = arith.cmpi slt, %arg1, %lt3A : i32
    %convert_element_type3A = arith.extui %lt3A_188 : i1 to i32
    %cond3A = arith.constant 0 : i32
    %cond3A_189 = arith.cmpi ne, %convert_element_type3A, %cond3A : i32
    scf.if %cond3A_189 {
      %add3A_190 = arith.constant 240 : i32
      %add3A_191 = arith.addi %arg1, %add3A_190 : i32
      %mul3A_192 = arith.constant 200 : i32
      %mul3A_193 = arith.muli %add3A_191, %mul3A_192 : i32
      %multiple_of3A_194 = tpu.assume_multiple %mul3A_193, 8 : i32
      "tpu.region"() ({
        %run_scoped3A = tpu.sem_alloc : memref<!tpu.dma_semaphore, #tpu.memory_space<semaphore_mem>>
        %dma_start3A = arith.constant 0 : i32
        %dma_start3A_199 = tpu.memref_slice %arg17[%multiple_of3A_194, %dma_start3A] : memref<50048x32xf32, #tpu.memory_space<vmem_shared>> -> memref<200x32xf32, #tpu.memory_space<vmem_shared>>
        %dma_start3A_200 = arith.constant 0 : i32
        %dma_start3A_201 = tpu.memref_slice %arg17[%multiple_of3A_194, %dma_start3A_200] : memref<50048x32xf32, #tpu.memory_space<vmem_shared>> -> memref<200x32xf32, #tpu.memory_space<vmem_shared>>
        tpu.enqueue_dma source(%dma_start3A_201 : memref<200x32xf32, #tpu.memory_space<vmem_shared>>) target(%arg16 : memref<200x32xf32, #tpu.memory_space<vmem>>) target_semaphore(%run_scoped3A : memref<!tpu.dma_semaphore, #tpu.memory_space<semaphore_mem>>)
        %dma_wait3A = arith.constant 0 : i32
        %dma_wait3A_202 = tpu.memref_slice %arg17[%multiple_of3A_194, %dma_wait3A] : memref<50048x32xf32, #tpu.memory_space<vmem_shared>> -> memref<200x32xf32, #tpu.memory_space<vmem_shared>>
        %dma_wait3A_203 = arith.constant 0 : i32
        %dma_wait3A_204 = tpu.memref_slice %arg17[%multiple_of3A_194, %dma_wait3A_203] : memref<50048x32xf32, #tpu.memory_space<vmem_shared>> -> memref<200x32xf32, #tpu.memory_space<vmem_shared>>
        tpu.wait_dma2 semaphore(%run_scoped3A : memref<!tpu.dma_semaphore, #tpu.memory_space<semaphore_mem>>) src(%dma_wait3A_204 : memref<200x32xf32, #tpu.memory_space<vmem_shared>>) dst(%arg16 : memref<200x32xf32, #tpu.memory_space<vmem>>)
        tpu.yield
      }) : () -> ()
      %mul3A_195 = arith.constant 200 : i32
      %mul3A_196 = arith.muli %add3A_191, %mul3A_195 : i32
      %add3A_197 = arith.addi %mul3A_0, %mul3A_196 : i32
      %multiple_of3A_198 = tpu.assume_multiple %add3A_197, 8 : i32
      "tpu.region"() ({
        %run_scoped3A = tpu.sem_alloc : memref<!tpu.dma_semaphore, #tpu.memory_space<semaphore_mem>>
        %dma_start3A = arith.constant 0 : i32
        %dma_start3A_199 = tpu.memref_slice %arg5[%multiple_of3A_198, %dma_start3A] : memref<100000x32xf32, #tpu.memory_space<hbm>> -> memref<200x32xf32, #tpu.memory_space<hbm>>
        %dma_start3A_200 = arith.constant 0 : i32
        %dma_start3A_201 = tpu.memref_slice %arg5[%multiple_of3A_198, %dma_start3A_200] : memref<100000x32xf32, #tpu.memory_space<hbm>> -> memref<200x32xf32, #tpu.memory_space<hbm>>
        tpu.enqueue_dma source(%arg16 : memref<200x32xf32, #tpu.memory_space<vmem>>) target(%dma_start3A_201 : memref<200x32xf32, #tpu.memory_space<hbm>>) target_semaphore(%run_scoped3A : memref<!tpu.dma_semaphore, #tpu.memory_space<semaphore_mem>>)
        %dma_wait3A = arith.constant 0 : i32
        %dma_wait3A_202 = tpu.memref_slice %arg5[%multiple_of3A_198, %dma_wait3A] : memref<100000x32xf32, #tpu.memory_space<hbm>> -> memref<200x32xf32, #tpu.memory_space<hbm>>
        %dma_wait3A_203 = arith.constant 0 : i32
        %dma_wait3A_204 = tpu.memref_slice %arg5[%multiple_of3A_198, %dma_wait3A_203] : memref<100000x32xf32, #tpu.memory_space<hbm>> -> memref<200x32xf32, #tpu.memory_space<hbm>>
        tpu.wait_dma2 semaphore(%run_scoped3A : memref<!tpu.dma_semaphore, #tpu.memory_space<semaphore_mem>>) src(%arg16 : memref<200x32xf32, #tpu.memory_space<vmem>>) dst(%dma_wait3A_204 : memref<200x32xf32, #tpu.memory_space<hbm>>)
        tpu.yield
      }) : () -> ()
    } else {
    }
    return
  }
}

#map = affine_map<(d0, d1) -> (0, 0)>
#map1 = affine_map<(d0, d1) -> (0)>
#map2 = affine_map<(d0, d1) -> (0, 0, 0)>
module attributes {stable_mosaic.version = 14 : i64} {
  func.func @body(%arg0: i32, %arg1: i32, %arg2: memref<100000x16xf32, #tpu.memory_space<hbm>>, %arg3: memref<1600000xi32, #tpu.memory_space<hbm>>, %arg4: memref<1600000xi32, #tpu.memory_space<hbm>>, %arg5: memref<2x100000x16xf32, #tpu.memory_space<hbm>>, %arg6: memref<2000xi32, #tpu.memory_space<vmem>>, %arg7: memref<2000xi32, #tpu.memory_space<vmem>>, %arg8: memref<80x16xf32, #tpu.memory_space<vmem>>, %arg9: memref<80x16xf32, #tpu.memory_space<vmem>>, %arg10: memref<80x16xf32, #tpu.memory_space<vmem>>, %arg11: memref<80x16xf32, #tpu.memory_space<vmem>>, %arg12: memref<80xi32, #tpu.memory_space<vmem>>, %arg13: memref<80xi32, #tpu.memory_space<vmem>>, %arg14: memref<80xi32, #tpu.memory_space<vmem>>, %arg15: memref<80xi32, #tpu.memory_space<vmem>>, %arg16: memref<400x16xf32, #tpu.memory_space<vmem>>, %arg17: memref<100096x16xf32, #tpu.memory_space<vmem_shared>>, %arg18: memref<!tpu.dma_semaphore, #tpu.memory_space<semaphore_mem>>, %arg19: memref<!tpu.dma_semaphore, #tpu.memory_space<semaphore_mem>>, %arg20: memref<!tpu.dma_semaphore, #tpu.memory_space<semaphore_mem>>, %arg21: memref<!tpu.dma_semaphore, #tpu.memory_space<semaphore_mem>>, %arg22: memref<!tpu.dma_semaphore, #tpu.memory_space<semaphore_mem>>, %arg23: memref<!tpu.dma_semaphore, #tpu.memory_space<semaphore_mem>>, %arg24: memref<!tpu.dma_semaphore, #tpu.memory_space<semaphore_mem>>, %arg25: memref<!tpu.dma_semaphore, #tpu.memory_space<semaphore_mem>>) attributes {dimension_semantics = [#tpu.dimension_semantics<core_parallel>, #tpu.dimension_semantics<subcore_parallel>], iteration_bounds = array<i64: 2, 16>, scalar_prefetch = 0 : i64, scratch_operands = 20 : i64, tpu.core_type = #tpu.core_type<sc_vector_subcore>, window_params = [{transform_indices = #map}, {transform_indices = #map1}, {transform_indices = #map1}, {transform_indices = #map2}]} {
    %mul3A = arith.constant 50000 : i32
    %mul3A_0 = arith.muli %arg0, %mul3A : i32
    %mul3A_1 = arith.constant 800000 : i32
    %mul3A_2 = arith.muli %arg0, %mul3A_1 : i32
    %mul3A_3 = arith.constant 50000 : i32
    %mul3A_4 = arith.muli %arg1, %mul3A_3 : i32
    %add3A = arith.addi %mul3A_2, %mul3A_4 : i32
    %add3A_5 = arith.constant 50000 : i32
    %add3A_6 = arith.addi %add3A_5, %arg1 : i32
    %broadcast_in_dim3A = arith.constant 0.000000e+00 : f32
    %broadcast_in_dim3A_7 = vector.broadcast %broadcast_in_dim3A : f32 to vector<16xf32>
    %scan3A = arith.constant 0 : i32
    %scan3A_8 = arith.constant 0 : i32
    %scan3A_9 = arith.constant 400 : i32
    %scan3A_10 = arith.addi %scan3A_8, %scan3A_9 : i32
    %scan3A_11 = arith.constant 1 : i32
    %scan3A_12 = scf.for %scan3A_133 = %scan3A_8 to %scan3A_10 step %scan3A_11 iter_args(%scan3A_134 = %scan3A) -> (i32)  : i32 {
      %swap3A = arith.index_cast %scan3A_133 : i32 to index
      %swap3A_135 = arith.constant 0 : index
      %swap3A_136 = tpu.vector_load %arg16[%swap3A, %swap3A_135] {strides = array<i32>} : memref<400x16xf32, #tpu.memory_space<vmem>>, vector<1x16xf32>,
      %swap3A_137 = vector.shape_cast %swap3A_136 : vector<1x16xf32> to vector<16xf32>
      %swap3A_138 = vector.shape_cast %broadcast_in_dim3A_7 : vector<16xf32> to vector<1x16xf32>
      tpu.vector_store %arg16[%swap3A, %swap3A_135], %swap3A_138 {strides = array<i32>} : memref<400x16xf32, #tpu.memory_space<vmem>>, vector<1x16xf32>,
      %scan3A_139 = arith.constant 0 : i32
      scf.yield %scan3A_139 : i32
    }
    %scan3A_13 = arith.constant 400 : i32
    %mul3A_14 = arith.constant 6256 : i32
    %mul3A_15 = arith.muli %arg1, %mul3A_14 : i32
    %multiple_of3A = tpu.assume_multiple %mul3A_15, 8 : i32
    %add3A_16 = arith.constant 0 : i32
    %add3A_17 = arith.addi %multiple_of3A, %add3A_16 : i32
    "tpu.region"() ({
      %run_scoped3A = tpu.sem_alloc : memref<!tpu.dma_semaphore, #tpu.memory_space<semaphore_mem>>
      %dma_start3A = arith.constant 0 : i32
      %dma_start3A_133 = tpu.memref_slice %arg17[%add3A_17, %dma_start3A] : memref<100096x16xf32, #tpu.memory_space<vmem_shared>> -> memref<400x16xf32, #tpu.memory_space<vmem_shared>>
      %dma_start3A_134 = arith.constant 0 : i32
      %dma_start3A_135 = tpu.memref_slice %arg17[%add3A_17, %dma_start3A_134] : memref<100096x16xf32, #tpu.memory_space<vmem_shared>> -> memref<400x16xf32, #tpu.memory_space<vmem_shared>>
      tpu.enqueue_dma source(%arg16 : memref<400x16xf32, #tpu.memory_space<vmem>>) target(%dma_start3A_135 : memref<400x16xf32, #tpu.memory_space<vmem_shared>>) target_semaphore(%run_scoped3A : memref<!tpu.dma_semaphore, #tpu.memory_space<semaphore_mem>>)
      %dma_wait3A = arith.constant 0 : i32
      %dma_wait3A_136 = tpu.memref_slice %arg17[%add3A_17, %dma_wait3A] : memref<100096x16xf32, #tpu.memory_space<vmem_shared>> -> memref<400x16xf32, #tpu.memory_space<vmem_shared>>
      %dma_wait3A_137 = arith.constant 0 : i32
      %dma_wait3A_138 = tpu.memref_slice %arg17[%add3A_17, %dma_wait3A_137] : memref<100096x16xf32, #tpu.memory_space<vmem_shared>> -> memref<400x16xf32, #tpu.memory_space<vmem_shared>>
      tpu.wait_dma2 semaphore(%run_scoped3A : memref<!tpu.dma_semaphore, #tpu.memory_space<semaphore_mem>>) src(%arg16 : memref<400x16xf32, #tpu.memory_space<vmem>>) dst(%dma_wait3A_138 : memref<400x16xf32, #tpu.memory_space<vmem_shared>>)
      tpu.yield
    }) : () -> ()
    %add3A_18 = arith.constant 400 : i32
    %add3A_19 = arith.addi %multiple_of3A, %add3A_18 : i32
    "tpu.region"() ({
      %run_scoped3A = tpu.sem_alloc : memref<!tpu.dma_semaphore, #tpu.memory_space<semaphore_mem>>
      %dma_start3A = arith.constant 0 : i32
      %dma_start3A_133 = tpu.memref_slice %arg17[%add3A_19, %dma_start3A] : memref<100096x16xf32, #tpu.memory_space<vmem_shared>> -> memref<400x16xf32, #tpu.memory_space<vmem_shared>>
      %dma_start3A_134 = arith.constant 0 : i32
      %dma_start3A_135 = tpu.memref_slice %arg17[%add3A_19, %dma_start3A_134] : memref<100096x16xf32, #tpu.memory_space<vmem_shared>> -> memref<400x16xf32, #tpu.memory_space<vmem_shared>>
      tpu.enqueue_dma source(%arg16 : memref<400x16xf32, #tpu.memory_space<vmem>>) target(%dma_start3A_135 : memref<400x16xf32, #tpu.memory_space<vmem_shared>>) target_semaphore(%run_scoped3A : memref<!tpu.dma_semaphore, #tpu.memory_space<semaphore_mem>>)
      %dma_wait3A = arith.constant 0 : i32
      %dma_wait3A_136 = tpu.memref_slice %arg17[%add3A_19, %dma_wait3A] : memref<100096x16xf32, #tpu.memory_space<vmem_shared>> -> memref<400x16xf32, #tpu.memory_space<vmem_shared>>
      %dma_wait3A_137 = arith.constant 0 : i32
      %dma_wait3A_138 = tpu.memref_slice %arg17[%add3A_19, %dma_wait3A_137] : memref<100096x16xf32, #tpu.memory_space<vmem_shared>> -> memref<400x16xf32, #tpu.memory_space<vmem_shared>>
      tpu.wait_dma2 semaphore(%run_scoped3A : memref<!tpu.dma_semaphore, #tpu.memory_space<semaphore_mem>>) src(%arg16 : memref<400x16xf32, #tpu.memory_space<vmem>>) dst(%dma_wait3A_138 : memref<400x16xf32, #tpu.memory_space<vmem_shared>>)
      tpu.yield
    }) : () -> ()
    %add3A_20 = arith.constant 800 : i32
    %add3A_21 = arith.addi %multiple_of3A, %add3A_20 : i32
    "tpu.region"() ({
      %run_scoped3A = tpu.sem_alloc : memref<!tpu.dma_semaphore, #tpu.memory_space<semaphore_mem>>
      %dma_start3A = arith.constant 0 : i32
      %dma_start3A_133 = tpu.memref_slice %arg17[%add3A_21, %dma_start3A] : memref<100096x16xf32, #tpu.memory_space<vmem_shared>> -> memref<400x16xf32, #tpu.memory_space<vmem_shared>>
      %dma_start3A_134 = arith.constant 0 : i32
      %dma_start3A_135 = tpu.memref_slice %arg17[%add3A_21, %dma_start3A_134] : memref<100096x16xf32, #tpu.memory_space<vmem_shared>> -> memref<400x16xf32, #tpu.memory_space<vmem_shared>>
      tpu.enqueue_dma source(%arg16 : memref<400x16xf32, #tpu.memory_space<vmem>>) target(%dma_start3A_135 : memref<400x16xf32, #tpu.memory_space<vmem_shared>>) target_semaphore(%run_scoped3A : memref<!tpu.dma_semaphore, #tpu.memory_space<semaphore_mem>>)
      %dma_wait3A = arith.constant 0 : i32
      %dma_wait3A_136 = tpu.memref_slice %arg17[%add3A_21, %dma_wait3A] : memref<100096x16xf32, #tpu.memory_space<vmem_shared>> -> memref<400x16xf32, #tpu.memory_space<vmem_shared>>
      %dma_wait3A_137 = arith.constant 0 : i32
      %dma_wait3A_138 = tpu.memref_slice %arg17[%add3A_21, %dma_wait3A_137] : memref<100096x16xf32, #tpu.memory_space<vmem_shared>> -> memref<400x16xf32, #tpu.memory_space<vmem_shared>>
      tpu.wait_dma2 semaphore(%run_scoped3A : memref<!tpu.dma_semaphore, #tpu.memory_space<semaphore_mem>>) src(%arg16 : memref<400x16xf32, #tpu.memory_space<vmem>>) dst(%dma_wait3A_138 : memref<400x16xf32, #tpu.memory_space<vmem_shared>>)
      tpu.yield
    }) : () -> ()
    %add3A_22 = arith.constant 1200 : i32
    %add3A_23 = arith.addi %multiple_of3A, %add3A_22 : i32
    "tpu.region"() ({
      %run_scoped3A = tpu.sem_alloc : memref<!tpu.dma_semaphore, #tpu.memory_space<semaphore_mem>>
      %dma_start3A = arith.constant 0 : i32
      %dma_start3A_133 = tpu.memref_slice %arg17[%add3A_23, %dma_start3A] : memref<100096x16xf32, #tpu.memory_space<vmem_shared>> -> memref<400x16xf32, #tpu.memory_space<vmem_shared>>
      %dma_start3A_134 = arith.constant 0 : i32
      %dma_start3A_135 = tpu.memref_slice %arg17[%add3A_23, %dma_start3A_134] : memref<100096x16xf32, #tpu.memory_space<vmem_shared>> -> memref<400x16xf32, #tpu.memory_space<vmem_shared>>
      tpu.enqueue_dma source(%arg16 : memref<400x16xf32, #tpu.memory_space<vmem>>) target(%dma_start3A_135 : memref<400x16xf32, #tpu.memory_space<vmem_shared>>) target_semaphore(%run_scoped3A : memref<!tpu.dma_semaphore, #tpu.memory_space<semaphore_mem>>)
      %dma_wait3A = arith.constant 0 : i32
      %dma_wait3A_136 = tpu.memref_slice %arg17[%add3A_23, %dma_wait3A] : memref<100096x16xf32, #tpu.memory_space<vmem_shared>> -> memref<400x16xf32, #tpu.memory_space<vmem_shared>>
      %dma_wait3A_137 = arith.constant 0 : i32
      %dma_wait3A_138 = tpu.memref_slice %arg17[%add3A_23, %dma_wait3A_137] : memref<100096x16xf32, #tpu.memory_space<vmem_shared>> -> memref<400x16xf32, #tpu.memory_space<vmem_shared>>
      tpu.wait_dma2 semaphore(%run_scoped3A : memref<!tpu.dma_semaphore, #tpu.memory_space<semaphore_mem>>) src(%arg16 : memref<400x16xf32, #tpu.memory_space<vmem>>) dst(%dma_wait3A_138 : memref<400x16xf32, #tpu.memory_space<vmem_shared>>)
      tpu.yield
    }) : () -> ()
    %add3A_24 = arith.constant 1600 : i32
    %add3A_25 = arith.addi %multiple_of3A, %add3A_24 : i32
    "tpu.region"() ({
      %run_scoped3A = tpu.sem_alloc : memref<!tpu.dma_semaphore, #tpu.memory_space<semaphore_mem>>
      %dma_start3A = arith.constant 0 : i32
      %dma_start3A_133 = tpu.memref_slice %arg17[%add3A_25, %dma_start3A] : memref<100096x16xf32, #tpu.memory_space<vmem_shared>> -> memref<400x16xf32, #tpu.memory_space<vmem_shared>>
      %dma_start3A_134 = arith.constant 0 : i32
      %dma_start3A_135 = tpu.memref_slice %arg17[%add3A_25, %dma_start3A_134] : memref<100096x16xf32, #tpu.memory_space<vmem_shared>> -> memref<400x16xf32, #tpu.memory_space<vmem_shared>>
      tpu.enqueue_dma source(%arg16 : memref<400x16xf32, #tpu.memory_space<vmem>>) target(%dma_start3A_135 : memref<400x16xf32, #tpu.memory_space<vmem_shared>>) target_semaphore(%run_scoped3A : memref<!tpu.dma_semaphore, #tpu.memory_space<semaphore_mem>>)
      %dma_wait3A = arith.constant 0 : i32
      %dma_wait3A_136 = tpu.memref_slice %arg17[%add3A_25, %dma_wait3A] : memref<100096x16xf32, #tpu.memory_space<vmem_shared>> -> memref<400x16xf32, #tpu.memory_space<vmem_shared>>
      %dma_wait3A_137 = arith.constant 0 : i32
      %dma_wait3A_138 = tpu.memref_slice %arg17[%add3A_25, %dma_wait3A_137] : memref<100096x16xf32, #tpu.memory_space<vmem_shared>> -> memref<400x16xf32, #tpu.memory_space<vmem_shared>>
      tpu.wait_dma2 semaphore(%run_scoped3A : memref<!tpu.dma_semaphore, #tpu.memory_space<semaphore_mem>>) src(%arg16 : memref<400x16xf32, #tpu.memory_space<vmem>>) dst(%dma_wait3A_138 : memref<400x16xf32, #tpu.memory_space<vmem_shared>>)
      tpu.yield
    }) : () -> ()
    %add3A_26 = arith.constant 2000 : i32
    %add3A_27 = arith.addi %multiple_of3A, %add3A_26 : i32
    "tpu.region"() ({
      %run_scoped3A = tpu.sem_alloc : memref<!tpu.dma_semaphore, #tpu.memory_space<semaphore_mem>>
      %dma_start3A = arith.constant 0 : i32
      %dma_start3A_133 = tpu.memref_slice %arg17[%add3A_27, %dma_start3A] : memref<100096x16xf32, #tpu.memory_space<vmem_shared>> -> memref<400x16xf32, #tpu.memory_space<vmem_shared>>
      %dma_start3A_134 = arith.constant 0 : i32
      %dma_start3A_135 = tpu.memref_slice %arg17[%add3A_27, %dma_start3A_134] : memref<100096x16xf32, #tpu.memory_space<vmem_shared>> -> memref<400x16xf32, #tpu.memory_space<vmem_shared>>
      tpu.enqueue_dma source(%arg16 : memref<400x16xf32, #tpu.memory_space<vmem>>) target(%dma_start3A_135 : memref<400x16xf32, #tpu.memory_space<vmem_shared>>) target_semaphore(%run_scoped3A : memref<!tpu.dma_semaphore, #tpu.memory_space<semaphore_mem>>)
      %dma_wait3A = arith.constant 0 : i32
      %dma_wait3A_136 = tpu.memref_slice %arg17[%add3A_27, %dma_wait3A] : memref<100096x16xf32, #tpu.memory_space<vmem_shared>> -> memref<400x16xf32, #tpu.memory_space<vmem_shared>>
      %dma_wait3A_137 = arith.constant 0 : i32
      %dma_wait3A_138 = tpu.memref_slice %arg17[%add3A_27, %dma_wait3A_137] : memref<100096x16xf32, #tpu.memory_space<vmem_shared>> -> memref<400x16xf32, #tpu.memory_space<vmem_shared>>
      tpu.wait_dma2 semaphore(%run_scoped3A : memref<!tpu.dma_semaphore, #tpu.memory_space<semaphore_mem>>) src(%arg16 : memref<400x16xf32, #tpu.memory_space<vmem>>) dst(%dma_wait3A_138 : memref<400x16xf32, #tpu.memory_space<vmem_shared>>)
      tpu.yield
    }) : () -> ()
    %add3A_28 = arith.constant 2400 : i32
    %add3A_29 = arith.addi %multiple_of3A, %add3A_28 : i32
    "tpu.region"() ({
      %run_scoped3A = tpu.sem_alloc : memref<!tpu.dma_semaphore, #tpu.memory_space<semaphore_mem>>
      %dma_start3A = arith.constant 0 : i32
      %dma_start3A_133 = tpu.memref_slice %arg17[%add3A_29, %dma_start3A] : memref<100096x16xf32, #tpu.memory_space<vmem_shared>> -> memref<400x16xf32, #tpu.memory_space<vmem_shared>>
      %dma_start3A_134 = arith.constant 0 : i32
      %dma_start3A_135 = tpu.memref_slice %arg17[%add3A_29, %dma_start3A_134] : memref<100096x16xf32, #tpu.memory_space<vmem_shared>> -> memref<400x16xf32, #tpu.memory_space<vmem_shared>>
      tpu.enqueue_dma source(%arg16 : memref<400x16xf32, #tpu.memory_space<vmem>>) target(%dma_start3A_135 : memref<400x16xf32, #tpu.memory_space<vmem_shared>>) target_semaphore(%run_scoped3A : memref<!tpu.dma_semaphore, #tpu.memory_space<semaphore_mem>>)
      %dma_wait3A = arith.constant 0 : i32
      %dma_wait3A_136 = tpu.memref_slice %arg17[%add3A_29, %dma_wait3A] : memref<100096x16xf32, #tpu.memory_space<vmem_shared>> -> memref<400x16xf32, #tpu.memory_space<vmem_shared>>
      %dma_wait3A_137 = arith.constant 0 : i32
      %dma_wait3A_138 = tpu.memref_slice %arg17[%add3A_29, %dma_wait3A_137] : memref<100096x16xf32, #tpu.memory_space<vmem_shared>> -> memref<400x16xf32, #tpu.memory_space<vmem_shared>>
      tpu.wait_dma2 semaphore(%run_scoped3A : memref<!tpu.dma_semaphore, #tpu.memory_space<semaphore_mem>>) src(%arg16 : memref<400x16xf32, #tpu.memory_space<vmem>>) dst(%dma_wait3A_138 : memref<400x16xf32, #tpu.memory_space<vmem_shared>>)
      tpu.yield
    }) : () -> ()
    %add3A_30 = arith.constant 2800 : i32
    %add3A_31 = arith.addi %multiple_of3A, %add3A_30 : i32
    "tpu.region"() ({
      %run_scoped3A = tpu.sem_alloc : memref<!tpu.dma_semaphore, #tpu.memory_space<semaphore_mem>>
      %dma_start3A = arith.constant 0 : i32
      %dma_start3A_133 = tpu.memref_slice %arg17[%add3A_31, %dma_start3A] : memref<100096x16xf32, #tpu.memory_space<vmem_shared>> -> memref<400x16xf32, #tpu.memory_space<vmem_shared>>
      %dma_start3A_134 = arith.constant 0 : i32
      %dma_start3A_135 = tpu.memref_slice %arg17[%add3A_31, %dma_start3A_134] : memref<100096x16xf32, #tpu.memory_space<vmem_shared>> -> memref<400x16xf32, #tpu.memory_space<vmem_shared>>
      tpu.enqueue_dma source(%arg16 : memref<400x16xf32, #tpu.memory_space<vmem>>) target(%dma_start3A_135 : memref<400x16xf32, #tpu.memory_space<vmem_shared>>) target_semaphore(%run_scoped3A : memref<!tpu.dma_semaphore, #tpu.memory_space<semaphore_mem>>)
      %dma_wait3A = arith.constant 0 : i32
      %dma_wait3A_136 = tpu.memref_slice %arg17[%add3A_31, %dma_wait3A] : memref<100096x16xf32, #tpu.memory_space<vmem_shared>> -> memref<400x16xf32, #tpu.memory_space<vmem_shared>>
      %dma_wait3A_137 = arith.constant 0 : i32
      %dma_wait3A_138 = tpu.memref_slice %arg17[%add3A_31, %dma_wait3A_137] : memref<100096x16xf32, #tpu.memory_space<vmem_shared>> -> memref<400x16xf32, #tpu.memory_space<vmem_shared>>
      tpu.wait_dma2 semaphore(%run_scoped3A : memref<!tpu.dma_semaphore, #tpu.memory_space<semaphore_mem>>) src(%arg16 : memref<400x16xf32, #tpu.memory_space<vmem>>) dst(%dma_wait3A_138 : memref<400x16xf32, #tpu.memory_space<vmem_shared>>)
      tpu.yield
    }) : () -> ()
    %add3A_32 = arith.constant 3200 : i32
    %add3A_33 = arith.addi %multiple_of3A, %add3A_32 : i32
    "tpu.region"() ({
      %run_scoped3A = tpu.sem_alloc : memref<!tpu.dma_semaphore, #tpu.memory_space<semaphore_mem>>
      %dma_start3A = arith.constant 0 : i32
      %dma_start3A_133 = tpu.memref_slice %arg17[%add3A_33, %dma_start3A] : memref<100096x16xf32, #tpu.memory_space<vmem_shared>> -> memref<400x16xf32, #tpu.memory_space<vmem_shared>>
      %dma_start3A_134 = arith.constant 0 : i32
      %dma_start3A_135 = tpu.memref_slice %arg17[%add3A_33, %dma_start3A_134] : memref<100096x16xf32, #tpu.memory_space<vmem_shared>> -> memref<400x16xf32, #tpu.memory_space<vmem_shared>>
      tpu.enqueue_dma source(%arg16 : memref<400x16xf32, #tpu.memory_space<vmem>>) target(%dma_start3A_135 : memref<400x16xf32, #tpu.memory_space<vmem_shared>>) target_semaphore(%run_scoped3A : memref<!tpu.dma_semaphore, #tpu.memory_space<semaphore_mem>>)
      %dma_wait3A = arith.constant 0 : i32
      %dma_wait3A_136 = tpu.memref_slice %arg17[%add3A_33, %dma_wait3A] : memref<100096x16xf32, #tpu.memory_space<vmem_shared>> -> memref<400x16xf32, #tpu.memory_space<vmem_shared>>
      %dma_wait3A_137 = arith.constant 0 : i32
      %dma_wait3A_138 = tpu.memref_slice %arg17[%add3A_33, %dma_wait3A_137] : memref<100096x16xf32, #tpu.memory_space<vmem_shared>> -> memref<400x16xf32, #tpu.memory_space<vmem_shared>>
      tpu.wait_dma2 semaphore(%run_scoped3A : memref<!tpu.dma_semaphore, #tpu.memory_space<semaphore_mem>>) src(%arg16 : memref<400x16xf32, #tpu.memory_space<vmem>>) dst(%dma_wait3A_138 : memref<400x16xf32, #tpu.memory_space<vmem_shared>>)
      tpu.yield
    }) : () -> ()
    %add3A_34 = arith.constant 3600 : i32
    %add3A_35 = arith.addi %multiple_of3A, %add3A_34 : i32
    "tpu.region"() ({
      %run_scoped3A = tpu.sem_alloc : memref<!tpu.dma_semaphore, #tpu.memory_space<semaphore_mem>>
      %dma_start3A = arith.constant 0 : i32
      %dma_start3A_133 = tpu.memref_slice %arg17[%add3A_35, %dma_start3A] : memref<100096x16xf32, #tpu.memory_space<vmem_shared>> -> memref<400x16xf32, #tpu.memory_space<vmem_shared>>
      %dma_start3A_134 = arith.constant 0 : i32
      %dma_start3A_135 = tpu.memref_slice %arg17[%add3A_35, %dma_start3A_134] : memref<100096x16xf32, #tpu.memory_space<vmem_shared>> -> memref<400x16xf32, #tpu.memory_space<vmem_shared>>
      tpu.enqueue_dma source(%arg16 : memref<400x16xf32, #tpu.memory_space<vmem>>) target(%dma_start3A_135 : memref<400x16xf32, #tpu.memory_space<vmem_shared>>) target_semaphore(%run_scoped3A : memref<!tpu.dma_semaphore, #tpu.memory_space<semaphore_mem>>)
      %dma_wait3A = arith.constant 0 : i32
      %dma_wait3A_136 = tpu.memref_slice %arg17[%add3A_35, %dma_wait3A] : memref<100096x16xf32, #tpu.memory_space<vmem_shared>> -> memref<400x16xf32, #tpu.memory_space<vmem_shared>>
      %dma_wait3A_137 = arith.constant 0 : i32
      %dma_wait3A_138 = tpu.memref_slice %arg17[%add3A_35, %dma_wait3A_137] : memref<100096x16xf32, #tpu.memory_space<vmem_shared>> -> memref<400x16xf32, #tpu.memory_space<vmem_shared>>
      tpu.wait_dma2 semaphore(%run_scoped3A : memref<!tpu.dma_semaphore, #tpu.memory_space<semaphore_mem>>) src(%arg16 : memref<400x16xf32, #tpu.memory_space<vmem>>) dst(%dma_wait3A_138 : memref<400x16xf32, #tpu.memory_space<vmem_shared>>)
      tpu.yield
    }) : () -> ()
    %add3A_36 = arith.constant 4000 : i32
    %add3A_37 = arith.addi %multiple_of3A, %add3A_36 : i32
    "tpu.region"() ({
      %run_scoped3A = tpu.sem_alloc : memref<!tpu.dma_semaphore, #tpu.memory_space<semaphore_mem>>
      %dma_start3A = arith.constant 0 : i32
      %dma_start3A_133 = tpu.memref_slice %arg17[%add3A_37, %dma_start3A] : memref<100096x16xf32, #tpu.memory_space<vmem_shared>> -> memref<400x16xf32, #tpu.memory_space<vmem_shared>>
      %dma_start3A_134 = arith.constant 0 : i32
      %dma_start3A_135 = tpu.memref_slice %arg17[%add3A_37, %dma_start3A_134] : memref<100096x16xf32, #tpu.memory_space<vmem_shared>> -> memref<400x16xf32, #tpu.memory_space<vmem_shared>>
      tpu.enqueue_dma source(%arg16 : memref<400x16xf32, #tpu.memory_space<vmem>>) target(%dma_start3A_135 : memref<400x16xf32, #tpu.memory_space<vmem_shared>>) target_semaphore(%run_scoped3A : memref<!tpu.dma_semaphore, #tpu.memory_space<semaphore_mem>>)
      %dma_wait3A = arith.constant 0 : i32
      %dma_wait3A_136 = tpu.memref_slice %arg17[%add3A_37, %dma_wait3A] : memref<100096x16xf32, #tpu.memory_space<vmem_shared>> -> memref<400x16xf32, #tpu.memory_space<vmem_shared>>
      %dma_wait3A_137 = arith.constant 0 : i32
      %dma_wait3A_138 = tpu.memref_slice %arg17[%add3A_37, %dma_wait3A_137] : memref<100096x16xf32, #tpu.memory_space<vmem_shared>> -> memref<400x16xf32, #tpu.memory_space<vmem_shared>>
      tpu.wait_dma2 semaphore(%run_scoped3A : memref<!tpu.dma_semaphore, #tpu.memory_space<semaphore_mem>>) src(%arg16 : memref<400x16xf32, #tpu.memory_space<vmem>>) dst(%dma_wait3A_138 : memref<400x16xf32, #tpu.memory_space<vmem_shared>>)
      tpu.yield
    }) : () -> ()
    %add3A_38 = arith.constant 4400 : i32
    %add3A_39 = arith.addi %multiple_of3A, %add3A_38 : i32
    "tpu.region"() ({
      %run_scoped3A = tpu.sem_alloc : memref<!tpu.dma_semaphore, #tpu.memory_space<semaphore_mem>>
      %dma_start3A = arith.constant 0 : i32
      %dma_start3A_133 = tpu.memref_slice %arg17[%add3A_39, %dma_start3A] : memref<100096x16xf32, #tpu.memory_space<vmem_shared>> -> memref<400x16xf32, #tpu.memory_space<vmem_shared>>
      %dma_start3A_134 = arith.constant 0 : i32
      %dma_start3A_135 = tpu.memref_slice %arg17[%add3A_39, %dma_start3A_134] : memref<100096x16xf32, #tpu.memory_space<vmem_shared>> -> memref<400x16xf32, #tpu.memory_space<vmem_shared>>
      tpu.enqueue_dma source(%arg16 : memref<400x16xf32, #tpu.memory_space<vmem>>) target(%dma_start3A_135 : memref<400x16xf32, #tpu.memory_space<vmem_shared>>) target_semaphore(%run_scoped3A : memref<!tpu.dma_semaphore, #tpu.memory_space<semaphore_mem>>)
      %dma_wait3A = arith.constant 0 : i32
      %dma_wait3A_136 = tpu.memref_slice %arg17[%add3A_39, %dma_wait3A] : memref<100096x16xf32, #tpu.memory_space<vmem_shared>> -> memref<400x16xf32, #tpu.memory_space<vmem_shared>>
      %dma_wait3A_137 = arith.constant 0 : i32
      %dma_wait3A_138 = tpu.memref_slice %arg17[%add3A_39, %dma_wait3A_137] : memref<100096x16xf32, #tpu.memory_space<vmem_shared>> -> memref<400x16xf32, #tpu.memory_space<vmem_shared>>
      tpu.wait_dma2 semaphore(%run_scoped3A : memref<!tpu.dma_semaphore, #tpu.memory_space<semaphore_mem>>) src(%arg16 : memref<400x16xf32, #tpu.memory_space<vmem>>) dst(%dma_wait3A_138 : memref<400x16xf32, #tpu.memory_space<vmem_shared>>)
      tpu.yield
    }) : () -> ()
    %add3A_40 = arith.constant 4800 : i32
    %add3A_41 = arith.addi %multiple_of3A, %add3A_40 : i32
    "tpu.region"() ({
      %run_scoped3A = tpu.sem_alloc : memref<!tpu.dma_semaphore, #tpu.memory_space<semaphore_mem>>
      %dma_start3A = arith.constant 0 : i32
      %dma_start3A_133 = tpu.memref_slice %arg17[%add3A_41, %dma_start3A] : memref<100096x16xf32, #tpu.memory_space<vmem_shared>> -> memref<400x16xf32, #tpu.memory_space<vmem_shared>>
      %dma_start3A_134 = arith.constant 0 : i32
      %dma_start3A_135 = tpu.memref_slice %arg17[%add3A_41, %dma_start3A_134] : memref<100096x16xf32, #tpu.memory_space<vmem_shared>> -> memref<400x16xf32, #tpu.memory_space<vmem_shared>>
      tpu.enqueue_dma source(%arg16 : memref<400x16xf32, #tpu.memory_space<vmem>>) target(%dma_start3A_135 : memref<400x16xf32, #tpu.memory_space<vmem_shared>>) target_semaphore(%run_scoped3A : memref<!tpu.dma_semaphore, #tpu.memory_space<semaphore_mem>>)
      %dma_wait3A = arith.constant 0 : i32
      %dma_wait3A_136 = tpu.memref_slice %arg17[%add3A_41, %dma_wait3A] : memref<100096x16xf32, #tpu.memory_space<vmem_shared>> -> memref<400x16xf32, #tpu.memory_space<vmem_shared>>
      %dma_wait3A_137 = arith.constant 0 : i32
      %dma_wait3A_138 = tpu.memref_slice %arg17[%add3A_41, %dma_wait3A_137] : memref<100096x16xf32, #tpu.memory_space<vmem_shared>> -> memref<400x16xf32, #tpu.memory_space<vmem_shared>>
      tpu.wait_dma2 semaphore(%run_scoped3A : memref<!tpu.dma_semaphore, #tpu.memory_space<semaphore_mem>>) src(%arg16 : memref<400x16xf32, #tpu.memory_space<vmem>>) dst(%dma_wait3A_138 : memref<400x16xf32, #tpu.memory_space<vmem_shared>>)
      tpu.yield
    }) : () -> ()
    %add3A_42 = arith.constant 5200 : i32
    %add3A_43 = arith.addi %multiple_of3A, %add3A_42 : i32
    "tpu.region"() ({
      %run_scoped3A = tpu.sem_alloc : memref<!tpu.dma_semaphore, #tpu.memory_space<semaphore_mem>>
      %dma_start3A = arith.constant 0 : i32
      %dma_start3A_133 = tpu.memref_slice %arg17[%add3A_43, %dma_start3A] : memref<100096x16xf32, #tpu.memory_space<vmem_shared>> -> memref<400x16xf32, #tpu.memory_space<vmem_shared>>
      %dma_start3A_134 = arith.constant 0 : i32
      %dma_start3A_135 = tpu.memref_slice %arg17[%add3A_43, %dma_start3A_134] : memref<100096x16xf32, #tpu.memory_space<vmem_shared>> -> memref<400x16xf32, #tpu.memory_space<vmem_shared>>
      tpu.enqueue_dma source(%arg16 : memref<400x16xf32, #tpu.memory_space<vmem>>) target(%dma_start3A_135 : memref<400x16xf32, #tpu.memory_space<vmem_shared>>) target_semaphore(%run_scoped3A : memref<!tpu.dma_semaphore, #tpu.memory_space<semaphore_mem>>)
      %dma_wait3A = arith.constant 0 : i32
      %dma_wait3A_136 = tpu.memref_slice %arg17[%add3A_43, %dma_wait3A] : memref<100096x16xf32, #tpu.memory_space<vmem_shared>> -> memref<400x16xf32, #tpu.memory_space<vmem_shared>>
      %dma_wait3A_137 = arith.constant 0 : i32
      %dma_wait3A_138 = tpu.memref_slice %arg17[%add3A_43, %dma_wait3A_137] : memref<100096x16xf32, #tpu.memory_space<vmem_shared>> -> memref<400x16xf32, #tpu.memory_space<vmem_shared>>
      tpu.wait_dma2 semaphore(%run_scoped3A : memref<!tpu.dma_semaphore, #tpu.memory_space<semaphore_mem>>) src(%arg16 : memref<400x16xf32, #tpu.memory_space<vmem>>) dst(%dma_wait3A_138 : memref<400x16xf32, #tpu.memory_space<vmem_shared>>)
      tpu.yield
    }) : () -> ()
    %add3A_44 = arith.constant 5600 : i32
    %add3A_45 = arith.addi %multiple_of3A, %add3A_44 : i32
    "tpu.region"() ({
      %run_scoped3A = tpu.sem_alloc : memref<!tpu.dma_semaphore, #tpu.memory_space<semaphore_mem>>
      %dma_start3A = arith.constant 0 : i32
      %dma_start3A_133 = tpu.memref_slice %arg17[%add3A_45, %dma_start3A] : memref<100096x16xf32, #tpu.memory_space<vmem_shared>> -> memref<400x16xf32, #tpu.memory_space<vmem_shared>>
      %dma_start3A_134 = arith.constant 0 : i32
      %dma_start3A_135 = tpu.memref_slice %arg17[%add3A_45, %dma_start3A_134] : memref<100096x16xf32, #tpu.memory_space<vmem_shared>> -> memref<400x16xf32, #tpu.memory_space<vmem_shared>>
      tpu.enqueue_dma source(%arg16 : memref<400x16xf32, #tpu.memory_space<vmem>>) target(%dma_start3A_135 : memref<400x16xf32, #tpu.memory_space<vmem_shared>>) target_semaphore(%run_scoped3A : memref<!tpu.dma_semaphore, #tpu.memory_space<semaphore_mem>>)
      %dma_wait3A = arith.constant 0 : i32
      %dma_wait3A_136 = tpu.memref_slice %arg17[%add3A_45, %dma_wait3A] : memref<100096x16xf32, #tpu.memory_space<vmem_shared>> -> memref<400x16xf32, #tpu.memory_space<vmem_shared>>
      %dma_wait3A_137 = arith.constant 0 : i32
      %dma_wait3A_138 = tpu.memref_slice %arg17[%add3A_45, %dma_wait3A_137] : memref<100096x16xf32, #tpu.memory_space<vmem_shared>> -> memref<400x16xf32, #tpu.memory_space<vmem_shared>>
      tpu.wait_dma2 semaphore(%run_scoped3A : memref<!tpu.dma_semaphore, #tpu.memory_space<semaphore_mem>>) src(%arg16 : memref<400x16xf32, #tpu.memory_space<vmem>>) dst(%dma_wait3A_138 : memref<400x16xf32, #tpu.memory_space<vmem_shared>>)
      tpu.yield
    }) : () -> ()
    %add3A_46 = arith.constant 6000 : i32
    %add3A_47 = arith.addi %multiple_of3A, %add3A_46 : i32
    "tpu.region"() ({
      %run_scoped3A = tpu.sem_alloc : memref<!tpu.dma_semaphore, #tpu.memory_space<semaphore_mem>>
      %dma_start3A = arith.constant 0 : i32
      %dma_start3A_133 = arith.constant 0 : i32
      %dma_start3A_134 = tpu.memref_slice %arg16[%dma_start3A, %dma_start3A_133] : memref<400x16xf32, #tpu.memory_space<vmem>> -> memref<256x16xf32, #tpu.memory_space<vmem>>
      %dma_start3A_135 = arith.constant 0 : i32
      %dma_start3A_136 = tpu.memref_slice %arg17[%add3A_47, %dma_start3A_135] : memref<100096x16xf32, #tpu.memory_space<vmem_shared>> -> memref<256x16xf32, #tpu.memory_space<vmem_shared>>
      %dma_start3A_137 = arith.constant 0 : i32
      %dma_start3A_138 = tpu.memref_slice %arg17[%add3A_47, %dma_start3A_137] : memref<100096x16xf32, #tpu.memory_space<vmem_shared>> -> memref<256x16xf32, #tpu.memory_space<vmem_shared>>
      %dma_start3A_139 = arith.constant 0 : i32
      %dma_start3A_140 = arith.constant 0 : i32
      %dma_start3A_141 = tpu.memref_slice %arg16[%dma_start3A_139, %dma_start3A_140] : memref<400x16xf32, #tpu.memory_space<vmem>> -> memref<256x16xf32, #tpu.memory_space<vmem>>
      tpu.enqueue_dma source(%dma_start3A_141 : memref<256x16xf32, #tpu.memory_space<vmem>>) target(%dma_start3A_138 : memref<256x16xf32, #tpu.memory_space<vmem_shared>>) target_semaphore(%run_scoped3A : memref<!tpu.dma_semaphore, #tpu.memory_space<semaphore_mem>>)
      %dma_wait3A = arith.constant 0 : i32
      %dma_wait3A_142 = arith.constant 0 : i32
      %dma_wait3A_143 = tpu.memref_slice %arg16[%dma_wait3A, %dma_wait3A_142] : memref<400x16xf32, #tpu.memory_space<vmem>> -> memref<256x16xf32, #tpu.memory_space<vmem>>
      %dma_wait3A_144 = arith.constant 0 : i32
      %dma_wait3A_145 = tpu.memref_slice %arg17[%add3A_47, %dma_wait3A_144] : memref<100096x16xf32, #tpu.memory_space<vmem_shared>> -> memref<256x16xf32, #tpu.memory_space<vmem_shared>>
      %dma_wait3A_146 = arith.constant 0 : i32
      %dma_wait3A_147 = tpu.memref_slice %arg17[%add3A_47, %dma_wait3A_146] : memref<100096x16xf32, #tpu.memory_space<vmem_shared>> -> memref<256x16xf32, #tpu.memory_space<vmem_shared>>
      %dma_wait3A_148 = arith.constant 0 : i32
      %dma_wait3A_149 = arith.constant 0 : i32
      %dma_wait3A_150 = tpu.memref_slice %arg16[%dma_wait3A_148, %dma_wait3A_149] : memref<400x16xf32, #tpu.memory_space<vmem>> -> memref<256x16xf32, #tpu.memory_space<vmem>>
      tpu.wait_dma2 semaphore(%run_scoped3A : memref<!tpu.dma_semaphore, #tpu.memory_space<semaphore_mem>>) src(%dma_wait3A_150 : memref<256x16xf32, #tpu.memory_space<vmem>>) dst(%dma_wait3A_147 : memref<256x16xf32, #tpu.memory_space<vmem_shared>>)
      tpu.yield
    }) : () -> ()
    %barrier3A = arith.constant 0 : index
    tpu.barrier barrier_id(%barrier3A)
    %scan3A_48 = arith.constant 0 : i32
    %scan3A_49 = arith.constant 0 : i32
    %scan3A_50 = arith.constant 25 : i32
    %scan3A_51 = arith.addi %scan3A_49, %scan3A_50 : i32
    %scan3A_52 = arith.constant 1 : i32
    %scan3A_53 = scf.for %scan3A_133 = %scan3A_49 to %scan3A_51 step %scan3A_52 iter_args(%scan3A_134 = %scan3A_48) -> (i32)  : i32 {
      %mul3A_135 = arith.constant 2000 : i32
      %mul3A_136 = arith.muli %scan3A_133, %mul3A_135 : i32
      %add3A_137 = arith.addi %add3A, %mul3A_136 : i32
      %multiple_of3A_138 = tpu.assume_multiple %add3A_137, 8 : i32
      "tpu.region"() ({
        %run_scoped3A = tpu.sem_alloc : memref<!tpu.dma_semaphore, #tpu.memory_space<semaphore_mem>>
        %dma_start3A_257 = tpu.memref_slice %arg3[%multiple_of3A_138] : memref<1600000xi32, #tpu.memory_space<hbm>> -> memref<2000xi32, #tpu.memory_space<hbm>>
        %dma_start3A_258 = tpu.memref_slice %arg3[%multiple_of3A_138] : memref<1600000xi32, #tpu.memory_space<hbm>> -> memref<2000xi32, #tpu.memory_space<hbm>>
        tpu.enqueue_dma source(%dma_start3A_258 : memref<2000xi32, #tpu.memory_space<hbm>>) target(%arg6 : memref<2000xi32, #tpu.memory_space<vmem>>) target_semaphore(%run_scoped3A : memref<!tpu.dma_semaphore, #tpu.memory_space<semaphore_mem>>)
        %dma_wait3A_259 = tpu.memref_slice %arg3[%multiple_of3A_138] : memref<1600000xi32, #tpu.memory_space<hbm>> -> memref<2000xi32, #tpu.memory_space<hbm>>
        %dma_wait3A_260 = tpu.memref_slice %arg3[%multiple_of3A_138] : memref<1600000xi32, #tpu.memory_space<hbm>> -> memref<2000xi32, #tpu.memory_space<hbm>>
        tpu.wait_dma2 semaphore(%run_scoped3A : memref<!tpu.dma_semaphore, #tpu.memory_space<semaphore_mem>>) src(%dma_wait3A_260 : memref<2000xi32, #tpu.memory_space<hbm>>) dst(%arg6 : memref<2000xi32, #tpu.memory_space<vmem>>)
        tpu.yield
      }) : () -> ()
      "tpu.region"() ({
        %run_scoped3A = tpu.sem_alloc : memref<!tpu.dma_semaphore, #tpu.memory_space<semaphore_mem>>
        %dma_start3A_257 = tpu.memref_slice %arg4[%multiple_of3A_138] : memref<1600000xi32, #tpu.memory_space<hbm>> -> memref<2000xi32, #tpu.memory_space<hbm>>
        %dma_start3A_258 = tpu.memref_slice %arg4[%multiple_of3A_138] : memref<1600000xi32, #tpu.memory_space<hbm>> -> memref<2000xi32, #tpu.memory_space<hbm>>
        tpu.enqueue_dma source(%dma_start3A_258 : memref<2000xi32, #tpu.memory_space<hbm>>) target(%arg7 : memref<2000xi32, #tpu.memory_space<vmem>>) target_semaphore(%run_scoped3A : memref<!tpu.dma_semaphore, #tpu.memory_space<semaphore_mem>>)
        %dma_wait3A_259 = tpu.memref_slice %arg4[%multiple_of3A_138] : memref<1600000xi32, #tpu.memory_space<hbm>> -> memref<2000xi32, #tpu.memory_space<hbm>>
        %dma_wait3A_260 = tpu.memref_slice %arg4[%multiple_of3A_138] : memref<1600000xi32, #tpu.memory_space<hbm>> -> memref<2000xi32, #tpu.memory_space<hbm>>
        tpu.wait_dma2 semaphore(%run_scoped3A : memref<!tpu.dma_semaphore, #tpu.memory_space<semaphore_mem>>) src(%dma_wait3A_260 : memref<2000xi32, #tpu.memory_space<hbm>>) dst(%arg7 : memref<2000xi32, #tpu.memory_space<vmem>>)
        tpu.yield
      }) : () -> ()
      %multiple_of3A_139 = arith.constant 0 : i32
      %multiple_of3A_140 = tpu.assume_multiple %multiple_of3A_139, 8 : i32
      %add3A_141 = arith.constant 0 : i32
      %add3A_142 = arith.addi %multiple_of3A_140, %add3A_141 : i32
      %get3A = arith.index_cast %add3A_142 : i32 to index
      %get3A_143 = tpu.vector_load %arg7[%get3A] {strides = array<i32>} : memref<2000xi32, #tpu.memory_space<vmem>>, vector<16xi32>,
      %get3A_144 = vector.shape_cast %get3A_143 : vector<16xi32> to vector<16xi32>
      %swap3A = arith.constant 0 : index
      %swap3A_145 = tpu.vector_load %arg12[%swap3A] {strides = array<i32>} : memref<80xi32, #tpu.memory_space<vmem>>, vector<16xi32>,
      %swap3A_146 = vector.shape_cast %swap3A_145 : vector<16xi32> to vector<16xi32>
      %swap3A_147 = vector.shape_cast %get3A_144 : vector<16xi32> to vector<16xi32>
      tpu.vector_store %arg12[%swap3A], %swap3A_147 {strides = array<i32>} : memref<80xi32, #tpu.memory_space<vmem>>, vector<16xi32>,
      %add3A_148 = arith.constant 16 : i32
      %add3A_149 = arith.addi %multiple_of3A_140, %add3A_148 : i32
      %get3A_150 = arith.index_cast %add3A_149 : i32 to index
      %get3A_151 = tpu.vector_load %arg7[%get3A_150] {strides = array<i32>} : memref<2000xi32, #tpu.memory_space<vmem>>, vector<16xi32>,
      %get3A_152 = vector.shape_cast %get3A_151 : vector<16xi32> to vector<16xi32>
      %swap3A_153 = arith.constant 16 : index
      %swap3A_154 = tpu.vector_load %arg12[%swap3A_153] {strides = array<i32>} : memref<80xi32, #tpu.memory_space<vmem>>, vector<16xi32>,
      %swap3A_155 = vector.shape_cast %swap3A_154 : vector<16xi32> to vector<16xi32>
      %swap3A_156 = vector.shape_cast %get3A_152 : vector<16xi32> to vector<16xi32>
      tpu.vector_store %arg12[%swap3A_153], %swap3A_156 {strides = array<i32>} : memref<80xi32, #tpu.memory_space<vmem>>, vector<16xi32>,
      %add3A_157 = arith.constant 32 : i32
      %add3A_158 = arith.addi %multiple_of3A_140, %add3A_157 : i32
      %get3A_159 = arith.index_cast %add3A_158 : i32 to index
      %get3A_160 = tpu.vector_load %arg7[%get3A_159] {strides = array<i32>} : memref<2000xi32, #tpu.memory_space<vmem>>, vector<16xi32>,
      %get3A_161 = vector.shape_cast %get3A_160 : vector<16xi32> to vector<16xi32>
      %swap3A_162 = arith.constant 32 : index
      %swap3A_163 = tpu.vector_load %arg12[%swap3A_162] {strides = array<i32>} : memref<80xi32, #tpu.memory_space<vmem>>, vector<16xi32>,
      %swap3A_164 = vector.shape_cast %swap3A_163 : vector<16xi32> to vector<16xi32>
      %swap3A_165 = vector.shape_cast %get3A_161 : vector<16xi32> to vector<16xi32>
      tpu.vector_store %arg12[%swap3A_162], %swap3A_165 {strides = array<i32>} : memref<80xi32, #tpu.memory_space<vmem>>, vector<16xi32>,
      %add3A_166 = arith.constant 48 : i32
      %add3A_167 = arith.addi %multiple_of3A_140, %add3A_166 : i32
      %get3A_168 = arith.index_cast %add3A_167 : i32 to index
      %get3A_169 = tpu.vector_load %arg7[%get3A_168] {strides = array<i32>} : memref<2000xi32, #tpu.memory_space<vmem>>, vector<16xi32>,
      %get3A_170 = vector.shape_cast %get3A_169 : vector<16xi32> to vector<16xi32>
      %swap3A_171 = arith.constant 48 : index
      %swap3A_172 = tpu.vector_load %arg12[%swap3A_171] {strides = array<i32>} : memref<80xi32, #tpu.memory_space<vmem>>, vector<16xi32>,
      %swap3A_173 = vector.shape_cast %swap3A_172 : vector<16xi32> to vector<16xi32>
      %swap3A_174 = vector.shape_cast %get3A_170 : vector<16xi32> to vector<16xi32>
      tpu.vector_store %arg12[%swap3A_171], %swap3A_174 {strides = array<i32>} : memref<80xi32, #tpu.memory_space<vmem>>, vector<16xi32>,
      %add3A_175 = arith.constant 64 : i32
      %add3A_176 = arith.addi %multiple_of3A_140, %add3A_175 : i32
      %get3A_177 = arith.index_cast %add3A_176 : i32 to index
      %get3A_178 = tpu.vector_load %arg7[%get3A_177] {strides = array<i32>} : memref<2000xi32, #tpu.memory_space<vmem>>, vector<16xi32>,
      %get3A_179 = vector.shape_cast %get3A_178 : vector<16xi32> to vector<16xi32>
      %swap3A_180 = arith.constant 64 : index
      %swap3A_181 = tpu.vector_load %arg12[%swap3A_180] {strides = array<i32>} : memref<80xi32, #tpu.memory_space<vmem>>, vector<16xi32>,
      %swap3A_182 = vector.shape_cast %swap3A_181 : vector<16xi32> to vector<16xi32>
      %swap3A_183 = vector.shape_cast %get3A_179 : vector<16xi32> to vector<16xi32>
      tpu.vector_store %arg12[%swap3A_180], %swap3A_183 {strides = array<i32>} : memref<80xi32, #tpu.memory_space<vmem>>, vector<16xi32>,
      %dma_start3A = tpu.memref_slice %arg6[%multiple_of3A_140] : memref<2000xi32, #tpu.memory_space<vmem>> -> memref<80xi32, #tpu.memory_space<vmem>>
      %dma_start3A_184 = arith.constant 0 : i32
      %dma_start3A_185 = arith.constant 0 : i32
      %dma_start3A_186 = tpu.memref_slice %arg2[%dma_start3A_184, %dma_start3A_185] : memref<100000x16xf32, #tpu.memory_space<hbm>> -> memref<100000x16xf32, #tpu.memory_space<hbm>>
      tpu.enqueue_indirect_dma source(%dma_start3A_186 : memref<100000x16xf32, #tpu.memory_space<hbm>>) target(%arg8 : memref<80x16xf32, #tpu.memory_space<vmem>>) offsets(%dma_start3A : memref<80xi32, #tpu.memory_space<vmem>>) semaphore(%arg18 : memref<!tpu.dma_semaphore, #tpu.memory_space<semaphore_mem>>)
      %multiple_of3A_187 = arith.constant 80 : i32
      %multiple_of3A_188 = tpu.assume_multiple %multiple_of3A_187, 8 : i32
      %add3A_189 = arith.constant 0 : i32
      %add3A_190 = arith.addi %multiple_of3A_188, %add3A_189 : i32
      %get3A_191 = arith.index_cast %add3A_190 : i32 to index
      %get3A_192 = tpu.vector_load %arg7[%get3A_191] {strides = array<i32>} : memref<2000xi32, #tpu.memory_space<vmem>>, vector<16xi32>,
      %get3A_193 = vector.shape_cast %get3A_192 : vector<16xi32> to vector<16xi32>
      %swap3A_194 = arith.constant 0 : index
      %swap3A_195 = tpu.vector_load %arg13[%swap3A_194] {strides = array<i32>} : memref<80xi32, #tpu.memory_space<vmem>>, vector<16xi32>,
      %swap3A_196 = vector.shape_cast %swap3A_195 : vector<16xi32> to vector<16xi32>
      %swap3A_197 = vector.shape_cast %get3A_193 : vector<16xi32> to vector<16xi32>
      tpu.vector_store %arg13[%swap3A_194], %swap3A_197 {strides = array<i32>} : memref<80xi32, #tpu.memory_space<vmem>>, vector<16xi32>,
      %add3A_198 = arith.constant 16 : i32
      %add3A_199 = arith.addi %multiple_of3A_188, %add3A_198 : i32
      %get3A_200 = arith.index_cast %add3A_199 : i32 to index
      %get3A_201 = tpu.vector_load %arg7[%get3A_200] {strides = array<i32>} : memref<2000xi32, #tpu.memory_space<vmem>>, vector<16xi32>,
      %get3A_202 = vector.shape_cast %get3A_201 : vector<16xi32> to vector<16xi32>
      %swap3A_203 = arith.constant 16 : index
      %swap3A_204 = tpu.vector_load %arg13[%swap3A_203] {strides = array<i32>} : memref<80xi32, #tpu.memory_space<vmem>>, vector<16xi32>,
      %swap3A_205 = vector.shape_cast %swap3A_204 : vector<16xi32> to vector<16xi32>
      %swap3A_206 = vector.shape_cast %get3A_202 : vector<16xi32> to vector<16xi32>
      tpu.vector_store %arg13[%swap3A_203], %swap3A_206 {strides = array<i32>} : memref<80xi32, #tpu.memory_space<vmem>>, vector<16xi32>,
      %add3A_207 = arith.constant 32 : i32
      %add3A_208 = arith.addi %multiple_of3A_188, %add3A_207 : i32
      %get3A_209 = arith.index_cast %add3A_208 : i32 to index
      %get3A_210 = tpu.vector_load %arg7[%get3A_209] {strides = array<i32>} : memref<2000xi32, #tpu.memory_space<vmem>>, vector<16xi32>,
      %get3A_211 = vector.shape_cast %get3A_210 : vector<16xi32> to vector<16xi32>
      %swap3A_212 = arith.constant 32 : index
      %swap3A_213 = tpu.vector_load %arg13[%swap3A_212] {strides = array<i32>} : memref<80xi32, #tpu.memory_space<vmem>>, vector<16xi32>,
      %swap3A_214 = vector.shape_cast %swap3A_213 : vector<16xi32> to vector<16xi32>
      %swap3A_215 = vector.shape_cast %get3A_211 : vector<16xi32> to vector<16xi32>
      tpu.vector_store %arg13[%swap3A_212], %swap3A_215 {strides = array<i32>} : memref<80xi32, #tpu.memory_space<vmem>>, vector<16xi32>,
      %add3A_216 = arith.constant 48 : i32
      %add3A_217 = arith.addi %multiple_of3A_188, %add3A_216 : i32
      %get3A_218 = arith.index_cast %add3A_217 : i32 to index
      %get3A_219 = tpu.vector_load %arg7[%get3A_218] {strides = array<i32>} : memref<2000xi32, #tpu.memory_space<vmem>>, vector<16xi32>,
      %get3A_220 = vector.shape_cast %get3A_219 : vector<16xi32> to vector<16xi32>
      %swap3A_221 = arith.constant 48 : index
      %swap3A_222 = tpu.vector_load %arg13[%swap3A_221] {strides = array<i32>} : memref<80xi32, #tpu.memory_space<vmem>>, vector<16xi32>,
      %swap3A_223 = vector.shape_cast %swap3A_222 : vector<16xi32> to vector<16xi32>
      %swap3A_224 = vector.shape_cast %get3A_220 : vector<16xi32> to vector<16xi32>
      tpu.vector_store %arg13[%swap3A_221], %swap3A_224 {strides = array<i32>} : memref<80xi32, #tpu.memory_space<vmem>>, vector<16xi32>,
      %add3A_225 = arith.constant 64 : i32
      %add3A_226 = arith.addi %multiple_of3A_188, %add3A_225 : i32
      %get3A_227 = arith.index_cast %add3A_226 : i32 to index
      %get3A_228 = tpu.vector_load %arg7[%get3A_227] {strides = array<i32>} : memref<2000xi32, #tpu.memory_space<vmem>>, vector<16xi32>,
      %get3A_229 = vector.shape_cast %get3A_228 : vector<16xi32> to vector<16xi32>
      %swap3A_230 = arith.constant 64 : index
      %swap3A_231 = tpu.vector_load %arg13[%swap3A_230] {strides = array<i32>} : memref<80xi32, #tpu.memory_space<vmem>>, vector<16xi32>,
      %swap3A_232 = vector.shape_cast %swap3A_231 : vector<16xi32> to vector<16xi32>
      %swap3A_233 = vector.shape_cast %get3A_229 : vector<16xi32> to vector<16xi32>
      tpu.vector_store %arg13[%swap3A_230], %swap3A_233 {strides = array<i32>} : memref<80xi32, #tpu.memory_space<vmem>>, vector<16xi32>,
      %dma_start3A_234 = tpu.memref_slice %arg6[%multiple_of3A_188] : memref<2000xi32, #tpu.memory_space<vmem>> -> memref<80xi32, #tpu.memory_space<vmem>>
      %dma_start3A_235 = arith.constant 0 : i32
      %dma_start3A_236 = arith.constant 0 : i32
      %dma_start3A_237 = tpu.memref_slice %arg2[%dma_start3A_235, %dma_start3A_236] : memref<100000x16xf32, #tpu.memory_space<hbm>> -> memref<100000x16xf32, #tpu.memory_space<hbm>>
      tpu.enqueue_indirect_dma source(%dma_start3A_237 : memref<100000x16xf32, #tpu.memory_space<hbm>>) target(%arg9 : memref<80x16xf32, #tpu.memory_space<vmem>>) offsets(%dma_start3A_234 : memref<80xi32, #tpu.memory_space<vmem>>) semaphore(%arg19 : memref<!tpu.dma_semaphore, #tpu.memory_space<semaphore_mem>>)
      %scan3A_238 = arith.constant 0 : i32
      %scan3A_239 = arith.constant 0 : i32
      %scan3A_240 = arith.constant 7 : i32
      %scan3A_241 = arith.addi %scan3A_239, %scan3A_240 : i32
      %scan3A_242 = arith.constant 1 : i32
      %scan3A_243 = scf.for %scan3A_257 = %scan3A_239 to %scan3A_241 step %scan3A_242 iter_args(%scan3A_258 = %scan3A_238) -> (i32)  : i32 {
        %mul3A_259 = arith.constant 4 : i32
        %mul3A_260 = arith.muli %mul3A_259, %scan3A_257 : i32
        %add3A_261 = arith.constant 0 : i32
        %add3A_262 = arith.addi %mul3A_260, %add3A_261 : i32
        %lt3A_263 = arith.constant 25 : i32
        %lt3A_264 = arith.cmpi slt, %add3A_262, %lt3A_263 : i32
        %convert_element_type3A_265 = arith.extui %lt3A_264 : i1 to i32
        %cond3A_266 = arith.constant 0 : i32
        %cond3A_267 = arith.cmpi ne, %convert_element_type3A_265, %cond3A_266 : i32
        scf.if %cond3A_267 {
          %dma_wait3A_296 = arith.constant 0 : i32
          %dma_wait3A_297 = tpu.memref_slice %arg6[%dma_wait3A_296] : memref<2000xi32, #tpu.memory_space<vmem>> -> memref<80xi32, #tpu.memory_space<vmem>>
          %dma_wait3A_298 = arith.constant 0 : i32
          %dma_wait3A_299 = arith.constant 0 : i32
          %dma_wait3A_300 = tpu.memref_slice %arg2[%dma_wait3A_298, %dma_wait3A_299] : memref<100000x16xf32, #tpu.memory_space<hbm>> -> memref<100000x16xf32, #tpu.memory_space<hbm>>
          tpu.wait_indirect_dma semaphore(%arg18 : memref<!tpu.dma_semaphore, #tpu.memory_space<semaphore_mem>>) src(%dma_wait3A_300 : memref<100000x16xf32, #tpu.memory_space<hbm>>) dst(%arg8 : memref<80x16xf32, #tpu.memory_space<vmem>>)
          %dma_start3A_301 = arith.constant 0 : i32
          %dma_start3A_302 = arith.constant 0 : i32
          %dma_start3A_303 = tpu.memref_slice %arg17[%dma_start3A_301, %dma_start3A_302] : memref<100096x16xf32, #tpu.memory_space<vmem_shared>> -> memref<100096x16xf32, #tpu.memory_space<vmem_shared>>
          tpu.enqueue_indirect_dma source(%arg8 : memref<80x16xf32, #tpu.memory_space<vmem>>) target(%dma_start3A_303 : memref<100096x16xf32, #tpu.memory_space<vmem_shared>>) offsets(%arg12 : memref<80xi32, #tpu.memory_space<vmem>>) semaphore(%arg22 : memref<!tpu.dma_semaphore, #tpu.memory_space<semaphore_mem>>) {add = true}
          %add3A_304 = arith.constant 2 : i32
          %add3A_305 = arith.addi %add3A_262, %add3A_304 : i32
          %lt3A_306 = arith.constant 25 : i32
          %lt3A_307 = arith.cmpi slt, %add3A_305, %lt3A_306 : i32
          %convert_element_type3A_308 = arith.extui %lt3A_307 : i1 to i32
          %cond3A_309 = arith.constant 0 : i32
          %cond3A_310 = arith.cmpi ne, %convert_element_type3A_308, %cond3A_309 : i32
          scf.if %cond3A_310 {
            %ge3A = arith.constant 2 : i32
            %ge3A_311 = arith.cmpi sge, %add3A_262, %ge3A : i32
            %convert_element_type3A_312 = arith.extui %ge3A_311 : i1 to i32
            %cond3A_313 = arith.constant 0 : i32
            %cond3A_314 = arith.cmpi ne, %convert_element_type3A_312, %cond3A_313 : i32
            scf.if %cond3A_314 {
              %dma_wait3A_367 = arith.constant 0 : i32
              %dma_wait3A_368 = arith.constant 0 : i32
              %dma_wait3A_369 = tpu.memref_slice %arg17[%dma_wait3A_367, %dma_wait3A_368] : memref<100096x16xf32, #tpu.memory_space<vmem_shared>> -> memref<100096x16xf32, #tpu.memory_space<vmem_shared>>
              tpu.wait_indirect_dma semaphore(%arg24 : memref<!tpu.dma_semaphore, #tpu.memory_space<semaphore_mem>>) src(%arg10 : memref<80x16xf32, #tpu.memory_space<vmem>>) dst(%dma_wait3A_369 : memref<100096x16xf32, #tpu.memory_space<vmem_shared>>)
            } else {
            }
            %mul3A_315 = arith.constant 80 : i32
            %mul3A_316 = arith.muli %add3A_305, %mul3A_315 : i32
            %multiple_of3A_317 = tpu.assume_multiple %mul3A_316, 8 : i32
            %add3A_318 = arith.constant 0 : i32
            %add3A_319 = arith.addi %multiple_of3A_317, %add3A_318 : i32
            %get3A_320 = arith.index_cast %add3A_319 : i32 to index
            %get3A_321 = tpu.vector_load %arg7[%get3A_320] {strides = array<i32>} : memref<2000xi32, #tpu.memory_space<vmem>>, vector<16xi32>,
            %get3A_322 = vector.shape_cast %get3A_321 : vector<16xi32> to vector<16xi32>
            %swap3A_323 = arith.constant 0 : index
            %swap3A_324 = tpu.vector_load %arg14[%swap3A_323] {strides = array<i32>} : memref<80xi32, #tpu.memory_space<vmem>>, vector<16xi32>,
            %swap3A_325 = vector.shape_cast %swap3A_324 : vector<16xi32> to vector<16xi32>
            %swap3A_326 = vector.shape_cast %get3A_322 : vector<16xi32> to vector<16xi32>
            tpu.vector_store %arg14[%swap3A_323], %swap3A_326 {strides = array<i32>} : memref<80xi32, #tpu.memory_space<vmem>>, vector<16xi32>,
            %add3A_327 = arith.constant 16 : i32
            %add3A_328 = arith.addi %multiple_of3A_317, %add3A_327 : i32
            %get3A_329 = arith.index_cast %add3A_328 : i32 to index
            %get3A_330 = tpu.vector_load %arg7[%get3A_329] {strides = array<i32>} : memref<2000xi32, #tpu.memory_space<vmem>>, vector<16xi32>,
            %get3A_331 = vector.shape_cast %get3A_330 : vector<16xi32> to vector<16xi32>
            %swap3A_332 = arith.constant 16 : index
            %swap3A_333 = tpu.vector_load %arg14[%swap3A_332] {strides = array<i32>} : memref<80xi32, #tpu.memory_space<vmem>>, vector<16xi32>,
            %swap3A_334 = vector.shape_cast %swap3A_333 : vector<16xi32> to vector<16xi32>
            %swap3A_335 = vector.shape_cast %get3A_331 : vector<16xi32> to vector<16xi32>
            tpu.vector_store %arg14[%swap3A_332], %swap3A_335 {strides = array<i32>} : memref<80xi32, #tpu.memory_space<vmem>>, vector<16xi32>,
            %add3A_336 = arith.constant 32 : i32
            %add3A_337 = arith.addi %multiple_of3A_317, %add3A_336 : i32
            %get3A_338 = arith.index_cast %add3A_337 : i32 to index
            %get3A_339 = tpu.vector_load %arg7[%get3A_338] {strides = array<i32>} : memref<2000xi32, #tpu.memory_space<vmem>>, vector<16xi32>,
            %get3A_340 = vector.shape_cast %get3A_339 : vector<16xi32> to vector<16xi32>
            %swap3A_341 = arith.constant 32 : index
            %swap3A_342 = tpu.vector_load %arg14[%swap3A_341] {strides = array<i32>} : memref<80xi32, #tpu.memory_space<vmem>>, vector<16xi32>,
            %swap3A_343 = vector.shape_cast %swap3A_342 : vector<16xi32> to vector<16xi32>
            %swap3A_344 = vector.shape_cast %get3A_340 : vector<16xi32> to vector<16xi32>
            tpu.vector_store %arg14[%swap3A_341], %swap3A_344 {strides = array<i32>} : memref<80xi32, #tpu.memory_space<vmem>>, vector<16xi32>,
            %add3A_345 = arith.constant 48 : i32
            %add3A_346 = arith.addi %multiple_of3A_317, %add3A_345 : i32
            %get3A_347 = arith.index_cast %add3A_346 : i32 to index
            %get3A_348 = tpu.vector_load %arg7[%get3A_347] {strides = array<i32>} : memref<2000xi32, #tpu.memory_space<vmem>>, vector<16xi32>,
            %get3A_349 = vector.shape_cast %get3A_348 : vector<16xi32> to vector<16xi32>
            %swap3A_350 = arith.constant 48 : index
            %swap3A_351 = tpu.vector_load %arg14[%swap3A_350] {strides = array<i32>} : memref<80xi32, #tpu.memory_space<vmem>>, vector<16xi32>,
            %swap3A_352 = vector.shape_cast %swap3A_351 : vector<16xi32> to vector<16xi32>
            %swap3A_353 = vector.shape_cast %get3A_349 : vector<16xi32> to vector<16xi32>
            tpu.vector_store %arg14[%swap3A_350], %swap3A_353 {strides = array<i32>} : memref<80xi32, #tpu.memory_space<vmem>>, vector<16xi32>,
            %add3A_354 = arith.constant 64 : i32
            %add3A_355 = arith.addi %multiple_of3A_317, %add3A_354 : i32
            %get3A_356 = arith.index_cast %add3A_355 : i32 to index
            %get3A_357 = tpu.vector_load %arg7[%get3A_356] {strides = array<i32>} : memref<2000xi32, #tpu.memory_space<vmem>>, vector<16xi32>,
            %get3A_358 = vector.shape_cast %get3A_357 : vector<16xi32> to vector<16xi32>
            %swap3A_359 = arith.constant 64 : index
            %swap3A_360 = tpu.vector_load %arg14[%swap3A_359] {strides = array<i32>} : memref<80xi32, #tpu.memory_space<vmem>>, vector<16xi32>,
            %swap3A_361 = vector.shape_cast %swap3A_360 : vector<16xi32> to vector<16xi32>
            %swap3A_362 = vector.shape_cast %get3A_358 : vector<16xi32> to vector<16xi32>
            tpu.vector_store %arg14[%swap3A_359], %swap3A_362 {strides = array<i32>} : memref<80xi32, #tpu.memory_space<vmem>>, vector<16xi32>,
            %dma_start3A_363 = tpu.memref_slice %arg6[%multiple_of3A_317] : memref<2000xi32, #tpu.memory_space<vmem>> -> memref<80xi32, #tpu.memory_space<vmem>>
            %dma_start3A_364 = arith.constant 0 : i32
            %dma_start3A_365 = arith.constant 0 : i32
            %dma_start3A_366 = tpu.memref_slice %arg2[%dma_start3A_364, %dma_start3A_365] : memref<100000x16xf32, #tpu.memory_space<hbm>> -> memref<100000x16xf32, #tpu.memory_space<hbm>>
            tpu.enqueue_indirect_dma source(%dma_start3A_366 : memref<100000x16xf32, #tpu.memory_space<hbm>>) target(%arg10 : memref<80x16xf32, #tpu.memory_space<vmem>>) offsets(%dma_start3A_363 : memref<80xi32, #tpu.memory_space<vmem>>) semaphore(%arg20 : memref<!tpu.dma_semaphore, #tpu.memory_space<semaphore_mem>>)
          } else {
          }
        } else {
        }
        %mul3A_268 = arith.constant 4 : i32
        %mul3A_269 = arith.muli %mul3A_268, %scan3A_257 : i32
        %add3A_270 = arith.constant 1 : i32
        %add3A_271 = arith.addi %mul3A_269, %add3A_270 : i32
        %lt3A_272 = arith.constant 25 : i32
        %lt3A_273 = arith.cmpi slt, %add3A_271, %lt3A_272 : i32
        %convert_element_type3A_274 = arith.extui %lt3A_273 : i1 to i32
        %cond3A_275 = arith.constant 0 : i32
        %cond3A_276 = arith.cmpi ne, %convert_element_type3A_274, %cond3A_275 : i32
        scf.if %cond3A_276 {
          %dma_wait3A_296 = arith.constant 0 : i32
          %dma_wait3A_297 = tpu.memref_slice %arg6[%dma_wait3A_296] : memref<2000xi32, #tpu.memory_space<vmem>> -> memref<80xi32, #tpu.memory_space<vmem>>
          %dma_wait3A_298 = arith.constant 0 : i32
          %dma_wait3A_299 = arith.constant 0 : i32
          %dma_wait3A_300 = tpu.memref_slice %arg2[%dma_wait3A_298, %dma_wait3A_299] : memref<100000x16xf32, #tpu.memory_space<hbm>> -> memref<100000x16xf32, #tpu.memory_space<hbm>>
          tpu.wait_indirect_dma semaphore(%arg19 : memref<!tpu.dma_semaphore, #tpu.memory_space<semaphore_mem>>) src(%dma_wait3A_300 : memref<100000x16xf32, #tpu.memory_space<hbm>>) dst(%arg9 : memref<80x16xf32, #tpu.memory_space<vmem>>)
          %dma_start3A_301 = arith.constant 0 : i32
          %dma_start3A_302 = arith.constant 0 : i32
          %dma_start3A_303 = tpu.memref_slice %arg17[%dma_start3A_301, %dma_start3A_302] : memref<100096x16xf32, #tpu.memory_space<vmem_shared>> -> memref<100096x16xf32, #tpu.memory_space<vmem_shared>>
          tpu.enqueue_indirect_dma source(%arg9 : memref<80x16xf32, #tpu.memory_space<vmem>>) target(%dma_start3A_303 : memref<100096x16xf32, #tpu.memory_space<vmem_shared>>) offsets(%arg13 : memref<80xi32, #tpu.memory_space<vmem>>) semaphore(%arg23 : memref<!tpu.dma_semaphore, #tpu.memory_space<semaphore_mem>>) {add = true}
          %add3A_304 = arith.constant 2 : i32
          %add3A_305 = arith.addi %add3A_271, %add3A_304 : i32
          %lt3A_306 = arith.constant 25 : i32
          %lt3A_307 = arith.cmpi slt, %add3A_305, %lt3A_306 : i32
          %convert_element_type3A_308 = arith.extui %lt3A_307 : i1 to i32
          %cond3A_309 = arith.constant 0 : i32
          %cond3A_310 = arith.cmpi ne, %convert_element_type3A_308, %cond3A_309 : i32
          scf.if %cond3A_310 {
            %ge3A = arith.constant 2 : i32
            %ge3A_311 = arith.cmpi sge, %add3A_271, %ge3A : i32
            %convert_element_type3A_312 = arith.extui %ge3A_311 : i1 to i32
            %cond3A_313 = arith.constant 0 : i32
            %cond3A_314 = arith.cmpi ne, %convert_element_type3A_312, %cond3A_313 : i32
            scf.if %cond3A_314 {
              %dma_wait3A_367 = arith.constant 0 : i32
              %dma_wait3A_368 = arith.constant 0 : i32
              %dma_wait3A_369 = tpu.memref_slice %arg17[%dma_wait3A_367, %dma_wait3A_368] : memref<100096x16xf32, #tpu.memory_space<vmem_shared>> -> memref<100096x16xf32, #tpu.memory_space<vmem_shared>>
              tpu.wait_indirect_dma semaphore(%arg25 : memref<!tpu.dma_semaphore, #tpu.memory_space<semaphore_mem>>) src(%arg11 : memref<80x16xf32, #tpu.memory_space<vmem>>) dst(%dma_wait3A_369 : memref<100096x16xf32, #tpu.memory_space<vmem_shared>>)
            } else {
            }
            %mul3A_315 = arith.constant 80 : i32
            %mul3A_316 = arith.muli %add3A_305, %mul3A_315 : i32
            %multiple_of3A_317 = tpu.assume_multiple %mul3A_316, 8 : i32
            %add3A_318 = arith.constant 0 : i32
            %add3A_319 = arith.addi %multiple_of3A_317, %add3A_318 : i32
            %get3A_320 = arith.index_cast %add3A_319 : i32 to index
            %get3A_321 = tpu.vector_load %arg7[%get3A_320] {strides = array<i32>} : memref<2000xi32, #tpu.memory_space<vmem>>, vector<16xi32>,
            %get3A_322 = vector.shape_cast %get3A_321 : vector<16xi32> to vector<16xi32>
            %swap3A_323 = arith.constant 0 : index
            %swap3A_324 = tpu.vector_load %arg15[%swap3A_323] {strides = array<i32>} : memref<80xi32, #tpu.memory_space<vmem>>, vector<16xi32>,
            %swap3A_325 = vector.shape_cast %swap3A_324 : vector<16xi32> to vector<16xi32>
            %swap3A_326 = vector.shape_cast %get3A_322 : vector<16xi32> to vector<16xi32>
            tpu.vector_store %arg15[%swap3A_323], %swap3A_326 {strides = array<i32>} : memref<80xi32, #tpu.memory_space<vmem>>, vector<16xi32>,
            %add3A_327 = arith.constant 16 : i32
            %add3A_328 = arith.addi %multiple_of3A_317, %add3A_327 : i32
            %get3A_329 = arith.index_cast %add3A_328 : i32 to index
            %get3A_330 = tpu.vector_load %arg7[%get3A_329] {strides = array<i32>} : memref<2000xi32, #tpu.memory_space<vmem>>, vector<16xi32>,
            %get3A_331 = vector.shape_cast %get3A_330 : vector<16xi32> to vector<16xi32>
            %swap3A_332 = arith.constant 16 : index
            %swap3A_333 = tpu.vector_load %arg15[%swap3A_332] {strides = array<i32>} : memref<80xi32, #tpu.memory_space<vmem>>, vector<16xi32>,
            %swap3A_334 = vector.shape_cast %swap3A_333 : vector<16xi32> to vector<16xi32>
            %swap3A_335 = vector.shape_cast %get3A_331 : vector<16xi32> to vector<16xi32>
            tpu.vector_store %arg15[%swap3A_332], %swap3A_335 {strides = array<i32>} : memref<80xi32, #tpu.memory_space<vmem>>, vector<16xi32>,
            %add3A_336 = arith.constant 32 : i32
            %add3A_337 = arith.addi %multiple_of3A_317, %add3A_336 : i32
            %get3A_338 = arith.index_cast %add3A_337 : i32 to index
            %get3A_339 = tpu.vector_load %arg7[%get3A_338] {strides = array<i32>} : memref<2000xi32, #tpu.memory_space<vmem>>, vector<16xi32>,
            %get3A_340 = vector.shape_cast %get3A_339 : vector<16xi32> to vector<16xi32>
            %swap3A_341 = arith.constant 32 : index
            %swap3A_342 = tpu.vector_load %arg15[%swap3A_341] {strides = array<i32>} : memref<80xi32, #tpu.memory_space<vmem>>, vector<16xi32>,
            %swap3A_343 = vector.shape_cast %swap3A_342 : vector<16xi32> to vector<16xi32>
            %swap3A_344 = vector.shape_cast %get3A_340 : vector<16xi32> to vector<16xi32>
            tpu.vector_store %arg15[%swap3A_341], %swap3A_344 {strides = array<i32>} : memref<80xi32, #tpu.memory_space<vmem>>, vector<16xi32>,
            %add3A_345 = arith.constant 48 : i32
            %add3A_346 = arith.addi %multiple_of3A_317, %add3A_345 : i32
            %get3A_347 = arith.index_cast %add3A_346 : i32 to index
            %get3A_348 = tpu.vector_load %arg7[%get3A_347] {strides = array<i32>} : memref<2000xi32, #tpu.memory_space<vmem>>, vector<16xi32>,
            %get3A_349 = vector.shape_cast %get3A_348 : vector<16xi32> to vector<16xi32>
            %swap3A_350 = arith.constant 48 : index
            %swap3A_351 = tpu.vector_load %arg15[%swap3A_350] {strides = array<i32>} : memref<80xi32, #tpu.memory_space<vmem>>, vector<16xi32>,
            %swap3A_352 = vector.shape_cast %swap3A_351 : vector<16xi32> to vector<16xi32>
            %swap3A_353 = vector.shape_cast %get3A_349 : vector<16xi32> to vector<16xi32>
            tpu.vector_store %arg15[%swap3A_350], %swap3A_353 {strides = array<i32>} : memref<80xi32, #tpu.memory_space<vmem>>, vector<16xi32>,
            %add3A_354 = arith.constant 64 : i32
            %add3A_355 = arith.addi %multiple_of3A_317, %add3A_354 : i32
            %get3A_356 = arith.index_cast %add3A_355 : i32 to index
            %get3A_357 = tpu.vector_load %arg7[%get3A_356] {strides = array<i32>} : memref<2000xi32, #tpu.memory_space<vmem>>, vector<16xi32>,
            %get3A_358 = vector.shape_cast %get3A_357 : vector<16xi32> to vector<16xi32>
            %swap3A_359 = arith.constant 64 : index
            %swap3A_360 = tpu.vector_load %arg15[%swap3A_359] {strides = array<i32>} : memref<80xi32, #tpu.memory_space<vmem>>, vector<16xi32>,
            %swap3A_361 = vector.shape_cast %swap3A_360 : vector<16xi32> to vector<16xi32>
            %swap3A_362 = vector.shape_cast %get3A_358 : vector<16xi32> to vector<16xi32>
            tpu.vector_store %arg15[%swap3A_359], %swap3A_362 {strides = array<i32>} : memref<80xi32, #tpu.memory_space<vmem>>, vector<16xi32>,
            %dma_start3A_363 = tpu.memref_slice %arg6[%multiple_of3A_317] : memref<2000xi32, #tpu.memory_space<vmem>> -> memref<80xi32, #tpu.memory_space<vmem>>
            %dma_start3A_364 = arith.constant 0 : i32
            %dma_start3A_365 = arith.constant 0 : i32
            %dma_start3A_366 = tpu.memref_slice %arg2[%dma_start3A_364, %dma_start3A_365] : memref<100000x16xf32, #tpu.memory_space<hbm>> -> memref<100000x16xf32, #tpu.memory_space<hbm>>
            tpu.enqueue_indirect_dma source(%dma_start3A_366 : memref<100000x16xf32, #tpu.memory_space<hbm>>) target(%arg11 : memref<80x16xf32, #tpu.memory_space<vmem>>) offsets(%dma_start3A_363 : memref<80xi32, #tpu.memory_space<vmem>>) semaphore(%arg21 : memref<!tpu.dma_semaphore, #tpu.memory_space<semaphore_mem>>)
          } else {
          }
        } else {
        }
        %mul3A_277 = arith.constant 4 : i32
        %mul3A_278 = arith.muli %mul3A_277, %scan3A_257 : i32
        %add3A_279 = arith.constant 2 : i32
        %add3A_280 = arith.addi %mul3A_278, %add3A_279 : i32
        %lt3A_281 = arith.constant 25 : i32
        %lt3A_282 = arith.cmpi slt, %add3A_280, %lt3A_281 : i32
        %convert_element_type3A_283 = arith.extui %lt3A_282 : i1 to i32
        %cond3A_284 = arith.constant 0 : i32
        %cond3A_285 = arith.cmpi ne, %convert_element_type3A_283, %cond3A_284 : i32
        scf.if %cond3A_285 {
          %dma_wait3A_296 = arith.constant 0 : i32
          %dma_wait3A_297 = tpu.memref_slice %arg6[%dma_wait3A_296] : memref<2000xi32, #tpu.memory_space<vmem>> -> memref<80xi32, #tpu.memory_space<vmem>>
          %dma_wait3A_298 = arith.constant 0 : i32
          %dma_wait3A_299 = arith.constant 0 : i32
          %dma_wait3A_300 = tpu.memref_slice %arg2[%dma_wait3A_298, %dma_wait3A_299] : memref<100000x16xf32, #tpu.memory_space<hbm>> -> memref<100000x16xf32, #tpu.memory_space<hbm>>
          tpu.wait_indirect_dma semaphore(%arg20 : memref<!tpu.dma_semaphore, #tpu.memory_space<semaphore_mem>>) src(%dma_wait3A_300 : memref<100000x16xf32, #tpu.memory_space<hbm>>) dst(%arg10 : memref<80x16xf32, #tpu.memory_space<vmem>>)
          %dma_start3A_301 = arith.constant 0 : i32
          %dma_start3A_302 = arith.constant 0 : i32
          %dma_start3A_303 = tpu.memref_slice %arg17[%dma_start3A_301, %dma_start3A_302] : memref<100096x16xf32, #tpu.memory_space<vmem_shared>> -> memref<100096x16xf32, #tpu.memory_space<vmem_shared>>
          tpu.enqueue_indirect_dma source(%arg10 : memref<80x16xf32, #tpu.memory_space<vmem>>) target(%dma_start3A_303 : memref<100096x16xf32, #tpu.memory_space<vmem_shared>>) offsets(%arg14 : memref<80xi32, #tpu.memory_space<vmem>>) semaphore(%arg24 : memref<!tpu.dma_semaphore, #tpu.memory_space<semaphore_mem>>) {add = true}
          %add3A_304 = arith.constant 2 : i32
          %add3A_305 = arith.addi %add3A_280, %add3A_304 : i32
          %lt3A_306 = arith.constant 25 : i32
          %lt3A_307 = arith.cmpi slt, %add3A_305, %lt3A_306 : i32
          %convert_element_type3A_308 = arith.extui %lt3A_307 : i1 to i32
          %cond3A_309 = arith.constant 0 : i32
          %cond3A_310 = arith.cmpi ne, %convert_element_type3A_308, %cond3A_309 : i32
          scf.if %cond3A_310 {
            %ge3A = arith.constant 2 : i32
            %ge3A_311 = arith.cmpi sge, %add3A_280, %ge3A : i32
            %convert_element_type3A_312 = arith.extui %ge3A_311 : i1 to i32
            %cond3A_313 = arith.constant 0 : i32
            %cond3A_314 = arith.cmpi ne, %convert_element_type3A_312, %cond3A_313 : i32
            scf.if %cond3A_314 {
              %dma_wait3A_367 = arith.constant 0 : i32
              %dma_wait3A_368 = arith.constant 0 : i32
              %dma_wait3A_369 = tpu.memref_slice %arg17[%dma_wait3A_367, %dma_wait3A_368] : memref<100096x16xf32, #tpu.memory_space<vmem_shared>> -> memref<100096x16xf32, #tpu.memory_space<vmem_shared>>
              tpu.wait_indirect_dma semaphore(%arg22 : memref<!tpu.dma_semaphore, #tpu.memory_space<semaphore_mem>>) src(%arg8 : memref<80x16xf32, #tpu.memory_space<vmem>>) dst(%dma_wait3A_369 : memref<100096x16xf32, #tpu.memory_space<vmem_shared>>)
            } else {
            }
            %mul3A_315 = arith.constant 80 : i32
            %mul3A_316 = arith.muli %add3A_305, %mul3A_315 : i32
            %multiple_of3A_317 = tpu.assume_multiple %mul3A_316, 8 : i32
            %add3A_318 = arith.constant 0 : i32
            %add3A_319 = arith.addi %multiple_of3A_317, %add3A_318 : i32
            %get3A_320 = arith.index_cast %add3A_319 : i32 to index
            %get3A_321 = tpu.vector_load %arg7[%get3A_320] {strides = array<i32>} : memref<2000xi32, #tpu.memory_space<vmem>>, vector<16xi32>,
            %get3A_322 = vector.shape_cast %get3A_321 : vector<16xi32> to vector<16xi32>
            %swap3A_323 = arith.constant 0 : index
            %swap3A_324 = tpu.vector_load %arg12[%swap3A_323] {strides = array<i32>} : memref<80xi32, #tpu.memory_space<vmem>>, vector<16xi32>,
            %swap3A_325 = vector.shape_cast %swap3A_324 : vector<16xi32> to vector<16xi32>
            %swap3A_326 = vector.shape_cast %get3A_322 : vector<16xi32> to vector<16xi32>
            tpu.vector_store %arg12[%swap3A_323], %swap3A_326 {strides = array<i32>} : memref<80xi32, #tpu.memory_space<vmem>>, vector<16xi32>,
            %add3A_327 = arith.constant 16 : i32
            %add3A_328 = arith.addi %multiple_of3A_317, %add3A_327 : i32
            %get3A_329 = arith.index_cast %add3A_328 : i32 to index
            %get3A_330 = tpu.vector_load %arg7[%get3A_329] {strides = array<i32>} : memref<2000xi32, #tpu.memory_space<vmem>>, vector<16xi32>,
            %get3A_331 = vector.shape_cast %get3A_330 : vector<16xi32> to vector<16xi32>
            %swap3A_332 = arith.constant 16 : index
            %swap3A_333 = tpu.vector_load %arg12[%swap3A_332] {strides = array<i32>} : memref<80xi32, #tpu.memory_space<vmem>>, vector<16xi32>,
            %swap3A_334 = vector.shape_cast %swap3A_333 : vector<16xi32> to vector<16xi32>
            %swap3A_335 = vector.shape_cast %get3A_331 : vector<16xi32> to vector<16xi32>
            tpu.vector_store %arg12[%swap3A_332], %swap3A_335 {strides = array<i32>} : memref<80xi32, #tpu.memory_space<vmem>>, vector<16xi32>,
            %add3A_336 = arith.constant 32 : i32
            %add3A_337 = arith.addi %multiple_of3A_317, %add3A_336 : i32
            %get3A_338 = arith.index_cast %add3A_337 : i32 to index
            %get3A_339 = tpu.vector_load %arg7[%get3A_338] {strides = array<i32>} : memref<2000xi32, #tpu.memory_space<vmem>>, vector<16xi32>,
            %get3A_340 = vector.shape_cast %get3A_339 : vector<16xi32> to vector<16xi32>
            %swap3A_341 = arith.constant 32 : index
            %swap3A_342 = tpu.vector_load %arg12[%swap3A_341] {strides = array<i32>} : memref<80xi32, #tpu.memory_space<vmem>>, vector<16xi32>,
            %swap3A_343 = vector.shape_cast %swap3A_342 : vector<16xi32> to vector<16xi32>
            %swap3A_344 = vector.shape_cast %get3A_340 : vector<16xi32> to vector<16xi32>
            tpu.vector_store %arg12[%swap3A_341], %swap3A_344 {strides = array<i32>} : memref<80xi32, #tpu.memory_space<vmem>>, vector<16xi32>,
            %add3A_345 = arith.constant 48 : i32
            %add3A_346 = arith.addi %multiple_of3A_317, %add3A_345 : i32
            %get3A_347 = arith.index_cast %add3A_346 : i32 to index
            %get3A_348 = tpu.vector_load %arg7[%get3A_347] {strides = array<i32>} : memref<2000xi32, #tpu.memory_space<vmem>>, vector<16xi32>,
            %get3A_349 = vector.shape_cast %get3A_348 : vector<16xi32> to vector<16xi32>
            %swap3A_350 = arith.constant 48 : index
            %swap3A_351 = tpu.vector_load %arg12[%swap3A_350] {strides = array<i32>} : memref<80xi32, #tpu.memory_space<vmem>>, vector<16xi32>,
            %swap3A_352 = vector.shape_cast %swap3A_351 : vector<16xi32> to vector<16xi32>
            %swap3A_353 = vector.shape_cast %get3A_349 : vector<16xi32> to vector<16xi32>
            tpu.vector_store %arg12[%swap3A_350], %swap3A_353 {strides = array<i32>} : memref<80xi32, #tpu.memory_space<vmem>>, vector<16xi32>,
            %add3A_354 = arith.constant 64 : i32
            %add3A_355 = arith.addi %multiple_of3A_317, %add3A_354 : i32
            %get3A_356 = arith.index_cast %add3A_355 : i32 to index
            %get3A_357 = tpu.vector_load %arg7[%get3A_356] {strides = array<i32>} : memref<2000xi32, #tpu.memory_space<vmem>>, vector<16xi32>,
            %get3A_358 = vector.shape_cast %get3A_357 : vector<16xi32> to vector<16xi32>
            %swap3A_359 = arith.constant 64 : index
            %swap3A_360 = tpu.vector_load %arg12[%swap3A_359] {strides = array<i32>} : memref<80xi32, #tpu.memory_space<vmem>>, vector<16xi32>,
            %swap3A_361 = vector.shape_cast %swap3A_360 : vector<16xi32> to vector<16xi32>
            %swap3A_362 = vector.shape_cast %get3A_358 : vector<16xi32> to vector<16xi32>
            tpu.vector_store %arg12[%swap3A_359], %swap3A_362 {strides = array<i32>} : memref<80xi32, #tpu.memory_space<vmem>>, vector<16xi32>,
            %dma_start3A_363 = tpu.memref_slice %arg6[%multiple_of3A_317] : memref<2000xi32, #tpu.memory_space<vmem>> -> memref<80xi32, #tpu.memory_space<vmem>>
            %dma_start3A_364 = arith.constant 0 : i32
            %dma_start3A_365 = arith.constant 0 : i32
            %dma_start3A_366 = tpu.memref_slice %arg2[%dma_start3A_364, %dma_start3A_365] : memref<100000x16xf32, #tpu.memory_space<hbm>> -> memref<100000x16xf32, #tpu.memory_space<hbm>>
            tpu.enqueue_indirect_dma source(%dma_start3A_366 : memref<100000x16xf32, #tpu.memory_space<hbm>>) target(%arg8 : memref<80x16xf32, #tpu.memory_space<vmem>>) offsets(%dma_start3A_363 : memref<80xi32, #tpu.memory_space<vmem>>) semaphore(%arg18 : memref<!tpu.dma_semaphore, #tpu.memory_space<semaphore_mem>>)
          } else {
          }
        } else {
        }
        %mul3A_286 = arith.constant 4 : i32
        %mul3A_287 = arith.muli %mul3A_286, %scan3A_257 : i32
        %add3A_288 = arith.constant 3 : i32
        %add3A_289 = arith.addi %mul3A_287, %add3A_288 : i32
        %lt3A_290 = arith.constant 25 : i32
        %lt3A_291 = arith.cmpi slt, %add3A_289, %lt3A_290 : i32
        %convert_element_type3A_292 = arith.extui %lt3A_291 : i1 to i32
        %cond3A_293 = arith.constant 0 : i32
        %cond3A_294 = arith.cmpi ne, %convert_element_type3A_292, %cond3A_293 : i32
        scf.if %cond3A_294 {
          %dma_wait3A_296 = arith.constant 0 : i32
          %dma_wait3A_297 = tpu.memref_slice %arg6[%dma_wait3A_296] : memref<2000xi32, #tpu.memory_space<vmem>> -> memref<80xi32, #tpu.memory_space<vmem>>
          %dma_wait3A_298 = arith.constant 0 : i32
          %dma_wait3A_299 = arith.constant 0 : i32
          %dma_wait3A_300 = tpu.memref_slice %arg2[%dma_wait3A_298, %dma_wait3A_299] : memref<100000x16xf32, #tpu.memory_space<hbm>> -> memref<100000x16xf32, #tpu.memory_space<hbm>>
          tpu.wait_indirect_dma semaphore(%arg21 : memref<!tpu.dma_semaphore, #tpu.memory_space<semaphore_mem>>) src(%dma_wait3A_300 : memref<100000x16xf32, #tpu.memory_space<hbm>>) dst(%arg11 : memref<80x16xf32, #tpu.memory_space<vmem>>)
          %dma_start3A_301 = arith.constant 0 : i32
          %dma_start3A_302 = arith.constant 0 : i32
          %dma_start3A_303 = tpu.memref_slice %arg17[%dma_start3A_301, %dma_start3A_302] : memref<100096x16xf32, #tpu.memory_space<vmem_shared>> -> memref<100096x16xf32, #tpu.memory_space<vmem_shared>>
          tpu.enqueue_indirect_dma source(%arg11 : memref<80x16xf32, #tpu.memory_space<vmem>>) target(%dma_start3A_303 : memref<100096x16xf32, #tpu.memory_space<vmem_shared>>) offsets(%arg15 : memref<80xi32, #tpu.memory_space<vmem>>) semaphore(%arg25 : memref<!tpu.dma_semaphore, #tpu.memory_space<semaphore_mem>>) {add = true}
          %add3A_304 = arith.constant 2 : i32
          %add3A_305 = arith.addi %add3A_289, %add3A_304 : i32
          %lt3A_306 = arith.constant 25 : i32
          %lt3A_307 = arith.cmpi slt, %add3A_305, %lt3A_306 : i32
          %convert_element_type3A_308 = arith.extui %lt3A_307 : i1 to i32
          %cond3A_309 = arith.constant 0 : i32
          %cond3A_310 = arith.cmpi ne, %convert_element_type3A_308, %cond3A_309 : i32
          scf.if %cond3A_310 {
            %ge3A = arith.constant 2 : i32
            %ge3A_311 = arith.cmpi sge, %add3A_289, %ge3A : i32
            %convert_element_type3A_312 = arith.extui %ge3A_311 : i1 to i32
            %cond3A_313 = arith.constant 0 : i32
            %cond3A_314 = arith.cmpi ne, %convert_element_type3A_312, %cond3A_313 : i32
            scf.if %cond3A_314 {
              %dma_wait3A_367 = arith.constant 0 : i32
              %dma_wait3A_368 = arith.constant 0 : i32
              %dma_wait3A_369 = tpu.memref_slice %arg17[%dma_wait3A_367, %dma_wait3A_368] : memref<100096x16xf32, #tpu.memory_space<vmem_shared>> -> memref<100096x16xf32, #tpu.memory_space<vmem_shared>>
              tpu.wait_indirect_dma semaphore(%arg23 : memref<!tpu.dma_semaphore, #tpu.memory_space<semaphore_mem>>) src(%arg9 : memref<80x16xf32, #tpu.memory_space<vmem>>) dst(%dma_wait3A_369 : memref<100096x16xf32, #tpu.memory_space<vmem_shared>>)
            } else {
            }
            %mul3A_315 = arith.constant 80 : i32
            %mul3A_316 = arith.muli %add3A_305, %mul3A_315 : i32
            %multiple_of3A_317 = tpu.assume_multiple %mul3A_316, 8 : i32
            %add3A_318 = arith.constant 0 : i32
            %add3A_319 = arith.addi %multiple_of3A_317, %add3A_318 : i32
            %get3A_320 = arith.index_cast %add3A_319 : i32 to index
            %get3A_321 = tpu.vector_load %arg7[%get3A_320] {strides = array<i32>} : memref<2000xi32, #tpu.memory_space<vmem>>, vector<16xi32>,
            %get3A_322 = vector.shape_cast %get3A_321 : vector<16xi32> to vector<16xi32>
            %swap3A_323 = arith.constant 0 : index
            %swap3A_324 = tpu.vector_load %arg13[%swap3A_323] {strides = array<i32>} : memref<80xi32, #tpu.memory_space<vmem>>, vector<16xi32>,
            %swap3A_325 = vector.shape_cast %swap3A_324 : vector<16xi32> to vector<16xi32>
            %swap3A_326 = vector.shape_cast %get3A_322 : vector<16xi32> to vector<16xi32>
            tpu.vector_store %arg13[%swap3A_323], %swap3A_326 {strides = array<i32>} : memref<80xi32, #tpu.memory_space<vmem>>, vector<16xi32>,
            %add3A_327 = arith.constant 16 : i32
            %add3A_328 = arith.addi %multiple_of3A_317, %add3A_327 : i32
            %get3A_329 = arith.index_cast %add3A_328 : i32 to index
            %get3A_330 = tpu.vector_load %arg7[%get3A_329] {strides = array<i32>} : memref<2000xi32, #tpu.memory_space<vmem>>, vector<16xi32>,
            %get3A_331 = vector.shape_cast %get3A_330 : vector<16xi32> to vector<16xi32>
            %swap3A_332 = arith.constant 16 : index
            %swap3A_333 = tpu.vector_load %arg13[%swap3A_332] {strides = array<i32>} : memref<80xi32, #tpu.memory_space<vmem>>, vector<16xi32>,
            %swap3A_334 = vector.shape_cast %swap3A_333 : vector<16xi32> to vector<16xi32>
            %swap3A_335 = vector.shape_cast %get3A_331 : vector<16xi32> to vector<16xi32>
            tpu.vector_store %arg13[%swap3A_332], %swap3A_335 {strides = array<i32>} : memref<80xi32, #tpu.memory_space<vmem>>, vector<16xi32>,
            %add3A_336 = arith.constant 32 : i32
            %add3A_337 = arith.addi %multiple_of3A_317, %add3A_336 : i32
            %get3A_338 = arith.index_cast %add3A_337 : i32 to index
            %get3A_339 = tpu.vector_load %arg7[%get3A_338] {strides = array<i32>} : memref<2000xi32, #tpu.memory_space<vmem>>, vector<16xi32>,
            %get3A_340 = vector.shape_cast %get3A_339 : vector<16xi32> to vector<16xi32>
            %swap3A_341 = arith.constant 32 : index
            %swap3A_342 = tpu.vector_load %arg13[%swap3A_341] {strides = array<i32>} : memref<80xi32, #tpu.memory_space<vmem>>, vector<16xi32>,
            %swap3A_343 = vector.shape_cast %swap3A_342 : vector<16xi32> to vector<16xi32>
            %swap3A_344 = vector.shape_cast %get3A_340 : vector<16xi32> to vector<16xi32>
            tpu.vector_store %arg13[%swap3A_341], %swap3A_344 {strides = array<i32>} : memref<80xi32, #tpu.memory_space<vmem>>, vector<16xi32>,
            %add3A_345 = arith.constant 48 : i32
            %add3A_346 = arith.addi %multiple_of3A_317, %add3A_345 : i32
            %get3A_347 = arith.index_cast %add3A_346 : i32 to index
            %get3A_348 = tpu.vector_load %arg7[%get3A_347] {strides = array<i32>} : memref<2000xi32, #tpu.memory_space<vmem>>, vector<16xi32>,
            %get3A_349 = vector.shape_cast %get3A_348 : vector<16xi32> to vector<16xi32>
            %swap3A_350 = arith.constant 48 : index
            %swap3A_351 = tpu.vector_load %arg13[%swap3A_350] {strides = array<i32>} : memref<80xi32, #tpu.memory_space<vmem>>, vector<16xi32>,
            %swap3A_352 = vector.shape_cast %swap3A_351 : vector<16xi32> to vector<16xi32>
            %swap3A_353 = vector.shape_cast %get3A_349 : vector<16xi32> to vector<16xi32>
            tpu.vector_store %arg13[%swap3A_350], %swap3A_353 {strides = array<i32>} : memref<80xi32, #tpu.memory_space<vmem>>, vector<16xi32>,
            %add3A_354 = arith.constant 64 : i32
            %add3A_355 = arith.addi %multiple_of3A_317, %add3A_354 : i32
            %get3A_356 = arith.index_cast %add3A_355 : i32 to index
            %get3A_357 = tpu.vector_load %arg7[%get3A_356] {strides = array<i32>} : memref<2000xi32, #tpu.memory_space<vmem>>, vector<16xi32>,
            %get3A_358 = vector.shape_cast %get3A_357 : vector<16xi32> to vector<16xi32>
            %swap3A_359 = arith.constant 64 : index
            %swap3A_360 = tpu.vector_load %arg13[%swap3A_359] {strides = array<i32>} : memref<80xi32, #tpu.memory_space<vmem>>, vector<16xi32>,
            %swap3A_361 = vector.shape_cast %swap3A_360 : vector<16xi32> to vector<16xi32>
            %swap3A_362 = vector.shape_cast %get3A_358 : vector<16xi32> to vector<16xi32>
            tpu.vector_store %arg13[%swap3A_359], %swap3A_362 {strides = array<i32>} : memref<80xi32, #tpu.memory_space<vmem>>, vector<16xi32>,
            %dma_start3A_363 = tpu.memref_slice %arg6[%multiple_of3A_317] : memref<2000xi32, #tpu.memory_space<vmem>> -> memref<80xi32, #tpu.memory_space<vmem>>
            %dma_start3A_364 = arith.constant 0 : i32
            %dma_start3A_365 = arith.constant 0 : i32
            %dma_start3A_366 = tpu.memref_slice %arg2[%dma_start3A_364, %dma_start3A_365] : memref<100000x16xf32, #tpu.memory_space<hbm>> -> memref<100000x16xf32, #tpu.memory_space<hbm>>
            tpu.enqueue_indirect_dma source(%dma_start3A_366 : memref<100000x16xf32, #tpu.memory_space<hbm>>) target(%arg9 : memref<80x16xf32, #tpu.memory_space<vmem>>) offsets(%dma_start3A_363 : memref<80xi32, #tpu.memory_space<vmem>>) semaphore(%arg19 : memref<!tpu.dma_semaphore, #tpu.memory_space<semaphore_mem>>)
          } else {
          }
        } else {
        }
        %scan3A_295 = arith.constant 0 : i32
        scf.yield %scan3A_295 : i32
      }
      %scan3A_244 = arith.constant 7 : i32
      %dma_wait3A = arith.constant 0 : i32
      %dma_wait3A_245 = arith.constant 0 : i32
      %dma_wait3A_246 = tpu.memref_slice %arg17[%dma_wait3A, %dma_wait3A_245] : memref<100096x16xf32, #tpu.memory_space<vmem_shared>> -> memref<100096x16xf32, #tpu.memory_space<vmem_shared>>
      tpu.wait_indirect_dma semaphore(%arg23 : memref<!tpu.dma_semaphore, #tpu.memory_space<semaphore_mem>>) src(%arg9 : memref<80x16xf32, #tpu.memory_space<vmem>>) dst(%dma_wait3A_246 : memref<100096x16xf32, #tpu.memory_space<vmem_shared>>)
      %dma_wait3A_247 = arith.constant 0 : i32
      %dma_wait3A_248 = arith.constant 0 : i32
      %dma_wait3A_249 = tpu.memref_slice %arg17[%dma_wait3A_247, %dma_wait3A_248] : memref<100096x16xf32, #tpu.memory_space<vmem_shared>> -> memref<100096x16xf32, #tpu.memory_space<vmem_shared>>
      tpu.wait_indirect_dma semaphore(%arg24 : memref<!tpu.dma_semaphore, #tpu.memory_space<semaphore_mem>>) src(%arg10 : memref<80x16xf32, #tpu.memory_space<vmem>>) dst(%dma_wait3A_249 : memref<100096x16xf32, #tpu.memory_space<vmem_shared>>)
      %dma_wait3A_250 = arith.constant 0 : i32
      %dma_wait3A_251 = arith.constant 0 : i32
      %dma_wait3A_252 = tpu.memref_slice %arg17[%dma_wait3A_250, %dma_wait3A_251] : memref<100096x16xf32, #tpu.memory_space<vmem_shared>> -> memref<100096x16xf32, #tpu.memory_space<vmem_shared>>
      tpu.wait_indirect_dma semaphore(%arg25 : memref<!tpu.dma_semaphore, #tpu.memory_space<semaphore_mem>>) src(%arg11 : memref<80x16xf32, #tpu.memory_space<vmem>>) dst(%dma_wait3A_252 : memref<100096x16xf32, #tpu.memory_space<vmem_shared>>)
      %dma_wait3A_253 = arith.constant 0 : i32
      %dma_wait3A_254 = arith.constant 0 : i32
      %dma_wait3A_255 = tpu.memref_slice %arg17[%dma_wait3A_253, %dma_wait3A_254] : memref<100096x16xf32, #tpu.memory_space<vmem_shared>> -> memref<100096x16xf32, #tpu.memory_space<vmem_shared>>
      tpu.wait_indirect_dma semaphore(%arg22 : memref<!tpu.dma_semaphore, #tpu.memory_space<semaphore_mem>>) src(%arg8 : memref<80x16xf32, #tpu.memory_space<vmem>>) dst(%dma_wait3A_255 : memref<100096x16xf32, #tpu.memory_space<vmem_shared>>)
      %scan3A_256 = arith.constant 0 : i32
      scf.yield %scan3A_256 : i32
    }
    %scan3A_54 = arith.constant 25 : i32
    %barrier3A_55 = arith.constant 0 : index
    tpu.barrier barrier_id(%barrier3A_55)
    %add3A_56 = arith.constant 0 : i32
    %add3A_57 = arith.addi %arg1, %add3A_56 : i32
    %mul3A_58 = arith.constant 400 : i32
    %mul3A_59 = arith.muli %add3A_57, %mul3A_58 : i32
    %multiple_of3A_60 = tpu.assume_multiple %mul3A_59, 8 : i32
    "tpu.region"() ({
      %run_scoped3A = tpu.sem_alloc : memref<!tpu.dma_semaphore, #tpu.memory_space<semaphore_mem>>
      %dma_start3A = arith.constant 0 : i32
      %dma_start3A_133 = tpu.memref_slice %arg17[%multiple_of3A_60, %dma_start3A] : memref<100096x16xf32, #tpu.memory_space<vmem_shared>> -> memref<400x16xf32, #tpu.memory_space<vmem_shared>>
      %dma_start3A_134 = arith.constant 0 : i32
      %dma_start3A_135 = tpu.memref_slice %arg17[%multiple_of3A_60, %dma_start3A_134] : memref<100096x16xf32, #tpu.memory_space<vmem_shared>> -> memref<400x16xf32, #tpu.memory_space<vmem_shared>>
      tpu.enqueue_dma source(%dma_start3A_135 : memref<400x16xf32, #tpu.memory_space<vmem_shared>>) target(%arg16 : memref<400x16xf32, #tpu.memory_space<vmem>>) target_semaphore(%run_scoped3A : memref<!tpu.dma_semaphore, #tpu.memory_space<semaphore_mem>>)
      %dma_wait3A = arith.constant 0 : i32
      %dma_wait3A_136 = tpu.memref_slice %arg17[%multiple_of3A_60, %dma_wait3A] : memref<100096x16xf32, #tpu.memory_space<vmem_shared>> -> memref<400x16xf32, #tpu.memory_space<vmem_shared>>
      %dma_wait3A_137 = arith.constant 0 : i32
      %dma_wait3A_138 = tpu.memref_slice %arg17[%multiple_of3A_60, %dma_wait3A_137] : memref<100096x16xf32, #tpu.memory_space<vmem_shared>> -> memref<400x16xf32, #tpu.memory_space<vmem_shared>>
      tpu.wait_dma2 semaphore(%run_scoped3A : memref<!tpu.dma_semaphore, #tpu.memory_space<semaphore_mem>>) src(%dma_wait3A_138 : memref<400x16xf32, #tpu.memory_space<vmem_shared>>) dst(%arg16 : memref<400x16xf32, #tpu.memory_space<vmem>>)
      tpu.yield
    }) : () -> ()
    "tpu.region"() ({
      %run_scoped3A = tpu.sem_alloc : memref<!tpu.dma_semaphore, #tpu.memory_space<semaphore_mem>>
      %dma_start3A = arith.constant 0 : i32
      %dma_start3A_133 = tpu.memref_slice %arg5[%arg0, %multiple_of3A_60, %dma_start3A] : memref<2x100000x16xf32, #tpu.memory_space<hbm>> -> memref<1x400x16xf32, #tpu.memory_space<hbm>>
      %dma_start3A_134 = tpu.memref_squeeze %dma_start3A_133 : memref<1x400x16xf32, #tpu.memory_space<hbm>> -> memref<400x16xf32, #tpu.memory_space<hbm>>
      %dma_start3A_135 = arith.constant 0 : i32
      %dma_start3A_136 = tpu.memref_slice %arg5[%arg0, %multiple_of3A_60, %dma_start3A_135] : memref<2x100000x16xf32, #tpu.memory_space<hbm>> -> memref<1x400x16xf32, #tpu.memory_space<hbm>>
      %dma_start3A_137 = tpu.memref_squeeze %dma_start3A_136 : memref<1x400x16xf32, #tpu.memory_space<hbm>> -> memref<400x16xf32, #tpu.memory_space<hbm>>
      tpu.enqueue_dma source(%arg16 : memref<400x16xf32, #tpu.memory_space<vmem>>) target(%dma_start3A_137 : memref<400x16xf32, #tpu.memory_space<hbm>>) target_semaphore(%run_scoped3A : memref<!tpu.dma_semaphore, #tpu.memory_space<semaphore_mem>>)
      %dma_wait3A = arith.constant 0 : i32
      %dma_wait3A_138 = tpu.memref_slice %arg5[%arg0, %multiple_of3A_60, %dma_wait3A] : memref<2x100000x16xf32, #tpu.memory_space<hbm>> -> memref<1x400x16xf32, #tpu.memory_space<hbm>>
      %dma_wait3A_139 = tpu.memref_squeeze %dma_wait3A_138 : memref<1x400x16xf32, #tpu.memory_space<hbm>> -> memref<400x16xf32, #tpu.memory_space<hbm>>
      %dma_wait3A_140 = arith.constant 0 : i32
      %dma_wait3A_141 = tpu.memref_slice %arg5[%arg0, %multiple_of3A_60, %dma_wait3A_140] : memref<2x100000x16xf32, #tpu.memory_space<hbm>> -> memref<1x400x16xf32, #tpu.memory_space<hbm>>
      %dma_wait3A_142 = tpu.memref_squeeze %dma_wait3A_141 : memref<1x400x16xf32, #tpu.memory_space<hbm>> -> memref<400x16xf32, #tpu.memory_space<hbm>>
      tpu.wait_dma2 semaphore(%run_scoped3A : memref<!tpu.dma_semaphore, #tpu.memory_space<semaphore_mem>>) src(%arg16 : memref<400x16xf32, #tpu.memory_space<vmem>>) dst(%dma_wait3A_142 : memref<400x16xf32, #tpu.memory_space<hbm>>)
      tpu.yield
    }) : () -> ()
    %add3A_61 = arith.constant 16 : i32
    %add3A_62 = arith.addi %arg1, %add3A_61 : i32
    %mul3A_63 = arith.constant 400 : i32
    %mul3A_64 = arith.muli %add3A_62, %mul3A_63 : i32
    %multiple_of3A_65 = tpu.assume_multiple %mul3A_64, 8 : i32
    "tpu.region"() ({
      %run_scoped3A = tpu.sem_alloc : memref<!tpu.dma_semaphore, #tpu.memory_space<semaphore_mem>>
      %dma_start3A = arith.constant 0 : i32
      %dma_start3A_133 = tpu.memref_slice %arg17[%multiple_of3A_65, %dma_start3A] : memref<100096x16xf32, #tpu.memory_space<vmem_shared>> -> memref<400x16xf32, #tpu.memory_space<vmem_shared>>
      %dma_start3A_134 = arith.constant 0 : i32
      %dma_start3A_135 = tpu.memref_slice %arg17[%multiple_of3A_65, %dma_start3A_134] : memref<100096x16xf32, #tpu.memory_space<vmem_shared>> -> memref<400x16xf32, #tpu.memory_space<vmem_shared>>
      tpu.enqueue_dma source(%dma_start3A_135 : memref<400x16xf32, #tpu.memory_space<vmem_shared>>) target(%arg16 : memref<400x16xf32, #tpu.memory_space<vmem>>) target_semaphore(%run_scoped3A : memref<!tpu.dma_semaphore, #tpu.memory_space<semaphore_mem>>)
      %dma_wait3A = arith.constant 0 : i32
      %dma_wait3A_136 = tpu.memref_slice %arg17[%multiple_of3A_65, %dma_wait3A] : memref<100096x16xf32, #tpu.memory_space<vmem_shared>> -> memref<400x16xf32, #tpu.memory_space<vmem_shared>>
      %dma_wait3A_137 = arith.constant 0 : i32
      %dma_wait3A_138 = tpu.memref_slice %arg17[%multiple_of3A_65, %dma_wait3A_137] : memref<100096x16xf32, #tpu.memory_space<vmem_shared>> -> memref<400x16xf32, #tpu.memory_space<vmem_shared>>
      tpu.wait_dma2 semaphore(%run_scoped3A : memref<!tpu.dma_semaphore, #tpu.memory_space<semaphore_mem>>) src(%dma_wait3A_138 : memref<400x16xf32, #tpu.memory_space<vmem_shared>>) dst(%arg16 : memref<400x16xf32, #tpu.memory_space<vmem>>)
      tpu.yield
    }) : () -> ()
    "tpu.region"() ({
      %run_scoped3A = tpu.sem_alloc : memref<!tpu.dma_semaphore, #tpu.memory_space<semaphore_mem>>
      %dma_start3A = arith.constant 0 : i32
      %dma_start3A_133 = tpu.memref_slice %arg5[%arg0, %multiple_of3A_65, %dma_start3A] : memref<2x100000x16xf32, #tpu.memory_space<hbm>> -> memref<1x400x16xf32, #tpu.memory_space<hbm>>
      %dma_start3A_134 = tpu.memref_squeeze %dma_start3A_133 : memref<1x400x16xf32, #tpu.memory_space<hbm>> -> memref<400x16xf32, #tpu.memory_space<hbm>>
      %dma_start3A_135 = arith.constant 0 : i32
      %dma_start3A_136 = tpu.memref_slice %arg5[%arg0, %multiple_of3A_65, %dma_start3A_135] : memref<2x100000x16xf32, #tpu.memory_space<hbm>> -> memref<1x400x16xf32, #tpu.memory_space<hbm>>
      %dma_start3A_137 = tpu.memref_squeeze %dma_start3A_136 : memref<1x400x16xf32, #tpu.memory_space<hbm>> -> memref<400x16xf32, #tpu.memory_space<hbm>>
      tpu.enqueue_dma source(%arg16 : memref<400x16xf32, #tpu.memory_space<vmem>>) target(%dma_start3A_137 : memref<400x16xf32, #tpu.memory_space<hbm>>) target_semaphore(%run_scoped3A : memref<!tpu.dma_semaphore, #tpu.memory_space<semaphore_mem>>)
      %dma_wait3A = arith.constant 0 : i32
      %dma_wait3A_138 = tpu.memref_slice %arg5[%arg0, %multiple_of3A_65, %dma_wait3A] : memref<2x100000x16xf32, #tpu.memory_space<hbm>> -> memref<1x400x16xf32, #tpu.memory_space<hbm>>
      %dma_wait3A_139 = tpu.memref_squeeze %dma_wait3A_138 : memref<1x400x16xf32, #tpu.memory_space<hbm>> -> memref<400x16xf32, #tpu.memory_space<hbm>>
      %dma_wait3A_140 = arith.constant 0 : i32
      %dma_wait3A_141 = tpu.memref_slice %arg5[%arg0, %multiple_of3A_65, %dma_wait3A_140] : memref<2x100000x16xf32, #tpu.memory_space<hbm>> -> memref<1x400x16xf32, #tpu.memory_space<hbm>>
      %dma_wait3A_142 = tpu.memref_squeeze %dma_wait3A_141 : memref<1x400x16xf32, #tpu.memory_space<hbm>> -> memref<400x16xf32, #tpu.memory_space<hbm>>
      tpu.wait_dma2 semaphore(%run_scoped3A : memref<!tpu.dma_semaphore, #tpu.memory_space<semaphore_mem>>) src(%arg16 : memref<400x16xf32, #tpu.memory_space<vmem>>) dst(%dma_wait3A_142 : memref<400x16xf32, #tpu.memory_space<hbm>>)
      tpu.yield
    }) : () -> ()
    %add3A_66 = arith.constant 32 : i32
    %add3A_67 = arith.addi %arg1, %add3A_66 : i32
    %mul3A_68 = arith.constant 400 : i32
    %mul3A_69 = arith.muli %add3A_67, %mul3A_68 : i32
    %multiple_of3A_70 = tpu.assume_multiple %mul3A_69, 8 : i32
    "tpu.region"() ({
      %run_scoped3A = tpu.sem_alloc : memref<!tpu.dma_semaphore, #tpu.memory_space<semaphore_mem>>
      %dma_start3A = arith.constant 0 : i32
      %dma_start3A_133 = tpu.memref_slice %arg17[%multiple_of3A_70, %dma_start3A] : memref<100096x16xf32, #tpu.memory_space<vmem_shared>> -> memref<400x16xf32, #tpu.memory_space<vmem_shared>>
      %dma_start3A_134 = arith.constant 0 : i32
      %dma_start3A_135 = tpu.memref_slice %arg17[%multiple_of3A_70, %dma_start3A_134] : memref<100096x16xf32, #tpu.memory_space<vmem_shared>> -> memref<400x16xf32, #tpu.memory_space<vmem_shared>>
      tpu.enqueue_dma source(%dma_start3A_135 : memref<400x16xf32, #tpu.memory_space<vmem_shared>>) target(%arg16 : memref<400x16xf32, #tpu.memory_space<vmem>>) target_semaphore(%run_scoped3A : memref<!tpu.dma_semaphore, #tpu.memory_space<semaphore_mem>>)
      %dma_wait3A = arith.constant 0 : i32
      %dma_wait3A_136 = tpu.memref_slice %arg17[%multiple_of3A_70, %dma_wait3A] : memref<100096x16xf32, #tpu.memory_space<vmem_shared>> -> memref<400x16xf32, #tpu.memory_space<vmem_shared>>
      %dma_wait3A_137 = arith.constant 0 : i32
      %dma_wait3A_138 = tpu.memref_slice %arg17[%multiple_of3A_70, %dma_wait3A_137] : memref<100096x16xf32, #tpu.memory_space<vmem_shared>> -> memref<400x16xf32, #tpu.memory_space<vmem_shared>>
      tpu.wait_dma2 semaphore(%run_scoped3A : memref<!tpu.dma_semaphore, #tpu.memory_space<semaphore_mem>>) src(%dma_wait3A_138 : memref<400x16xf32, #tpu.memory_space<vmem_shared>>) dst(%arg16 : memref<400x16xf32, #tpu.memory_space<vmem>>)
      tpu.yield
    }) : () -> ()
    "tpu.region"() ({
      %run_scoped3A = tpu.sem_alloc : memref<!tpu.dma_semaphore, #tpu.memory_space<semaphore_mem>>
      %dma_start3A = arith.constant 0 : i32
      %dma_start3A_133 = tpu.memref_slice %arg5[%arg0, %multiple_of3A_70, %dma_start3A] : memref<2x100000x16xf32, #tpu.memory_space<hbm>> -> memref<1x400x16xf32, #tpu.memory_space<hbm>>
      %dma_start3A_134 = tpu.memref_squeeze %dma_start3A_133 : memref<1x400x16xf32, #tpu.memory_space<hbm>> -> memref<400x16xf32, #tpu.memory_space<hbm>>
      %dma_start3A_135 = arith.constant 0 : i32
      %dma_start3A_136 = tpu.memref_slice %arg5[%arg0, %multiple_of3A_70, %dma_start3A_135] : memref<2x100000x16xf32, #tpu.memory_space<hbm>> -> memref<1x400x16xf32, #tpu.memory_space<hbm>>
      %dma_start3A_137 = tpu.memref_squeeze %dma_start3A_136 : memref<1x400x16xf32, #tpu.memory_space<hbm>> -> memref<400x16xf32, #tpu.memory_space<hbm>>
      tpu.enqueue_dma source(%arg16 : memref<400x16xf32, #tpu.memory_space<vmem>>) target(%dma_start3A_137 : memref<400x16xf32, #tpu.memory_space<hbm>>) target_semaphore(%run_scoped3A : memref<!tpu.dma_semaphore, #tpu.memory_space<semaphore_mem>>)
      %dma_wait3A = arith.constant 0 : i32
      %dma_wait3A_138 = tpu.memref_slice %arg5[%arg0, %multiple_of3A_70, %dma_wait3A] : memref<2x100000x16xf32, #tpu.memory_space<hbm>> -> memref<1x400x16xf32, #tpu.memory_space<hbm>>
      %dma_wait3A_139 = tpu.memref_squeeze %dma_wait3A_138 : memref<1x400x16xf32, #tpu.memory_space<hbm>> -> memref<400x16xf32, #tpu.memory_space<hbm>>
      %dma_wait3A_140 = arith.constant 0 : i32
      %dma_wait3A_141 = tpu.memref_slice %arg5[%arg0, %multiple_of3A_70, %dma_wait3A_140] : memref<2x100000x16xf32, #tpu.memory_space<hbm>> -> memref<1x400x16xf32, #tpu.memory_space<hbm>>
      %dma_wait3A_142 = tpu.memref_squeeze %dma_wait3A_141 : memref<1x400x16xf32, #tpu.memory_space<hbm>> -> memref<400x16xf32, #tpu.memory_space<hbm>>
      tpu.wait_dma2 semaphore(%run_scoped3A : memref<!tpu.dma_semaphore, #tpu.memory_space<semaphore_mem>>) src(%arg16 : memref<400x16xf32, #tpu.memory_space<vmem>>) dst(%dma_wait3A_142 : memref<400x16xf32, #tpu.memory_space<hbm>>)
      tpu.yield
    }) : () -> ()
    %add3A_71 = arith.constant 48 : i32
    %add3A_72 = arith.addi %arg1, %add3A_71 : i32
    %mul3A_73 = arith.constant 400 : i32
    %mul3A_74 = arith.muli %add3A_72, %mul3A_73 : i32
    %multiple_of3A_75 = tpu.assume_multiple %mul3A_74, 8 : i32
    "tpu.region"() ({
      %run_scoped3A = tpu.sem_alloc : memref<!tpu.dma_semaphore, #tpu.memory_space<semaphore_mem>>
      %dma_start3A = arith.constant 0 : i32
      %dma_start3A_133 = tpu.memref_slice %arg17[%multiple_of3A_75, %dma_start3A] : memref<100096x16xf32, #tpu.memory_space<vmem_shared>> -> memref<400x16xf32, #tpu.memory_space<vmem_shared>>
      %dma_start3A_134 = arith.constant 0 : i32
      %dma_start3A_135 = tpu.memref_slice %arg17[%multiple_of3A_75, %dma_start3A_134] : memref<100096x16xf32, #tpu.memory_space<vmem_shared>> -> memref<400x16xf32, #tpu.memory_space<vmem_shared>>
      tpu.enqueue_dma source(%dma_start3A_135 : memref<400x16xf32, #tpu.memory_space<vmem_shared>>) target(%arg16 : memref<400x16xf32, #tpu.memory_space<vmem>>) target_semaphore(%run_scoped3A : memref<!tpu.dma_semaphore, #tpu.memory_space<semaphore_mem>>)
      %dma_wait3A = arith.constant 0 : i32
      %dma_wait3A_136 = tpu.memref_slice %arg17[%multiple_of3A_75, %dma_wait3A] : memref<100096x16xf32, #tpu.memory_space<vmem_shared>> -> memref<400x16xf32, #tpu.memory_space<vmem_shared>>
      %dma_wait3A_137 = arith.constant 0 : i32
      %dma_wait3A_138 = tpu.memref_slice %arg17[%multiple_of3A_75, %dma_wait3A_137] : memref<100096x16xf32, #tpu.memory_space<vmem_shared>> -> memref<400x16xf32, #tpu.memory_space<vmem_shared>>
      tpu.wait_dma2 semaphore(%run_scoped3A : memref<!tpu.dma_semaphore, #tpu.memory_space<semaphore_mem>>) src(%dma_wait3A_138 : memref<400x16xf32, #tpu.memory_space<vmem_shared>>) dst(%arg16 : memref<400x16xf32, #tpu.memory_space<vmem>>)
      tpu.yield
    }) : () -> ()
    "tpu.region"() ({
      %run_scoped3A = tpu.sem_alloc : memref<!tpu.dma_semaphore, #tpu.memory_space<semaphore_mem>>
      %dma_start3A = arith.constant 0 : i32
      %dma_start3A_133 = tpu.memref_slice %arg5[%arg0, %multiple_of3A_75, %dma_start3A] : memref<2x100000x16xf32, #tpu.memory_space<hbm>> -> memref<1x400x16xf32, #tpu.memory_space<hbm>>
      %dma_start3A_134 = tpu.memref_squeeze %dma_start3A_133 : memref<1x400x16xf32, #tpu.memory_space<hbm>> -> memref<400x16xf32, #tpu.memory_space<hbm>>
      %dma_start3A_135 = arith.constant 0 : i32
      %dma_start3A_136 = tpu.memref_slice %arg5[%arg0, %multiple_of3A_75, %dma_start3A_135] : memref<2x100000x16xf32, #tpu.memory_space<hbm>> -> memref<1x400x16xf32, #tpu.memory_space<hbm>>
      %dma_start3A_137 = tpu.memref_squeeze %dma_start3A_136 : memref<1x400x16xf32, #tpu.memory_space<hbm>> -> memref<400x16xf32, #tpu.memory_space<hbm>>
      tpu.enqueue_dma source(%arg16 : memref<400x16xf32, #tpu.memory_space<vmem>>) target(%dma_start3A_137 : memref<400x16xf32, #tpu.memory_space<hbm>>) target_semaphore(%run_scoped3A : memref<!tpu.dma_semaphore, #tpu.memory_space<semaphore_mem>>)
      %dma_wait3A = arith.constant 0 : i32
      %dma_wait3A_138 = tpu.memref_slice %arg5[%arg0, %multiple_of3A_75, %dma_wait3A] : memref<2x100000x16xf32, #tpu.memory_space<hbm>> -> memref<1x400x16xf32, #tpu.memory_space<hbm>>
      %dma_wait3A_139 = tpu.memref_squeeze %dma_wait3A_138 : memref<1x400x16xf32, #tpu.memory_space<hbm>> -> memref<400x16xf32, #tpu.memory_space<hbm>>
      %dma_wait3A_140 = arith.constant 0 : i32
      %dma_wait3A_141 = tpu.memref_slice %arg5[%arg0, %multiple_of3A_75, %dma_wait3A_140] : memref<2x100000x16xf32, #tpu.memory_space<hbm>> -> memref<1x400x16xf32, #tpu.memory_space<hbm>>
      %dma_wait3A_142 = tpu.memref_squeeze %dma_wait3A_141 : memref<1x400x16xf32, #tpu.memory_space<hbm>> -> memref<400x16xf32, #tpu.memory_space<hbm>>
      tpu.wait_dma2 semaphore(%run_scoped3A : memref<!tpu.dma_semaphore, #tpu.memory_space<semaphore_mem>>) src(%arg16 : memref<400x16xf32, #tpu.memory_space<vmem>>) dst(%dma_wait3A_142 : memref<400x16xf32, #tpu.memory_space<hbm>>)
      tpu.yield
    }) : () -> ()
    %add3A_76 = arith.constant 64 : i32
    %add3A_77 = arith.addi %arg1, %add3A_76 : i32
    %mul3A_78 = arith.constant 400 : i32
    %mul3A_79 = arith.muli %add3A_77, %mul3A_78 : i32
    %multiple_of3A_80 = tpu.assume_multiple %mul3A_79, 8 : i32
    "tpu.region"() ({
      %run_scoped3A = tpu.sem_alloc : memref<!tpu.dma_semaphore, #tpu.memory_space<semaphore_mem>>
      %dma_start3A = arith.constant 0 : i32
      %dma_start3A_133 = tpu.memref_slice %arg17[%multiple_of3A_80, %dma_start3A] : memref<100096x16xf32, #tpu.memory_space<vmem_shared>> -> memref<400x16xf32, #tpu.memory_space<vmem_shared>>
      %dma_start3A_134 = arith.constant 0 : i32
      %dma_start3A_135 = tpu.memref_slice %arg17[%multiple_of3A_80, %dma_start3A_134] : memref<100096x16xf32, #tpu.memory_space<vmem_shared>> -> memref<400x16xf32, #tpu.memory_space<vmem_shared>>
      tpu.enqueue_dma source(%dma_start3A_135 : memref<400x16xf32, #tpu.memory_space<vmem_shared>>) target(%arg16 : memref<400x16xf32, #tpu.memory_space<vmem>>) target_semaphore(%run_scoped3A : memref<!tpu.dma_semaphore, #tpu.memory_space<semaphore_mem>>)
      %dma_wait3A = arith.constant 0 : i32
      %dma_wait3A_136 = tpu.memref_slice %arg17[%multiple_of3A_80, %dma_wait3A] : memref<100096x16xf32, #tpu.memory_space<vmem_shared>> -> memref<400x16xf32, #tpu.memory_space<vmem_shared>>
      %dma_wait3A_137 = arith.constant 0 : i32
      %dma_wait3A_138 = tpu.memref_slice %arg17[%multiple_of3A_80, %dma_wait3A_137] : memref<100096x16xf32, #tpu.memory_space<vmem_shared>> -> memref<400x16xf32, #tpu.memory_space<vmem_shared>>
      tpu.wait_dma2 semaphore(%run_scoped3A : memref<!tpu.dma_semaphore, #tpu.memory_space<semaphore_mem>>) src(%dma_wait3A_138 : memref<400x16xf32, #tpu.memory_space<vmem_shared>>) dst(%arg16 : memref<400x16xf32, #tpu.memory_space<vmem>>)
      tpu.yield
    }) : () -> ()
    "tpu.region"() ({
      %run_scoped3A = tpu.sem_alloc : memref<!tpu.dma_semaphore, #tpu.memory_space<semaphore_mem>>
      %dma_start3A = arith.constant 0 : i32
      %dma_start3A_133 = tpu.memref_slice %arg5[%arg0, %multiple_of3A_80, %dma_start3A] : memref<2x100000x16xf32, #tpu.memory_space<hbm>> -> memref<1x400x16xf32, #tpu.memory_space<hbm>>
      %dma_start3A_134 = tpu.memref_squeeze %dma_start3A_133 : memref<1x400x16xf32, #tpu.memory_space<hbm>> -> memref<400x16xf32, #tpu.memory_space<hbm>>
      %dma_start3A_135 = arith.constant 0 : i32
      %dma_start3A_136 = tpu.memref_slice %arg5[%arg0, %multiple_of3A_80, %dma_start3A_135] : memref<2x100000x16xf32, #tpu.memory_space<hbm>> -> memref<1x400x16xf32, #tpu.memory_space<hbm>>
      %dma_start3A_137 = tpu.memref_squeeze %dma_start3A_136 : memref<1x400x16xf32, #tpu.memory_space<hbm>> -> memref<400x16xf32, #tpu.memory_space<hbm>>
      tpu.enqueue_dma source(%arg16 : memref<400x16xf32, #tpu.memory_space<vmem>>) target(%dma_start3A_137 : memref<400x16xf32, #tpu.memory_space<hbm>>) target_semaphore(%run_scoped3A : memref<!tpu.dma_semaphore, #tpu.memory_space<semaphore_mem>>)
      %dma_wait3A = arith.constant 0 : i32
      %dma_wait3A_138 = tpu.memref_slice %arg5[%arg0, %multiple_of3A_80, %dma_wait3A] : memref<2x100000x16xf32, #tpu.memory_space<hbm>> -> memref<1x400x16xf32, #tpu.memory_space<hbm>>
      %dma_wait3A_139 = tpu.memref_squeeze %dma_wait3A_138 : memref<1x400x16xf32, #tpu.memory_space<hbm>> -> memref<400x16xf32, #tpu.memory_space<hbm>>
      %dma_wait3A_140 = arith.constant 0 : i32
      %dma_wait3A_141 = tpu.memref_slice %arg5[%arg0, %multiple_of3A_80, %dma_wait3A_140] : memref<2x100000x16xf32, #tpu.memory_space<hbm>> -> memref<1x400x16xf32, #tpu.memory_space<hbm>>
      %dma_wait3A_142 = tpu.memref_squeeze %dma_wait3A_141 : memref<1x400x16xf32, #tpu.memory_space<hbm>> -> memref<400x16xf32, #tpu.memory_space<hbm>>
      tpu.wait_dma2 semaphore(%run_scoped3A : memref<!tpu.dma_semaphore, #tpu.memory_space<semaphore_mem>>) src(%arg16 : memref<400x16xf32, #tpu.memory_space<vmem>>) dst(%dma_wait3A_142 : memref<400x16xf32, #tpu.memory_space<hbm>>)
      tpu.yield
    }) : () -> ()
    %add3A_81 = arith.constant 80 : i32
    %add3A_82 = arith.addi %arg1, %add3A_81 : i32
    %mul3A_83 = arith.constant 400 : i32
    %mul3A_84 = arith.muli %add3A_82, %mul3A_83 : i32
    %multiple_of3A_85 = tpu.assume_multiple %mul3A_84, 8 : i32
    "tpu.region"() ({
      %run_scoped3A = tpu.sem_alloc : memref<!tpu.dma_semaphore, #tpu.memory_space<semaphore_mem>>
      %dma_start3A = arith.constant 0 : i32
      %dma_start3A_133 = tpu.memref_slice %arg17[%multiple_of3A_85, %dma_start3A] : memref<100096x16xf32, #tpu.memory_space<vmem_shared>> -> memref<400x16xf32, #tpu.memory_space<vmem_shared>>
      %dma_start3A_134 = arith.constant 0 : i32
      %dma_start3A_135 = tpu.memref_slice %arg17[%multiple_of3A_85, %dma_start3A_134] : memref<100096x16xf32, #tpu.memory_space<vmem_shared>> -> memref<400x16xf32, #tpu.memory_space<vmem_shared>>
      tpu.enqueue_dma source(%dma_start3A_135 : memref<400x16xf32, #tpu.memory_space<vmem_shared>>) target(%arg16 : memref<400x16xf32, #tpu.memory_space<vmem>>) target_semaphore(%run_scoped3A : memref<!tpu.dma_semaphore, #tpu.memory_space<semaphore_mem>>)
      %dma_wait3A = arith.constant 0 : i32
      %dma_wait3A_136 = tpu.memref_slice %arg17[%multiple_of3A_85, %dma_wait3A] : memref<100096x16xf32, #tpu.memory_space<vmem_shared>> -> memref<400x16xf32, #tpu.memory_space<vmem_shared>>
      %dma_wait3A_137 = arith.constant 0 : i32
      %dma_wait3A_138 = tpu.memref_slice %arg17[%multiple_of3A_85, %dma_wait3A_137] : memref<100096x16xf32, #tpu.memory_space<vmem_shared>> -> memref<400x16xf32, #tpu.memory_space<vmem_shared>>
      tpu.wait_dma2 semaphore(%run_scoped3A : memref<!tpu.dma_semaphore, #tpu.memory_space<semaphore_mem>>) src(%dma_wait3A_138 : memref<400x16xf32, #tpu.memory_space<vmem_shared>>) dst(%arg16 : memref<400x16xf32, #tpu.memory_space<vmem>>)
      tpu.yield
    }) : () -> ()
    "tpu.region"() ({
      %run_scoped3A = tpu.sem_alloc : memref<!tpu.dma_semaphore, #tpu.memory_space<semaphore_mem>>
      %dma_start3A = arith.constant 0 : i32
      %dma_start3A_133 = tpu.memref_slice %arg5[%arg0, %multiple_of3A_85, %dma_start3A] : memref<2x100000x16xf32, #tpu.memory_space<hbm>> -> memref<1x400x16xf32, #tpu.memory_space<hbm>>
      %dma_start3A_134 = tpu.memref_squeeze %dma_start3A_133 : memref<1x400x16xf32, #tpu.memory_space<hbm>> -> memref<400x16xf32, #tpu.memory_space<hbm>>
      %dma_start3A_135 = arith.constant 0 : i32
      %dma_start3A_136 = tpu.memref_slice %arg5[%arg0, %multiple_of3A_85, %dma_start3A_135] : memref<2x100000x16xf32, #tpu.memory_space<hbm>> -> memref<1x400x16xf32, #tpu.memory_space<hbm>>
      %dma_start3A_137 = tpu.memref_squeeze %dma_start3A_136 : memref<1x400x16xf32, #tpu.memory_space<hbm>> -> memref<400x16xf32, #tpu.memory_space<hbm>>
      tpu.enqueue_dma source(%arg16 : memref<400x16xf32, #tpu.memory_space<vmem>>) target(%dma_start3A_137 : memref<400x16xf32, #tpu.memory_space<hbm>>) target_semaphore(%run_scoped3A : memref<!tpu.dma_semaphore, #tpu.memory_space<semaphore_mem>>)
      %dma_wait3A = arith.constant 0 : i32
      %dma_wait3A_138 = tpu.memref_slice %arg5[%arg0, %multiple_of3A_85, %dma_wait3A] : memref<2x100000x16xf32, #tpu.memory_space<hbm>> -> memref<1x400x16xf32, #tpu.memory_space<hbm>>
      %dma_wait3A_139 = tpu.memref_squeeze %dma_wait3A_138 : memref<1x400x16xf32, #tpu.memory_space<hbm>> -> memref<400x16xf32, #tpu.memory_space<hbm>>
      %dma_wait3A_140 = arith.constant 0 : i32
      %dma_wait3A_141 = tpu.memref_slice %arg5[%arg0, %multiple_of3A_85, %dma_wait3A_140] : memref<2x100000x16xf32, #tpu.memory_space<hbm>> -> memref<1x400x16xf32, #tpu.memory_space<hbm>>
      %dma_wait3A_142 = tpu.memref_squeeze %dma_wait3A_141 : memref<1x400x16xf32, #tpu.memory_space<hbm>> -> memref<400x16xf32, #tpu.memory_space<hbm>>
      tpu.wait_dma2 semaphore(%run_scoped3A : memref<!tpu.dma_semaphore, #tpu.memory_space<semaphore_mem>>) src(%arg16 : memref<400x16xf32, #tpu.memory_space<vmem>>) dst(%dma_wait3A_142 : memref<400x16xf32, #tpu.memory_space<hbm>>)
      tpu.yield
    }) : () -> ()
    %add3A_86 = arith.constant 96 : i32
    %add3A_87 = arith.addi %arg1, %add3A_86 : i32
    %mul3A_88 = arith.constant 400 : i32
    %mul3A_89 = arith.muli %add3A_87, %mul3A_88 : i32
    %multiple_of3A_90 = tpu.assume_multiple %mul3A_89, 8 : i32
    "tpu.region"() ({
      %run_scoped3A = tpu.sem_alloc : memref<!tpu.dma_semaphore, #tpu.memory_space<semaphore_mem>>
      %dma_start3A = arith.constant 0 : i32
      %dma_start3A_133 = tpu.memref_slice %arg17[%multiple_of3A_90, %dma_start3A] : memref<100096x16xf32, #tpu.memory_space<vmem_shared>> -> memref<400x16xf32, #tpu.memory_space<vmem_shared>>
      %dma_start3A_134 = arith.constant 0 : i32
      %dma_start3A_135 = tpu.memref_slice %arg17[%multiple_of3A_90, %dma_start3A_134] : memref<100096x16xf32, #tpu.memory_space<vmem_shared>> -> memref<400x16xf32, #tpu.memory_space<vmem_shared>>
      tpu.enqueue_dma source(%dma_start3A_135 : memref<400x16xf32, #tpu.memory_space<vmem_shared>>) target(%arg16 : memref<400x16xf32, #tpu.memory_space<vmem>>) target_semaphore(%run_scoped3A : memref<!tpu.dma_semaphore, #tpu.memory_space<semaphore_mem>>)
      %dma_wait3A = arith.constant 0 : i32
      %dma_wait3A_136 = tpu.memref_slice %arg17[%multiple_of3A_90, %dma_wait3A] : memref<100096x16xf32, #tpu.memory_space<vmem_shared>> -> memref<400x16xf32, #tpu.memory_space<vmem_shared>>
      %dma_wait3A_137 = arith.constant 0 : i32
      %dma_wait3A_138 = tpu.memref_slice %arg17[%multiple_of3A_90, %dma_wait3A_137] : memref<100096x16xf32, #tpu.memory_space<vmem_shared>> -> memref<400x16xf32, #tpu.memory_space<vmem_shared>>
      tpu.wait_dma2 semaphore(%run_scoped3A : memref<!tpu.dma_semaphore, #tpu.memory_space<semaphore_mem>>) src(%dma_wait3A_138 : memref<400x16xf32, #tpu.memory_space<vmem_shared>>) dst(%arg16 : memref<400x16xf32, #tpu.memory_space<vmem>>)
      tpu.yield
    }) : () -> ()
    "tpu.region"() ({
      %run_scoped3A = tpu.sem_alloc : memref<!tpu.dma_semaphore, #tpu.memory_space<semaphore_mem>>
      %dma_start3A = arith.constant 0 : i32
      %dma_start3A_133 = tpu.memref_slice %arg5[%arg0, %multiple_of3A_90, %dma_start3A] : memref<2x100000x16xf32, #tpu.memory_space<hbm>> -> memref<1x400x16xf32, #tpu.memory_space<hbm>>
      %dma_start3A_134 = tpu.memref_squeeze %dma_start3A_133 : memref<1x400x16xf32, #tpu.memory_space<hbm>> -> memref<400x16xf32, #tpu.memory_space<hbm>>
      %dma_start3A_135 = arith.constant 0 : i32
      %dma_start3A_136 = tpu.memref_slice %arg5[%arg0, %multiple_of3A_90, %dma_start3A_135] : memref<2x100000x16xf32, #tpu.memory_space<hbm>> -> memref<1x400x16xf32, #tpu.memory_space<hbm>>
      %dma_start3A_137 = tpu.memref_squeeze %dma_start3A_136 : memref<1x400x16xf32, #tpu.memory_space<hbm>> -> memref<400x16xf32, #tpu.memory_space<hbm>>
      tpu.enqueue_dma source(%arg16 : memref<400x16xf32, #tpu.memory_space<vmem>>) target(%dma_start3A_137 : memref<400x16xf32, #tpu.memory_space<hbm>>) target_semaphore(%run_scoped3A : memref<!tpu.dma_semaphore, #tpu.memory_space<semaphore_mem>>)
      %dma_wait3A = arith.constant 0 : i32
      %dma_wait3A_138 = tpu.memref_slice %arg5[%arg0, %multiple_of3A_90, %dma_wait3A] : memref<2x100000x16xf32, #tpu.memory_space<hbm>> -> memref<1x400x16xf32, #tpu.memory_space<hbm>>
      %dma_wait3A_139 = tpu.memref_squeeze %dma_wait3A_138 : memref<1x400x16xf32, #tpu.memory_space<hbm>> -> memref<400x16xf32, #tpu.memory_space<hbm>>
      %dma_wait3A_140 = arith.constant 0 : i32
      %dma_wait3A_141 = tpu.memref_slice %arg5[%arg0, %multiple_of3A_90, %dma_wait3A_140] : memref<2x100000x16xf32, #tpu.memory_space<hbm>> -> memref<1x400x16xf32, #tpu.memory_space<hbm>>
      %dma_wait3A_142 = tpu.memref_squeeze %dma_wait3A_141 : memref<1x400x16xf32, #tpu.memory_space<hbm>> -> memref<400x16xf32, #tpu.memory_space<hbm>>
      tpu.wait_dma2 semaphore(%run_scoped3A : memref<!tpu.dma_semaphore, #tpu.memory_space<semaphore_mem>>) src(%arg16 : memref<400x16xf32, #tpu.memory_space<vmem>>) dst(%dma_wait3A_142 : memref<400x16xf32, #tpu.memory_space<hbm>>)
      tpu.yield
    }) : () -> ()
    %add3A_91 = arith.constant 112 : i32
    %add3A_92 = arith.addi %arg1, %add3A_91 : i32
    %mul3A_93 = arith.constant 400 : i32
    %mul3A_94 = arith.muli %add3A_92, %mul3A_93 : i32
    %multiple_of3A_95 = tpu.assume_multiple %mul3A_94, 8 : i32
    "tpu.region"() ({
      %run_scoped3A = tpu.sem_alloc : memref<!tpu.dma_semaphore, #tpu.memory_space<semaphore_mem>>
      %dma_start3A = arith.constant 0 : i32
      %dma_start3A_133 = tpu.memref_slice %arg17[%multiple_of3A_95, %dma_start3A] : memref<100096x16xf32, #tpu.memory_space<vmem_shared>> -> memref<400x16xf32, #tpu.memory_space<vmem_shared>>
      %dma_start3A_134 = arith.constant 0 : i32
      %dma_start3A_135 = tpu.memref_slice %arg17[%multiple_of3A_95, %dma_start3A_134] : memref<100096x16xf32, #tpu.memory_space<vmem_shared>> -> memref<400x16xf32, #tpu.memory_space<vmem_shared>>
      tpu.enqueue_dma source(%dma_start3A_135 : memref<400x16xf32, #tpu.memory_space<vmem_shared>>) target(%arg16 : memref<400x16xf32, #tpu.memory_space<vmem>>) target_semaphore(%run_scoped3A : memref<!tpu.dma_semaphore, #tpu.memory_space<semaphore_mem>>)
      %dma_wait3A = arith.constant 0 : i32
      %dma_wait3A_136 = tpu.memref_slice %arg17[%multiple_of3A_95, %dma_wait3A] : memref<100096x16xf32, #tpu.memory_space<vmem_shared>> -> memref<400x16xf32, #tpu.memory_space<vmem_shared>>
      %dma_wait3A_137 = arith.constant 0 : i32
      %dma_wait3A_138 = tpu.memref_slice %arg17[%multiple_of3A_95, %dma_wait3A_137] : memref<100096x16xf32, #tpu.memory_space<vmem_shared>> -> memref<400x16xf32, #tpu.memory_space<vmem_shared>>
      tpu.wait_dma2 semaphore(%run_scoped3A : memref<!tpu.dma_semaphore, #tpu.memory_space<semaphore_mem>>) src(%dma_wait3A_138 : memref<400x16xf32, #tpu.memory_space<vmem_shared>>) dst(%arg16 : memref<400x16xf32, #tpu.memory_space<vmem>>)
      tpu.yield
    }) : () -> ()
    "tpu.region"() ({
      %run_scoped3A = tpu.sem_alloc : memref<!tpu.dma_semaphore, #tpu.memory_space<semaphore_mem>>
      %dma_start3A = arith.constant 0 : i32
      %dma_start3A_133 = tpu.memref_slice %arg5[%arg0, %multiple_of3A_95, %dma_start3A] : memref<2x100000x16xf32, #tpu.memory_space<hbm>> -> memref<1x400x16xf32, #tpu.memory_space<hbm>>
      %dma_start3A_134 = tpu.memref_squeeze %dma_start3A_133 : memref<1x400x16xf32, #tpu.memory_space<hbm>> -> memref<400x16xf32, #tpu.memory_space<hbm>>
      %dma_start3A_135 = arith.constant 0 : i32
      %dma_start3A_136 = tpu.memref_slice %arg5[%arg0, %multiple_of3A_95, %dma_start3A_135] : memref<2x100000x16xf32, #tpu.memory_space<hbm>> -> memref<1x400x16xf32, #tpu.memory_space<hbm>>
      %dma_start3A_137 = tpu.memref_squeeze %dma_start3A_136 : memref<1x400x16xf32, #tpu.memory_space<hbm>> -> memref<400x16xf32, #tpu.memory_space<hbm>>
      tpu.enqueue_dma source(%arg16 : memref<400x16xf32, #tpu.memory_space<vmem>>) target(%dma_start3A_137 : memref<400x16xf32, #tpu.memory_space<hbm>>) target_semaphore(%run_scoped3A : memref<!tpu.dma_semaphore, #tpu.memory_space<semaphore_mem>>)
      %dma_wait3A = arith.constant 0 : i32
      %dma_wait3A_138 = tpu.memref_slice %arg5[%arg0, %multiple_of3A_95, %dma_wait3A] : memref<2x100000x16xf32, #tpu.memory_space<hbm>> -> memref<1x400x16xf32, #tpu.memory_space<hbm>>
      %dma_wait3A_139 = tpu.memref_squeeze %dma_wait3A_138 : memref<1x400x16xf32, #tpu.memory_space<hbm>> -> memref<400x16xf32, #tpu.memory_space<hbm>>
      %dma_wait3A_140 = arith.constant 0 : i32
      %dma_wait3A_141 = tpu.memref_slice %arg5[%arg0, %multiple_of3A_95, %dma_wait3A_140] : memref<2x100000x16xf32, #tpu.memory_space<hbm>> -> memref<1x400x16xf32, #tpu.memory_space<hbm>>
      %dma_wait3A_142 = tpu.memref_squeeze %dma_wait3A_141 : memref<1x400x16xf32, #tpu.memory_space<hbm>> -> memref<400x16xf32, #tpu.memory_space<hbm>>
      tpu.wait_dma2 semaphore(%run_scoped3A : memref<!tpu.dma_semaphore, #tpu.memory_space<semaphore_mem>>) src(%arg16 : memref<400x16xf32, #tpu.memory_space<vmem>>) dst(%dma_wait3A_142 : memref<400x16xf32, #tpu.memory_space<hbm>>)
      tpu.yield
    }) : () -> ()
    %add3A_96 = arith.constant 128 : i32
    %add3A_97 = arith.addi %arg1, %add3A_96 : i32
    %mul3A_98 = arith.constant 400 : i32
    %mul3A_99 = arith.muli %add3A_97, %mul3A_98 : i32
    %multiple_of3A_100 = tpu.assume_multiple %mul3A_99, 8 : i32
    "tpu.region"() ({
      %run_scoped3A = tpu.sem_alloc : memref<!tpu.dma_semaphore, #tpu.memory_space<semaphore_mem>>
      %dma_start3A = arith.constant 0 : i32
      %dma_start3A_133 = tpu.memref_slice %arg17[%multiple_of3A_100, %dma_start3A] : memref<100096x16xf32, #tpu.memory_space<vmem_shared>> -> memref<400x16xf32, #tpu.memory_space<vmem_shared>>
      %dma_start3A_134 = arith.constant 0 : i32
      %dma_start3A_135 = tpu.memref_slice %arg17[%multiple_of3A_100, %dma_start3A_134] : memref<100096x16xf32, #tpu.memory_space<vmem_shared>> -> memref<400x16xf32, #tpu.memory_space<vmem_shared>>
      tpu.enqueue_dma source(%dma_start3A_135 : memref<400x16xf32, #tpu.memory_space<vmem_shared>>) target(%arg16 : memref<400x16xf32, #tpu.memory_space<vmem>>) target_semaphore(%run_scoped3A : memref<!tpu.dma_semaphore, #tpu.memory_space<semaphore_mem>>)
      %dma_wait3A = arith.constant 0 : i32
      %dma_wait3A_136 = tpu.memref_slice %arg17[%multiple_of3A_100, %dma_wait3A] : memref<100096x16xf32, #tpu.memory_space<vmem_shared>> -> memref<400x16xf32, #tpu.memory_space<vmem_shared>>
      %dma_wait3A_137 = arith.constant 0 : i32
      %dma_wait3A_138 = tpu.memref_slice %arg17[%multiple_of3A_100, %dma_wait3A_137] : memref<100096x16xf32, #tpu.memory_space<vmem_shared>> -> memref<400x16xf32, #tpu.memory_space<vmem_shared>>
      tpu.wait_dma2 semaphore(%run_scoped3A : memref<!tpu.dma_semaphore, #tpu.memory_space<semaphore_mem>>) src(%dma_wait3A_138 : memref<400x16xf32, #tpu.memory_space<vmem_shared>>) dst(%arg16 : memref<400x16xf32, #tpu.memory_space<vmem>>)
      tpu.yield
    }) : () -> ()
    "tpu.region"() ({
      %run_scoped3A = tpu.sem_alloc : memref<!tpu.dma_semaphore, #tpu.memory_space<semaphore_mem>>
      %dma_start3A = arith.constant 0 : i32
      %dma_start3A_133 = tpu.memref_slice %arg5[%arg0, %multiple_of3A_100, %dma_start3A] : memref<2x100000x16xf32, #tpu.memory_space<hbm>> -> memref<1x400x16xf32, #tpu.memory_space<hbm>>
      %dma_start3A_134 = tpu.memref_squeeze %dma_start3A_133 : memref<1x400x16xf32, #tpu.memory_space<hbm>> -> memref<400x16xf32, #tpu.memory_space<hbm>>
      %dma_start3A_135 = arith.constant 0 : i32
      %dma_start3A_136 = tpu.memref_slice %arg5[%arg0, %multiple_of3A_100, %dma_start3A_135] : memref<2x100000x16xf32, #tpu.memory_space<hbm>> -> memref<1x400x16xf32, #tpu.memory_space<hbm>>
      %dma_start3A_137 = tpu.memref_squeeze %dma_start3A_136 : memref<1x400x16xf32, #tpu.memory_space<hbm>> -> memref<400x16xf32, #tpu.memory_space<hbm>>
      tpu.enqueue_dma source(%arg16 : memref<400x16xf32, #tpu.memory_space<vmem>>) target(%dma_start3A_137 : memref<400x16xf32, #tpu.memory_space<hbm>>) target_semaphore(%run_scoped3A : memref<!tpu.dma_semaphore, #tpu.memory_space<semaphore_mem>>)
      %dma_wait3A = arith.constant 0 : i32
      %dma_wait3A_138 = tpu.memref_slice %arg5[%arg0, %multiple_of3A_100, %dma_wait3A] : memref<2x100000x16xf32, #tpu.memory_space<hbm>> -> memref<1x400x16xf32, #tpu.memory_space<hbm>>
      %dma_wait3A_139 = tpu.memref_squeeze %dma_wait3A_138 : memref<1x400x16xf32, #tpu.memory_space<hbm>> -> memref<400x16xf32, #tpu.memory_space<hbm>>
      %dma_wait3A_140 = arith.constant 0 : i32
      %dma_wait3A_141 = tpu.memref_slice %arg5[%arg0, %multiple_of3A_100, %dma_wait3A_140] : memref<2x100000x16xf32, #tpu.memory_space<hbm>> -> memref<1x400x16xf32, #tpu.memory_space<hbm>>
      %dma_wait3A_142 = tpu.memref_squeeze %dma_wait3A_141 : memref<1x400x16xf32, #tpu.memory_space<hbm>> -> memref<400x16xf32, #tpu.memory_space<hbm>>
      tpu.wait_dma2 semaphore(%run_scoped3A : memref<!tpu.dma_semaphore, #tpu.memory_space<semaphore_mem>>) src(%arg16 : memref<400x16xf32, #tpu.memory_space<vmem>>) dst(%dma_wait3A_142 : memref<400x16xf32, #tpu.memory_space<hbm>>)
      tpu.yield
    }) : () -> ()
    %add3A_101 = arith.constant 144 : i32
    %add3A_102 = arith.addi %arg1, %add3A_101 : i32
    %mul3A_103 = arith.constant 400 : i32
    %mul3A_104 = arith.muli %add3A_102, %mul3A_103 : i32
    %multiple_of3A_105 = tpu.assume_multiple %mul3A_104, 8 : i32
    "tpu.region"() ({
      %run_scoped3A = tpu.sem_alloc : memref<!tpu.dma_semaphore, #tpu.memory_space<semaphore_mem>>
      %dma_start3A = arith.constant 0 : i32
      %dma_start3A_133 = tpu.memref_slice %arg17[%multiple_of3A_105, %dma_start3A] : memref<100096x16xf32, #tpu.memory_space<vmem_shared>> -> memref<400x16xf32, #tpu.memory_space<vmem_shared>>
      %dma_start3A_134 = arith.constant 0 : i32
      %dma_start3A_135 = tpu.memref_slice %arg17[%multiple_of3A_105, %dma_start3A_134] : memref<100096x16xf32, #tpu.memory_space<vmem_shared>> -> memref<400x16xf32, #tpu.memory_space<vmem_shared>>
      tpu.enqueue_dma source(%dma_start3A_135 : memref<400x16xf32, #tpu.memory_space<vmem_shared>>) target(%arg16 : memref<400x16xf32, #tpu.memory_space<vmem>>) target_semaphore(%run_scoped3A : memref<!tpu.dma_semaphore, #tpu.memory_space<semaphore_mem>>)
      %dma_wait3A = arith.constant 0 : i32
      %dma_wait3A_136 = tpu.memref_slice %arg17[%multiple_of3A_105, %dma_wait3A] : memref<100096x16xf32, #tpu.memory_space<vmem_shared>> -> memref<400x16xf32, #tpu.memory_space<vmem_shared>>
      %dma_wait3A_137 = arith.constant 0 : i32
      %dma_wait3A_138 = tpu.memref_slice %arg17[%multiple_of3A_105, %dma_wait3A_137] : memref<100096x16xf32, #tpu.memory_space<vmem_shared>> -> memref<400x16xf32, #tpu.memory_space<vmem_shared>>
      tpu.wait_dma2 semaphore(%run_scoped3A : memref<!tpu.dma_semaphore, #tpu.memory_space<semaphore_mem>>) src(%dma_wait3A_138 : memref<400x16xf32, #tpu.memory_space<vmem_shared>>) dst(%arg16 : memref<400x16xf32, #tpu.memory_space<vmem>>)
      tpu.yield
    }) : () -> ()
    "tpu.region"() ({
      %run_scoped3A = tpu.sem_alloc : memref<!tpu.dma_semaphore, #tpu.memory_space<semaphore_mem>>
      %dma_start3A = arith.constant 0 : i32
      %dma_start3A_133 = tpu.memref_slice %arg5[%arg0, %multiple_of3A_105, %dma_start3A] : memref<2x100000x16xf32, #tpu.memory_space<hbm>> -> memref<1x400x16xf32, #tpu.memory_space<hbm>>
      %dma_start3A_134 = tpu.memref_squeeze %dma_start3A_133 : memref<1x400x16xf32, #tpu.memory_space<hbm>> -> memref<400x16xf32, #tpu.memory_space<hbm>>
      %dma_start3A_135 = arith.constant 0 : i32
      %dma_start3A_136 = tpu.memref_slice %arg5[%arg0, %multiple_of3A_105, %dma_start3A_135] : memref<2x100000x16xf32, #tpu.memory_space<hbm>> -> memref<1x400x16xf32, #tpu.memory_space<hbm>>
      %dma_start3A_137 = tpu.memref_squeeze %dma_start3A_136 : memref<1x400x16xf32, #tpu.memory_space<hbm>> -> memref<400x16xf32, #tpu.memory_space<hbm>>
      tpu.enqueue_dma source(%arg16 : memref<400x16xf32, #tpu.memory_space<vmem>>) target(%dma_start3A_137 : memref<400x16xf32, #tpu.memory_space<hbm>>) target_semaphore(%run_scoped3A : memref<!tpu.dma_semaphore, #tpu.memory_space<semaphore_mem>>)
      %dma_wait3A = arith.constant 0 : i32
      %dma_wait3A_138 = tpu.memref_slice %arg5[%arg0, %multiple_of3A_105, %dma_wait3A] : memref<2x100000x16xf32, #tpu.memory_space<hbm>> -> memref<1x400x16xf32, #tpu.memory_space<hbm>>
      %dma_wait3A_139 = tpu.memref_squeeze %dma_wait3A_138 : memref<1x400x16xf32, #tpu.memory_space<hbm>> -> memref<400x16xf32, #tpu.memory_space<hbm>>
      %dma_wait3A_140 = arith.constant 0 : i32
      %dma_wait3A_141 = tpu.memref_slice %arg5[%arg0, %multiple_of3A_105, %dma_wait3A_140] : memref<2x100000x16xf32, #tpu.memory_space<hbm>> -> memref<1x400x16xf32, #tpu.memory_space<hbm>>
      %dma_wait3A_142 = tpu.memref_squeeze %dma_wait3A_141 : memref<1x400x16xf32, #tpu.memory_space<hbm>> -> memref<400x16xf32, #tpu.memory_space<hbm>>
      tpu.wait_dma2 semaphore(%run_scoped3A : memref<!tpu.dma_semaphore, #tpu.memory_space<semaphore_mem>>) src(%arg16 : memref<400x16xf32, #tpu.memory_space<vmem>>) dst(%dma_wait3A_142 : memref<400x16xf32, #tpu.memory_space<hbm>>)
      tpu.yield
    }) : () -> ()
    %add3A_106 = arith.constant 160 : i32
    %add3A_107 = arith.addi %arg1, %add3A_106 : i32
    %mul3A_108 = arith.constant 400 : i32
    %mul3A_109 = arith.muli %add3A_107, %mul3A_108 : i32
    %multiple_of3A_110 = tpu.assume_multiple %mul3A_109, 8 : i32
    "tpu.region"() ({
      %run_scoped3A = tpu.sem_alloc : memref<!tpu.dma_semaphore, #tpu.memory_space<semaphore_mem>>
      %dma_start3A = arith.constant 0 : i32
      %dma_start3A_133 = tpu.memref_slice %arg17[%multiple_of3A_110, %dma_start3A] : memref<100096x16xf32, #tpu.memory_space<vmem_shared>> -> memref<400x16xf32, #tpu.memory_space<vmem_shared>>
      %dma_start3A_134 = arith.constant 0 : i32
      %dma_start3A_135 = tpu.memref_slice %arg17[%multiple_of3A_110, %dma_start3A_134] : memref<100096x16xf32, #tpu.memory_space<vmem_shared>> -> memref<400x16xf32, #tpu.memory_space<vmem_shared>>
      tpu.enqueue_dma source(%dma_start3A_135 : memref<400x16xf32, #tpu.memory_space<vmem_shared>>) target(%arg16 : memref<400x16xf32, #tpu.memory_space<vmem>>) target_semaphore(%run_scoped3A : memref<!tpu.dma_semaphore, #tpu.memory_space<semaphore_mem>>)
      %dma_wait3A = arith.constant 0 : i32
      %dma_wait3A_136 = tpu.memref_slice %arg17[%multiple_of3A_110, %dma_wait3A] : memref<100096x16xf32, #tpu.memory_space<vmem_shared>> -> memref<400x16xf32, #tpu.memory_space<vmem_shared>>
      %dma_wait3A_137 = arith.constant 0 : i32
      %dma_wait3A_138 = tpu.memref_slice %arg17[%multiple_of3A_110, %dma_wait3A_137] : memref<100096x16xf32, #tpu.memory_space<vmem_shared>> -> memref<400x16xf32, #tpu.memory_space<vmem_shared>>
      tpu.wait_dma2 semaphore(%run_scoped3A : memref<!tpu.dma_semaphore, #tpu.memory_space<semaphore_mem>>) src(%dma_wait3A_138 : memref<400x16xf32, #tpu.memory_space<vmem_shared>>) dst(%arg16 : memref<400x16xf32, #tpu.memory_space<vmem>>)
      tpu.yield
    }) : () -> ()
    "tpu.region"() ({
      %run_scoped3A = tpu.sem_alloc : memref<!tpu.dma_semaphore, #tpu.memory_space<semaphore_mem>>
      %dma_start3A = arith.constant 0 : i32
      %dma_start3A_133 = tpu.memref_slice %arg5[%arg0, %multiple_of3A_110, %dma_start3A] : memref<2x100000x16xf32, #tpu.memory_space<hbm>> -> memref<1x400x16xf32, #tpu.memory_space<hbm>>
      %dma_start3A_134 = tpu.memref_squeeze %dma_start3A_133 : memref<1x400x16xf32, #tpu.memory_space<hbm>> -> memref<400x16xf32, #tpu.memory_space<hbm>>
      %dma_start3A_135 = arith.constant 0 : i32
      %dma_start3A_136 = tpu.memref_slice %arg5[%arg0, %multiple_of3A_110, %dma_start3A_135] : memref<2x100000x16xf32, #tpu.memory_space<hbm>> -> memref<1x400x16xf32, #tpu.memory_space<hbm>>
      %dma_start3A_137 = tpu.memref_squeeze %dma_start3A_136 : memref<1x400x16xf32, #tpu.memory_space<hbm>> -> memref<400x16xf32, #tpu.memory_space<hbm>>
      tpu.enqueue_dma source(%arg16 : memref<400x16xf32, #tpu.memory_space<vmem>>) target(%dma_start3A_137 : memref<400x16xf32, #tpu.memory_space<hbm>>) target_semaphore(%run_scoped3A : memref<!tpu.dma_semaphore, #tpu.memory_space<semaphore_mem>>)
      %dma_wait3A = arith.constant 0 : i32
      %dma_wait3A_138 = tpu.memref_slice %arg5[%arg0, %multiple_of3A_110, %dma_wait3A] : memref<2x100000x16xf32, #tpu.memory_space<hbm>> -> memref<1x400x16xf32, #tpu.memory_space<hbm>>
      %dma_wait3A_139 = tpu.memref_squeeze %dma_wait3A_138 : memref<1x400x16xf32, #tpu.memory_space<hbm>> -> memref<400x16xf32, #tpu.memory_space<hbm>>
      %dma_wait3A_140 = arith.constant 0 : i32
      %dma_wait3A_141 = tpu.memref_slice %arg5[%arg0, %multiple_of3A_110, %dma_wait3A_140] : memref<2x100000x16xf32, #tpu.memory_space<hbm>> -> memref<1x400x16xf32, #tpu.memory_space<hbm>>
      %dma_wait3A_142 = tpu.memref_squeeze %dma_wait3A_141 : memref<1x400x16xf32, #tpu.memory_space<hbm>> -> memref<400x16xf32, #tpu.memory_space<hbm>>
      tpu.wait_dma2 semaphore(%run_scoped3A : memref<!tpu.dma_semaphore, #tpu.memory_space<semaphore_mem>>) src(%arg16 : memref<400x16xf32, #tpu.memory_space<vmem>>) dst(%dma_wait3A_142 : memref<400x16xf32, #tpu.memory_space<hbm>>)
      tpu.yield
    }) : () -> ()
    %add3A_111 = arith.constant 176 : i32
    %add3A_112 = arith.addi %arg1, %add3A_111 : i32
    %mul3A_113 = arith.constant 400 : i32
    %mul3A_114 = arith.muli %add3A_112, %mul3A_113 : i32
    %multiple_of3A_115 = tpu.assume_multiple %mul3A_114, 8 : i32
    "tpu.region"() ({
      %run_scoped3A = tpu.sem_alloc : memref<!tpu.dma_semaphore, #tpu.memory_space<semaphore_mem>>
      %dma_start3A = arith.constant 0 : i32
      %dma_start3A_133 = tpu.memref_slice %arg17[%multiple_of3A_115, %dma_start3A] : memref<100096x16xf32, #tpu.memory_space<vmem_shared>> -> memref<400x16xf32, #tpu.memory_space<vmem_shared>>
      %dma_start3A_134 = arith.constant 0 : i32
      %dma_start3A_135 = tpu.memref_slice %arg17[%multiple_of3A_115, %dma_start3A_134] : memref<100096x16xf32, #tpu.memory_space<vmem_shared>> -> memref<400x16xf32, #tpu.memory_space<vmem_shared>>
      tpu.enqueue_dma source(%dma_start3A_135 : memref<400x16xf32, #tpu.memory_space<vmem_shared>>) target(%arg16 : memref<400x16xf32, #tpu.memory_space<vmem>>) target_semaphore(%run_scoped3A : memref<!tpu.dma_semaphore, #tpu.memory_space<semaphore_mem>>)
      %dma_wait3A = arith.constant 0 : i32
      %dma_wait3A_136 = tpu.memref_slice %arg17[%multiple_of3A_115, %dma_wait3A] : memref<100096x16xf32, #tpu.memory_space<vmem_shared>> -> memref<400x16xf32, #tpu.memory_space<vmem_shared>>
      %dma_wait3A_137 = arith.constant 0 : i32
      %dma_wait3A_138 = tpu.memref_slice %arg17[%multiple_of3A_115, %dma_wait3A_137] : memref<100096x16xf32, #tpu.memory_space<vmem_shared>> -> memref<400x16xf32, #tpu.memory_space<vmem_shared>>
      tpu.wait_dma2 semaphore(%run_scoped3A : memref<!tpu.dma_semaphore, #tpu.memory_space<semaphore_mem>>) src(%dma_wait3A_138 : memref<400x16xf32, #tpu.memory_space<vmem_shared>>) dst(%arg16 : memref<400x16xf32, #tpu.memory_space<vmem>>)
      tpu.yield
    }) : () -> ()
    "tpu.region"() ({
      %run_scoped3A = tpu.sem_alloc : memref<!tpu.dma_semaphore, #tpu.memory_space<semaphore_mem>>
      %dma_start3A = arith.constant 0 : i32
      %dma_start3A_133 = tpu.memref_slice %arg5[%arg0, %multiple_of3A_115, %dma_start3A] : memref<2x100000x16xf32, #tpu.memory_space<hbm>> -> memref<1x400x16xf32, #tpu.memory_space<hbm>>
      %dma_start3A_134 = tpu.memref_squeeze %dma_start3A_133 : memref<1x400x16xf32, #tpu.memory_space<hbm>> -> memref<400x16xf32, #tpu.memory_space<hbm>>
      %dma_start3A_135 = arith.constant 0 : i32
      %dma_start3A_136 = tpu.memref_slice %arg5[%arg0, %multiple_of3A_115, %dma_start3A_135] : memref<2x100000x16xf32, #tpu.memory_space<hbm>> -> memref<1x400x16xf32, #tpu.memory_space<hbm>>
      %dma_start3A_137 = tpu.memref_squeeze %dma_start3A_136 : memref<1x400x16xf32, #tpu.memory_space<hbm>> -> memref<400x16xf32, #tpu.memory_space<hbm>>
      tpu.enqueue_dma source(%arg16 : memref<400x16xf32, #tpu.memory_space<vmem>>) target(%dma_start3A_137 : memref<400x16xf32, #tpu.memory_space<hbm>>) target_semaphore(%run_scoped3A : memref<!tpu.dma_semaphore, #tpu.memory_space<semaphore_mem>>)
      %dma_wait3A = arith.constant 0 : i32
      %dma_wait3A_138 = tpu.memref_slice %arg5[%arg0, %multiple_of3A_115, %dma_wait3A] : memref<2x100000x16xf32, #tpu.memory_space<hbm>> -> memref<1x400x16xf32, #tpu.memory_space<hbm>>
      %dma_wait3A_139 = tpu.memref_squeeze %dma_wait3A_138 : memref<1x400x16xf32, #tpu.memory_space<hbm>> -> memref<400x16xf32, #tpu.memory_space<hbm>>
      %dma_wait3A_140 = arith.constant 0 : i32
      %dma_wait3A_141 = tpu.memref_slice %arg5[%arg0, %multiple_of3A_115, %dma_wait3A_140] : memref<2x100000x16xf32, #tpu.memory_space<hbm>> -> memref<1x400x16xf32, #tpu.memory_space<hbm>>
      %dma_wait3A_142 = tpu.memref_squeeze %dma_wait3A_141 : memref<1x400x16xf32, #tpu.memory_space<hbm>> -> memref<400x16xf32, #tpu.memory_space<hbm>>
      tpu.wait_dma2 semaphore(%run_scoped3A : memref<!tpu.dma_semaphore, #tpu.memory_space<semaphore_mem>>) src(%arg16 : memref<400x16xf32, #tpu.memory_space<vmem>>) dst(%dma_wait3A_142 : memref<400x16xf32, #tpu.memory_space<hbm>>)
      tpu.yield
    }) : () -> ()
    %add3A_116 = arith.constant 192 : i32
    %add3A_117 = arith.addi %arg1, %add3A_116 : i32
    %mul3A_118 = arith.constant 400 : i32
    %mul3A_119 = arith.muli %add3A_117, %mul3A_118 : i32
    %multiple_of3A_120 = tpu.assume_multiple %mul3A_119, 8 : i32
    "tpu.region"() ({
      %run_scoped3A = tpu.sem_alloc : memref<!tpu.dma_semaphore, #tpu.memory_space<semaphore_mem>>
      %dma_start3A = arith.constant 0 : i32
      %dma_start3A_133 = tpu.memref_slice %arg17[%multiple_of3A_120, %dma_start3A] : memref<100096x16xf32, #tpu.memory_space<vmem_shared>> -> memref<400x16xf32, #tpu.memory_space<vmem_shared>>
      %dma_start3A_134 = arith.constant 0 : i32
      %dma_start3A_135 = tpu.memref_slice %arg17[%multiple_of3A_120, %dma_start3A_134] : memref<100096x16xf32, #tpu.memory_space<vmem_shared>> -> memref<400x16xf32, #tpu.memory_space<vmem_shared>>
      tpu.enqueue_dma source(%dma_start3A_135 : memref<400x16xf32, #tpu.memory_space<vmem_shared>>) target(%arg16 : memref<400x16xf32, #tpu.memory_space<vmem>>) target_semaphore(%run_scoped3A : memref<!tpu.dma_semaphore, #tpu.memory_space<semaphore_mem>>)
      %dma_wait3A = arith.constant 0 : i32
      %dma_wait3A_136 = tpu.memref_slice %arg17[%multiple_of3A_120, %dma_wait3A] : memref<100096x16xf32, #tpu.memory_space<vmem_shared>> -> memref<400x16xf32, #tpu.memory_space<vmem_shared>>
      %dma_wait3A_137 = arith.constant 0 : i32
      %dma_wait3A_138 = tpu.memref_slice %arg17[%multiple_of3A_120, %dma_wait3A_137] : memref<100096x16xf32, #tpu.memory_space<vmem_shared>> -> memref<400x16xf32, #tpu.memory_space<vmem_shared>>
      tpu.wait_dma2 semaphore(%run_scoped3A : memref<!tpu.dma_semaphore, #tpu.memory_space<semaphore_mem>>) src(%dma_wait3A_138 : memref<400x16xf32, #tpu.memory_space<vmem_shared>>) dst(%arg16 : memref<400x16xf32, #tpu.memory_space<vmem>>)
      tpu.yield
    }) : () -> ()
    "tpu.region"() ({
      %run_scoped3A = tpu.sem_alloc : memref<!tpu.dma_semaphore, #tpu.memory_space<semaphore_mem>>
      %dma_start3A = arith.constant 0 : i32
      %dma_start3A_133 = tpu.memref_slice %arg5[%arg0, %multiple_of3A_120, %dma_start3A] : memref<2x100000x16xf32, #tpu.memory_space<hbm>> -> memref<1x400x16xf32, #tpu.memory_space<hbm>>
      %dma_start3A_134 = tpu.memref_squeeze %dma_start3A_133 : memref<1x400x16xf32, #tpu.memory_space<hbm>> -> memref<400x16xf32, #tpu.memory_space<hbm>>
      %dma_start3A_135 = arith.constant 0 : i32
      %dma_start3A_136 = tpu.memref_slice %arg5[%arg0, %multiple_of3A_120, %dma_start3A_135] : memref<2x100000x16xf32, #tpu.memory_space<hbm>> -> memref<1x400x16xf32, #tpu.memory_space<hbm>>
      %dma_start3A_137 = tpu.memref_squeeze %dma_start3A_136 : memref<1x400x16xf32, #tpu.memory_space<hbm>> -> memref<400x16xf32, #tpu.memory_space<hbm>>
      tpu.enqueue_dma source(%arg16 : memref<400x16xf32, #tpu.memory_space<vmem>>) target(%dma_start3A_137 : memref<400x16xf32, #tpu.memory_space<hbm>>) target_semaphore(%run_scoped3A : memref<!tpu.dma_semaphore, #tpu.memory_space<semaphore_mem>>)
      %dma_wait3A = arith.constant 0 : i32
      %dma_wait3A_138 = tpu.memref_slice %arg5[%arg0, %multiple_of3A_120, %dma_wait3A] : memref<2x100000x16xf32, #tpu.memory_space<hbm>> -> memref<1x400x16xf32, #tpu.memory_space<hbm>>
      %dma_wait3A_139 = tpu.memref_squeeze %dma_wait3A_138 : memref<1x400x16xf32, #tpu.memory_space<hbm>> -> memref<400x16xf32, #tpu.memory_space<hbm>>
      %dma_wait3A_140 = arith.constant 0 : i32
      %dma_wait3A_141 = tpu.memref_slice %arg5[%arg0, %multiple_of3A_120, %dma_wait3A_140] : memref<2x100000x16xf32, #tpu.memory_space<hbm>> -> memref<1x400x16xf32, #tpu.memory_space<hbm>>
      %dma_wait3A_142 = tpu.memref_squeeze %dma_wait3A_141 : memref<1x400x16xf32, #tpu.memory_space<hbm>> -> memref<400x16xf32, #tpu.memory_space<hbm>>
      tpu.wait_dma2 semaphore(%run_scoped3A : memref<!tpu.dma_semaphore, #tpu.memory_space<semaphore_mem>>) src(%arg16 : memref<400x16xf32, #tpu.memory_space<vmem>>) dst(%dma_wait3A_142 : memref<400x16xf32, #tpu.memory_space<hbm>>)
      tpu.yield
    }) : () -> ()
    %add3A_121 = arith.constant 208 : i32
    %add3A_122 = arith.addi %arg1, %add3A_121 : i32
    %mul3A_123 = arith.constant 400 : i32
    %mul3A_124 = arith.muli %add3A_122, %mul3A_123 : i32
    %multiple_of3A_125 = tpu.assume_multiple %mul3A_124, 8 : i32
    "tpu.region"() ({
      %run_scoped3A = tpu.sem_alloc : memref<!tpu.dma_semaphore, #tpu.memory_space<semaphore_mem>>
      %dma_start3A = arith.constant 0 : i32
      %dma_start3A_133 = tpu.memref_slice %arg17[%multiple_of3A_125, %dma_start3A] : memref<100096x16xf32, #tpu.memory_space<vmem_shared>> -> memref<400x16xf32, #tpu.memory_space<vmem_shared>>
      %dma_start3A_134 = arith.constant 0 : i32
      %dma_start3A_135 = tpu.memref_slice %arg17[%multiple_of3A_125, %dma_start3A_134] : memref<100096x16xf32, #tpu.memory_space<vmem_shared>> -> memref<400x16xf32, #tpu.memory_space<vmem_shared>>
      tpu.enqueue_dma source(%dma_start3A_135 : memref<400x16xf32, #tpu.memory_space<vmem_shared>>) target(%arg16 : memref<400x16xf32, #tpu.memory_space<vmem>>) target_semaphore(%run_scoped3A : memref<!tpu.dma_semaphore, #tpu.memory_space<semaphore_mem>>)
      %dma_wait3A = arith.constant 0 : i32
      %dma_wait3A_136 = tpu.memref_slice %arg17[%multiple_of3A_125, %dma_wait3A] : memref<100096x16xf32, #tpu.memory_space<vmem_shared>> -> memref<400x16xf32, #tpu.memory_space<vmem_shared>>
      %dma_wait3A_137 = arith.constant 0 : i32
      %dma_wait3A_138 = tpu.memref_slice %arg17[%multiple_of3A_125, %dma_wait3A_137] : memref<100096x16xf32, #tpu.memory_space<vmem_shared>> -> memref<400x16xf32, #tpu.memory_space<vmem_shared>>
      tpu.wait_dma2 semaphore(%run_scoped3A : memref<!tpu.dma_semaphore, #tpu.memory_space<semaphore_mem>>) src(%dma_wait3A_138 : memref<400x16xf32, #tpu.memory_space<vmem_shared>>) dst(%arg16 : memref<400x16xf32, #tpu.memory_space<vmem>>)
      tpu.yield
    }) : () -> ()
    "tpu.region"() ({
      %run_scoped3A = tpu.sem_alloc : memref<!tpu.dma_semaphore, #tpu.memory_space<semaphore_mem>>
      %dma_start3A = arith.constant 0 : i32
      %dma_start3A_133 = tpu.memref_slice %arg5[%arg0, %multiple_of3A_125, %dma_start3A] : memref<2x100000x16xf32, #tpu.memory_space<hbm>> -> memref<1x400x16xf32, #tpu.memory_space<hbm>>
      %dma_start3A_134 = tpu.memref_squeeze %dma_start3A_133 : memref<1x400x16xf32, #tpu.memory_space<hbm>> -> memref<400x16xf32, #tpu.memory_space<hbm>>
      %dma_start3A_135 = arith.constant 0 : i32
      %dma_start3A_136 = tpu.memref_slice %arg5[%arg0, %multiple_of3A_125, %dma_start3A_135] : memref<2x100000x16xf32, #tpu.memory_space<hbm>> -> memref<1x400x16xf32, #tpu.memory_space<hbm>>
      %dma_start3A_137 = tpu.memref_squeeze %dma_start3A_136 : memref<1x400x16xf32, #tpu.memory_space<hbm>> -> memref<400x16xf32, #tpu.memory_space<hbm>>
      tpu.enqueue_dma source(%arg16 : memref<400x16xf32, #tpu.memory_space<vmem>>) target(%dma_start3A_137 : memref<400x16xf32, #tpu.memory_space<hbm>>) target_semaphore(%run_scoped3A : memref<!tpu.dma_semaphore, #tpu.memory_space<semaphore_mem>>)
      %dma_wait3A = arith.constant 0 : i32
      %dma_wait3A_138 = tpu.memref_slice %arg5[%arg0, %multiple_of3A_125, %dma_wait3A] : memref<2x100000x16xf32, #tpu.memory_space<hbm>> -> memref<1x400x16xf32, #tpu.memory_space<hbm>>
      %dma_wait3A_139 = tpu.memref_squeeze %dma_wait3A_138 : memref<1x400x16xf32, #tpu.memory_space<hbm>> -> memref<400x16xf32, #tpu.memory_space<hbm>>
      %dma_wait3A_140 = arith.constant 0 : i32
      %dma_wait3A_141 = tpu.memref_slice %arg5[%arg0, %multiple_of3A_125, %dma_wait3A_140] : memref<2x100000x16xf32, #tpu.memory_space<hbm>> -> memref<1x400x16xf32, #tpu.memory_space<hbm>>
      %dma_wait3A_142 = tpu.memref_squeeze %dma_wait3A_141 : memref<1x400x16xf32, #tpu.memory_space<hbm>> -> memref<400x16xf32, #tpu.memory_space<hbm>>
      tpu.wait_dma2 semaphore(%run_scoped3A : memref<!tpu.dma_semaphore, #tpu.memory_space<semaphore_mem>>) src(%arg16 : memref<400x16xf32, #tpu.memory_space<vmem>>) dst(%dma_wait3A_142 : memref<400x16xf32, #tpu.memory_space<hbm>>)
      tpu.yield
    }) : () -> ()
    %add3A_126 = arith.constant 224 : i32
    %add3A_127 = arith.addi %arg1, %add3A_126 : i32
    %mul3A_128 = arith.constant 400 : i32
    %mul3A_129 = arith.muli %add3A_127, %mul3A_128 : i32
    %multiple_of3A_130 = tpu.assume_multiple %mul3A_129, 8 : i32
    "tpu.region"() ({
      %run_scoped3A = tpu.sem_alloc : memref<!tpu.dma_semaphore, #tpu.memory_space<semaphore_mem>>
      %dma_start3A = arith.constant 0 : i32
      %dma_start3A_133 = tpu.memref_slice %arg17[%multiple_of3A_130, %dma_start3A] : memref<100096x16xf32, #tpu.memory_space<vmem_shared>> -> memref<400x16xf32, #tpu.memory_space<vmem_shared>>
      %dma_start3A_134 = arith.constant 0 : i32
      %dma_start3A_135 = tpu.memref_slice %arg17[%multiple_of3A_130, %dma_start3A_134] : memref<100096x16xf32, #tpu.memory_space<vmem_shared>> -> memref<400x16xf32, #tpu.memory_space<vmem_shared>>
      tpu.enqueue_dma source(%dma_start3A_135 : memref<400x16xf32, #tpu.memory_space<vmem_shared>>) target(%arg16 : memref<400x16xf32, #tpu.memory_space<vmem>>) target_semaphore(%run_scoped3A : memref<!tpu.dma_semaphore, #tpu.memory_space<semaphore_mem>>)
      %dma_wait3A = arith.constant 0 : i32
      %dma_wait3A_136 = tpu.memref_slice %arg17[%multiple_of3A_130, %dma_wait3A] : memref<100096x16xf32, #tpu.memory_space<vmem_shared>> -> memref<400x16xf32, #tpu.memory_space<vmem_shared>>
      %dma_wait3A_137 = arith.constant 0 : i32
      %dma_wait3A_138 = tpu.memref_slice %arg17[%multiple_of3A_130, %dma_wait3A_137] : memref<100096x16xf32, #tpu.memory_space<vmem_shared>> -> memref<400x16xf32, #tpu.memory_space<vmem_shared>>
      tpu.wait_dma2 semaphore(%run_scoped3A : memref<!tpu.dma_semaphore, #tpu.memory_space<semaphore_mem>>) src(%dma_wait3A_138 : memref<400x16xf32, #tpu.memory_space<vmem_shared>>) dst(%arg16 : memref<400x16xf32, #tpu.memory_space<vmem>>)
      tpu.yield
    }) : () -> ()
    "tpu.region"() ({
      %run_scoped3A = tpu.sem_alloc : memref<!tpu.dma_semaphore, #tpu.memory_space<semaphore_mem>>
      %dma_start3A = arith.constant 0 : i32
      %dma_start3A_133 = tpu.memref_slice %arg5[%arg0, %multiple_of3A_130, %dma_start3A] : memref<2x100000x16xf32, #tpu.memory_space<hbm>> -> memref<1x400x16xf32, #tpu.memory_space<hbm>>
      %dma_start3A_134 = tpu.memref_squeeze %dma_start3A_133 : memref<1x400x16xf32, #tpu.memory_space<hbm>> -> memref<400x16xf32, #tpu.memory_space<hbm>>
      %dma_start3A_135 = arith.constant 0 : i32
      %dma_start3A_136 = tpu.memref_slice %arg5[%arg0, %multiple_of3A_130, %dma_start3A_135] : memref<2x100000x16xf32, #tpu.memory_space<hbm>> -> memref<1x400x16xf32, #tpu.memory_space<hbm>>
      %dma_start3A_137 = tpu.memref_squeeze %dma_start3A_136 : memref<1x400x16xf32, #tpu.memory_space<hbm>> -> memref<400x16xf32, #tpu.memory_space<hbm>>
      tpu.enqueue_dma source(%arg16 : memref<400x16xf32, #tpu.memory_space<vmem>>) target(%dma_start3A_137 : memref<400x16xf32, #tpu.memory_space<hbm>>) target_semaphore(%run_scoped3A : memref<!tpu.dma_semaphore, #tpu.memory_space<semaphore_mem>>)
      %dma_wait3A = arith.constant 0 : i32
      %dma_wait3A_138 = tpu.memref_slice %arg5[%arg0, %multiple_of3A_130, %dma_wait3A] : memref<2x100000x16xf32, #tpu.memory_space<hbm>> -> memref<1x400x16xf32, #tpu.memory_space<hbm>>
      %dma_wait3A_139 = tpu.memref_squeeze %dma_wait3A_138 : memref<1x400x16xf32, #tpu.memory_space<hbm>> -> memref<400x16xf32, #tpu.memory_space<hbm>>
      %dma_wait3A_140 = arith.constant 0 : i32
      %dma_wait3A_141 = tpu.memref_slice %arg5[%arg0, %multiple_of3A_130, %dma_wait3A_140] : memref<2x100000x16xf32, #tpu.memory_space<hbm>> -> memref<1x400x16xf32, #tpu.memory_space<hbm>>
      %dma_wait3A_142 = tpu.memref_squeeze %dma_wait3A_141 : memref<1x400x16xf32, #tpu.memory_space<hbm>> -> memref<400x16xf32, #tpu.memory_space<hbm>>
      tpu.wait_dma2 semaphore(%run_scoped3A : memref<!tpu.dma_semaphore, #tpu.memory_space<semaphore_mem>>) src(%arg16 : memref<400x16xf32, #tpu.memory_space<vmem>>) dst(%dma_wait3A_142 : memref<400x16xf32, #tpu.memory_space<hbm>>)
      tpu.yield
    }) : () -> ()
    %lt3A = arith.constant 10 : i32
    %lt3A_131 = arith.cmpi slt, %arg1, %lt3A : i32
    %convert_element_type3A = arith.extui %lt3A_131 : i1 to i32
    %cond3A = arith.constant 0 : i32
    %cond3A_132 = arith.cmpi ne, %convert_element_type3A, %cond3A : i32
    scf.if %cond3A_132 {
      %add3A_133 = arith.constant 240 : i32
      %add3A_134 = arith.addi %arg1, %add3A_133 : i32
      %mul3A_135 = arith.constant 400 : i32
      %mul3A_136 = arith.muli %add3A_134, %mul3A_135 : i32
      %multiple_of3A_137 = tpu.assume_multiple %mul3A_136, 8 : i32
      "tpu.region"() ({
        %run_scoped3A = tpu.sem_alloc : memref<!tpu.dma_semaphore, #tpu.memory_space<semaphore_mem>>
        %dma_start3A = arith.constant 0 : i32
        %dma_start3A_138 = tpu.memref_slice %arg17[%multiple_of3A_137, %dma_start3A] : memref<100096x16xf32, #tpu.memory_space<vmem_shared>> -> memref<400x16xf32, #tpu.memory_space<vmem_shared>>
        %dma_start3A_139 = arith.constant 0 : i32
        %dma_start3A_140 = tpu.memref_slice %arg17[%multiple_of3A_137, %dma_start3A_139] : memref<100096x16xf32, #tpu.memory_space<vmem_shared>> -> memref<400x16xf32, #tpu.memory_space<vmem_shared>>
        tpu.enqueue_dma source(%dma_start3A_140 : memref<400x16xf32, #tpu.memory_space<vmem_shared>>) target(%arg16 : memref<400x16xf32, #tpu.memory_space<vmem>>) target_semaphore(%run_scoped3A : memref<!tpu.dma_semaphore, #tpu.memory_space<semaphore_mem>>)
        %dma_wait3A = arith.constant 0 : i32
        %dma_wait3A_141 = tpu.memref_slice %arg17[%multiple_of3A_137, %dma_wait3A] : memref<100096x16xf32, #tpu.memory_space<vmem_shared>> -> memref<400x16xf32, #tpu.memory_space<vmem_shared>>
        %dma_wait3A_142 = arith.constant 0 : i32
        %dma_wait3A_143 = tpu.memref_slice %arg17[%multiple_of3A_137, %dma_wait3A_142] : memref<100096x16xf32, #tpu.memory_space<vmem_shared>> -> memref<400x16xf32, #tpu.memory_space<vmem_shared>>
        tpu.wait_dma2 semaphore(%run_scoped3A : memref<!tpu.dma_semaphore, #tpu.memory_space<semaphore_mem>>) src(%dma_wait3A_143 : memref<400x16xf32, #tpu.memory_space<vmem_shared>>) dst(%arg16 : memref<400x16xf32, #tpu.memory_space<vmem>>)
        tpu.yield
      }) : () -> ()
      "tpu.region"() ({
        %run_scoped3A = tpu.sem_alloc : memref<!tpu.dma_semaphore, #tpu.memory_space<semaphore_mem>>
        %dma_start3A = arith.constant 0 : i32
        %dma_start3A_138 = tpu.memref_slice %arg5[%arg0, %multiple_of3A_137, %dma_start3A] : memref<2x100000x16xf32, #tpu.memory_space<hbm>> -> memref<1x400x16xf32, #tpu.memory_space<hbm>>
        %dma_start3A_139 = tpu.memref_squeeze %dma_start3A_138 : memref<1x400x16xf32, #tpu.memory_space<hbm>> -> memref<400x16xf32, #tpu.memory_space<hbm>>
        %dma_start3A_140 = arith.constant 0 : i32
        %dma_start3A_141 = tpu.memref_slice %arg5[%arg0, %multiple_of3A_137, %dma_start3A_140] : memref<2x100000x16xf32, #tpu.memory_space<hbm>> -> memref<1x400x16xf32, #tpu.memory_space<hbm>>
        %dma_start3A_142 = tpu.memref_squeeze %dma_start3A_141 : memref<1x400x16xf32, #tpu.memory_space<hbm>> -> memref<400x16xf32, #tpu.memory_space<hbm>>
        tpu.enqueue_dma source(%arg16 : memref<400x16xf32, #tpu.memory_space<vmem>>) target(%dma_start3A_142 : memref<400x16xf32, #tpu.memory_space<hbm>>) target_semaphore(%run_scoped3A : memref<!tpu.dma_semaphore, #tpu.memory_space<semaphore_mem>>)
        %dma_wait3A = arith.constant 0 : i32
        %dma_wait3A_143 = tpu.memref_slice %arg5[%arg0, %multiple_of3A_137, %dma_wait3A] : memref<2x100000x16xf32, #tpu.memory_space<hbm>> -> memref<1x400x16xf32, #tpu.memory_space<hbm>>
        %dma_wait3A_144 = tpu.memref_squeeze %dma_wait3A_143 : memref<1x400x16xf32, #tpu.memory_space<hbm>> -> memref<400x16xf32, #tpu.memory_space<hbm>>
        %dma_wait3A_145 = arith.constant 0 : i32
        %dma_wait3A_146 = tpu.memref_slice %arg5[%arg0, %multiple_of3A_137, %dma_wait3A_145] : memref<2x100000x16xf32, #tpu.memory_space<hbm>> -> memref<1x400x16xf32, #tpu.memory_space<hbm>>
        %dma_wait3A_147 = tpu.memref_squeeze %dma_wait3A_146 : memref<1x400x16xf32, #tpu.memory_space<hbm>> -> memref<400x16xf32, #tpu.memory_space<hbm>>
        tpu.wait_dma2 semaphore(%run_scoped3A : memref<!tpu.dma_semaphore, #tpu.memory_space<semaphore_mem>>) src(%arg16 : memref<400x16xf32, #tpu.memory_space<vmem>>) dst(%dma_wait3A_147 : memref<400x16xf32, #tpu.memory_space<hbm>>)
        tpu.yield
      }) : () -> ()
    } else {
    }
    return
  }
}

module attributes {stable_mosaic.version = 14 : i64} {
  func.func @_layer1_body(%arg0: i32, %arg1: memref<2000x16xf32, #tpu.memory_space<vmem>>, %arg2: memref<2000x16xf32, #tpu.memory_space<vmem>>, %arg3: memref<2000x16xf32, #tpu.memory_space<vmem>>, %arg4: memref<16x32xf32, #tpu.memory_space<vmem>>, %arg5: memref<32x32xf32, #tpu.memory_space<vmem>>, %arg6: memref<1x32xf32, #tpu.memory_space<vmem>>, %arg7: memref<2000x32xf32, #tpu.memory_space<vmem>>) attributes {dimension_semantics = [#tpu.dimension_semantics<arbitrary>], iteration_bounds = array<i64: 50>, scalar_prefetch = 0 : i64, scratch_operands = 0 : i64, tpu.core_type = #tpu.core_type<tc>, window_params = [{transform_indices = @transform_0, window_bounds = array<i64: 2000, 16>}, {transform_indices = @transform_1, window_bounds = array<i64: 2000, 16>}, {transform_indices = @transform_2, window_bounds = array<i64: 2000, 16>}, {pipeline_mode = #tpu.pipeline_mode<synchronous>, transform_indices = @transform_3, window_bounds = array<i64: 16, 32>}, {pipeline_mode = #tpu.pipeline_mode<synchronous>, transform_indices = @transform_4, window_bounds = array<i64: 32, 32>}, {pipeline_mode = #tpu.pipeline_mode<synchronous>, transform_indices = @transform_5, window_bounds = array<i64: 1, 32>}, {transform_indices = @transform_6, window_bounds = array<i64: 2000, 32>}]} {
    %get3A = arith.constant 0 : index
    %get3A_0 = arith.constant 0 : index
    %get3A_1 = vector.load %arg1[%get3A, %get3A_0] : memref<2000x16xf32, #tpu.memory_space<vmem>>, vector<2000x16xf32>
    %get3A_2 = arith.constant 0 : index
    %get3A_3 = arith.constant 0 : index
    %get3A_4 = vector.load %arg2[%get3A_2, %get3A_3] : memref<2000x16xf32, #tpu.memory_space<vmem>>, vector<2000x16xf32>
    %add3A = arith.addf %get3A_1, %get3A_4 : vector<2000x16xf32>
    %get3A_5 = arith.constant 0 : index
    %get3A_6 = arith.constant 0 : index
    %get3A_7 = vector.load %arg3[%get3A_5, %get3A_6] : memref<2000x16xf32, #tpu.memory_space<vmem>>, vector<2000x16xf32>
    %add3A_8 = arith.addf %add3A, %get3A_7 : vector<2000x16xf32>
    %get3A_9 = arith.constant 0 : index
    %get3A_10 = arith.constant 0 : index
    %get3A_11 = vector.load %arg4[%get3A_9, %get3A_10] : memref<16x32xf32, #tpu.memory_space<vmem>>, vector<16x32xf32>
    %dot_general3A = arith.constant dense<0.000000e+00> : vector<2000x32xf32>
    %dot_general3A_12 = tpu.matmul %add3A_8, %get3A_11, %dot_general3A {dimension_numbers = #tpu.dot_dimension_numbers<[1], [0], [0], [1], [0, 0, 1, 1], [], []>, transpose_lhs_hint = false} : vector<2000x16xf32>, vector<16x32xf32>, vector<2000x32xf32> -> vector<2000x32xf32>
    %max3A = arith.constant 0.000000e+00 : f32
    %max3A_13 = vector.broadcast %max3A : f32 to vector<2000x32xf32>
    %max3A_14 = arith.maximumf %dot_general3A_12, %max3A_13 : vector<2000x32xf32>
    %get3A_15 = arith.constant 0 : index
    %get3A_16 = arith.constant 0 : index
    %get3A_17 = vector.load %arg5[%get3A_15, %get3A_16] : memref<32x32xf32, #tpu.memory_space<vmem>>, vector<32x32xf32>
    %dot_general3A_18 = arith.constant dense<0.000000e+00> : vector<2000x32xf32>
    %dot_general3A_19 = tpu.matmul %max3A_14, %get3A_17, %dot_general3A_18 {dimension_numbers = #tpu.dot_dimension_numbers<[1], [0], [0], [1], [0, 0, 1, 1], [], []>, transpose_lhs_hint = false} : vector<2000x32xf32>, vector<32x32xf32>, vector<2000x32xf32> -> vector<2000x32xf32>
    %get3A_20 = arith.constant 0 : index
    %get3A_21 = arith.constant 0 : index
    %get3A_22 = vector.load %arg6[%get3A_20, %get3A_21] : memref<1x32xf32, #tpu.memory_space<vmem>>, vector<1x32xf32>
    %add3A_23 = vector.broadcast %get3A_22 : vector<1x32xf32> to vector<2000x32xf32>
    %add3A_24 = arith.addf %dot_general3A_19, %add3A_23 : vector<2000x32xf32>
    %swap3A = arith.constant 0 : index
    %swap3A_25 = arith.constant 0 : index
    %swap3A_26 = vector.load %arg7[%swap3A, %swap3A_25] : memref<2000x32xf32, #tpu.memory_space<vmem>>, vector<2000x32xf32>
    tpu.vector_store %arg7[%swap3A, %swap3A_25], %add3A_24 {strides = array<i32>} : memref<2000x32xf32, #tpu.memory_space<vmem>>, vector<2000x32xf32>,
    return
  }
  func.func @transform_0(%arg0: i32) -> (i32, i32) {
    %c0_i32 = arith.constant 0 : i32
    %c0_i32_0 = arith.constant 0 : i32
    return %arg0, %c0_i32 : i32, i32
  }
  func.func @transform_1(%arg0: i32) -> (i32, i32) {
    %c0_i32 = arith.constant 0 : i32
    %c0_i32_0 = arith.constant 0 : i32
    return %arg0, %c0_i32 : i32, i32
  }
  func.func @transform_2(%arg0: i32) -> (i32, i32) {
    %c0_i32 = arith.constant 0 : i32
    %c0_i32_0 = arith.constant 0 : i32
    return %arg0, %c0_i32 : i32, i32
  }
  func.func @transform_3(%arg0: i32) -> (i32, i32) {
    %c0_i32 = arith.constant 0 : i32
    %c0_i32_0 = arith.constant 0 : i32
    %c0_i32_1 = arith.constant 0 : i32
    return %c0_i32, %c0_i32_0 : i32, i32
  }
  func.func @transform_4(%arg0: i32) -> (i32, i32) {
    %c0_i32 = arith.constant 0 : i32
    %c0_i32_0 = arith.constant 0 : i32
    %c0_i32_1 = arith.constant 0 : i32
    return %c0_i32, %c0_i32_0 : i32, i32
  }
  func.func @transform_5(%arg0: i32) -> (i32, i32) {
    %c0_i32 = arith.constant 0 : i32
    %c0_i32_0 = arith.constant 0 : i32
    %c0_i32_1 = arith.constant 0 : i32
    return %c0_i32, %c0_i32_0 : i32, i32
  }
  func.func @transform_6(%arg0: i32) -> (i32, i32) {
    %c0_i32 = arith.constant 0 : i32
    %c0_i32_0 = arith.constant 0 : i32
    return %arg0, %c0_i32 : i32, i32
  }
}

module attributes {stable_mosaic.version = 14 : i64} {
  func.func @_gconv_out_body(%arg0: i32, %arg1: memref<2000x32xf32, #tpu.memory_space<vmem>>, %arg2: memref<2000x32xf32, #tpu.memory_space<vmem>>, %arg3: memref<32x3xf32, #tpu.memory_space<vmem>>, %arg4: memref<1x3xf32, #tpu.memory_space<vmem>>, %arg5: memref<2000x3xf32, #tpu.memory_space<vmem>>) attributes {dimension_semantics = [#tpu.dimension_semantics<arbitrary>], iteration_bounds = array<i64: 50>, scalar_prefetch = 0 : i64, scratch_operands = 0 : i64, tpu.core_type = #tpu.core_type<tc>, window_params = [{transform_indices = @transform_0, window_bounds = array<i64: 2000, 32>}, {transform_indices = @transform_1, window_bounds = array<i64: 2000, 32>}, {pipeline_mode = #tpu.pipeline_mode<synchronous>, transform_indices = @transform_2, window_bounds = array<i64: 32, 3>}, {pipeline_mode = #tpu.pipeline_mode<synchronous>, transform_indices = @transform_3, window_bounds = array<i64: 1, 3>}, {transform_indices = @transform_4, window_bounds = array<i64: 2000, 3>}]} {
    %get3A = arith.constant 0 : index
    %get3A_0 = arith.constant 0 : index
    %get3A_1 = vector.load %arg1[%get3A, %get3A_0] : memref<2000x32xf32, #tpu.memory_space<vmem>>, vector<2000x32xf32>
    %get3A_2 = arith.constant 0 : index
    %get3A_3 = arith.constant 0 : index
    %get3A_4 = vector.load %arg2[%get3A_2, %get3A_3] : memref<2000x32xf32, #tpu.memory_space<vmem>>, vector<2000x32xf32>
    %add3A = arith.addf %get3A_1, %get3A_4 : vector<2000x32xf32>
    %max3A = arith.constant 0.000000e+00 : f32
    %max3A_5 = vector.broadcast %max3A : f32 to vector<2000x32xf32>
    %max3A_6 = arith.maximumf %add3A, %max3A_5 : vector<2000x32xf32>
    %get3A_7 = arith.constant 0 : index
    %get3A_8 = arith.constant 0 : index
    %get3A_9 = vector.load %arg3[%get3A_7, %get3A_8] : memref<32x3xf32, #tpu.memory_space<vmem>>, vector<32x3xf32>
    %dot_general3A = arith.constant dense<0.000000e+00> : vector<2000x3xf32>
    %dot_general3A_10 = tpu.matmul %max3A_6, %get3A_9, %dot_general3A {dimension_numbers = #tpu.dot_dimension_numbers<[1], [0], [0], [1], [0, 0, 1, 1], [], []>, transpose_lhs_hint = false} : vector<2000x32xf32>, vector<32x3xf32>, vector<2000x3xf32> -> vector<2000x3xf32>
    %get3A_11 = arith.constant 0 : index
    %get3A_12 = arith.constant 0 : index
    %get3A_13 = vector.load %arg4[%get3A_11, %get3A_12] : memref<1x3xf32, #tpu.memory_space<vmem>>, vector<1x3xf32>
    %add3A_14 = vector.broadcast %get3A_13 : vector<1x3xf32> to vector<2000x3xf32>
    %add3A_15 = arith.addf %dot_general3A_10, %add3A_14 : vector<2000x3xf32>
    %swap3A = arith.constant 0 : index
    %swap3A_16 = arith.constant 0 : index
    %swap3A_17 = vector.load %arg5[%swap3A, %swap3A_16] : memref<2000x3xf32, #tpu.memory_space<vmem>>, vector<2000x3xf32>
    tpu.vector_store %arg5[%swap3A, %swap3A_16], %add3A_15 {strides = array<i32>} : memref<2000x3xf32, #tpu.memory_space<vmem>>, vector<2000x3xf32>,
    return
  }
  func.func @transform_0(%arg0: i32) -> (i32, i32) {
    %c0_i32 = arith.constant 0 : i32
    %c0_i32_0 = arith.constant 0 : i32
    return %arg0, %c0_i32 : i32, i32
  }
  func.func @transform_1(%arg0: i32) -> (i32, i32) {
    %c0_i32 = arith.constant 0 : i32
    %c0_i32_0 = arith.constant 0 : i32
    return %arg0, %c0_i32 : i32, i32
  }
  func.func @transform_2(%arg0: i32) -> (i32, i32) {
    %c0_i32 = arith.constant 0 : i32
    %c0_i32_0 = arith.constant 0 : i32
    %c0_i32_1 = arith.constant 0 : i32
    return %c0_i32, %c0_i32_0 : i32, i32
  }
  func.func @transform_3(%arg0: i32) -> (i32, i32) {
    %c0_i32 = arith.constant 0 : i32
    %c0_i32_0 = arith.constant 0 : i32
    %c0_i32_1 = arith.constant 0 : i32
    return %c0_i32, %c0_i32_0 : i32, i32
  }
  func.func @transform_4(%arg0: i32) -> (i32, i32) {
    %c0_i32 = arith.constant 0 : i32
    %c0_i32_0 = arith.constant 0 : i32
    return %arg0, %c0_i32 : i32, i32
  }
}

</mosaic_0001>

<sc_bundles>
// kernel: kernel.6.cloned.1.call-start
scs
__scs_entry_jumppad:
0x0: {  	(pc) =	sbr.rel $0x88, $3  }
0x1: {  	(tag) =	ssettag $0x0;
	lr =	simm.s32 $0x1  }
0x2: {  	[smem:$0x3F97] =	sst lr;
	_ =	strace $0xD0000000  }
0x3: {  	_ = 	snop  }
0x4: {  	_ = 	snop  }
0x5: {  	_ = 	snop  }
0x6: {  	_ = 	snop  }
0x7: {  	_ = 	snop  }
__scs_overlays_trampoline_lowered:
0x8: {  	[smem:$0x3FA6] =	sst s0  }
0x9: {  	[smem:$0x3FA7] =	sst s1  }
0xa: {  	[smem:$0x3FA8] =	sst s2  }
0xb: {  	[smem:$0x3FA9] =	sst s3  }
0xc: {  	[smem:$0x3FAA] =	sst s4  }
0xd: {  	[smem:$0x3FAB] =	sst s5  }
0xe: {  	[smem:$0x3FAC] =	sst s6  }
0xf: {  	[smem:$0x3FAD] =	sst s7  }
0x10: {  	[smem:$0x3FAE] =	sst s8  }
0x11: {  	[smem:$0x3FAF] =	sst s9;
	s0 =	simm.s32 @!p0 $0x0  }
0x12: {  	s1 =	sld [smem:$0x3F95];
	s0 =	simm.s32 @p0 $0x1  }
0x13: {  	[smem:$0x3FB0] =	sst s0;
	s0 =	simm.s32 @!p1 $0x0  }
0x14: {  	s2 =	sld [smem:$0x3F94];
	s0 =	simm.s32 @p1 $0x1  }
0x15: {  	[smem:$0x3FB1] =	sst s0;
	s0 =	simm.s32 @!p2 $0x0  }
0x16: {  	s3 =	sld [smem:$0x3FDB];
	s0 =	simm.s32 @p2 $0x1  }
0x17: {  	s4 =	simm.s32 $0x1BF5;
	[smem:$0x3FB3] =	sst s0  }
0x18: {  	s0 =	sld [smem:$0x3F96];
	_ =	swait.ge [sflag:s4], $0x0  }
0x19: {  	s7 =	sld [smem:$0x3F97]  }
0x1a: {  	s8 =	sadd.s32 $0xFFFFE003, lr  }
0x1b: {  	s9 =	sadd.s32 $0xFFFFFEF7, lr;
	s5 =	simm.s32 $0xFFFFFFFF;
	p2 =	slt.u32 s8, $0xFFFFF086  }
0x1c: {  	p1 =	slt.u32 s9, $0xF7A;
	s5 =	simm.s32 @!p2 $0x0  }
0x1d: {  	s5 =	simm.s32 @p1 $0x1;
	p0 =	seq.s32 s7, s2  }
0x1e: {  	s7 =	smul.u32 @!p0 $0xF7A, s2;
	p2 =	seq.s32 @!p0 s5, $0x0  }
0x1f: {  	s9 =	smul.u32 $0xF7A, s1;
	s8 =	simm.s32 @!p0 $0x1BF5;
	p2 =	por !p2, p0  }
0x20: {  	[sflag:s8] =	ssyncset.s32 @!p0 $0xFFFFF086;
	s6 =	sadd.s32 @!p0 s3, s7;
	s7 =	simm.s32 @!p0 $0x108  }
0x21: {  	s3 =	sadd.s32 s3, s9;
	s6 =	sadd.s32 @!p0 $0x88, s6;
	s7 =	simm.s32 @p2 $0x1082  }
0x22: {  	[simem:s7], [sflag:s8] =	dma.local @!p0 [hbm:s6], $0xF7A  }
0x23: {  	s9 =	sor.u32 $0xD0000000, s2;
	s6 =	simm.s32 $0x108;
	_ =	swait.ge @!p0 [sflag:s8], $0x0  }
0x24: {  	s3 =	sadd.s32 $0x88, s3;
	s6 =	simm.s32 @!p1 $0x1082;
	[sflag:s4] =	ssyncset.s32 $0xFFFFF086  }
0x25: {  	[simem:s6], [sflag:s4] =	dma.local [hbm:s3], $0xF7A  }
0x26: {  	[smem:$0x3F97] =	sst s1;
	(tag) =	ssettag s2;
	_ =	strace s9  }
0x27: {  	s1 =	sld [smem:$0x3FA7]  }
0x28: {  	s2 =	sld [smem:$0x3FA8]  }
0x29: {  	s4 =	sld [smem:$0x3FAA]  }
0x2a: {  	p0 =	seq.s32 s5, $0x0;
	s5 =	sld [smem:$0x3FAB]  }
0x2b: {  	s6 =	sld [smem:$0x3FAC]  }
0x2c: {  	s7 =	sld [smem:$0x3FAD]  }
0x2d: {  	s3 =	simm.s32 $0x108;
	s8 =	sld [smem:$0x3FAE]  }
0x2e: {  	s3 =	simm.s32 @!p0 $0x1082;
	s9 =	sld [smem:$0x3FAF]  }
0x2f: {  	lr =	sadd.s32 s0, s3;
	s0 =	sld [smem:$0x3FA6]  }
0x30: {  	s3 =	sld [smem:$0x3FA9]  }
0x31: {  	[smem:$0x3FB2] =	sst s10  }
0x32: {  	s10 =	sld [smem:$0x3FB0];
	_ =	sdelay $0x3  }
0x33: {  	p0 =	seq.s32 s10, $0x1;
	s10 =	sld [smem:$0x3FB2];
	_ =	sdelay $0x3  }
0x34: {  	[smem:$0x3FB2] =	sst s10  }
0x35: {  	s10 =	sld [smem:$0x3FB1];
	_ =	sdelay $0x3  }
0x36: {  	p1 =	seq.s32 s10, $0x1;
	s10 =	sld [smem:$0x3FB2];
	_ =	sdelay $0x3  }
0x37: {  	[smem:$0x3FB2] =	sst s10  }
0x38: {  	s10 =	sld [smem:$0x3FB3]  }
0x39: {  	_ = 	snop;
	(pc) =	sbr.ind lr, $3  }
0x3a: {  	_ = 	snop  }
0x3b: {  	_ = 	snop  }
0x3c: {  	p2 =	seq.s32 s10, $0x1;
	s10 =	sld [smem:$0x3FB2]  }
0x3d: {  	_ =	shalt  }
0x3e: {  	_ =	shalt  }
0x3f: {  	_ =	shalt  }
0x40: {  	_ =	shalt  }
0x41: {  	_ =	shalt  }
0x42: {  	_ =	shalt  }
0x43: {  	_ =	shalt  }
0x44: {  	_ =	shalt  }
0x45: {  	_ =	shalt  }
0x46: {  	_ =	shalt  }
0x47: {  	_ =	shalt  }
0x48: {  	_ =	shalt  }
0x49: {  	_ =	shalt  }
0x4a: {  	_ =	shalt  }
0x4b: {  	_ =	shalt  }
0x4c: {  	_ =	shalt  }
0x4d: {  	_ =	shalt  }
0x4e: {  	_ =	shalt  }
0x4f: {  	_ =	shalt  }
0x50: {  	_ =	shalt  }
0x51: {  	_ =	shalt  }
0x52: {  	_ =	shalt  }
0x53: {  	_ =	shalt  }
0x54: {  	_ =	shalt  }
0x55: {  	_ =	shalt  }
0x56: {  	_ =	shalt  }
0x57: {  	_ =	shalt  }
0x58: {  	_ =	shalt  }
0x59: {  	_ =	shalt  }
0x5a: {  	_ =	shalt  }
0x5b: {  	_ =	shalt  }
0x5c: {  	_ =	shalt  }
0x5d: {  	_ =	shalt  }
0x5e: {  	_ =	shalt  }
0x5f: {  	_ =	shalt  }
0x60: {  	_ =	shalt  }
0x61: {  	_ =	shalt  }
0x62: {  	_ =	shalt  }
0x63: {  	_ =	shalt  }
0x64: {  	_ =	shalt  }
0x65: {  	_ =	shalt  }
0x66: {  	_ =	shalt  }
0x67: {  	_ =	shalt  }
0x68: {  	_ =	shalt  }
0x69: {  	_ =	shalt  }
0x6a: {  	_ =	shalt  }
0x6b: {  	_ =	shalt  }
0x6c: {  	_ =	shalt  }
0x6d: {  	_ =	shalt  }
0x6e: {  	_ =	shalt  }
0x6f: {  	_ =	shalt  }
0x70: {  	_ =	shalt  }
0x71: {  	_ =	shalt  }
0x72: {  	_ =	shalt  }
0x73: {  	_ =	shalt  }
0x74: {  	_ =	shalt  }
0x75: {  	_ =	shalt  }
0x76: {  	_ =	shalt  }
0x77: {  	_ =	shalt  }
0x78: {  	_ =	shalt  }
0x79: {  	_ =	shalt  }
0x7a: {  	_ =	shalt  }
0x7b: {  	_ =	shalt  }
0x7c: {  	_ =	shalt  }
0x7d: {  	_ =	shalt  }
0x7e: {  	_ =	shalt  }
0x7f: {  	_ =	shalt  }
0x80: {  	_ =	shalt  }
0x81: {  	_ =	shalt  }
0x82: {  	_ =	shalt  }
0x83: {  	_ =	shalt  }
0x84: {  	_ =	shalt  }
0x85: {  	_ =	shalt  }
0x86: {  	_ =	shalt  }
0x87: {  	_ =	shalt  }
.Lfunc_end0:
.L_simem_size_0:
called_computation_lowered:
.L_overlay_start_0:
0x88: {  	s2 =	sld [smem:$0x3FD9]  }
0x89: {  	s3 =	sld [smem:$0x3FFE];
	_ =	sdelay $0x1  }
0x8a: {  	s1 =	srdreg.scid  }
0x8b: {  	s0 =	sand.u32 $0x1, s1  }
0x8c: {  	s16 =	sshll.u32 s0, $0xA;
	s2 =	sadd.s32 s3, s2  }
0x8d: {  	s2 =	sadd.s32 s2, s16  }
0x8e: {  	[smem:$0x3FBE] =	sst s2  }
0x8f: {  	_ = 	snop  }
0x90: {  	(tm) =	ssettm $0x1  }
0x91: {  	s17 =	sld [smem:$0x3FFB];
	_ =	sdelay $0x3  }
0x92: {  	_ =	strace s17  }
0x93: {  	s2 =	sld [smem:$0x3FFC];
	_ =	sdelay $0x3  }
0x94: {  	_ =	strace s2  }
0x95: {  	s2 =	sld [smem:$0x3FFD];
	_ =	sdelay $0x3  }
0x96: {  	_ =	strace s2  }
0x97: {  	_ =	strace $0x8FFFFFFF  }
0x98: {  	s18 =	sld [smem:$0x3FDB];
	_ =	sdelay $0x1  }
0x99: {  	s19 =	simm.s32 $_scs_section_size  }
0x9a: {  	s4 =	simm.s32 $_size__tile_overlayer_lowered;
	s5 =	simm.s32 $_tile_overlayer_lowered  }
0x9b: {  	s22 =	simm.s32 $0x1BFF;
	s21 =	sshll.u32 s5, $0x1;
	s2 =	sadd.s32 s19, s18  }
0x9c: {  	s6 =	simm.s32 $0x0;
	s20 =	sshll.u32 s4, $0x1;
	s4 =	sadd.s32 s21, s2  }
0x9d: {  	[timem:s6], [sflag:s22] =	dma.local [hbm:s4], s20  }
0x9e: {  	_ =	swait.ge [sflag:s22], s20  }
0x9f: {  	s3 =	ssub.s32 $0x0, s20;
	[sflag:s22] =	ssyncset.done $0x0  }
0xa0: {  	[sflag:s22] =	ssyncadd.s32 s3;
	_ =	sdelay $0x1  }
0xa1: {  	s23 =	simm.s32 $0x1B8B  }
0xa2: {  	_ =	swait.ge [sflag:s23], $0x1  }
0xa3: {  	[sflag:s23] =	ssyncset.done $0x0  }
0xa4: {  	s25 =	simm.s32 $0x1B8E;
	s24 =	sld [smem:$0x3FFE];
	[sflag:s23] =	ssyncadd.s32 $0xFFFFFFFF  }
0xa5: {  	s26 =	simm.s32 $execute0_lowered;
	[smem:$0x3FD2] =	sst s25  }
0xa6: {  	s4 =	sshll.u32 s26, $0x1;
	_ =	strace $0x80000046;
	[dreg:$0x1] =	wrdreg $0xFFFFFFFF  }
0xa7: {  	s28 =	simm.s32 $_size_execute0_lowered;
	s2 =	sadd.s32 s2, s4;
	[dreg:$0x0] =	wrdreg $0x0  }
0xa8: {  	s4 =	sshll.u32 s28, $0x1;
	[dreg:$0x2] =	wrdreg s2  }
0xa9: {  	[dreg:$0x3] =	wrdreg s4  }
0xaa: {  	[dreg:$0x4] =	wrdreg $0xC0  }
0xab: {  	_ =	task [dreg:s6], $0x5FFFF  }
0xac: {  	[dreg:$0x1] =	wrdreg $0xFFFFFFFF  }
0xad: {  	[dreg:$0x0] =	wrdreg $0x60  }
0xae: {  	[dreg:$0x2] =	wrdreg s24  }
0xaf: {  	[dreg:$0x3] =	wrdreg $0x3DE00  }
0xb0: {  	[dreg:$0x4] =	wrdreg $0x9  }
0xb1: {  	_ =	task.clear_ibuf [dreg:s6], $0x5FFFF;
	_ =	strace $0x90000046  }
0xb2: {  	s29 =	simm.s32 $0x9;
	_ =	strace $0x80000048  }
0xb3: {  	_ =	swait.ge [sflag:s29], $0x1  }
0xb4: {  	[sflag:s29] =	ssyncadd.s32 $0xFFFFFFFF  }
0xb5: {  	_ =	strace $0x90000048  }
0xb6: {  	_ =	sfence  }
0xb7: {  	s30 =	sld [smem:$0x0];
	_ =	sdelay $0x2  }
0xb8: {  	s31 =	sshll.u32 s1, $0xD;
	s1 =	sshrl.u32 s1, $0x2  }
0xb9: {  	s3 =	sand.u32 $0x4000, s31;
	s1 =	sadd.s32 s1, s30  }
0xba: {  	s0 =	sor.u32 s3, s0;
	s1 =	sshll.u32 s1, $0x11  }
0xbb: {  	s0 =	sor.u32 s1, s0  }
0xbc: {  	s0 =	sadd.s32 $0x8F2B, s0  }
0xbd: {  	[sflag:s0] =	ssyncadd.remote.s32 $0x1  }
0xbe: {  	_ =	sfence.sel $0xFFFF  }
0xbf: {  	[dreg:$0x0] =	wrdreg $0xFFFFFFFF;
	(pc) =	sbr.abs _section_cstart, $3  }
0xc0: {  	[dreg:$0x1] =	wrdreg $0xFFFFFFFF  }
0xc1: {  	_ =	task.clear_ibuf [dreg:s6], $0x2FFFF;
	_ =	strace $0x9FFFFFFF  }
0xc2: {  	(tm) =	ssettm $0x7FFFFFFF  }
0xc3: {  	_ =	shalt  }
tec
execute0_lowered:
.L_overlay_start_1:
0x0: {  	(tag) =	ssettag $0x1  }
0x1: {  	s0 =	srdreg.scid;
	s1 =	stileid.u32  }
0x2: {  	s3 =	rddreg [dreg:$0x0];
	s7 =	simm.s32 $0x0;
	s5 =	smul.u32 $0xC350, s1  }
0x3: {  	s0 =	sand.u32 $0x1, s0;
	s4 =	smul.u32 $0x1900, s1;
	[smem:$0x7FF] =	sst s7  }
0x4: {  	s7 =	sadd.s32 $0x21A800, s3;
	s2 =	smul.u32 $0xC3500, s0;
	s6 =	ssub.s32 $0x2, s0  }
0x5: {  	s9 =	smul.u32 $0x186A00, s0;
	s8 =	sshrl.u32 s6, $0x1;
	s14 =	sadd.s32 $0xAF000, s4  }
0x6: {  	s16 =	sadd.s32 $0xC8000, s4;
	s0 =	ssub.s32 s6, s8;
	s2 =	sadd.s32 s5, s2  }
0x7: {  	s17 =	sadd.s32 s4, s9;
	s5 =	sadd.s32 $0x19000, s4;
	s6 =	sadd.s32 $0x32000, s4  }
0x8: {  	s15 =	sadd.s32 s9, s14;
	s26 =	sadd.s32 s9, s16;
	s18 =	sshrl.u32 s17, $0x3  }
0x9: {  	s10 =	sadd.s32 s9, s5;
	s20 =	sadd.s32 s9, s6;
	s25 =	sshrl.u32 s15, $0x3  }
0xa: {  	s28 =	sshrl.u32 s26, $0x3;
	s15 =	sadd.s32 $0xE1000, s4;
	s17 =	sadd.s32 $0xFA000, s4  }
0xb: {  	s26 =	sadd.s32 $0x15E000, s4;
	s8 =	sadd.s32 s7, s18;
	s19 =	sshrl.u32 s10, $0x3  }
0xc: {  	s10 =	sshrl.u32 s20, $0x3;
	[dreg:$0x4] =	wrdreg s8;
	s8 =	sadd.s32 s7, s19  }
0xd: {  	s29 =	sadd.s32 s9, s15;
	s10 =	sadd.s32 s7, s10;
	[dreg:$0x5] =	wrdreg s8  }
0xe: {  	s8 =	sadd.s32 $0x4B000, s4;
	[dreg:$0x6] =	wrdreg s10;
	s10 =	sadd.s32 $0x64000, s4  }
0xf: {  	s18 =	sadd.s32 s9, s17;
	s11 =	sadd.s32 s9, s8;
	s13 =	sadd.s32 s9, s10  }
0x10: {  	s12 =	sshrl.u32 s11, $0x3;
	s11 =	sadd.s32 $0x7D000, s4;
	s21 =	sshrl.u32 s13, $0x3  }
0x11: {  	s13 =	sadd.s32 $0x96000, s4;
	s12 =	sadd.s32 s7, s12;
	s22 =	sadd.s32 s9, s11  }
0x12: {  	[dreg:$0x7] =	wrdreg s12;
	s12 =	sadd.s32 s7, s21;
	s23 =	sshrl.u32 s22, $0x3  }
0x13: {  	s24 =	sadd.s32 s9, s13;
	[dreg:$0x8] =	wrdreg s12;
	s12 =	sadd.s32 s7, s23  }
0x14: {  	s20 =	sadd.s32 $0x113000, s4;
	[dreg:$0x9] =	wrdreg s12;
	s12 =	sshrl.u32 s24, $0x3  }
0x15: {  	s30 =	sshrl.u32 s18, $0x3;
	s31 =	sadd.s32 s9, s20;
	s12 =	sadd.s32 s7, s12  }
0x16: {  	s18 =	sadd.s32 $0x12C000, s4;
	[dreg:$0xa] =	wrdreg s12;
	s12 =	sadd.s32 s7, s25  }
0x17: {  	s19 =	sshrl.u32 s31, $0x3;
	[dreg:$0xb] =	wrdreg s12;
	s12 =	sadd.s32 s7, s28  }
0x18: {  	s23 =	sadd.s32 s9, s26;
	[dreg:$0xc] =	wrdreg s12;
	s12 =	sshrl.u32 s29, $0x3  }
0x19: {  	s21 =	sadd.s32 s9, s18;
	s24 =	sshrl.u32 s23, $0x3;
	s12 =	sadd.s32 s7, s12  }
0x1a: {  	s25 =	sadd.s32 $0x145000, s4;
	[dreg:$0xd] =	wrdreg s12;
	s12 =	sadd.s32 s7, s30  }
0x1b: {  	s28 =	sadd.s32 $0x177000, s4;
	[dreg:$0xe] =	wrdreg s12;
	s12 =	sadd.s32 s7, s19  }
0x1c: {  	s19 =	sadd.s32 s9, s25;
	[dreg:$0xf] =	wrdreg s12;
	s12 =	sshrl.u32 s21, $0x3  }
0x1d: {  	s22 =	sshrl.u32 s19, $0x3;
	s19 =	rddreg [dreg:$0x1];
	s12 =	sadd.s32 s7, s12  }
0x1e: {  	s9 =	sadd.s32 s9, s28;
	[dreg:$0x10] =	wrdreg s12;
	s12 =	sadd.s32 s7, s22  }
0x1f: {  	s9 =	sshrl.u32 s9, $0x3;
	[dreg:$0x11] =	wrdreg s12;
	s12 =	sadd.s32 s7, s24  }
0x20: {  	s7 =	sadd.s32 s7, s9;
	[dreg:$0x12] =	wrdreg s12  }
0x21: {  	s30 =	simm.s32 $0x23A0;
	[dreg:$0x13] =	wrdreg s7  }
0x22: {  	s4 =	sadd.s32 s4, s19;
	_ =	strace $0x80000047;
	[dreg:$0x3] =	wrdreg s30  }
0x23: {  	s5 =	sadd.s32 s5, s19;
	[dreg:$0x15] =	wrdreg s4  }
0x24: {  	s29 =	smul.u32 $0x61C00, s1;
	s7 =	sadd.s32 s6, s19;
	[dreg:$0x16] =	wrdreg s5  }
0x25: {  	s23 =	sadd.s32 $0x1400, s3;
	s9 =	sadd.s32 s8, s19;
	[dreg:$0x17] =	wrdreg s7  }
0x26: {  	s31 =	sshrl.u32 s29, $0x2;
	s12 =	sadd.s32 s10, s19;
	[dreg:$0x18] =	wrdreg s9  }
0x27: {  	s21 =	sadd.s32 $0x1E9A00, s3;
	s24 =	sadd.s32 s11, s19;
	[dreg:$0x19] =	wrdreg s12  }
0x28: {  	s29 =	sadd.s32 s13, s19;
	s22 =	sadd.s32 $0x32200, s3;
	[dreg:$0x1a] =	wrdreg s24  }
0x29: {  	s3 =	sadd.s32 s31, s19;
	s31 =	sadd.s32 s16, s19;
	[dreg:$0x1b] =	wrdreg s29  }
0x2a: {  	s6 =	sadd.s32 s17, s19;
	[dreg:$0x1d] =	wrdreg s31  }
0x2b: {  	s8 =	sadd.s32 s18, s19;
	[dreg:$0x1f] =	wrdreg s6  }
0x2c: {  	s10 =	sadd.s32 s26, s19;
	[smem:$0x7EA] =	sst s8  }
0x2d: {  	s11 =	sadd.s32 s28, s19;
	[smem:$0x7EC] =	sst s10  }
0x2e: {  	s0 =	smax.u32 s0, $0x1;
	[smem:$0x7ED] =	sst s11  }
0x2f: {  	s13 =	sadd.s32 $0x3200, s3;
	[smem:$0x7EE] =	sst s0  }
0x30: {  	s16 =	sadd.s32 $0x7D00, s3;
	[smem:$0x7F0] =	sst s13  }
0x31: {  	s17 =	sadd.s32 $0x9600, s3;
	[smem:$0x7F3] =	sst s16  }
0x32: {  	s18 =	sadd.s32 $0xAF00, s3;
	[smem:$0x7F4] =	sst s17  }
0x33: {  	s26 =	sadd.s32 $0x11300, s3;
	[smem:$0x7F5] =	sst s18  }
0x34: {  	s28 =	sadd.s32 $0x12C00, s3;
	[smem:$0x7F9] =	sst s26  }
0x35: {  	[smem:$0x7FA] =	sst s28  }
0x36: {  	s30 =	sadd.s32 s14, s19;
	[dreg:$0x14] =	wrdreg s3  }
0x37: {  	s5 =	sadd.s32 s15, s19;
	[dreg:$0x1c] =	wrdreg s30  }
0x38: {  	s7 =	sadd.s32 s20, s19;
	[dreg:$0x1e] =	wrdreg s5  }
0x39: {  	s9 =	sadd.s32 s25, s19;
	[smem:$0x7E9] =	sst s7  }
0x3a: {  	s12 =	sadd.s32 $0x1900, s3;
	[smem:$0x7EB] =	sst s9  }
0x3b: {  	p0 =	sgt.u32 s1, $0x9;
	s14 =	sadd.s32 $0x4B00, s3;
	[smem:$0x7EF] =	sst s12  }
0x3c: {  	s15 =	sadd.s32 $0x6400, s3;
	s20 =	sadd.s32 $0xC800, s3;
	[smem:$0x7F1] =	sst s14  }
0x3d: {  	s24 =	sadd.s32 $0xE100, s3;
	s25 =	sadd.s32 $0xFA00, s3;
	[smem:$0x7F2] =	sst s15  }
0x3e: {  	s29 =	sadd.s32 $0x14500, s3;
	s31 =	sadd.s32 $0x17700, s3;
	[smem:$0x7F6] =	sst s20  }
0x3f: {  	s4 =	simm.s32 $0x9;
	s6 =	simm.s32 $0x50;
	[smem:$0x7F7] =	sst s24  }
0x40: {  	s8 =	simm.s32 $0x14A0;
	s10 =	simm.s32 $0x6;
	[smem:$0x7F8] =	sst s25  }
0x41: {  	s11 =	simm.s32 $0x7;
	s13 =	simm.s32 $0x5;
	[smem:$0x7FB] =	sst s29  }
0x42: {  	s30 =	sadd.s32 $0x15E00, s3;
	[smem:$0x7FD] =	sst s31;
	s3 =	simm.s32 $0x24E0  }
0x43: {  	s5 =	simm.s32 $0x7D0;
	s7 =	simm.s32 $0xFA0;
	s9 =	simm.s32 $0x1  }
0x44: {  	v0 =	vimm.f32 $0.0e+00;
	s12 =	simm.s32 $0x8;
	s14 =	simm.s32 $0x0;
	[smem:$0x7FC] =	sst s30  }
.LBB2_1:
0x45: {  	s0 =	simm.s32 $0x40;
	s15 =	simm.s32 $0x0  }
.LBB2_2:
0x46: {  	p1 =	sne.s32 s0, $0x63C0;
	[tilespmem:s15+$0x24E0] =	vst v0;
	s15 =	smov.u32 s0;
	s0 =	sadd.s32 $0x40, s0  }
.Ltmp0:
0x47: {  	(pc) =	sbr.rel @p1 .LBB2_2-.Ltmp0, $2  }
0x48: {  	_ =	sdelay $0x2  }
0x49: {  	s15 =	sshra.s32 s15, $0x2  }
0x4a: {  	[tilespmem:s15+$0x24E0] =	vst v0;
	s0 =	rddreg [dreg:$0x14]  }
0x4b: {  	[spmem:s0] =	stream.linear.scatter [tilespmem:s3], [sflag:$0x9], $0x1900, $0x38;
	[tilespmem:$0x1C4E0] =	vst v63  }
0x4c: {  	_ =	swait.ge [sflag:s4], $0x1900  }
0x4d: {  	s30 =	sld [smem:$0x7EF]  }
0x4e: {  	[sflag:s4] =	ssyncset.done $0x0  }
0x4f: {  	[sflag:s4] =	ssyncadd.s32 $0xFFFFE700  }
0x50: {  	[spmem:s30] =	stream.linear.scatter [tilespmem:s3], [sflag:$0x9], $0x1900, $0x38;
	[tilespmem:$0x1C4E0] =	vst v63  }
0x51: {  	_ =	swait.ge [sflag:s4], $0x1900  }
0x52: {  	s31 =	sld [smem:$0x7F0]  }
0x53: {  	[sflag:s4] =	ssyncset.done $0x0  }
0x54: {  	[sflag:s4] =	ssyncadd.s32 $0xFFFFE700  }
0x55: {  	[spmem:s31] =	stream.linear.scatter [tilespmem:s3], [sflag:$0x9], $0x1900, $0x38;
	[tilespmem:$0x1C4E0] =	vst v63  }
0x56: {  	_ =	swait.ge [sflag:s4], $0x1900  }
0x57: {  	s1 =	sld [smem:$0x7F1]  }
0x58: {  	[sflag:s4] =	ssyncset.done $0x0  }
0x59: {  	[sflag:s4] =	ssyncadd.s32 $0xFFFFE700  }
0x5a: {  	[spmem:s1] =	stream.linear.scatter [tilespmem:s3], [sflag:$0x9], $0x1900, $0x38;
	[tilespmem:$0x1C4E0] =	vst v63  }
0x5b: {  	_ =	swait.ge [sflag:s4], $0x1900  }
0x5c: {  	s15 =	sld [smem:$0x7F2]  }
0x5d: {  	[sflag:s4] =	ssyncset.done $0x0  }
0x5e: {  	[sflag:s4] =	ssyncadd.s32 $0xFFFFE700  }
0x5f: {  	[spmem:s15] =	stream.linear.scatter [tilespmem:s3], [sflag:$0x9], $0x1900, $0x38;
	[tilespmem:$0x1C4E0] =	vst v63  }
0x60: {  	_ =	swait.ge [sflag:s4], $0x1900  }
0x61: {  	s16 =	sld [smem:$0x7F3]  }
0x62: {  	[sflag:s4] =	ssyncset.done $0x0  }
0x63: {  	[sflag:s4] =	ssyncadd.s32 $0xFFFFE700  }
0x64: {  	[spmem:s16] =	stream.linear.scatter [tilespmem:s3], [sflag:$0x9], $0x1900, $0x38;
	[tilespmem:$0x1C4E0] =	vst v63  }
0x65: {  	_ =	swait.ge [sflag:s4], $0x1900  }
0x66: {  	s17 =	sld [smem:$0x7F4]  }
0x67: {  	[sflag:s4] =	ssyncset.done $0x0  }
0x68: {  	[sflag:s4] =	ssyncadd.s32 $0xFFFFE700  }
0x69: {  	[spmem:s17] =	stream.linear.scatter [tilespmem:s3], [sflag:$0x9], $0x1900, $0x38;
	[tilespmem:$0x1C4E0] =	vst v63  }
0x6a: {  	_ =	swait.ge [sflag:s4], $0x1900  }
0x6b: {  	s18 =	sld [smem:$0x7F5]  }
0x6c: {  	[sflag:s4] =	ssyncset.done $0x0  }
0x6d: {  	[sflag:s4] =	ssyncadd.s32 $0xFFFFE700  }
0x6e: {  	[spmem:s18] =	stream.linear.scatter [tilespmem:s3], [sflag:$0x9], $0x1900, $0x38;
	[tilespmem:$0x1C4E0] =	vst v63  }
0x6f: {  	_ =	swait.ge [sflag:s4], $0x1900  }
0x70: {  	s20 =	sld [smem:$0x7F6]  }
0x71: {  	[sflag:s4] =	ssyncset.done $0x0  }
0x72: {  	[sflag:s4] =	ssyncadd.s32 $0xFFFFE700  }
0x73: {  	[spmem:s20] =	stream.linear.scatter [tilespmem:s3], [sflag:$0x9], $0x1900, $0x38;
	[tilespmem:$0x1C4E0] =	vst v63  }
0x74: {  	_ =	swait.ge [sflag:s4], $0x1900  }
0x75: {  	s24 =	sld [smem:$0x7F7]  }
0x76: {  	[sflag:s4] =	ssyncset.done $0x0  }
0x77: {  	[sflag:s4] =	ssyncadd.s32 $0xFFFFE700  }
0x78: {  	[spmem:s24] =	stream.linear.scatter [tilespmem:s3], [sflag:$0x9], $0x1900, $0x38;
	[tilespmem:$0x1C4E0] =	vst v63  }
0x79: {  	_ =	swait.ge [sflag:s4], $0x1900  }
0x7a: {  	s25 =	sld [smem:$0x7F8]  }
0x7b: {  	[sflag:s4] =	ssyncset.done $0x0  }
0x7c: {  	[sflag:s4] =	ssyncadd.s32 $0xFFFFE700  }
0x7d: {  	[spmem:s25] =	stream.linear.scatter [tilespmem:s3], [sflag:$0x9], $0x1900, $0x38;
	[tilespmem:$0x1C4E0] =	vst v63  }
0x7e: {  	_ =	swait.ge [sflag:s4], $0x1900  }
0x7f: {  	s26 =	sld [smem:$0x7F9]  }
0x80: {  	[sflag:s4] =	ssyncset.done $0x0  }
0x81: {  	[sflag:s4] =	ssyncadd.s32 $0xFFFFE700  }
0x82: {  	[spmem:s26] =	stream.linear.scatter [tilespmem:s3], [sflag:$0x9], $0x1900, $0x38;
	[tilespmem:$0x1C4E0] =	vst v63  }
0x83: {  	_ =	swait.ge [sflag:s4], $0x1900  }
0x84: {  	s28 =	sld [smem:$0x7FA]  }
0x85: {  	[sflag:s4] =	ssyncset.done $0x0  }
0x86: {  	[sflag:s4] =	ssyncadd.s32 $0xFFFFE700  }
0x87: {  	[spmem:s28] =	stream.linear.scatter [tilespmem:s3], [sflag:$0x9], $0x1900, $0x38;
	[tilespmem:$0x1C4E0] =	vst v63  }
0x88: {  	_ =	swait.ge [sflag:s4], $0x1900  }
0x89: {  	s29 =	sld [smem:$0x7FB]  }
0x8a: {  	[sflag:s4] =	ssyncset.done $0x0  }
0x8b: {  	[sflag:s4] =	ssyncadd.s32 $0xFFFFE700  }
0x8c: {  	[spmem:s29] =	stream.linear.scatter [tilespmem:s3], [sflag:$0x9], $0x1900, $0x38;
	[tilespmem:$0x1C4E0] =	vst v63  }
0x8d: {  	_ =	swait.ge [sflag:s4], $0x1900  }
0x8e: {  	s30 =	sld [smem:$0x7FC]  }
0x8f: {  	[sflag:s4] =	ssyncset.done $0x0  }
0x90: {  	[sflag:s4] =	ssyncadd.s32 $0xFFFFE700  }
0x91: {  	[spmem:s30] =	stream.linear.scatter [tilespmem:s3], [sflag:$0x9], $0x1900, $0x38;
	[tilespmem:$0x1C4E0] =	vst v63  }
0x92: {  	_ =	swait.ge [sflag:s4], $0x1900  }
0x93: {  	s31 =	sld [smem:$0x7FD]  }
0x94: {  	[sflag:s4] =	ssyncset.done $0x0  }
0x95: {  	[sflag:s4] =	ssyncadd.s32 $0xFFFFE700  }
0x96: {  	[spmem:s31] =	stream.linear.scatter [tilespmem:s3], [sflag:$0x9], $0x1000, $0x38;
	[tilespmem:$0x1C4E0] =	vst v63  }
0x97: {  	_ =	swait.ge [sflag:s4], $0x1000  }
0x98: {  	[sflag:s4] =	ssyncset.done $0x0  }
0x99: {  	[sflag:s4] =	ssyncadd.s32 $0xFFFFF000  }
0x9a: {  	s15 =	simm.s32 $0x0;
	s16 =	simm.s32 $0x0;
	[bflag:$0x0] =	sbarrier.arrive $0xFFFF  }
.LBB2_4:
0x9b: {  	s0 =	smul.u32 $0x7D0, s16;
	_ =	sdelay $0x1  }
0x9c: {  	s0 =	sadd.s32 s0, s2  }
0x9d: {  	s0 =	sshrl.u32 s0, $0x3  }
0x9e: {  	s17 =	sadd.s32 s22, s0  }
0x9f: {  	[tilespmem:s15], [sflag:$0x9] =	stream.linear.gather [hbm4b:s17+s15], $0x7D0, $0x38;
	[tilespmem:$0x1C4E0] =	vst v63  }
0xa0: {  	_ =	swait.ge [sflag:s4], $0x7D0  }
0xa1: {  	[sflag:s4] =	ssyncset.done $0x0  }
0xa2: {  	s0 =	sadd.s32 s23, s0;
	[sflag:s4] =	ssyncadd.s32 $0xFFFFF830  }
0xa3: {  	[tilespmem:s5], [sflag:$0x9] =	stream.linear.gather [hbm4b:s0+s15], $0x7D0, $0x38;
	[tilespmem:$0x1C4E0] =	vst v63  }
0xa4: {  	_ =	swait.ge [sflag:s4], $0x7D0  }
0xa5: {  	[sflag:s4] =	ssyncset.done $0x0  }
0xa6: {  	[sflag:s4] =	ssyncadd.s32 $0xFFFFF830  }
0xa7: {  	v1 =	vld [tilespmem:$0x7D0]  }
0xa8: {  	v2 =	vld [tilespmem:$0x7E0]  }
0xa9: {  	v3 =	vld [tilespmem:$0x7F0]  }
0xaa: {  	v4 =	vld [tilespmem:$0x800]  }
0xab: {  	v5 =	vld [tilespmem:$0x810]  }
0xac: {  	[tilespmem:$0x23A0] =	vst v1  }
0xad: {  	[tilespmem:$0x23B0] =	vst v2  }
0xae: {  	[tilespmem:$0x23C0] =	vst v3  }
0xaf: {  	[tilespmem:$0x23D0] =	vst v4  }
0xb0: {  	[tilespmem:$0x23E0] =	vst v5  }
0xb1: {  	[tilespmem:s7], [sflag:$0x1] =	stream.indirect.gather [hbm4b:s21+s6], $0x10, s15, s6, $0xb8;
	[tilespmem:$0x1C4E0] =	vst v63  }
0xb2: {  	v1 =	vld [tilespmem:$0x820]  }
0xb3: {  	v2 =	vld [tilespmem:$0x830]  }
0xb4: {  	v3 =	vld [tilespmem:$0x840]  }
0xb5: {  	v62 =	vld [tilespmem:$0x850]  }
0xb6: {  	v63 =	vld [tilespmem:$0x860]  }
0xb7: {  	[tilespmem:$0x23F0] =	vst v1  }
0xb8: {  	[tilespmem:$0x2400] =	vst v2  }
0xb9: {  	[tilespmem:$0x2410] =	vst v3  }
0xba: {  	[tilespmem:$0x2420] =	vst v62  }
0xbb: {  	p1 =	por $0x0, $0x0;
	[tilespmem:$0x2430] =	vst v63  }
0xbc: {  	[tilespmem:s8], [sflag:$0x2] =	stream.indirect.gather [hbm4b:s21+s6], $0x10, s6, s6, $0xb8;
	[tilespmem:$0x1C4E0] =	vst v63  }
0xbd: {  	p2 =	por @!p1 $0x1, $0x1;
	_ =	swait.ge [sflag:s9], $0x500  }
0xbe: {  	p2 =	por p2, p1;
	[sflag:s9] =	ssyncset.done $0x0  }
0xbf: {  	s17 =	simm.s32 @!p2 $0x7;
	s31 =	rddreg [dreg:$0x3];
	[sflag:s9] =	ssyncadd.s32 $0xFFFFFB00  }
0xc0: {  	[spmem:s19] =	stream.indirect.scatter.add.f32 [tilespmem:s7], [sflag:$0x5], $0x10, s31, s6, $0xb8;
	[tilespmem:$0x1C4E0] =	vst v63  }
0xc1: {  	_ =	swait.ge @!p2 [sflag:s17], $0x500  }
0xc2: {  	[sflag:s17] =	ssyncset.done @!p2 $0x0  }
0xc3: {  	s0 =	simm.s32 @!p1 $0x0;
	[sflag:s17] =	ssyncadd.s32 @!p2 $0xFFFFFB00  }
0xc4: {  	v1 =	vld @!p1 [tilespmem:s0+$0x870];
	_ =	sdelay $0x4  }
0xc5: {  	[tilespmem:$0x2440] =	vst @!p1 v1  }
0xc6: {  	v1 =	vld @!p1 [tilespmem:s0+$0x880];
	_ =	sdelay $0x4  }
0xc7: {  	[tilespmem:$0x2450] =	vst @!p1 v1  }
0xc8: {  	v1 =	vld @!p1 [tilespmem:s0+$0x890];
	_ =	sdelay $0x4  }
0xc9: {  	[tilespmem:$0x2460] =	vst @!p1 v1  }
0xca: {  	v1 =	vld @!p1 [tilespmem:s0+$0x8A0];
	_ =	sdelay $0x4  }
0xcb: {  	[tilespmem:$0x2470] =	vst @!p1 v1  }
0xcc: {  	v1 =	vld @!p1 [tilespmem:s0+$0x8B0];
	_ =	sdelay $0x3  }
0xcd: {  	p3 =	por $0x0, $0x0;
	s18 =	simm.s32 @!p1 $0x50  }
0xce: {  	s20 =	simm.s32 @!p1 $0x19A0;
	s25 =	simm.s32 @!p3 $0x2;
	s17 =	simm.s32 @!p1 $0xA0;
	[tilespmem:$0x2480] =	vst @!p1 v1  }
0xcf: {  	[tilespmem:s20], [sflag:$0x3] =	stream.indirect.gather @!p1 [hbm4b:s21+s18], $0x10, s17, s18, $0xb8;
	[tilespmem:$0x1C4E0] =	vst v63  }
0xd0: {  	s26 =	simm.s32 @!p3 $0x14A0;
	p2 =	por @!p3 $0x1, $0x1;
	_ =	swait.ge @!p3 [sflag:s25], $0x500  }
0xd1: {  	s28 =	simm.s32 @!p3 $0x50;
	p2 =	por p2, p3;
	[sflag:s25] =	ssyncset.done @!p3 $0x0  }
0xd2: {  	s17 =	simm.s32 @!p3 $0x23F0;
	[sflag:s25] =	ssyncadd.s32 @!p3 $0xFFFFFB00;
	s25 =	simm.s32 @!p2 $0x8  }
0xd3: {  	[spmem:s19] =	stream.indirect.scatter.add.f32 @!p3 [tilespmem:s26], [sflag:$0x6], $0x10, s17, s28, $0xb8;
	[tilespmem:$0x1C4E0] =	vst v63  }
0xd4: {  	_ =	swait.ge @!p2 [sflag:s25], $0x500  }
0xd5: {  	[sflag:s25] =	ssyncset.done @!p2 $0x0  }
0xd6: {  	s17 =	simm.s32 @!p3 $0x0;
	[sflag:s25] =	ssyncadd.s32 @!p2 $0xFFFFFB00  }
0xd7: {  	v1 =	vld @!p3 [tilespmem:s17+$0x8C0];
	_ =	sdelay $0x4  }
0xd8: {  	[tilespmem:$0x2490] =	vst @!p3 v1  }
0xd9: {  	v1 =	vld @!p3 [tilespmem:s17+$0x8D0];
	_ =	sdelay $0x4  }
0xda: {  	[tilespmem:$0x24A0] =	vst @!p3 v1  }
0xdb: {  	v1 =	vld @!p3 [tilespmem:s17+$0x8E0];
	_ =	sdelay $0x4  }
0xdc: {  	[tilespmem:$0x24B0] =	vst @!p3 v1  }
0xdd: {  	v1 =	vld @!p3 [tilespmem:s17+$0x8F0];
	_ =	sdelay $0x4  }
0xde: {  	[tilespmem:$0x24C0] =	vst @!p3 v1  }
0xdf: {  	v1 =	vld @!p3 [tilespmem:s17+$0x900];
	_ =	sdelay $0x4  }
0xe0: {  	s26 =	simm.s32 @!p1 $0x3;
	s25 =	simm.s32 @!p3 $0x1EA0;
	s17 =	simm.s32 @!p3 $0xF0;
	[tilespmem:$0x24D0] =	vst @!p3 v1  }
0xe1: {  	[tilespmem:s25], [sflag:$0x4] =	stream.indirect.gather @!p3 [hbm4b:s21+s28], $0x10, s17, s28, $0xb8;
	[tilespmem:$0x1C4E0] =	vst v63  }
0xe2: {  	_ =	swait.ge @!p1 [sflag:s26], $0x500  }
0xe3: {  	[sflag:s26] =	ssyncset.done @!p1 $0x0  }
0xe4: {  	s17 =	simm.s32 @!p1 $0x2440;
	[sflag:s26] =	ssyncadd.s32 @!p1 $0xFFFFFB00;
	s26 =	simm.s32 @!p1 $0x5  }
0xe5: {  	[spmem:s19] =	stream.indirect.scatter.add.f32 @!p1 [tilespmem:s20], [sflag:$0x7], $0x10, s17, s18, $0xb8;
	[tilespmem:$0x1C4E0] =	vst v63  }
0xe6: {  	_ =	swait.ge @!p1 [sflag:s26], $0x500  }
0xe7: {  	[sflag:s26] =	ssyncset.done @!p1 $0x0  }
0xe8: {  	[sflag:s26] =	ssyncadd.s32 @!p1 $0xFFFFFB00  }
0xe9: {  	v1 =	vld @!p1 [tilespmem:s0+$0x910];
	_ =	sdelay $0x4  }
0xea: {  	[tilespmem:$0x23A0] =	vst @!p1 v1  }
0xeb: {  	v1 =	vld @!p1 [tilespmem:s0+$0x920];
	_ =	sdelay $0x4  }
0xec: {  	[tilespmem:$0x23B0] =	vst @!p1 v1  }
0xed: {  	v1 =	vld @!p1 [tilespmem:s0+$0x930];
	_ =	sdelay $0x4  }
0xee: {  	[tilespmem:$0x23C0] =	vst @!p1 v1  }
0xef: {  	v1 =	vld @!p1 [tilespmem:s0+$0x940];
	_ =	sdelay $0x4  }
0xf0: {  	[tilespmem:$0x23D0] =	vst @!p1 v1  }
0xf1: {  	v1 =	vld @!p1 [tilespmem:s0+$0x950];
	_ =	sdelay $0x4  }
0xf2: {  	s17 =	simm.s32 @!p1 $0xFA0;
	s20 =	simm.s32 @!p3 $0x4;
	s0 =	simm.s32 @!p1 $0x140;
	[tilespmem:$0x23E0] =	vst @!p1 v1  }
0xf3: {  	[tilespmem:s17], [sflag:$0x1] =	stream.indirect.gather @!p1 [hbm4b:s21+s18], $0x10, s0, s18, $0xb8;
	[tilespmem:$0x1C4E0] =	vst v63  }
0xf4: {  	p1 =	por @!p3 $0x0, $0x0;
	_ =	swait.ge @!p3 [sflag:s20], $0x500  }
0xf5: {  	p2 =	por p1, p3;
	[sflag:s20] =	ssyncset.done @!p3 $0x0  }
0xf6: {  	s0 =	simm.s32 @!p3 $0x2490;
	s17 =	simm.s32 @!p2 $0x6;
	[sflag:s20] =	ssyncadd.s32 @!p3 $0xFFFFFB00  }
0xf7: {  	[spmem:s19] =	stream.indirect.scatter.add.f32 @!p3 [tilespmem:s25], [sflag:$0x8], $0x10, s0, s28, $0xb8;
	[tilespmem:$0x1C4E0] =	vst v63  }
0xf8: {  	_ =	swait.ge @!p2 [sflag:s17], $0x500  }
0xf9: {  	[sflag:s17] =	ssyncset.done @!p2 $0x0  }
0xfa: {  	s25 =	simm.s32 @!p2 $0x0;
	[sflag:s17] =	ssyncadd.s32 @!p2 $0xFFFFFB00  }
0xfb: {  	v1 =	vld @!p2 [tilespmem:s25+$0x960];
	_ =	sdelay $0x4  }
0xfc: {  	[tilespmem:$0x23F0] =	vst @!p2 v1  }
0xfd: {  	v1 =	vld @!p2 [tilespmem:s25+$0x970];
	_ =	sdelay $0x4  }
0xfe: {  	[tilespmem:$0x2400] =	vst @!p2 v1  }
0xff: {  	v1 =	vld @!p2 [tilespmem:s25+$0x980];
	_ =	sdelay $0x4  }
0x100: {  	[tilespmem:$0x2410] =	vst @!p2 v1  }
0x101: {  	v1 =	vld @!p2 [tilespmem:s25+$0x990];
	_ =	sdelay $0x4  }
0x102: {  	s18 =	simm.s32 $0x2;
	s20 =	simm.s32 $0x500;
	s0 =	simm.s32 @!p2 $0x190;
	[tilespmem:$0x2420] =	vst @!p2 v1  }
0x103: {  	s28 =	simm.s32 @!p2 $0x14A0;
	s17 =	simm.s32 @!p2 $0x50;
	v1 =	vld @!p2 [tilespmem:s25+$0x9A0];
	s25 =	simm.s32 $0x0  }
.LBB2_5:
0x104: {  	_ =	sdelay $0x3  }
0x105: {  	s18 =	sadd.s32 $0x4, s18;
	[tilespmem:$0x2430] =	vst @!p2 v1  }
0x106: {  	[tilespmem:s28], [sflag:$0x2] =	stream.indirect.gather @!p2 [hbm4b:s21+s17], $0x10, s0, s17, $0xb8;
	[tilespmem:$0x1C4E0] =	vst v63  }
0x107: {  	s26 =	smov.u32 s20;
	p2 =	sgt.u32 s18, $0x18  }
0x108: {  	_ =	swait.ge [sflag:s9], $0x500;
	p3 =	seq.s32 @!p2 s26, $0x0  }
0x109: {  	[sflag:s9] =	ssyncset.done $0x0;
	p3 =	por p3, p2  }
0x10a: {  	s31 =	rddreg [dreg:$0x3];
	[sflag:s9] =	ssyncadd.s32 $0xFFFFFB00;
	s17 =	simm.s32 @!p3 $0x7  }
0x10b: {  	[spmem:s19] =	stream.indirect.scatter.add.f32 [tilespmem:s7], [sflag:$0x5], $0x10, s31, s6, $0xb8;
	[tilespmem:$0x1C4E0] =	vst v63  }
0x10c: {  	_ =	swait.ge @!p3 [sflag:s17], $0x500  }
0x10d: {  	[sflag:s17] =	ssyncset.done @!p3 $0x0  }
0x10e: {  	s29 =	sshra.s32 @!p2 s26, $0x2;
	[sflag:s17] =	ssyncadd.s32 @!p3 $0xFFFFFB00  }
0x10f: {  	v1 =	vld @!p2 [tilespmem:s29+$0x870];
	_ =	sdelay $0x4  }
0x110: {  	[tilespmem:$0x2440] =	vst @!p2 v1  }
0x111: {  	v1 =	vld @!p2 [tilespmem:s29+$0x880];
	_ =	sdelay $0x4  }
0x112: {  	[tilespmem:$0x2450] =	vst @!p2 v1  }
0x113: {  	v1 =	vld @!p2 [tilespmem:s29+$0x890];
	_ =	sdelay $0x4  }
0x114: {  	[tilespmem:$0x2460] =	vst @!p2 v1  }
0x115: {  	v1 =	vld @!p2 [tilespmem:s29+$0x8A0];
	_ =	sdelay $0x4  }
0x116: {  	[tilespmem:$0x2470] =	vst @!p2 v1  }
0x117: {  	v1 =	vld @!p2 [tilespmem:s29+$0x8B0];
	_ =	sdelay $0x2  }
0x118: {  	s25 =	sadd.s32 $0x1, s25  }
0x119: {  	s30 =	simm.s32 @!p2 $0x50;
	p3 =	sgt.u32 s25, $0x5  }
0x11a: {  	s0 =	sadd.s32 @!p2 $0xA0, s29;
	s17 =	simm.s32 @!p2 $0x19A0;
	s24 =	simm.s32 @!p3 $0x2;
	[tilespmem:$0x2480] =	vst @!p2 v1  }
0x11b: {  	[tilespmem:s17], [sflag:$0x3] =	stream.indirect.gather @!p2 [hbm4b:s21+s30], $0x10, s0, s30, $0xb8;
	[tilespmem:$0x1C4E0] =	vst v63  }
0x11c: {  	p5 =	seq.s32 @!p3 s26, $0x0;
	s1 =	simm.s32 @!p3 $0x14A0;
	_ =	swait.ge @!p3 [sflag:s24], $0x500  }
0x11d: {  	s31 =	simm.s32 @!p3 $0x50;
	p5 =	por p5, p3;
	[sflag:s24] =	ssyncset.done @!p3 $0x0  }
0x11e: {  	s0 =	simm.s32 @!p3 $0x23F0;
	[sflag:s24] =	ssyncadd.s32 @!p3 $0xFFFFFB00;
	s24 =	simm.s32 @!p5 $0x8  }
0x11f: {  	[spmem:s19] =	stream.indirect.scatter.add.f32 @!p3 [tilespmem:s1], [sflag:$0x6], $0x10, s0, s31, $0xb8;
	[tilespmem:$0x1C4E0] =	vst v63  }
0x120: {  	_ =	swait.ge @!p5 [sflag:s24], $0x500  }
0x121: {  	[sflag:s24] =	ssyncset.done @!p5 $0x0  }
0x122: {  	s0 =	sshra.s32 @!p3 s26, $0x2;
	[sflag:s24] =	ssyncadd.s32 @!p5 $0xFFFFFB00  }
0x123: {  	v1 =	vld @!p3 [tilespmem:s0+$0x8C0];
	_ =	sdelay $0x4  }
0x124: {  	[tilespmem:$0x2490] =	vst @!p3 v1  }
0x125: {  	v1 =	vld @!p3 [tilespmem:s0+$0x8D0];
	_ =	sdelay $0x4  }
0x126: {  	[tilespmem:$0x24A0] =	vst @!p3 v1  }
0x127: {  	v1 =	vld @!p3 [tilespmem:s0+$0x8E0];
	_ =	sdelay $0x4  }
0x128: {  	[tilespmem:$0x24B0] =	vst @!p3 v1  }
0x129: {  	v1 =	vld @!p3 [tilespmem:s0+$0x8F0];
	_ =	sdelay $0x4  }
0x12a: {  	[tilespmem:$0x24C0] =	vst @!p3 v1  }
0x12b: {  	v1 =	vld @!p3 [tilespmem:s0+$0x900];
	_ =	sdelay $0x4  }
0x12c: {  	s1 =	sadd.s32 @!p3 $0xF0, s0;
	s24 =	simm.s32 @!p2 $0x3;
	s0 =	simm.s32 @!p3 $0x1EA0;
	[tilespmem:$0x24D0] =	vst @!p3 v1  }
0x12d: {  	[tilespmem:s0], [sflag:$0x4] =	stream.indirect.gather @!p3 [hbm4b:s21+s31], $0x10, s1, s31, $0xb8;
	[tilespmem:$0x1C4E0] =	vst v63  }
0x12e: {  	_ =	swait.ge @!p2 [sflag:s24], $0x500  }
0x12f: {  	[sflag:s24] =	ssyncset.done @!p2 $0x0  }
0x130: {  	s1 =	simm.s32 @!p2 $0x2440;
	[sflag:s24] =	ssyncadd.s32 @!p2 $0xFFFFFB00;
	s24 =	simm.s32 @!p2 $0x5  }
0x131: {  	[spmem:s19] =	stream.indirect.scatter.add.f32 @!p2 [tilespmem:s17], [sflag:$0x7], $0x10, s1, s30, $0xb8;
	[tilespmem:$0x1C4E0] =	vst v63  }
0x132: {  	_ =	swait.ge @!p2 [sflag:s24], $0x500  }
0x133: {  	[sflag:s24] =	ssyncset.done @!p2 $0x0  }
0x134: {  	[sflag:s24] =	ssyncadd.s32 @!p2 $0xFFFFFB00  }
0x135: {  	v1 =	vld @!p2 [tilespmem:s29+$0x910];
	_ =	sdelay $0x4  }
0x136: {  	[tilespmem:$0x23A0] =	vst @!p2 v1  }
0x137: {  	v1 =	vld @!p2 [tilespmem:s29+$0x920];
	_ =	sdelay $0x4  }
0x138: {  	[tilespmem:$0x23B0] =	vst @!p2 v1  }
0x139: {  	v1 =	vld @!p2 [tilespmem:s29+$0x930];
	_ =	sdelay $0x4  }
0x13a: {  	[tilespmem:$0x23C0] =	vst @!p2 v1  }
0x13b: {  	v1 =	vld @!p2 [tilespmem:s29+$0x940];
	_ =	sdelay $0x4  }
0x13c: {  	[tilespmem:$0x23D0] =	vst @!p2 v1  }
0x13d: {  	v1 =	vld @!p2 [tilespmem:s29+$0x950];
	_ =	sdelay $0x4  }
0x13e: {  	s28 =	sadd.s32 @!p2 $0x140, s29;
	s1 =	simm.s32 @!p2 $0xFA0;
	s17 =	simm.s32 @!p3 $0x4;
	[tilespmem:$0x23E0] =	vst @!p2 v1  }
0x13f: {  	[tilespmem:s1], [sflag:$0x1] =	stream.indirect.gather @!p2 [hbm4b:s21+s30], $0x10, s28, s30, $0xb8;
	[tilespmem:$0x1C4E0] =	vst v63  }
0x140: {  	p4 =	seq.s32 @!p3 s26, $0x1900;
	_ =	swait.ge @!p3 [sflag:s17], $0x500  }
0x141: {  	p2 =	por p4, p3;
	[sflag:s17] =	ssyncset.done @!p3 $0x0  }
0x142: {  	s1 =	simm.s32 @!p3 $0x2490;
	[sflag:s17] =	ssyncadd.s32 @!p3 $0xFFFFFB00;
	s17 =	simm.s32 @!p2 $0x6  }
0x143: {  	[spmem:s19] =	stream.indirect.scatter.add.f32 @!p3 [tilespmem:s0], [sflag:$0x8], $0x10, s1, s31, $0xb8;
	[tilespmem:$0x1C4E0] =	vst v63  }
0x144: {  	_ =	swait.ge @!p2 [sflag:s17], $0x500  }
0x145: {  	[sflag:s17] =	ssyncset.done @!p2 $0x0  }
0x146: {  	s1 =	sshra.s32 @!p2 s26, $0x2;
	[sflag:s17] =	ssyncadd.s32 @!p2 $0xFFFFFB00  }
0x147: {  	v1 =	vld @!p2 [tilespmem:s1+$0x960];
	_ =	sdelay $0x4  }
0x148: {  	[tilespmem:$0x23F0] =	vst @!p2 v1  }
0x149: {  	v1 =	vld @!p2 [tilespmem:s1+$0x970];
	_ =	sdelay $0x4  }
0x14a: {  	[tilespmem:$0x2400] =	vst @!p2 v1  }
0x14b: {  	v1 =	vld @!p2 [tilespmem:s1+$0x980];
	_ =	sdelay $0x4  }
0x14c: {  	[tilespmem:$0x2410] =	vst @!p2 v1  }
0x14d: {  	s20 =	sadd.s32 $0x500, s20;
	v1 =	vld @!p2 [tilespmem:s1+$0x990]  }
0x14e: {  	p1 =	sne.s32 s20, $0x2300  }
.Ltmp1:
0x14f: {  	_ = 	snop;
	(pc) =	sbr.rel @p1 .LBB2_5-.Ltmp1, $3  }
0x150: {  	_ =	sdelay $0x1  }
0x151: {  	[tilespmem:$0x2420] =	vst @!p2 v1  }
0x152: {  	s28 =	simm.s32 @!p2 $0x14A0;
	s0 =	sadd.s32 @!p2 $0x190, s1;
	s17 =	simm.s32 @!p2 $0x50;
	v1 =	vld @!p2 [tilespmem:s1+$0x9A0]  }
0x153: {  	_ =	sdelay $0x3  }
0x154: {  	[tilespmem:$0x2430] =	vst @!p2 v1  }
0x155: {  	[tilespmem:s28], [sflag:$0x2] =	stream.indirect.gather @!p2 [hbm4b:s21+s17], $0x10, s0, s17, $0xb8;
	[tilespmem:$0x1C4E0] =	vst v63  }
0x156: {  	_ =	swait.ge [sflag:s10], $0x500  }
0x157: {  	[sflag:s10] =	ssyncset.done $0x0  }
0x158: {  	[sflag:s10] =	ssyncadd.s32 $0xFFFFFB00  }
0x159: {  	_ =	swait.ge [sflag:s11], $0x500  }
0x15a: {  	[sflag:s11] =	ssyncset.done $0x0  }
0x15b: {  	s16 =	sadd.s32 $0x1, s16;
	[sflag:s11] =	ssyncadd.s32 $0xFFFFFB00  }
0x15c: {  	p1 =	sne.s32 s16, $0x19;
	_ =	swait.ge [sflag:s12], $0x500  }
.Ltmp2:
0x15d: {  	[sflag:s12] =	ssyncset.done $0x0;
	(pc) =	sbr.rel @p1 .LBB2_4-.Ltmp2, $4  }
0x15e: {  	[sflag:s12] =	ssyncadd.s32 $0xFFFFFB00  }
0x15f: {  	_ =	swait.ge [sflag:s13], $0x500  }
0x160: {  	[sflag:s13] =	ssyncset.done $0x0  }
0x161: {  	[sflag:s13] =	ssyncadd.s32 $0xFFFFFB00  }
0x162: {  	[bflag:$0x0] =	sbarrier.arrive $0xFFFF  }
0x163: {  	s0 =	rddreg [dreg:$0x15]  }
0x164: {  	[tilespmem:s3], [sflag:$0x9] =	stream.linear.gather [spmem:s0], $0x1900, $0x38;
	[tilespmem:$0x1C4E0] =	vst v63  }
0x165: {  	_ =	swait.ge [sflag:s4], $0x1900  }
0x166: {  	[sflag:s4] =	ssyncset.done $0x0  }
0x167: {  	s0 =	simm.s32 $0x0;
	s1 =	rddreg [dreg:$0x4];
	[sflag:s4] =	ssyncadd.s32 $0xFFFFE700  }
0x168: {  	[hbm4b:s1+s0] =	stream.linear.scatter [tilespmem:s3], [sflag:$0x9], $0x1900, $0x38;
	[tilespmem:$0x1C4E0] =	vst v63  }
0x169: {  	_ =	swait.ge [sflag:s4], $0x1900  }
0x16a: {  	[sflag:s4] =	ssyncset.done $0x0  }
0x16b: {  	s26 =	rddreg [dreg:$0x16];
	[sflag:s4] =	ssyncadd.s32 $0xFFFFE700  }
0x16c: {  	[tilespmem:s3], [sflag:$0x9] =	stream.linear.gather [spmem:s26], $0x1900, $0x38;
	[tilespmem:$0x1C4E0] =	vst v63  }
0x16d: {  	_ =	swait.ge [sflag:s4], $0x1900  }
0x16e: {  	[sflag:s4] =	ssyncset.done $0x0  }
0x16f: {  	s28 =	rddreg [dreg:$0x5];
	[sflag:s4] =	ssyncadd.s32 $0xFFFFE700  }
0x170: {  	[hbm4b:s28+s0] =	stream.linear.scatter [tilespmem:s3], [sflag:$0x9], $0x1900, $0x38;
	[tilespmem:$0x1C4E0] =	vst v63  }
0x171: {  	_ =	swait.ge [sflag:s4], $0x1900  }
0x172: {  	[sflag:s4] =	ssyncset.done $0x0  }
0x173: {  	s29 =	rddreg [dreg:$0x17];
	[sflag:s4] =	ssyncadd.s32 $0xFFFFE700  }
0x174: {  	[tilespmem:s3], [sflag:$0x9] =	stream.linear.gather [spmem:s29], $0x1900, $0x38;
	[tilespmem:$0x1C4E0] =	vst v63  }
0x175: {  	_ =	swait.ge [sflag:s4], $0x1900  }
0x176: {  	[sflag:s4] =	ssyncset.done $0x0  }
0x177: {  	s30 =	rddreg [dreg:$0x6];
	[sflag:s4] =	ssyncadd.s32 $0xFFFFE700  }
0x178: {  	[hbm4b:s30+s0] =	stream.linear.scatter [tilespmem:s3], [sflag:$0x9], $0x1900, $0x38;
	[tilespmem:$0x1C4E0] =	vst v63  }
0x179: {  	_ =	swait.ge [sflag:s4], $0x1900  }
0x17a: {  	[sflag:s4] =	ssyncset.done $0x0  }
0x17b: {  	s31 =	rddreg [dreg:$0x18];
	[sflag:s4] =	ssyncadd.s32 $0xFFFFE700  }
0x17c: {  	[tilespmem:s3], [sflag:$0x9] =	stream.linear.gather [spmem:s31], $0x1900, $0x38;
	[tilespmem:$0x1C4E0] =	vst v63  }
0x17d: {  	_ =	swait.ge [sflag:s4], $0x1900  }
0x17e: {  	[sflag:s4] =	ssyncset.done $0x0  }
0x17f: {  	s15 =	rddreg [dreg:$0x7];
	[sflag:s4] =	ssyncadd.s32 $0xFFFFE700  }
0x180: {  	[hbm4b:s15+s0] =	stream.linear.scatter [tilespmem:s3], [sflag:$0x9], $0x1900, $0x38;
	[tilespmem:$0x1C4E0] =	vst v63  }
0x181: {  	_ =	swait.ge [sflag:s4], $0x1900  }
0x182: {  	[sflag:s4] =	ssyncset.done $0x0  }
0x183: {  	s16 =	rddreg [dreg:$0x19];
	[sflag:s4] =	ssyncadd.s32 $0xFFFFE700  }
0x184: {  	[tilespmem:s3], [sflag:$0x9] =	stream.linear.gather [spmem:s16], $0x1900, $0x38;
	[tilespmem:$0x1C4E0] =	vst v63  }
0x185: {  	_ =	swait.ge [sflag:s4], $0x1900  }
0x186: {  	[sflag:s4] =	ssyncset.done $0x0  }
0x187: {  	s17 =	rddreg [dreg:$0x8];
	[sflag:s4] =	ssyncadd.s32 $0xFFFFE700  }
0x188: {  	[hbm4b:s17+s0] =	stream.linear.scatter [tilespmem:s3], [sflag:$0x9], $0x1900, $0x38;
	[tilespmem:$0x1C4E0] =	vst v63  }
0x189: {  	_ =	swait.ge [sflag:s4], $0x1900  }
0x18a: {  	[sflag:s4] =	ssyncset.done $0x0  }
0x18b: {  	s18 =	rddreg [dreg:$0x1a];
	[sflag:s4] =	ssyncadd.s32 $0xFFFFE700  }
0x18c: {  	[tilespmem:s3], [sflag:$0x9] =	stream.linear.gather [spmem:s18], $0x1900, $0x38;
	[tilespmem:$0x1C4E0] =	vst v63  }
0x18d: {  	_ =	swait.ge [sflag:s4], $0x1900  }
0x18e: {  	[sflag:s4] =	ssyncset.done $0x0  }
0x18f: {  	s20 =	rddreg [dreg:$0x9];
	[sflag:s4] =	ssyncadd.s32 $0xFFFFE700  }
0x190: {  	[hbm4b:s20+s0] =	stream.linear.scatter [tilespmem:s3], [sflag:$0x9], $0x1900, $0x38;
	[tilespmem:$0x1C4E0] =	vst v63  }
0x191: {  	_ =	swait.ge [sflag:s4], $0x1900  }
0x192: {  	[sflag:s4] =	ssyncset.done $0x0  }
0x193: {  	s24 =	rddreg [dreg:$0x1b];
	[sflag:s4] =	ssyncadd.s32 $0xFFFFE700  }
0x194: {  	[tilespmem:s3], [sflag:$0x9] =	stream.linear.gather [spmem:s24], $0x1900, $0x38;
	[tilespmem:$0x1C4E0] =	vst v63  }
0x195: {  	_ =	swait.ge [sflag:s4], $0x1900  }
0x196: {  	[sflag:s4] =	ssyncset.done $0x0  }
0x197: {  	s25 =	rddreg [dreg:$0xa];
	[sflag:s4] =	ssyncadd.s32 $0xFFFFE700  }
0x198: {  	[hbm4b:s25+s0] =	stream.linear.scatter [tilespmem:s3], [sflag:$0x9], $0x1900, $0x38;
	[tilespmem:$0x1C4E0] =	vst v63  }
0x199: {  	_ =	swait.ge [sflag:s4], $0x1900  }
0x19a: {  	[sflag:s4] =	ssyncset.done $0x0  }
0x19b: {  	s26 =	rddreg [dreg:$0x1c];
	[sflag:s4] =	ssyncadd.s32 $0xFFFFE700  }
0x19c: {  	[tilespmem:s3], [sflag:$0x9] =	stream.linear.gather [spmem:s26], $0x1900, $0x38;
	[tilespmem:$0x1C4E0] =	vst v63  }
0x19d: {  	_ =	swait.ge [sflag:s4], $0x1900  }
0x19e: {  	[sflag:s4] =	ssyncset.done $0x0  }
0x19f: {  	s28 =	rddreg [dreg:$0xb];
	[sflag:s4] =	ssyncadd.s32 $0xFFFFE700  }
0x1a0: {  	[hbm4b:s28+s0] =	stream.linear.scatter [tilespmem:s3], [sflag:$0x9], $0x1900, $0x38;
	[tilespmem:$0x1C4E0] =	vst v63  }
0x1a1: {  	_ =	swait.ge [sflag:s4], $0x1900  }
0x1a2: {  	[sflag:s4] =	ssyncset.done $0x0  }
0x1a3: {  	s29 =	rddreg [dreg:$0x1d];
	[sflag:s4] =	ssyncadd.s32 $0xFFFFE700  }
0x1a4: {  	[tilespmem:s3], [sflag:$0x9] =	stream.linear.gather [spmem:s29], $0x1900, $0x38;
	[tilespmem:$0x1C4E0] =	vst v63  }
0x1a5: {  	_ =	swait.ge [sflag:s4], $0x1900  }
0x1a6: {  	[sflag:s4] =	ssyncset.done $0x0  }
0x1a7: {  	s30 =	rddreg [dreg:$0xc];
	[sflag:s4] =	ssyncadd.s32 $0xFFFFE700  }
0x1a8: {  	[hbm4b:s30+s0] =	stream.linear.scatter [tilespmem:s3], [sflag:$0x9], $0x1900, $0x38;
	[tilespmem:$0x1C4E0] =	vst v63  }
0x1a9: {  	_ =	swait.ge [sflag:s4], $0x1900  }
0x1aa: {  	[sflag:s4] =	ssyncset.done $0x0  }
0x1ab: {  	s31 =	rddreg [dreg:$0x1e];
	[sflag:s4] =	ssyncadd.s32 $0xFFFFE700  }
0x1ac: {  	[tilespmem:s3], [sflag:$0x9] =	stream.linear.gather [spmem:s31], $0x1900, $0x38;
	[tilespmem:$0x1C4E0] =	vst v63  }
0x1ad: {  	_ =	swait.ge [sflag:s4], $0x1900  }
0x1ae: {  	[sflag:s4] =	ssyncset.done $0x0  }
0x1af: {  	s15 =	rddreg [dreg:$0xd];
	[sflag:s4] =	ssyncadd.s32 $0xFFFFE700  }
0x1b0: {  	[hbm4b:s15+s0] =	stream.linear.scatter [tilespmem:s3], [sflag:$0x9], $0x1900, $0x38;
	[tilespmem:$0x1C4E0] =	vst v63  }
0x1b1: {  	_ =	swait.ge [sflag:s4], $0x1900  }
0x1b2: {  	[sflag:s4] =	ssyncset.done $0x0  }
0x1b3: {  	s16 =	rddreg [dreg:$0x1f];
	[sflag:s4] =	ssyncadd.s32 $0xFFFFE700  }
0x1b4: {  	[tilespmem:s3], [sflag:$0x9] =	stream.linear.gather [spmem:s16], $0x1900, $0x38;
	[tilespmem:$0x1C4E0] =	vst v63  }
0x1b5: {  	_ =	swait.ge [sflag:s4], $0x1900  }
0x1b6: {  	[sflag:s4] =	ssyncset.done $0x0  }
0x1b7: {  	s17 =	rddreg [dreg:$0xe];
	[sflag:s4] =	ssyncadd.s32 $0xFFFFE700  }
0x1b8: {  	[hbm4b:s17+s0] =	stream.linear.scatter [tilespmem:s3], [sflag:$0x9], $0x1900, $0x38;
	[tilespmem:$0x1C4E0] =	vst v63  }
0x1b9: {  	_ =	swait.ge [sflag:s4], $0x1900  }
0x1ba: {  	s18 =	sld [smem:$0x7E9]  }
0x1bb: {  	[sflag:s4] =	ssyncset.done $0x0  }
0x1bc: {  	[sflag:s4] =	ssyncadd.s32 $0xFFFFE700  }
0x1bd: {  	[tilespmem:s3], [sflag:$0x9] =	stream.linear.gather [spmem:s18], $0x1900, $0x38;
	[tilespmem:$0x1C4E0] =	vst v63  }
0x1be: {  	_ =	swait.ge [sflag:s4], $0x1900  }
0x1bf: {  	[sflag:s4] =	ssyncset.done $0x0  }
0x1c0: {  	s20 =	rddreg [dreg:$0xf];
	[sflag:s4] =	ssyncadd.s32 $0xFFFFE700  }
0x1c1: {  	[hbm4b:s20+s0] =	stream.linear.scatter [tilespmem:s3], [sflag:$0x9], $0x1900, $0x38;
	[tilespmem:$0x1C4E0] =	vst v63  }
0x1c2: {  	_ =	swait.ge [sflag:s4], $0x1900  }
0x1c3: {  	s24 =	sld [smem:$0x7EA]  }
0x1c4: {  	[sflag:s4] =	ssyncset.done $0x0  }
0x1c5: {  	[sflag:s4] =	ssyncadd.s32 $0xFFFFE700  }
0x1c6: {  	[tilespmem:s3], [sflag:$0x9] =	stream.linear.gather [spmem:s24], $0x1900, $0x38;
	[tilespmem:$0x1C4E0] =	vst v63  }
0x1c7: {  	_ =	swait.ge [sflag:s4], $0x1900  }
0x1c8: {  	[sflag:s4] =	ssyncset.done $0x0  }
0x1c9: {  	s25 =	rddreg [dreg:$0x10];
	[sflag:s4] =	ssyncadd.s32 $0xFFFFE700  }
0x1ca: {  	[hbm4b:s25+s0] =	stream.linear.scatter [tilespmem:s3], [sflag:$0x9], $0x1900, $0x38;
	[tilespmem:$0x1C4E0] =	vst v63  }
0x1cb: {  	_ =	swait.ge [sflag:s4], $0x1900  }
0x1cc: {  	s26 =	sld [smem:$0x7EB]  }
0x1cd: {  	[sflag:s4] =	ssyncset.done $0x0  }
0x1ce: {  	[sflag:s4] =	ssyncadd.s32 $0xFFFFE700  }
0x1cf: {  	[tilespmem:s3], [sflag:$0x9] =	stream.linear.gather [spmem:s26], $0x1900, $0x38;
	[tilespmem:$0x1C4E0] =	vst v63  }
0x1d0: {  	_ =	swait.ge [sflag:s4], $0x1900  }
0x1d1: {  	[sflag:s4] =	ssyncset.done $0x0  }
0x1d2: {  	s28 =	rddreg [dreg:$0x11];
	[sflag:s4] =	ssyncadd.s32 $0xFFFFE700  }
0x1d3: {  	[hbm4b:s28+s0] =	stream.linear.scatter [tilespmem:s3], [sflag:$0x9], $0x1900, $0x38;
	[tilespmem:$0x1C4E0] =	vst v63  }
0x1d4: {  	_ =	swait.ge [sflag:s4], $0x1900  }
0x1d5: {  	s29 =	sld [smem:$0x7EC]  }
0x1d6: {  	[sflag:s4] =	ssyncset.done $0x0  }
0x1d7: {  	[sflag:s4] =	ssyncadd.s32 $0xFFFFE700  }
0x1d8: {  	[tilespmem:s3], [sflag:$0x9] =	stream.linear.gather [spmem:s29], $0x1900, $0x38;
	[tilespmem:$0x1C4E0] =	vst v63  }
0x1d9: {  	_ =	swait.ge [sflag:s4], $0x1900  }
0x1da: {  	[sflag:s4] =	ssyncset.done $0x0  }
0x1db: {  	s30 =	rddreg [dreg:$0x12];
	[sflag:s4] =	ssyncadd.s32 $0xFFFFE700  }
0x1dc: {  	[hbm4b:s30+s0] =	stream.linear.scatter [tilespmem:s3], [sflag:$0x9], $0x1900, $0x38;
	[tilespmem:$0x1C4E0] =	vst v63  }
0x1dd: {  	_ =	swait.ge [sflag:s4], $0x1900  }
0x1de: {  	s1 =	sld [smem:$0x7ED]  }
0x1df: {  	[sflag:s4] =	ssyncset.done $0x0  }
0x1e0: {  	s0 =	simm.s32 @!p0 $0x24E0;
	[sflag:s4] =	ssyncadd.s32 $0xFFFFE700  }
0x1e1: {  	[tilespmem:s0], [sflag:$0x9] =	stream.linear.gather @!p0 [spmem:s1], $0x1900, $0x38;
	[tilespmem:$0x1C4E0] =	vst v63  }
0x1e2: {  	s1 =	simm.s32 @!p0 $0x9  }
0x1e3: {  	_ =	swait.ge @!p0 [sflag:s1], $0x1900  }
0x1e4: {  	[sflag:s1] =	ssyncset.done @!p0 $0x0  }
0x1e5: {  	s15 =	simm.s32 @!p0 $0x0;
	s16 =	rddreg [dreg:$0x13];
	[sflag:s1] =	ssyncadd.s32 @!p0 $0xFFFFE700  }
0x1e6: {  	[hbm4b:s16+s15] =	stream.linear.scatter @!p0 [tilespmem:s0], [sflag:$0x9], $0x1900, $0x38;
	[tilespmem:$0x1C4E0] =	vst v63  }
0x1e7: {  	_ =	swait.ge @!p0 [sflag:s1], $0x1900  }
0x1e8: {  	s31 =	sld [smem:$0x7EE];
	_ =	sdelay $0x1  }
0x1e9: {  	s14 =	sadd.s32 $0x1, s14  }
0x1ea: {  	p1 =	sne.s32 s14, s31  }
.Ltmp3:
0x1eb: {  	_ = 	snop;
	(pc) =	sbr.rel @p1 .LBB2_1-.Ltmp3, $3  }
0x1ec: {  	_ =	sdelay $0x1  }
0x1ed: {  	[sflag:s1] =	ssyncset.done @!p0 $0x0  }
0x1ee: {  	[sflag:s1] =	ssyncadd.s32 @!p0 $0xFFFFE700  }
0x1ef: {  	_ =	sfence.sel $0x180000  }
0x1f0: {  	[bflag:$0x0] =	sbarrier.arrive $0xFFFF  }
0x1f1: {  	_ =	strace $0x90000047  }
0x1f2: {  	s0 =	stileid.u32;
	[bflag:$0x2] =	sbarrier.arrive $0xFFFF  }
0x1f3: {  	p0 =	sne.s32 s0, $0x0;
	s0 =	rddreg [dreg:$0x2]  }
0x1f4: {  	s0 =	sadd.s32 @!p0 $0x100000, s0  }
0x1f5: {  	[sflag:s0] =	ssyncadd.tile.s32 @!p0 $0x1;
	_ =	shalt  }
.Lfunc_end2:
_tile_overlayer_lowered:
.L_overlay_start_2:
0x1f6: {  	(tag) =	ssettag $0x2  }
0x1f7: {  	s0 =	rddreg [dreg:$0x0];
	s2 =	stileid.u32  }
0x1f8: {  	s1 =	rddreg [dreg:$0x1];
	p0 =	sne.s32 s2, $0x0  }
0x1f9: {  	s3 =	rddreg [dreg:$0x2];
	[bflag:$0x3] =	sbarrier.arrive $0xFFFF;
	s2 =	simm.s32 @!p0 $0x1C09  }
0x1fa: {  	[timem:s3], [sflag:s2] =	dma.local @!p0 [hbm:s0], s1  }
0x1fb: {  	s0 =	simm.s32 @!p0 $0x9  }
0x1fc: {  	_ =	swait.ge @!p0 [sflag:s0], s1  }
0x1fd: {  	s1 =	ssub.s32 @!p0 $0x0, s1;
	[sflag:s0] =	ssyncset.done @!p0 $0x0  }
0x1fe: {  	[sflag:s0] =	ssyncadd.s32 @!p0 s1  }
0x1ff: {  	[bflag:$0x3] =	sbarrier.arrive $0xFFFF  }
0x200: {  	_ =	shalt  }

// kernel: kernel.9.cloned.1.call-start
scs
__scs_entry_jumppad:
0x0: {  	(pc) =	sbr.rel $0x88, $3  }
0x1: {  	(tag) =	ssettag $0x0;
	lr =	simm.s32 $0x1  }
0x2: {  	[smem:$0x3F97] =	sst lr;
	_ =	strace $0xD0000000  }
0x3: {  	_ = 	snop  }
0x4: {  	_ = 	snop  }
0x5: {  	_ = 	snop  }
0x6: {  	_ = 	snop  }
0x7: {  	_ = 	snop  }
__scs_overlays_trampoline_lowered:
0x8: {  	[smem:$0x3FA6] =	sst s0  }
0x9: {  	[smem:$0x3FA7] =	sst s1  }
0xa: {  	[smem:$0x3FA8] =	sst s2  }
0xb: {  	[smem:$0x3FA9] =	sst s3  }
0xc: {  	[smem:$0x3FAA] =	sst s4  }
0xd: {  	[smem:$0x3FAB] =	sst s5  }
0xe: {  	[smem:$0x3FAC] =	sst s6  }
0xf: {  	[smem:$0x3FAD] =	sst s7  }
0x10: {  	[smem:$0x3FAE] =	sst s8  }
0x11: {  	[smem:$0x3FAF] =	sst s9;
	s0 =	simm.s32 @!p0 $0x0  }
0x12: {  	s1 =	sld [smem:$0x3F95];
	s0 =	simm.s32 @p0 $0x1  }
0x13: {  	[smem:$0x3FB0] =	sst s0;
	s0 =	simm.s32 @!p1 $0x0  }
0x14: {  	s2 =	sld [smem:$0x3F94];
	s0 =	simm.s32 @p1 $0x1  }
0x15: {  	[smem:$0x3FB1] =	sst s0;
	s0 =	simm.s32 @!p2 $0x0  }
0x16: {  	s3 =	sld [smem:$0x3FDB];
	s0 =	simm.s32 @p2 $0x1  }
0x17: {  	s4 =	simm.s32 $0x1BF5;
	[smem:$0x3FB3] =	sst s0  }
0x18: {  	s0 =	sld [smem:$0x3F96];
	_ =	swait.ge [sflag:s4], $0x0  }
0x19: {  	s7 =	sld [smem:$0x3F97]  }
0x1a: {  	s8 =	sadd.s32 $0xFFFFE003, lr  }
0x1b: {  	s9 =	sadd.s32 $0xFFFFFEF7, lr;
	s5 =	simm.s32 $0xFFFFFFFF;
	p2 =	slt.u32 s8, $0xFFFFF086  }
0x1c: {  	p1 =	slt.u32 s9, $0xF7A;
	s5 =	simm.s32 @!p2 $0x0  }
0x1d: {  	s5 =	simm.s32 @p1 $0x1;
	p0 =	seq.s32 s7, s2  }
0x1e: {  	s7 =	smul.u32 @!p0 $0xF7A, s2;
	p2 =	seq.s32 @!p0 s5, $0x0  }
0x1f: {  	s9 =	smul.u32 $0xF7A, s1;
	s8 =	simm.s32 @!p0 $0x1BF5;
	p2 =	por !p2, p0  }
0x20: {  	[sflag:s8] =	ssyncset.s32 @!p0 $0xFFFFF086;
	s6 =	sadd.s32 @!p0 s3, s7;
	s7 =	simm.s32 @!p0 $0x108  }
0x21: {  	s3 =	sadd.s32 s3, s9;
	s6 =	sadd.s32 @!p0 $0x88, s6;
	s7 =	simm.s32 @p2 $0x1082  }
0x22: {  	[simem:s7], [sflag:s8] =	dma.local @!p0 [hbm:s6], $0xF7A  }
0x23: {  	s9 =	sor.u32 $0xD0000000, s2;
	s6 =	simm.s32 $0x108;
	_ =	swait.ge @!p0 [sflag:s8], $0x0  }
0x24: {  	s3 =	sadd.s32 $0x88, s3;
	s6 =	simm.s32 @!p1 $0x1082;
	[sflag:s4] =	ssyncset.s32 $0xFFFFF086  }
0x25: {  	[simem:s6], [sflag:s4] =	dma.local [hbm:s3], $0xF7A  }
0x26: {  	[smem:$0x3F97] =	sst s1;
	(tag) =	ssettag s2;
	_ =	strace s9  }
0x27: {  	s1 =	sld [smem:$0x3FA7]  }
0x28: {  	s2 =	sld [smem:$0x3FA8]  }
0x29: {  	s4 =	sld [smem:$0x3FAA]  }
0x2a: {  	p0 =	seq.s32 s5, $0x0;
	s5 =	sld [smem:$0x3FAB]  }
0x2b: {  	s6 =	sld [smem:$0x3FAC]  }
0x2c: {  	s7 =	sld [smem:$0x3FAD]  }
0x2d: {  	s3 =	simm.s32 $0x108;
	s8 =	sld [smem:$0x3FAE]  }
0x2e: {  	s3 =	simm.s32 @!p0 $0x1082;
	s9 =	sld [smem:$0x3FAF]  }
0x2f: {  	lr =	sadd.s32 s0, s3;
	s0 =	sld [smem:$0x3FA6]  }
0x30: {  	s3 =	sld [smem:$0x3FA9]  }
0x31: {  	[smem:$0x3FB2] =	sst s10  }
0x32: {  	s10 =	sld [smem:$0x3FB0];
	_ =	sdelay $0x3  }
0x33: {  	p0 =	seq.s32 s10, $0x1;
	s10 =	sld [smem:$0x3FB2];
	_ =	sdelay $0x3  }
0x34: {  	[smem:$0x3FB2] =	sst s10  }
0x35: {  	s10 =	sld [smem:$0x3FB1];
	_ =	sdelay $0x3  }
0x36: {  	p1 =	seq.s32 s10, $0x1;
	s10 =	sld [smem:$0x3FB2];
	_ =	sdelay $0x3  }
0x37: {  	[smem:$0x3FB2] =	sst s10  }
0x38: {  	s10 =	sld [smem:$0x3FB3]  }
0x39: {  	_ = 	snop;
	(pc) =	sbr.ind lr, $3  }
0x3a: {  	_ = 	snop  }
0x3b: {  	_ = 	snop  }
0x3c: {  	p2 =	seq.s32 s10, $0x1;
	s10 =	sld [smem:$0x3FB2]  }
0x3d: {  	_ =	shalt  }
0x3e: {  	_ =	shalt  }
0x3f: {  	_ =	shalt  }
0x40: {  	_ =	shalt  }
0x41: {  	_ =	shalt  }
0x42: {  	_ =	shalt  }
0x43: {  	_ =	shalt  }
0x44: {  	_ =	shalt  }
0x45: {  	_ =	shalt  }
0x46: {  	_ =	shalt  }
0x47: {  	_ =	shalt  }
0x48: {  	_ =	shalt  }
0x49: {  	_ =	shalt  }
0x4a: {  	_ =	shalt  }
0x4b: {  	_ =	shalt  }
0x4c: {  	_ =	shalt  }
0x4d: {  	_ =	shalt  }
0x4e: {  	_ =	shalt  }
0x4f: {  	_ =	shalt  }
0x50: {  	_ =	shalt  }
0x51: {  	_ =	shalt  }
0x52: {  	_ =	shalt  }
0x53: {  	_ =	shalt  }
0x54: {  	_ =	shalt  }
0x55: {  	_ =	shalt  }
0x56: {  	_ =	shalt  }
0x57: {  	_ =	shalt  }
0x58: {  	_ =	shalt  }
0x59: {  	_ =	shalt  }
0x5a: {  	_ =	shalt  }
0x5b: {  	_ =	shalt  }
0x5c: {  	_ =	shalt  }
0x5d: {  	_ =	shalt  }
0x5e: {  	_ =	shalt  }
0x5f: {  	_ =	shalt  }
0x60: {  	_ =	shalt  }
0x61: {  	_ =	shalt  }
0x62: {  	_ =	shalt  }
0x63: {  	_ =	shalt  }
0x64: {  	_ =	shalt  }
0x65: {  	_ =	shalt  }
0x66: {  	_ =	shalt  }
0x67: {  	_ =	shalt  }
0x68: {  	_ =	shalt  }
0x69: {  	_ =	shalt  }
0x6a: {  	_ =	shalt  }
0x6b: {  	_ =	shalt  }
0x6c: {  	_ =	shalt  }
0x6d: {  	_ =	shalt  }
0x6e: {  	_ =	shalt  }
0x6f: {  	_ =	shalt  }
0x70: {  	_ =	shalt  }
0x71: {  	_ =	shalt  }
0x72: {  	_ =	shalt  }
0x73: {  	_ =	shalt  }
0x74: {  	_ =	shalt  }
0x75: {  	_ =	shalt  }
0x76: {  	_ =	shalt  }
0x77: {  	_ =	shalt  }
0x78: {  	_ =	shalt  }
0x79: {  	_ =	shalt  }
0x7a: {  	_ =	shalt  }
0x7b: {  	_ =	shalt  }
0x7c: {  	_ =	shalt  }
0x7d: {  	_ =	shalt  }
0x7e: {  	_ =	shalt  }
0x7f: {  	_ =	shalt  }
0x80: {  	_ =	shalt  }
0x81: {  	_ =	shalt  }
0x82: {  	_ =	shalt  }
0x83: {  	_ =	shalt  }
0x84: {  	_ =	shalt  }
0x85: {  	_ =	shalt  }
0x86: {  	_ =	shalt  }
0x87: {  	_ =	shalt  }
.Lfunc_end0:
.L_simem_size_0:
called_computation.1_lowered:
.L_overlay_start_0:
0x88: {  	s2 =	sld [smem:$0x3FD9]  }
0x89: {  	s3 =	sld [smem:$0x3FFE];
	_ =	sdelay $0x1  }
0x8a: {  	s1 =	srdreg.scid  }
0x8b: {  	s0 =	sand.u32 $0x1, s1  }
0x8c: {  	s16 =	sshll.u32 s0, $0xA;
	s2 =	sadd.s32 s3, s2  }
0x8d: {  	s2 =	sadd.s32 s2, s16  }
0x8e: {  	[smem:$0x3FBE] =	sst s2  }
0x8f: {  	_ = 	snop  }
0x90: {  	(tm) =	ssettm $0x1  }
0x91: {  	s17 =	sld [smem:$0x3FFB];
	_ =	sdelay $0x3  }
0x92: {  	_ =	strace s17  }
0x93: {  	s2 =	sld [smem:$0x3FFC];
	_ =	sdelay $0x3  }
0x94: {  	_ =	strace s2  }
0x95: {  	s2 =	sld [smem:$0x3FFD];
	_ =	sdelay $0x3  }
0x96: {  	_ =	strace s2  }
0x97: {  	_ =	strace $0x8FFFFFFF  }
0x98: {  	s18 =	sld [smem:$0x3FDB];
	_ =	sdelay $0x1  }
0x99: {  	s19 =	simm.s32 $_scs_section_size  }
0x9a: {  	s4 =	simm.s32 $_size__tile_overlayer_lowered;
	s5 =	simm.s32 $_tile_overlayer_lowered  }
0x9b: {  	s22 =	simm.s32 $0x1BFF;
	s21 =	sshll.u32 s5, $0x1;
	s2 =	sadd.s32 s19, s18  }
0x9c: {  	s6 =	simm.s32 $0x0;
	s20 =	sshll.u32 s4, $0x1;
	s4 =	sadd.s32 s21, s2  }
0x9d: {  	[timem:s6], [sflag:s22] =	dma.local [hbm:s4], s20  }
0x9e: {  	_ =	swait.ge [sflag:s22], s20  }
0x9f: {  	s3 =	ssub.s32 $0x0, s20;
	[sflag:s22] =	ssyncset.done $0x0  }
0xa0: {  	[sflag:s22] =	ssyncadd.s32 s3;
	_ =	sdelay $0x1  }
0xa1: {  	s23 =	simm.s32 $0x1B8B  }
0xa2: {  	_ =	swait.ge [sflag:s23], $0x1  }
0xa3: {  	[sflag:s23] =	ssyncset.done $0x0  }
0xa4: {  	s25 =	simm.s32 $0x1B8E;
	s24 =	sld [smem:$0x3FFE];
	[sflag:s23] =	ssyncadd.s32 $0xFFFFFFFF  }
0xa5: {  	s26 =	simm.s32 $execute0_lowered;
	[smem:$0x3FD2] =	sst s25  }
0xa6: {  	s4 =	sshll.u32 s26, $0x1;
	_ =	strace $0x80000049;
	[dreg:$0x1] =	wrdreg $0xFFFFFFFF  }
0xa7: {  	s28 =	simm.s32 $_size_execute0_lowered;
	s2 =	sadd.s32 s2, s4;
	[dreg:$0x0] =	wrdreg $0x0  }
0xa8: {  	s4 =	sshll.u32 s28, $0x1;
	[dreg:$0x2] =	wrdreg s2  }
0xa9: {  	[dreg:$0x3] =	wrdreg s4  }
0xaa: {  	[dreg:$0x4] =	wrdreg $0xC0  }
0xab: {  	_ =	task [dreg:s6], $0x5FFFF  }
0xac: {  	[dreg:$0x1] =	wrdreg $0xFFFFFFFF  }
0xad: {  	[dreg:$0x0] =	wrdreg $0x60  }
0xae: {  	[dreg:$0x2] =	wrdreg s24  }
0xaf: {  	[dreg:$0x3] =	wrdreg $0x61800  }
0xb0: {  	[dreg:$0x4] =	wrdreg $0x9  }
0xb1: {  	_ =	task.clear_ibuf [dreg:s6], $0x5FFFF;
	_ =	strace $0x90000049  }
0xb2: {  	s29 =	simm.s32 $0x9;
	_ =	strace $0x8000004B  }
0xb3: {  	_ =	swait.ge [sflag:s29], $0x1  }
0xb4: {  	[sflag:s29] =	ssyncadd.s32 $0xFFFFFFFF  }
0xb5: {  	_ =	strace $0x9000004B  }
0xb6: {  	_ =	sfence  }
0xb7: {  	s30 =	sld [smem:$0x0];
	_ =	sdelay $0x2  }
0xb8: {  	s31 =	sshll.u32 s1, $0xD;
	s1 =	sshrl.u32 s1, $0x2  }
0xb9: {  	s3 =	sand.u32 $0x4000, s31;
	s1 =	sadd.s32 s1, s30  }
0xba: {  	s0 =	sor.u32 s3, s0;
	s1 =	sshll.u32 s1, $0x11  }
0xbb: {  	s0 =	sor.u32 s1, s0  }
0xbc: {  	s0 =	sadd.s32 $0x8F2B, s0  }
0xbd: {  	[sflag:s0] =	ssyncadd.remote.s32 $0x1  }
0xbe: {  	_ =	sfence.sel $0xFFFF  }
0xbf: {  	[dreg:$0x0] =	wrdreg $0xFFFFFFFF;
	(pc) =	sbr.abs _section_cstart, $3  }
0xc0: {  	[dreg:$0x1] =	wrdreg $0xFFFFFFFF  }
0xc1: {  	_ =	task.clear_ibuf [dreg:s6], $0x2FFFF;
	_ =	strace $0x9FFFFFFF  }
0xc2: {  	(tm) =	ssettm $0x7FFFFFFF  }
0xc3: {  	_ =	shalt  }
tec
execute0_lowered:
.L_overlay_start_1:
0x0: {  	(tag) =	ssettag $0x1  }
0x1: {  	s0 =	srdreg.scid  }
0x2: {  	s2 =	rddreg [dreg:$0x0];
	s24 =	stileid.u32  }
0x3: {  	s1 =	simm.s32 $0x0;
	s28 =	simm.s32 $0x8;
	s30 =	simm.s32 $0x0  }
0x4: {  	s0 =	sand.u32 $0x1, s0;
	s8 =	smul.u32 $0xC8, s24;
	[smem:$0x7FF] =	sst s1  }
0x5: {  	s5 =	sadd.s32 $0xC4C00, s2;
	s16 =	smul.u32 $0xC350, s0;
	s0 =	ssub.s32 $0x2, s0  }
0x6: {  	p0 =	sgt.u32 s24, $0x9;
	s22 =	sshrl.u32 s0, $0x1;
	s1 =	sadd.s32 $0xC80, s8  }
0x7: {  	s11 =	sadd.s32 $0x5780, s8;
	s13 =	sadd.s32 $0x6400, s8;
	s0 =	ssub.s32 s0, s22  }
0x8: {  	s3 =	sadd.s32 s8, s16;
	s6 =	sadd.s32 s16, s1;
	s12 =	sadd.s32 s16, s11  }
0x9: {  	s14 =	sadd.s32 s16, s13;
	s1 =	sshll.u32 s1, $0x5;
	s4 =	sshll.u32 s3, $0x2  }
0xa: {  	s3 =	sadd.s32 $0x1900, s8;
	s23 =	sshll.u32 s6, $0x2;
	s12 =	sshll.u32 s12, $0x2  }
0xb: {  	s15 =	sshll.u32 s14, $0x2;
	s4 =	sadd.s32 s5, s4;
	s25 =	sadd.s32 s16, s3  }
0xc: {  	[dreg:$0x3] =	wrdreg s4;
	s4 =	sadd.s32 s5, s23;
	s6 =	sshll.u32 s25, $0x2  }
0xd: {  	[dreg:$0x4] =	wrdreg s4;
	s4 =	sadd.s32 $0x2580, s8;
	s6 =	sadd.s32 s5, s6  }
0xe: {  	[dreg:$0x5] =	wrdreg s6;
	s7 =	sadd.s32 s16, s4;
	s6 =	sadd.s32 $0x3200, s8  }
0xf: {  	s14 =	sadd.s32 $0x7D00, s8;
	s9 =	sshll.u32 s7, $0x2;
	s10 =	sadd.s32 s16, s6  }
0x10: {  	s7 =	sadd.s32 $0x3E80, s8;
	s9 =	sadd.s32 s5, s9;
	s26 =	sshll.u32 s10, $0x2  }
0x11: {  	s29 =	sadd.s32 s16, s7;
	[dreg:$0x6] =	wrdreg s9;
	s9 =	sadd.s32 s5, s26  }
0x12: {  	s10 =	sshll.u32 s29, $0x2;
	[dreg:$0x7] =	wrdreg s9;
	s9 =	sadd.s32 $0x4B00, s8  }
0x13: {  	s23 =	sadd.s32 $0xAF00, s8;
	s10 =	sadd.s32 s5, s10;
	s31 =	sadd.s32 s16, s9  }
0x14: {  	s25 =	sadd.s32 s16, s23;
	[dreg:$0x8] =	wrdreg s10;
	s10 =	sshll.u32 s31, $0x2  }
0x15: {  	s0 =	smax.u32 s0, $0x1;
	s26 =	sshll.u32 s25, $0x2;
	s10 =	sadd.s32 s5, s10  }
0x16: {  	s31 =	smul.u32 $0x6400, s24;
	[dreg:$0x9] =	wrdreg s10;
	s10 =	sadd.s32 s5, s12  }
0x17: {  	s12 =	sadd.s32 $0x7080, s8;
	[dreg:$0xa] =	wrdreg s10;
	s10 =	sadd.s32 s5, s15  }
0x18: {  	s17 =	sadd.s32 s16, s12;
	s15 =	sadd.s32 s16, s14;
	[dreg:$0xb] =	wrdreg s10  }
0x19: {  	s10 =	sshll.u32 s17, $0x2;
	s17 =	sadd.s32 $0x8980, s8;
	s18 =	sshll.u32 s15, $0x2  }
0x1a: {  	s15 =	sadd.s32 $0x9600, s8;
	s10 =	sadd.s32 s5, s10;
	s19 =	sadd.s32 s16, s17  }
0x1b: {  	s21 =	sadd.s32 s16, s15;
	[dreg:$0xc] =	wrdreg s10;
	s10 =	sadd.s32 s5, s18  }
0x1c: {  	s20 =	sshll.u32 s19, $0x2;
	s19 =	sadd.s32 $0xA280, s8;
	s8 =	sadd.s32 $0xBB80, s8  }
0x1d: {  	[dreg:$0xd] =	wrdreg s10;
	s10 =	sadd.s32 s5, s20;
	s18 =	sadd.s32 s16, s19  }
0x1e: {  	s29 =	sadd.s32 s16, s8;
	s20 =	smul.u32 $0x61C00, s24;
	[dreg:$0xe] =	wrdreg s10  }
0x1f: {  	s10 =	sshll.u32 s21, $0x2;
	s22 =	sshll.u32 s18, $0x2;
	s18 =	rddreg [dreg:$0x1]  }
0x20: {  	s21 =	sadd.s32 $0x32200, s2;
	s10 =	sadd.s32 s5, s10;
	s25 =	sshrl.u32 s20, $0x2  }
0x21: {  	s20 =	sadd.s32 $0x63000, s2;
	[dreg:$0xf] =	wrdreg s10;
	s10 =	sadd.s32 s5, s22  }
0x22: {  	s1 =	sadd.s32 s1, s18;
	[dreg:$0x10] =	wrdreg s10;
	s10 =	sadd.s32 s5, s26  }
0x23: {  	s26 =	sshrl.u32 s31, $0x2;
	[dreg:$0x11] =	wrdreg s10;
	s10 =	sshll.u32 s29, $0x2  }
0x24: {  	s22 =	sadd.s32 $0x1400, s2;
	s2 =	sadd.s32 s26, s18;
	s5 =	sadd.s32 s5, s10  }
0x25: {  	s29 =	sshll.u32 s3, $0x5;
	s3 =	sshll.u32 s6, $0x5;
	[dreg:$0x12] =	wrdreg s5  }
0x26: {  	s6 =	sshll.u32 s9, $0x5;
	_ =	strace $0x8000004A;
	[dreg:$0x14] =	wrdreg s2  }
0x27: {  	s9 =	sshll.u32 s13, $0x5;
	s31 =	sadd.s32 s29, s18;
	[dreg:$0x15] =	wrdreg s1  }
0x28: {  	s25 =	sadd.s32 s25, s18;
	s10 =	sadd.s32 s9, s18;
	[dreg:$0x16] =	wrdreg s31  }
0x29: {  	s13 =	sshll.u32 s17, $0x5;
	s17 =	sshll.u32 s15, $0x5;
	[dreg:$0x1c] =	wrdreg s10  }
0x2a: {  	s26 =	sshll.u32 s19, $0x5;
	s9 =	sadd.s32 $0x6400, s25;
	[smem:$0x7EE] =	sst s0  }
0x2b: {  	s15 =	sadd.s32 $0xE100, s25;
	s19 =	sadd.s32 $0x11300, s25;
	[smem:$0x7F2] =	sst s9  }
0x2c: {  	s29 =	sshll.u32 s23, $0x5;
	s23 =	sadd.s32 $0x12C00, s25;
	[smem:$0x7F7] =	sst s15  }
0x2d: {  	s2 =	sshll.u32 s4, $0x5;
	s4 =	sshll.u32 s7, $0x5;
	[smem:$0x7F9] =	sst s19  }
0x2e: {  	s7 =	sshll.u32 s11, $0x5;
	s11 =	sshll.u32 s12, $0x5;
	[smem:$0x7FA] =	sst s23  }
0x2f: {  	s12 =	sshll.u32 s14, $0x5;
	s14 =	sadd.s32 s13, s18;
	[dreg:$0x13] =	wrdreg s25  }
0x30: {  	s31 =	sadd.s32 s29, s18;
	s10 =	smul.u32 $0x186A0, s24;
	[dreg:$0x1f] =	wrdreg s14  }
0x31: {  	s13 =	sadd.s32 $0xAF00, s25;
	s29 =	sadd.s32 $0x17700, s25;
	[smem:$0x7EC] =	sst s31  }
0x32: {  	s0 =	simm.s32 $0x4880;
	s9 =	simm.s32 $0x2;
	[smem:$0x7F5] =	sst s13  }
0x33: {  	s15 =	simm.s32 $0x5;
	s1 =	sadd.s32 s2, s18;
	[smem:$0x7FD] =	sst s29  }
0x34: {  	s19 =	simm.s32 $0x4830;
	s5 =	sadd.s32 s4, s18;
	[dreg:$0x17] =	wrdreg s1  }
0x35: {  	s2 =	sshll.u32 s8, $0x5;
	s8 =	sadd.s32 $0x4B00, s25;
	[dreg:$0x19] =	wrdreg s5  }
0x36: {  	s14 =	sadd.s32 $0xC800, s25;
	s31 =	sadd.s32 $0xC350, s16;
	[smem:$0x7F1] =	sst s8  }
0x37: {  	s4 =	simm.s32 $0x50;
	s1 =	sadd.s32 s3, s18;
	[smem:$0x7F6] =	sst s14  }
0x38: {  	s3 =	sor.u32 $0xC350, s24;
	s24 =	sadd.s32 $0x14500, s25;
	[dreg:$0x18] =	wrdreg s1  }
0x39: {  	s13 =	simm.s32 $0x47E0;
	s1 =	sadd.s32 s6, s18;
	[smem:$0x7FB] =	sst s24  }
0x3a: {  	v0 =	vmov s16;
	s16 =	simm.s32 $0x0;
	s6 =	sadd.s32 $0x1900, s25;
	[dreg:$0x1a] =	wrdreg s1  }
0x3b: {  	s5 =	simm.s32 $0x1F40;
	s1 =	sadd.s32 s7, s18;
	[smem:$0x7EF] =	sst s6  }
0x3c: {  	s8 =	simm.s32 $0x4740;
	s7 =	sadd.s32 $0x3200, s25;
	[dreg:$0x1b] =	wrdreg s1  }
0x3d: {  	s14 =	simm.s32 $0x3340;
	s1 =	sadd.s32 s11, s18;
	[smem:$0x7F0] =	sst s7  }
0x3e: {  	s24 =	simm.s32 $0x3D40;
	s11 =	sadd.s32 $0x7D00, s25;
	[dreg:$0x1d] =	wrdreg s1  }
0x3f: {  	s6 =	simm.s32 $0x2940;
	s1 =	sadd.s32 s12, s18;
	[smem:$0x7F3] =	sst s11  }
0x40: {  	s7 =	simm.s32 $0x1;
	s12 =	sadd.s32 $0x9600, s25;
	[dreg:$0x1e] =	wrdreg s1  }
0x41: {  	s11 =	simm.s32 $0x4790;
	s1 =	sadd.s32 s17, s18;
	[smem:$0x7F4] =	sst s12  }
.Ltmp0:
0x42: {  	s17 =	sadd.s32 $0xFA00, s25;
	[smem:$0x7EA] =	sst s1;
	(pc) =	sbr.rel .LBB2_1-.Ltmp0, $4  }
0x43: {  	s12 =	simm.s32 $0x3;
	s1 =	sadd.s32 s26, s18;
	[smem:$0x7F8] =	sst s17  }
0x44: {  	s26 =	sadd.s32 $0x15E00, s25;
	s17 =	simm.s32 $0x4;
	[smem:$0x7EB] =	sst s1  }
0x45: {  	s25 =	simm.s32 $0x6;
	s1 =	sadd.s32 s2, s18;
	[smem:$0x7FC] =	sst s26  }
0x46: {  	v3 =	vimm.f32 $0.0e+00;
	v1 =	vmov s31;
	v2 =	vmov s3;
	s2 =	simm.s32 $0x9;
	s26 =	simm.s32 $0x7;
	[smem:$0x7ED] =	sst s1  }
.LBB2_9:
0x47: {  	[bflag:$0x0] =	sbarrier.arrive $0xFFFF  }
0x48: {  	s1 =	rddreg [dreg:$0x14]  }
0x49: {  	[tilespmem:s0], [sflag:$0x9] =	stream.linear.gather [spmem:s1], $0x1900, $0x38;
	[tilespmem:$0x1E880] =	vst v63  }
0x4a: {  	_ =	swait.ge [sflag:s2], $0x1900  }
0x4b: {  	[sflag:s2] =	ssyncset.done $0x0  }
0x4c: {  	s1 =	simm.s32 $0x0;
	s3 =	rddreg [dreg:$0x3];
	[sflag:s2] =	ssyncadd.s32 $0xFFFFE700  }
0x4d: {  	[hbm4b:s3+s1] =	stream.linear.scatter [tilespmem:s0], [sflag:$0x9], $0x1900, $0x38;
	[tilespmem:$0x1E880] =	vst v63  }
0x4e: {  	_ =	swait.ge [sflag:s2], $0x1900  }
0x4f: {  	[sflag:s2] =	ssyncset.done $0x0  }
0x50: {  	s29 =	rddreg [dreg:$0x15];
	[sflag:s2] =	ssyncadd.s32 $0xFFFFE700  }
0x51: {  	[tilespmem:s0], [sflag:$0x9] =	stream.linear.gather [spmem:s29], $0x1900, $0x38;
	[tilespmem:$0x1E880] =	vst v63  }
0x52: {  	_ =	swait.ge [sflag:s2], $0x1900  }
0x53: {  	[sflag:s2] =	ssyncset.done $0x0  }
0x54: {  	s31 =	rddreg [dreg:$0x4];
	[sflag:s2] =	ssyncadd.s32 $0xFFFFE700  }
0x55: {  	[hbm4b:s31+s1] =	stream.linear.scatter [tilespmem:s0], [sflag:$0x9], $0x1900, $0x38;
	[tilespmem:$0x1E880] =	vst v63  }
0x56: {  	_ =	swait.ge [sflag:s2], $0x1900  }
0x57: {  	[sflag:s2] =	ssyncset.done $0x0  }
0x58: {  	s16 =	rddreg [dreg:$0x16];
	[sflag:s2] =	ssyncadd.s32 $0xFFFFE700  }
0x59: {  	[tilespmem:s0], [sflag:$0x9] =	stream.linear.gather [spmem:s16], $0x1900, $0x38;
	[tilespmem:$0x1E880] =	vst v63  }
0x5a: {  	_ =	swait.ge [sflag:s2], $0x1900  }
0x5b: {  	[sflag:s2] =	ssyncset.done $0x0  }
0x5c: {  	s23 =	rddreg [dreg:$0x5];
	[sflag:s2] =	ssyncadd.s32 $0xFFFFE700  }
0x5d: {  	[hbm4b:s23+s1] =	stream.linear.scatter [tilespmem:s0], [sflag:$0x9], $0x1900, $0x38;
	[tilespmem:$0x1E880] =	vst v63  }
0x5e: {  	_ =	swait.ge [sflag:s2], $0x1900  }
0x5f: {  	[sflag:s2] =	ssyncset.done $0x0  }
0x60: {  	s29 =	rddreg [dreg:$0x17];
	[sflag:s2] =	ssyncadd.s32 $0xFFFFE700  }
0x61: {  	[tilespmem:s0], [sflag:$0x9] =	stream.linear.gather [spmem:s29], $0x1900, $0x38;
	[tilespmem:$0x1E880] =	vst v63  }
0x62: {  	_ =	swait.ge [sflag:s2], $0x1900  }
0x63: {  	[sflag:s2] =	ssyncset.done $0x0  }
0x64: {  	s31 =	rddreg [dreg:$0x6];
	[sflag:s2] =	ssyncadd.s32 $0xFFFFE700  }
0x65: {  	[hbm4b:s31+s1] =	stream.linear.scatter [tilespmem:s0], [sflag:$0x9], $0x1900, $0x38;
	[tilespmem:$0x1E880] =	vst v63  }
0x66: {  	_ =	swait.ge [sflag:s2], $0x1900  }
0x67: {  	[sflag:s2] =	ssyncset.done $0x0  }
0x68: {  	s16 =	rddreg [dreg:$0x18];
	[sflag:s2] =	ssyncadd.s32 $0xFFFFE700  }
0x69: {  	[tilespmem:s0], [sflag:$0x9] =	stream.linear.gather [spmem:s16], $0x1900, $0x38;
	[tilespmem:$0x1E880] =	vst v63  }
0x6a: {  	_ =	swait.ge [sflag:s2], $0x1900  }
0x6b: {  	[sflag:s2] =	ssyncset.done $0x0  }
0x6c: {  	s23 =	rddreg [dreg:$0x7];
	[sflag:s2] =	ssyncadd.s32 $0xFFFFE700  }
0x6d: {  	[hbm4b:s23+s1] =	stream.linear.scatter [tilespmem:s0], [sflag:$0x9], $0x1900, $0x38;
	[tilespmem:$0x1E880] =	vst v63  }
0x6e: {  	_ =	swait.ge [sflag:s2], $0x1900  }
0x6f: {  	[sflag:s2] =	ssyncset.done $0x0  }
0x70: {  	s29 =	rddreg [dreg:$0x19];
	[sflag:s2] =	ssyncadd.s32 $0xFFFFE700  }
0x71: {  	[tilespmem:s0], [sflag:$0x9] =	stream.linear.gather [spmem:s29], $0x1900, $0x38;
	[tilespmem:$0x1E880] =	vst v63  }
0x72: {  	_ =	swait.ge [sflag:s2], $0x1900  }
0x73: {  	[sflag:s2] =	ssyncset.done $0x0  }
0x74: {  	s31 =	rddreg [dreg:$0x8];
	[sflag:s2] =	ssyncadd.s32 $0xFFFFE700  }
0x75: {  	[hbm4b:s31+s1] =	stream.linear.scatter [tilespmem:s0], [sflag:$0x9], $0x1900, $0x38;
	[tilespmem:$0x1E880] =	vst v63  }
0x76: {  	_ =	swait.ge [sflag:s2], $0x1900  }
0x77: {  	[sflag:s2] =	ssyncset.done $0x0  }
0x78: {  	s16 =	rddreg [dreg:$0x1a];
	[sflag:s2] =	ssyncadd.s32 $0xFFFFE700  }
0x79: {  	[tilespmem:s0], [sflag:$0x9] =	stream.linear.gather [spmem:s16], $0x1900, $0x38;
	[tilespmem:$0x1E880] =	vst v63  }
0x7a: {  	_ =	swait.ge [sflag:s2], $0x1900  }
0x7b: {  	[sflag:s2] =	ssyncset.done $0x0  }
0x7c: {  	s23 =	rddreg [dreg:$0x9];
	[sflag:s2] =	ssyncadd.s32 $0xFFFFE700  }
0x7d: {  	[hbm4b:s23+s1] =	stream.linear.scatter [tilespmem:s0], [sflag:$0x9], $0x1900, $0x38;
	[tilespmem:$0x1E880] =	vst v63  }
0x7e: {  	_ =	swait.ge [sflag:s2], $0x1900  }
0x7f: {  	[sflag:s2] =	ssyncset.done $0x0  }
0x80: {  	s29 =	rddreg [dreg:$0x1b];
	[sflag:s2] =	ssyncadd.s32 $0xFFFFE700  }
0x81: {  	[tilespmem:s0], [sflag:$0x9] =	stream.linear.gather [spmem:s29], $0x1900, $0x38;
	[tilespmem:$0x1E880] =	vst v63  }
0x82: {  	_ =	swait.ge [sflag:s2], $0x1900  }
0x83: {  	[sflag:s2] =	ssyncset.done $0x0  }
0x84: {  	s31 =	rddreg [dreg:$0xa];
	[sflag:s2] =	ssyncadd.s32 $0xFFFFE700  }
0x85: {  	[hbm4b:s31+s1] =	stream.linear.scatter [tilespmem:s0], [sflag:$0x9], $0x1900, $0x38;
	[tilespmem:$0x1E880] =	vst v63  }
0x86: {  	_ =	swait.ge [sflag:s2], $0x1900  }
0x87: {  	[sflag:s2] =	ssyncset.done $0x0  }
0x88: {  	s16 =	rddreg [dreg:$0x1c];
	[sflag:s2] =	ssyncadd.s32 $0xFFFFE700  }
0x89: {  	[tilespmem:s0], [sflag:$0x9] =	stream.linear.gather [spmem:s16], $0x1900, $0x38;
	[tilespmem:$0x1E880] =	vst v63  }
0x8a: {  	_ =	swait.ge [sflag:s2], $0x1900  }
0x8b: {  	[sflag:s2] =	ssyncset.done $0x0  }
0x8c: {  	s23 =	rddreg [dreg:$0xb];
	[sflag:s2] =	ssyncadd.s32 $0xFFFFE700  }
0x8d: {  	[hbm4b:s23+s1] =	stream.linear.scatter [tilespmem:s0], [sflag:$0x9], $0x1900, $0x38;
	[tilespmem:$0x1E880] =	vst v63  }
0x8e: {  	_ =	swait.ge [sflag:s2], $0x1900  }
0x8f: {  	[sflag:s2] =	ssyncset.done $0x0  }
0x90: {  	s29 =	rddreg [dreg:$0x1d];
	[sflag:s2] =	ssyncadd.s32 $0xFFFFE700  }
0x91: {  	[tilespmem:s0], [sflag:$0x9] =	stream.linear.gather [spmem:s29], $0x1900, $0x38;
	[tilespmem:$0x1E880] =	vst v63  }
0x92: {  	_ =	swait.ge [sflag:s2], $0x1900  }
0x93: {  	[sflag:s2] =	ssyncset.done $0x0  }
0x94: {  	s31 =	rddreg [dreg:$0xc];
	[sflag:s2] =	ssyncadd.s32 $0xFFFFE700  }
0x95: {  	[hbm4b:s31+s1] =	stream.linear.scatter [tilespmem:s0], [sflag:$0x9], $0x1900, $0x38;
	[tilespmem:$0x1E880] =	vst v63  }
0x96: {  	_ =	swait.ge [sflag:s2], $0x1900  }
0x97: {  	[sflag:s2] =	ssyncset.done $0x0  }
0x98: {  	s16 =	rddreg [dreg:$0x1e];
	[sflag:s2] =	ssyncadd.s32 $0xFFFFE700  }
0x99: {  	[tilespmem:s0], [sflag:$0x9] =	stream.linear.gather [spmem:s16], $0x1900, $0x38;
	[tilespmem:$0x1E880] =	vst v63  }
0x9a: {  	_ =	swait.ge [sflag:s2], $0x1900  }
0x9b: {  	[sflag:s2] =	ssyncset.done $0x0  }
0x9c: {  	s23 =	rddreg [dreg:$0xd];
	[sflag:s2] =	ssyncadd.s32 $0xFFFFE700  }
0x9d: {  	[hbm4b:s23+s1] =	stream.linear.scatter [tilespmem:s0], [sflag:$0x9], $0x1900, $0x38;
	[tilespmem:$0x1E880] =	vst v63  }
0x9e: {  	_ =	swait.ge [sflag:s2], $0x1900  }
0x9f: {  	[sflag:s2] =	ssyncset.done $0x0  }
0xa0: {  	s29 =	rddreg [dreg:$0x1f];
	[sflag:s2] =	ssyncadd.s32 $0xFFFFE700  }
0xa1: {  	[tilespmem:s0], [sflag:$0x9] =	stream.linear.gather [spmem:s29], $0x1900, $0x38;
	[tilespmem:$0x1E880] =	vst v63  }
0xa2: {  	_ =	swait.ge [sflag:s2], $0x1900  }
0xa3: {  	[sflag:s2] =	ssyncset.done $0x0  }
0xa4: {  	s31 =	rddreg [dreg:$0xe];
	[sflag:s2] =	ssyncadd.s32 $0xFFFFE700  }
0xa5: {  	[hbm4b:s31+s1] =	stream.linear.scatter [tilespmem:s0], [sflag:$0x9], $0x1900, $0x38;
	[tilespmem:$0x1E880] =	vst v63  }
0xa6: {  	_ =	swait.ge [sflag:s2], $0x1900  }
0xa7: {  	s16 =	sld [smem:$0x7EA]  }
0xa8: {  	[sflag:s2] =	ssyncset.done $0x0  }
0xa9: {  	[sflag:s2] =	ssyncadd.s32 $0xFFFFE700  }
0xaa: {  	[tilespmem:s0], [sflag:$0x9] =	stream.linear.gather [spmem:s16], $0x1900, $0x38;
	[tilespmem:$0x1E880] =	vst v63  }
0xab: {  	_ =	swait.ge [sflag:s2], $0x1900  }
0xac: {  	[sflag:s2] =	ssyncset.done $0x0  }
0xad: {  	s23 =	rddreg [dreg:$0xf];
	[sflag:s2] =	ssyncadd.s32 $0xFFFFE700  }
0xae: {  	[hbm4b:s23+s1] =	stream.linear.scatter [tilespmem:s0], [sflag:$0x9], $0x1900, $0x38;
	[tilespmem:$0x1E880] =	vst v63  }
0xaf: {  	_ =	swait.ge [sflag:s2], $0x1900  }
0xb0: {  	s29 =	sld [smem:$0x7EB]  }
0xb1: {  	[sflag:s2] =	ssyncset.done $0x0  }
0xb2: {  	[sflag:s2] =	ssyncadd.s32 $0xFFFFE700  }
0xb3: {  	[tilespmem:s0], [sflag:$0x9] =	stream.linear.gather [spmem:s29], $0x1900, $0x38;
	[tilespmem:$0x1E880] =	vst v63  }
0xb4: {  	_ =	swait.ge [sflag:s2], $0x1900  }
0xb5: {  	[sflag:s2] =	ssyncset.done $0x0  }
0xb6: {  	s31 =	rddreg [dreg:$0x10];
	[sflag:s2] =	ssyncadd.s32 $0xFFFFE700  }
0xb7: {  	[hbm4b:s31+s1] =	stream.linear.scatter [tilespmem:s0], [sflag:$0x9], $0x1900, $0x38;
	[tilespmem:$0x1E880] =	vst v63  }
0xb8: {  	_ =	swait.ge [sflag:s2], $0x1900  }
0xb9: {  	s16 =	sld [smem:$0x7EC]  }
0xba: {  	[sflag:s2] =	ssyncset.done $0x0  }
0xbb: {  	[sflag:s2] =	ssyncadd.s32 $0xFFFFE700  }
0xbc: {  	[tilespmem:s0], [sflag:$0x9] =	stream.linear.gather [spmem:s16], $0x1900, $0x38;
	[tilespmem:$0x1E880] =	vst v63  }
0xbd: {  	_ =	swait.ge [sflag:s2], $0x1900  }
0xbe: {  	[sflag:s2] =	ssyncset.done $0x0  }
0xbf: {  	s23 =	rddreg [dreg:$0x11];
	[sflag:s2] =	ssyncadd.s32 $0xFFFFE700  }
0xc0: {  	[hbm4b:s23+s1] =	stream.linear.scatter [tilespmem:s0], [sflag:$0x9], $0x1900, $0x38;
	[tilespmem:$0x1E880] =	vst v63  }
0xc1: {  	_ =	swait.ge [sflag:s2], $0x1900  }
0xc2: {  	s3 =	sld [smem:$0x7ED]  }
0xc3: {  	[sflag:s2] =	ssyncset.done $0x0  }
0xc4: {  	s1 =	simm.s32 @!p0 $0x4880;
	[sflag:s2] =	ssyncadd.s32 $0xFFFFE700  }
0xc5: {  	[tilespmem:s1], [sflag:$0x9] =	stream.linear.gather @!p0 [spmem:s3], $0x1900, $0x38;
	[tilespmem:$0x1E880] =	vst v63  }
0xc6: {  	s3 =	simm.s32 @!p0 $0x9  }
0xc7: {  	_ =	swait.ge @!p0 [sflag:s3], $0x1900  }
0xc8: {  	[sflag:s3] =	ssyncset.done @!p0 $0x0  }
0xc9: {  	s16 =	simm.s32 @!p0 $0x0;
	s23 =	rddreg [dreg:$0x12];
	[sflag:s3] =	ssyncadd.s32 @!p0 $0xFFFFE700  }
0xca: {  	[hbm4b:s23+s16] =	stream.linear.scatter @!p0 [tilespmem:s1], [sflag:$0x9], $0x1900, $0x38;
	[tilespmem:$0x1E880] =	vst v63  }
0xcb: {  	_ =	swait.ge @!p0 [sflag:s3], $0x1900  }
0xcc: {  	s29 =	sld [smem:$0x7E9]  }
0xcd: {  	s31 =	sld [smem:$0x7EE];
	_ =	sdelay $0x1  }
0xce: {  	s16 =	sadd.s32 $0x1, s29  }
0xcf: {  	p1 =	sne.s32 s16, s31  }
.Ltmp1:
0xd0: {  	_ = 	snop;
	(pc) =	sbr.rel @!p1 .LBB2_10-.Ltmp1, $3  }
0xd1: {  	_ =	sdelay $0x1  }
0xd2: {  	[sflag:s3] =	ssyncset.done @!p0 $0x0  }
0xd3: {  	[sflag:s3] =	ssyncadd.s32 @!p0 $0xFFFFE700  }
.LBB2_1:
0xd4: {  	[smem:$0x7E9] =	sst s16;
	s1 =	simm.s32 $0x80;
	s16 =	simm.s32 $0x0  }
.LBB2_2:
0xd5: {  	p1 =	sne.s32 s1, $0x6380;
	[tilespmem:s16+$0x4880] =	vst v3;
	s23 =	smov.u32 s1;
	s1 =	sadd.s32 $0x80, s1  }
.Ltmp2:
0xd6: {  	[tilespmem:s16+$0x4890] =	vst v3;
	(pc) =	sbr.rel @p1 .LBB2_2-.Ltmp2, $2  }
0xd7: {  	_ =	sdelay $0x2  }
0xd8: {  	s16 =	sshra.s32 s23, $0x2  }
0xd9: {  	[tilespmem:s16+$0x4880] =	vst v3  }
0xda: {  	[tilespmem:s16+$0x4890] =	vst v3;
	s1 =	rddreg [dreg:$0x13]  }
0xdb: {  	[spmem:s1] =	stream.linear.scatter [tilespmem:s0], [sflag:$0x9], $0x1900, $0x38;
	[tilespmem:$0x1E880] =	vst v63  }
0xdc: {  	_ =	swait.ge [sflag:s2], $0x1900  }
0xdd: {  	s16 =	sld [smem:$0x7EF]  }
0xde: {  	[sflag:s2] =	ssyncset.done $0x0  }
0xdf: {  	[sflag:s2] =	ssyncadd.s32 $0xFFFFE700  }
0xe0: {  	[spmem:s16] =	stream.linear.scatter [tilespmem:s0], [sflag:$0x9], $0x1900, $0x38;
	[tilespmem:$0x1E880] =	vst v63  }
0xe1: {  	_ =	swait.ge [sflag:s2], $0x1900  }
0xe2: {  	s23 =	sld [smem:$0x7F0]  }
0xe3: {  	[sflag:s2] =	ssyncset.done $0x0  }
0xe4: {  	[sflag:s2] =	ssyncadd.s32 $0xFFFFE700  }
0xe5: {  	[spmem:s23] =	stream.linear.scatter [tilespmem:s0], [sflag:$0x9], $0x1900, $0x38;
	[tilespmem:$0x1E880] =	vst v63  }
0xe6: {  	_ =	swait.ge [sflag:s2], $0x1900  }
0xe7: {  	s29 =	sld [smem:$0x7F1]  }
0xe8: {  	[sflag:s2] =	ssyncset.done $0x0  }
0xe9: {  	[sflag:s2] =	ssyncadd.s32 $0xFFFFE700  }
0xea: {  	[spmem:s29] =	stream.linear.scatter [tilespmem:s0], [sflag:$0x9], $0x1900, $0x38;
	[tilespmem:$0x1E880] =	vst v63  }
0xeb: {  	_ =	swait.ge [sflag:s2], $0x1900  }
0xec: {  	s3 =	sld [smem:$0x7F2]  }
0xed: {  	[sflag:s2] =	ssyncset.done $0x0  }
0xee: {  	[sflag:s2] =	ssyncadd.s32 $0xFFFFE700  }
0xef: {  	[spmem:s3] =	stream.linear.scatter [tilespmem:s0], [sflag:$0x9], $0x1900, $0x38;
	[tilespmem:$0x1E880] =	vst v63  }
0xf0: {  	_ =	swait.ge [sflag:s2], $0x1900  }
0xf1: {  	s16 =	sld [smem:$0x7F3]  }
0xf2: {  	[sflag:s2] =	ssyncset.done $0x0  }
0xf3: {  	[sflag:s2] =	ssyncadd.s32 $0xFFFFE700  }
0xf4: {  	[spmem:s16] =	stream.linear.scatter [tilespmem:s0], [sflag:$0x9], $0x1900, $0x38;
	[tilespmem:$0x1E880] =	vst v63  }
0xf5: {  	_ =	swait.ge [sflag:s2], $0x1900  }
0xf6: {  	s23 =	sld [smem:$0x7F4]  }
0xf7: {  	[sflag:s2] =	ssyncset.done $0x0  }
0xf8: {  	[sflag:s2] =	ssyncadd.s32 $0xFFFFE700  }
0xf9: {  	[spmem:s23] =	stream.linear.scatter [tilespmem:s0], [sflag:$0x9], $0x1900, $0x38;
	[tilespmem:$0x1E880] =	vst v63  }
0xfa: {  	_ =	swait.ge [sflag:s2], $0x1900  }
0xfb: {  	s29 =	sld [smem:$0x7F5]  }
0xfc: {  	[sflag:s2] =	ssyncset.done $0x0  }
0xfd: {  	[sflag:s2] =	ssyncadd.s32 $0xFFFFE700  }
0xfe: {  	[spmem:s29] =	stream.linear.scatter [tilespmem:s0], [sflag:$0x9], $0x1900, $0x38;
	[tilespmem:$0x1E880] =	vst v63  }
0xff: {  	_ =	swait.ge [sflag:s2], $0x1900  }
0x100: {  	s3 =	sld [smem:$0x7F6]  }
0x101: {  	[sflag:s2] =	ssyncset.done $0x0  }
0x102: {  	[sflag:s2] =	ssyncadd.s32 $0xFFFFE700  }
0x103: {  	[spmem:s3] =	stream.linear.scatter [tilespmem:s0], [sflag:$0x9], $0x1900, $0x38;
	[tilespmem:$0x1E880] =	vst v63  }
0x104: {  	_ =	swait.ge [sflag:s2], $0x1900  }
0x105: {  	s16 =	sld [smem:$0x7F7]  }
0x106: {  	[sflag:s2] =	ssyncset.done $0x0  }
0x107: {  	[sflag:s2] =	ssyncadd.s32 $0xFFFFE700  }
0x108: {  	[spmem:s16] =	stream.linear.scatter [tilespmem:s0], [sflag:$0x9], $0x1900, $0x38;
	[tilespmem:$0x1E880] =	vst v63  }
0x109: {  	_ =	swait.ge [sflag:s2], $0x1900  }
0x10a: {  	s23 =	sld [smem:$0x7F8]  }
0x10b: {  	[sflag:s2] =	ssyncset.done $0x0  }
0x10c: {  	[sflag:s2] =	ssyncadd.s32 $0xFFFFE700  }
0x10d: {  	[spmem:s23] =	stream.linear.scatter [tilespmem:s0], [sflag:$0x9], $0x1900, $0x38;
	[tilespmem:$0x1E880] =	vst v63  }
0x10e: {  	_ =	swait.ge [sflag:s2], $0x1900  }
0x10f: {  	s29 =	sld [smem:$0x7F9]  }
0x110: {  	[sflag:s2] =	ssyncset.done $0x0  }
0x111: {  	[sflag:s2] =	ssyncadd.s32 $0xFFFFE700  }
0x112: {  	[spmem:s29] =	stream.linear.scatter [tilespmem:s0], [sflag:$0x9], $0x1900, $0x38;
	[tilespmem:$0x1E880] =	vst v63  }
0x113: {  	_ =	swait.ge [sflag:s2], $0x1900  }
0x114: {  	s3 =	sld [smem:$0x7FA]  }
0x115: {  	[sflag:s2] =	ssyncset.done $0x0  }
0x116: {  	[sflag:s2] =	ssyncadd.s32 $0xFFFFE700  }
0x117: {  	[spmem:s3] =	stream.linear.scatter [tilespmem:s0], [sflag:$0x9], $0x1900, $0x38;
	[tilespmem:$0x1E880] =	vst v63  }
0x118: {  	_ =	swait.ge [sflag:s2], $0x1900  }
0x119: {  	s16 =	sld [smem:$0x7FB]  }
0x11a: {  	[sflag:s2] =	ssyncset.done $0x0  }
0x11b: {  	[sflag:s2] =	ssyncadd.s32 $0xFFFFE700  }
0x11c: {  	[spmem:s16] =	stream.linear.scatter [tilespmem:s0], [sflag:$0x9], $0x1900, $0x38;
	[tilespmem:$0x1E880] =	vst v63  }
0x11d: {  	_ =	swait.ge [sflag:s2], $0x1900  }
0x11e: {  	s23 =	sld [smem:$0x7FC]  }
0x11f: {  	[sflag:s2] =	ssyncset.done $0x0  }
0x120: {  	[sflag:s2] =	ssyncadd.s32 $0xFFFFE700  }
0x121: {  	[spmem:s23] =	stream.linear.scatter [tilespmem:s0], [sflag:$0x9], $0x1900, $0x38;
	[tilespmem:$0x1E880] =	vst v63  }
0x122: {  	_ =	swait.ge [sflag:s2], $0x1900  }
0x123: {  	s29 =	sld [smem:$0x7FD]  }
0x124: {  	[sflag:s2] =	ssyncset.done $0x0  }
0x125: {  	[sflag:s2] =	ssyncadd.s32 $0xFFFFE700  }
0x126: {  	[spmem:s29] =	stream.linear.scatter [tilespmem:s0], [sflag:$0x9], $0x1000, $0x38;
	[tilespmem:$0x1E880] =	vst v63  }
.Ltmp3:
0x127: {  	_ =	swait.ge [sflag:s2], $0x1000;
	(pc) =	sbr.rel .LBB2_4-.Ltmp3, $4  }
0x128: {  	[sflag:s2] =	ssyncset.done $0x0  }
0x129: {  	[sflag:s2] =	ssyncadd.s32 $0xFFFFF000  }
0x12a: {  	[bflag:$0x0] =	sbarrier.arrive $0xFFFF  }
0x12b: {  	s31 =	simm.s32 $0x0  }
.LBB2_8:
0x12c: {  	_ =	swait.ge [sflag:s26], $0xA00  }
0x12d: {  	[sflag:s26] =	ssyncset.done $0x0  }
0x12e: {  	[sflag:s26] =	ssyncadd.s32 $0xFFFFF600  }
0x12f: {  	_ =	swait.ge [sflag:s28], $0xA00  }
0x130: {  	[sflag:s28] =	ssyncset.done $0x0  }
0x131: {  	s31 =	sadd.s32 $0x1, s31;
	[sflag:s28] =	ssyncadd.s32 $0xFFFFF600  }
0x132: {  	p1 =	sne.s32 s31, $0x19;
	_ =	swait.ge [sflag:s15], $0xA00  }
.Ltmp4:
0x133: {  	[sflag:s15] =	ssyncset.done $0x0;
	(pc) =	sbr.rel @!p1 .LBB2_9-.Ltmp4, $4  }
0x134: {  	[sflag:s15] =	ssyncadd.s32 $0xFFFFF600  }
0x135: {  	_ =	swait.ge [sflag:s25], $0xA00  }
0x136: {  	[sflag:s25] =	ssyncset.done $0x0  }
0x137: {  	[sflag:s25] =	ssyncadd.s32 $0xFFFFF600  }
.LBB2_4:
0x138: {  	s1 =	smul.u32 $0xFA0, s31;
	_ =	sdelay $0x1  }
0x139: {  	s1 =	sadd.s32 s10, s1  }
0x13a: {  	s1 =	sshrl.u32 s1, $0x3  }
0x13b: {  	s16 =	sadd.s32 s21, s1  }
0x13c: {  	[tilespmem:s30], [sflag:$0x9] =	stream.linear.gather [hbm4b:s16+s30], $0xFA0, $0x38;
	[tilespmem:$0x1E880] =	vst v63  }
0x13d: {  	_ =	swait.ge [sflag:s2], $0xFA0  }
0x13e: {  	[sflag:s2] =	ssyncset.done $0x0  }
0x13f: {  	s3 =	simm.s32 $0xFA0;
	s1 =	sadd.s32 s22, s1;
	[sflag:s2] =	ssyncadd.s32 $0xFFFFF060  }
0x140: {  	[tilespmem:s3], [sflag:$0x9] =	stream.linear.gather [hbm4b:s1+s30], $0xFA0, $0x38;
	[tilespmem:$0x1E880] =	vst v63  }
0x141: {  	_ =	swait.ge [sflag:s2], $0xFA0  }
0x142: {  	[sflag:s2] =	ssyncset.done $0x0  }
0x143: {  	[sflag:s2] =	ssyncadd.s32 $0xFFFFF060  }
0x144: {  	v4 =	vld [tilespmem:$0xFA0]  }
0x145: {  	v5 =	vld [tilespmem:$0xFB0]  }
0x146: {  	v6 =	vld [tilespmem:$0xFC0];
	_ =	sdelay $0x1  }
0x147: {  	v7 =	vld [tilespmem:$0xFD0]  }
0x148: {  	v8 =	vld [tilespmem:$0xFE0]  }
0x149: {  	vm0 =	vge.s32 v4, v0;
	vm1 =	vlt.s32 v4, v1;
	v4 =	vsub.s32 v4, v0  }
0x14a: {  	vm14 =	vge.s32 v5, v0;
	vm15 =	vlt.s32 v5, v1;
	vm2 =	vge.s32 v6, v0  }
0x14b: {  	vm3 =	vlt.s32 v6, v1;
	v5 =	vsub.s32 v5, v0;
	v6 =	vsub.s32 v6, v0  }
0x14c: {  	vm7 =	vge.s32 v7, v0;
	vm8 =	vlt.s32 v7, v1;
	vm0 =	vmand vm0, vm1  }
0x14d: {  	vm10 =	vge.s32 v8, v0;
	v4 =	vsel vm0, v4, v2;
	vm0 =	vmand vm14, vm15  }
0x14e: {  	vm11 =	vlt.s32 v8, v1;
	vm6 =	vmand vm2, vm3;
	[tilespmem:$0x4740] =	vst v4;
	v4 =	vsel vm0, v5, v2  }
0x14f: {  	vm9 =	vmand vm7, vm8;
	v5 =	vsel vm6, v6, v2;
	[tilespmem:$0x4750] =	vst v4;
	v4 =	vsub.s32 v7, v0  }
0x150: {  	vm12 =	vmand vm10, vm11;
	[tilespmem:$0x4760] =	vst v5;
	v5 =	vsub.s32 v8, v0;
	v4 =	vsel vm9, v4, v2  }
0x151: {  	[tilespmem:$0x4770] =	vst v4;
	v4 =	vsel vm12, v5, v2  }
0x152: {  	[tilespmem:$0x4780] =	vst v4  }
0x153: {  	[tilespmem:s5], [sflag:$0x1] =	stream.indirect.gather [hbm4b:s20+s4], $0x20, s30, s4, $0xb8;
	[tilespmem:$0x1E880] =	vst v63  }
0x154: {  	v4 =	vld [tilespmem:$0xFF0]  }
0x155: {  	v5 =	vld [tilespmem:$0x1000]  }
0x156: {  	v61 =	vld [tilespmem:$0x1010];
	_ =	sdelay $0x1  }
0x157: {  	v62 =	vld [tilespmem:$0x1020];
	_ =	sdelay $0x1  }
0x158: {  	v63 =	vld [tilespmem:$0x1030];
	vm13 =	vge.s32 v4, v0;
	vm14 =	vlt.s32 v4, v1;
	v4 =	vsub.s32 v4, v0  }
0x159: {  	vm15 =	vge.s32 v5, v0;
	vm6 =	vlt.s32 v5, v1;
	vm7 =	vge.s32 v61, v0  }
0x15a: {  	vm8 =	vlt.s32 v61, v1;
	v5 =	vsub.s32 v5, v0;
	v6 =	vsub.s32 v61, v0  }
0x15b: {  	vm10 =	vge.s32 v62, v0;
	vm11 =	vlt.s32 v62, v1;
	vm0 =	vmand vm13, vm14  }
0x15c: {  	vm9 =	vmand vm7, vm8;
	v4 =	vsel vm0, v4, v2;
	vm0 =	vmand vm15, vm6  }
0x15d: {  	vm12 =	vmand vm10, vm11;
	vm13 =	vge.s32 v63, v0;
	v5 =	vsel vm0, v5, v2;
	[tilespmem:$0x4790] =	vst v4  }
.Ltmp5:
0x15e: {  	vm14 =	vlt.s32 v63, v1;
	v4 =	vsel vm9, v6, v2;
	[tilespmem:$0x47A0] =	vst v5;
	v5 =	vsub.s32 v62, v0;
	(pc) =	sbr.rel .LBB2_5-.Ltmp5, $4  }
0x15f: {  	vm15 =	vmand vm13, vm14;
	[tilespmem:$0x47B0] =	vst v4;
	v4 =	vsub.s32 v63, v0;
	v5 =	vsel vm12, v5, v2  }
0x160: {  	v4 =	vsel vm15, v4, v2;
	[tilespmem:$0x47C0] =	vst v5  }
0x161: {  	s23 =	simm.s32 $0x0;
	s16 =	simm.s32 $0x3;
	[tilespmem:$0x47D0] =	vst v4  }
0x162: {  	[tilespmem:s6], [sflag:$0x2] =	stream.indirect.gather [hbm4b:s20+s4], $0x20, s4, s4, $0xb8;
	[tilespmem:$0x1E880] =	vst v63  }
.LBB2_7:
0x163: {  	s23 =	sadd.s32 $0x500, s23  }
0x164: {  	p1 =	sne.s32 s23, $0x4100  }
.Ltmp6:
0x165: {  	_ = 	snop;
	(pc) =	sbr.rel @!p1 .LBB2_8-.Ltmp6, $2  }
0x166: {  	_ =	sdelay $0x2  }
0x167: {  	s16 =	sadd.s32 $0x4, s16  }
.LBB2_5:
0x168: {  	_ =	swait.ge [sflag:s7], $0xA00;
	s1 =	sadd.s32 $0xFFFFFFFF, s16  }
0x169: {  	[sflag:s7] =	ssyncset.done $0x0;
	p1 =	sgt.u32 s1, $0x31  }
0x16a: {  	[sflag:s7] =	ssyncadd.s32 $0xFFFFF600;
	p2 =	seq.s32 @!p1 s23, $0x0  }
0x16b: {  	[spmem:s18] =	stream.indirect.scatter.add.f32 [tilespmem:s5], [sflag:$0x5], $0x20, s8, s4, $0xb8;
	[tilespmem:$0x1E880] =	vst v63  }
0x16c: {  	p2 =	por p2, p1  }
0x16d: {  	s1 =	simm.s32 @!p2 $0x7  }
0x16e: {  	_ =	swait.ge @!p2 [sflag:s1], $0xA00  }
0x16f: {  	[sflag:s1] =	ssyncset.done @!p2 $0x0  }
0x170: {  	[sflag:s1] =	ssyncadd.s32 @!p2 $0xFFFFF600;
	s1 =	sshra.s32 @!p1 s23, $0x2  }
0x171: {  	v4 =	vld @!p1 [tilespmem:s1+$0x1040];
	_ =	sdelay $0x4  }
0x172: {  	vm0 =	vge.s32 @!p1 v4, v0;
	vm1 =	vlt.s32 @!p1 v4, v1  }
0x173: {  	v4 =	vsub.s32 @!p1 v4, v0;
	vm0 =	vmand @!p1 vm0, vm1  }
0x174: {  	v4 =	vsel @!p1 vm0, v4, v2  }
0x175: {  	[tilespmem:$0x47E0] =	vst @!p1 v4  }
0x176: {  	v4 =	vld @!p1 [tilespmem:s1+$0x1050];
	_ =	sdelay $0x4  }
0x177: {  	vm0 =	vge.s32 @!p1 v4, v0;
	vm1 =	vlt.s32 @!p1 v4, v1  }
0x178: {  	v4 =	vsub.s32 @!p1 v4, v0;
	vm0 =	vmand @!p1 vm0, vm1  }
0x179: {  	v4 =	vsel @!p1 vm0, v4, v2  }
0x17a: {  	[tilespmem:$0x47F0] =	vst @!p1 v4  }
0x17b: {  	v4 =	vld @!p1 [tilespmem:s1+$0x1060];
	_ =	sdelay $0x4  }
0x17c: {  	vm0 =	vge.s32 @!p1 v4, v0;
	vm1 =	vlt.s32 @!p1 v4, v1  }
0x17d: {  	v4 =	vsub.s32 @!p1 v4, v0;
	vm0 =	vmand @!p1 vm0, vm1  }
0x17e: {  	v4 =	vsel @!p1 vm0, v4, v2  }
0x17f: {  	[tilespmem:$0x4800] =	vst @!p1 v4  }
0x180: {  	v4 =	vld @!p1 [tilespmem:s1+$0x1070];
	_ =	sdelay $0x4  }
0x181: {  	vm0 =	vge.s32 @!p1 v4, v0;
	vm1 =	vlt.s32 @!p1 v4, v1  }
0x182: {  	v4 =	vsub.s32 @!p1 v4, v0;
	vm0 =	vmand @!p1 vm0, vm1  }
0x183: {  	v4 =	vsel @!p1 vm0, v4, v2  }
0x184: {  	[tilespmem:$0x4810] =	vst @!p1 v4  }
0x185: {  	v4 =	vld @!p1 [tilespmem:s1+$0x1080];
	_ =	sdelay $0x4  }
0x186: {  	vm0 =	vge.s32 @!p1 v4, v0;
	vm1 =	vlt.s32 @!p1 v4, v1  }
0x187: {  	v4 =	vsub.s32 @!p1 v4, v0;
	vm0 =	vmand @!p1 vm0, vm1  }
0x188: {  	s29 =	simm.s32 @!p1 $0x50;
	v4 =	vsel @!p1 vm0, v4, v2  }
0x189: {  	s3 =	simm.s32 @!p1 $0x3340;
	p2 =	sgt.u32 s16, $0x31;
	s1 =	sadd.s32 @!p1 $0xA0, s1;
	[tilespmem:$0x4820] =	vst @!p1 v4  }
0x18a: {  	[tilespmem:s3], [sflag:$0x3] =	stream.indirect.gather @!p1 [hbm4b:s20+s29], $0x20, s1, s29, $0xb8;
	[tilespmem:$0x1E880] =	vst v63  }
0x18b: {  	p3 =	seq.s32 @!p2 s23, $0x0;
	_ =	swait.ge [sflag:s9], $0xA00  }
0x18c: {  	p3 =	por p3, p2;
	[sflag:s9] =	ssyncset.done $0x0  }
0x18d: {  	s1 =	simm.s32 @!p3 $0x8;
	[sflag:s9] =	ssyncadd.s32 $0xFFFFF600  }
0x18e: {  	[spmem:s18] =	stream.indirect.scatter.add.f32 [tilespmem:s6], [sflag:$0x6], $0x20, s11, s4, $0xb8;
	[tilespmem:$0x1E880] =	vst v63  }
0x18f: {  	_ =	swait.ge @!p3 [sflag:s1], $0xA00  }
0x190: {  	[sflag:s1] =	ssyncset.done @!p3 $0x0  }
0x191: {  	[sflag:s1] =	ssyncadd.s32 @!p3 $0xFFFFF600;
	s1 =	sshra.s32 @!p2 s23, $0x2  }
0x192: {  	v4 =	vld @!p2 [tilespmem:s1+$0x1090];
	_ =	sdelay $0x4  }
0x193: {  	vm0 =	vge.s32 @!p2 v4, v0;
	vm1 =	vlt.s32 @!p2 v4, v1  }
0x194: {  	v4 =	vsub.s32 @!p2 v4, v0;
	vm0 =	vmand @!p2 vm0, vm1  }
0x195: {  	v4 =	vsel @!p2 vm0, v4, v2  }
0x196: {  	[tilespmem:$0x4830] =	vst @!p2 v4  }
0x197: {  	v4 =	vld @!p2 [tilespmem:s1+$0x10A0];
	_ =	sdelay $0x4  }
0x198: {  	vm0 =	vge.s32 @!p2 v4, v0;
	vm1 =	vlt.s32 @!p2 v4, v1  }
0x199: {  	v4 =	vsub.s32 @!p2 v4, v0;
	vm0 =	vmand @!p2 vm0, vm1  }
0x19a: {  	v4 =	vsel @!p2 vm0, v4, v2  }
0x19b: {  	[tilespmem:$0x4840] =	vst @!p2 v4  }
0x19c: {  	v4 =	vld @!p2 [tilespmem:s1+$0x10B0];
	_ =	sdelay $0x4  }
0x19d: {  	vm0 =	vge.s32 @!p2 v4, v0;
	vm1 =	vlt.s32 @!p2 v4, v1  }
0x19e: {  	v4 =	vsub.s32 @!p2 v4, v0;
	vm0 =	vmand @!p2 vm0, vm1  }
0x19f: {  	v4 =	vsel @!p2 vm0, v4, v2  }
0x1a0: {  	[tilespmem:$0x4850] =	vst @!p2 v4  }
0x1a1: {  	v4 =	vld @!p2 [tilespmem:s1+$0x10C0];
	_ =	sdelay $0x4  }
0x1a2: {  	vm0 =	vge.s32 @!p2 v4, v0;
	vm1 =	vlt.s32 @!p2 v4, v1  }
0x1a3: {  	v4 =	vsub.s32 @!p2 v4, v0;
	vm0 =	vmand @!p2 vm0, vm1  }
0x1a4: {  	v4 =	vsel @!p2 vm0, v4, v2  }
0x1a5: {  	[tilespmem:$0x4860] =	vst @!p2 v4  }
0x1a6: {  	v4 =	vld @!p2 [tilespmem:s1+$0x10D0];
	_ =	sdelay $0x4  }
.Ltmp7:
0x1a7: {  	vm0 =	vge.s32 @!p2 v4, v0;
	vm1 =	vlt.s32 @!p2 v4, v1;
	(pc) =	sbr.rel @p1 .LBB2_7-.Ltmp7, $4  }
0x1a8: {  	v4 =	vsub.s32 @!p2 v4, v0;
	vm0 =	vmand @!p2 vm0, vm1  }
0x1a9: {  	v4 =	vsel @!p2 vm0, v4, v2  }
0x1aa: {  	s3 =	simm.s32 @!p2 $0x50;
	s29 =	simm.s32 @!p2 $0x3D40;
	s1 =	sadd.s32 @!p2 $0xF0, s1;
	[tilespmem:$0x4870] =	vst @!p2 v4  }
0x1ab: {  	[tilespmem:s29], [sflag:$0x4] =	stream.indirect.gather @!p2 [hbm4b:s20+s3], $0x20, s1, s3, $0xb8;
	[tilespmem:$0x1E880] =	vst v63  }
0x1ac: {  	_ =	swait.ge [sflag:s12], $0xA00  }
0x1ad: {  	[sflag:s12] =	ssyncset.done $0x0  }
0x1ae: {  	[sflag:s12] =	ssyncadd.s32 $0xFFFFF600  }
0x1af: {  	[spmem:s18] =	stream.indirect.scatter.add.f32 [tilespmem:s14], [sflag:$0x7], $0x20, s13, s4, $0xb8;
	[tilespmem:$0x1E880] =	vst v63  }
0x1b0: {  	_ =	swait.ge [sflag:s15], $0xA00  }
0x1b1: {  	[sflag:s15] =	ssyncset.done $0x0  }
0x1b2: {  	s1 =	sshra.s32 s23, $0x2;
	[sflag:s15] =	ssyncadd.s32 $0xFFFFF600  }
0x1b3: {  	v4 =	vld [tilespmem:s1+$0x10E0];
	_ =	sdelay $0x4  }
0x1b4: {  	vm0 =	vge.s32 v4, v0;
	vm1 =	vlt.s32 v4, v1  }
0x1b5: {  	v4 =	vsub.s32 v4, v0;
	vm0 =	vmand vm0, vm1  }
0x1b6: {  	v4 =	vsel vm0, v4, v2  }
0x1b7: {  	[tilespmem:$0x4740] =	vst v4  }
0x1b8: {  	v4 =	vld [tilespmem:s1+$0x10F0];
	_ =	sdelay $0x4  }
0x1b9: {  	vm10 =	vge.s32 v4, v0;
	vm11 =	vlt.s32 v4, v1  }
0x1ba: {  	v4 =	vsub.s32 v4, v0;
	vm0 =	vmand vm10, vm11  }
0x1bb: {  	v4 =	vsel vm0, v4, v2  }
0x1bc: {  	[tilespmem:$0x4750] =	vst v4  }
0x1bd: {  	v4 =	vld [tilespmem:s1+$0x1100];
	_ =	sdelay $0x4  }
0x1be: {  	vm12 =	vge.s32 v4, v0;
	vm13 =	vlt.s32 v4, v1  }
0x1bf: {  	v4 =	vsub.s32 v4, v0;
	vm0 =	vmand vm12, vm13  }
0x1c0: {  	v4 =	vsel vm0, v4, v2  }
0x1c1: {  	[tilespmem:$0x4760] =	vst v4  }
0x1c2: {  	v4 =	vld [tilespmem:s1+$0x1110];
	_ =	sdelay $0x4  }
0x1c3: {  	vm14 =	vge.s32 v4, v0;
	vm15 =	vlt.s32 v4, v1  }
0x1c4: {  	v4 =	vsub.s32 v4, v0;
	vm0 =	vmand vm14, vm15  }
0x1c5: {  	v4 =	vsel vm0, v4, v2  }
0x1c6: {  	[tilespmem:$0x4770] =	vst v4  }
0x1c7: {  	v4 =	vld [tilespmem:s1+$0x1120];
	_ =	sdelay $0x4  }
0x1c8: {  	vm4 =	vge.s32 v4, v0;
	vm5 =	vlt.s32 v4, v1  }
0x1c9: {  	v4 =	vsub.s32 v4, v0;
	vm0 =	vmand vm4, vm5  }
0x1ca: {  	v4 =	vsel vm0, v4, v2  }
0x1cb: {  	s3 =	sadd.s32 $0x140, s1;
	[tilespmem:$0x4780] =	vst v4  }
0x1cc: {  	[tilespmem:s5], [sflag:$0x1] =	stream.indirect.gather [hbm4b:s20+s4], $0x20, s3, s4, $0xb8;
	[tilespmem:$0x1E880] =	vst v63  }
0x1cd: {  	_ =	swait.ge [sflag:s17], $0xA00  }
0x1ce: {  	[sflag:s17] =	ssyncset.done $0x0  }
0x1cf: {  	[sflag:s17] =	ssyncadd.s32 $0xFFFFF600  }
0x1d0: {  	[spmem:s18] =	stream.indirect.scatter.add.f32 [tilespmem:s24], [sflag:$0x8], $0x20, s19, s4, $0xb8;
	[tilespmem:$0x1E880] =	vst v63  }
0x1d1: {  	_ =	swait.ge [sflag:s25], $0xA00  }
0x1d2: {  	[sflag:s25] =	ssyncset.done $0x0  }
0x1d3: {  	[sflag:s25] =	ssyncadd.s32 $0xFFFFF600  }
0x1d4: {  	v4 =	vld [tilespmem:s1+$0x1130];
	_ =	sdelay $0x4  }
0x1d5: {  	vm6 =	vge.s32 v4, v0;
	vm7 =	vlt.s32 v4, v1  }
0x1d6: {  	v4 =	vsub.s32 v4, v0;
	vm0 =	vmand vm6, vm7  }
0x1d7: {  	v4 =	vsel vm0, v4, v2  }
0x1d8: {  	[tilespmem:$0x4790] =	vst v4  }
0x1d9: {  	v4 =	vld [tilespmem:s1+$0x1140];
	_ =	sdelay $0x4  }
0x1da: {  	vm8 =	vge.s32 v4, v0;
	vm9 =	vlt.s32 v4, v1  }
0x1db: {  	v4 =	vsub.s32 v4, v0;
	vm0 =	vmand vm8, vm9  }
0x1dc: {  	v4 =	vsel vm0, v4, v2  }
0x1dd: {  	[tilespmem:$0x47A0] =	vst v4  }
0x1de: {  	v4 =	vld [tilespmem:s1+$0x1150];
	_ =	sdelay $0x4  }
0x1df: {  	vm10 =	vge.s32 v4, v0;
	vm11 =	vlt.s32 v4, v1  }
0x1e0: {  	v4 =	vsub.s32 v4, v0;
	vm0 =	vmand vm10, vm11  }
0x1e1: {  	v4 =	vsel vm0, v4, v2  }
0x1e2: {  	[tilespmem:$0x47B0] =	vst v4  }
0x1e3: {  	v4 =	vld [tilespmem:s1+$0x1160];
	_ =	sdelay $0x4  }
0x1e4: {  	vm12 =	vge.s32 v4, v0;
	vm13 =	vlt.s32 v4, v1  }
0x1e5: {  	v4 =	vsub.s32 v4, v0;
	vm0 =	vmand vm12, vm13  }
0x1e6: {  	v4 =	vsel vm0, v4, v2  }
0x1e7: {  	[tilespmem:$0x47C0] =	vst v4  }
0x1e8: {  	v4 =	vld [tilespmem:s1+$0x1170];
	_ =	sdelay $0x4  }
.Ltmp8:
0x1e9: {  	vm14 =	vge.s32 v4, v0;
	vm15 =	vlt.s32 v4, v1;
	(pc) =	sbr.rel .LBB2_7-.Ltmp8, $4  }
0x1ea: {  	v4 =	vsub.s32 v4, v0;
	vm0 =	vmand vm14, vm15  }
0x1eb: {  	v4 =	vsel vm0, v4, v2  }
0x1ec: {  	s1 =	sadd.s32 $0x190, s1;
	[tilespmem:$0x47D0] =	vst v4  }
0x1ed: {  	[tilespmem:s6], [sflag:$0x2] =	stream.indirect.gather [hbm4b:s20+s4], $0x20, s1, s4, $0xb8;
	[tilespmem:$0x1E880] =	vst v63  }
.LBB2_10:
0x1ee: {  	_ =	sfence.sel $0x180000  }
0x1ef: {  	[bflag:$0x0] =	sbarrier.arrive $0xFFFF  }
0x1f0: {  	_ =	strace $0x9000004A  }
0x1f1: {  	s0 =	stileid.u32;
	[bflag:$0x2] =	sbarrier.arrive $0xFFFF  }
0x1f2: {  	p0 =	sne.s32 s0, $0x0;
	s0 =	rddreg [dreg:$0x2]  }
0x1f3: {  	s0 =	sadd.s32 @!p0 $0x100000, s0  }
0x1f4: {  	[sflag:s0] =	ssyncadd.tile.s32 @!p0 $0x1;
	_ =	shalt  }
.Lfunc_end2:
_tile_overlayer_lowered:
.L_overlay_start_2:
0x1f5: {  	(tag) =	ssettag $0x2  }
0x1f6: {  	s0 =	rddreg [dreg:$0x0];
	s2 =	stileid.u32  }
0x1f7: {  	s1 =	rddreg [dreg:$0x1];
	p0 =	sne.s32 s2, $0x0  }
0x1f8: {  	s3 =	rddreg [dreg:$0x2];
	[bflag:$0x3] =	sbarrier.arrive $0xFFFF;
	s2 =	simm.s32 @!p0 $0x1C09  }
0x1f9: {  	[timem:s3], [sflag:s2] =	dma.local @!p0 [hbm:s0], s1  }
0x1fa: {  	s0 =	simm.s32 @!p0 $0x9  }
0x1fb: {  	_ =	swait.ge @!p0 [sflag:s0], s1  }
0x1fc: {  	s1 =	ssub.s32 @!p0 $0x0, s1;
	[sflag:s0] =	ssyncset.done @!p0 $0x0  }
0x1fd: {  	[sflag:s0] =	ssyncadd.s32 @!p0 s1  }
0x1fe: {  	[bflag:$0x3] =	sbarrier.arrive $0xFFFF  }
0x1ff: {  	_ =	shalt  }

</sc_bundles>
